<compile_context>
chip_gen: v7x
topology: tpu7x:2x2x1
jax: 0.10.2.dev20260603
libtpu: 0.0.44.dev20260713+nightly
codegen_flags: <defaults>
</compile_context>

<pallas_src>
import dataclasses

import jax
import jax.numpy as jnp
from jax import lax
from jax.experimental import pallas as pl
from jax.experimental.pallas import tpu as pltpu
from jax.experimental.pallas import tpu_sc as plsc

N_NODES_C = 10000
N_EDGES_C = 320000
D = 128

NC = 2
NS = 16
NW = NC * NS
CHUNK = 128
NCHUNK = 80
EDGES_PER_W = NCHUNK * CHUNK
N_EDGES_PAD = NW * EDGES_PER_W
ROWS_PER_S = 624
LANES = 16
MAIN = 76


def _sc_partial(x, edata):
    mesh = plsc.VectorSubcoreMesh(core_axis_name="c", subcore_axis_name="s")

    cp = pltpu.CompilerParams()
    if "needs_layout_passes" in pltpu.CompilerParams.__dataclass_fields__:
        cp = dataclasses.replace(cp, needs_layout_passes=False)

    @pl.kernel(
        compiler_params=cp,
        out_type=jax.ShapeDtypeStruct((NC, N_NODES_C, D), jnp.float32),
        mesh=mesh,
        scratch_types=[
            pltpu.VMEM((4, 8, CHUNK), jnp.int32),
            pltpu.VMEM((CHUNK, D), jnp.float32),
            pltpu.VMEM((CHUNK, D), jnp.float32),
            pltpu.VMEM_SHARED((N_NODES_C, D), jnp.float32),
        ] + [pltpu.SemaphoreType.DMA] * 9,
    )
    def k(x_hbm, ed_hbm, part_hbm, ebuf, rows0, rows1, acc,
          e0, e1, e2, e3, g0, g1, s0, s1, zsem):
        c = lax.axis_index("c")
        s = lax.axis_index("s")
        wid = c * NS + s

        ROWS = [rows0, rows1]
        SEME = [e0, e1, e2, e3]
        SEMG = [g0, g1]
        SEMS = [s0, s1]

        def issue_edata(j, b4):
            pltpu.async_copy(ed_hbm.at[wid, j], ebuf.at[b4], SEME[b4])

        def wait_edata(j, b4):
            pltpu.make_async_copy(ed_hbm.at[wid, j], ebuf.at[b4],
                                  SEME[b4]).wait()

        def issue_gather(b4, r2):
            pltpu.async_copy(x_hbm.at[ebuf.at[b4, 0]], ROWS[r2], SEMG[r2])

        def wait_gather(b4, r2):
            pltpu.make_async_copy(x_hbm.at[ebuf.at[b4, 0]], ROWS[r2],
                                  SEMG[r2]).wait()

        def issue_scatter(b4, r2):
            pltpu.async_copy(ROWS[r2], acc.at[ebuf.at[b4, 1]], SEMS[r2],
                             add=True)

        def wait_scatter(b4, r2):
            pltpu.make_async_copy(ROWS[r2], acc.at[ebuf.at[b4, 1]],
                                  SEMS[r2]).wait()

        def multiply(b4, r2):
            r = ROWS[r2]
            bidx = jnp.full((LANES,), b4, jnp.int32)
            two = jnp.full((LANES,), 2, jnp.int32)

            @pl.loop(0, CHUNK, step=4)
            def _(e):
                for d_ in range(4):
                    eidx = jnp.full((LANES,), e + d_, jnp.int32)
                    wbits = plsc.load_gather(ebuf, [bidx, two, eidx])
                    wvec = plsc.bitcast(wbits, jnp.float32)
                    for kk in range(D // LANES):
                        sl = pl.ds(kk * LANES, LANES)
                        r[e + d_, sl] = r[e + d_, sl] * wvec

        issue_edata(0, 0)
        issue_edata(1, 1)
        wait_edata(0, 0)
        issue_gather(0, 0)

        zero16 = jnp.zeros((LANES,), jnp.float32)

        @pl.loop(0, CHUNK)
        def _(e):
            for kk in range(D // LANES):
                rows1[e, pl.ds(kk * LANES, LANES)] = zero16

        base = s * ROWS_PER_S
        nfull = ROWS_PER_S // CHUNK
        rem = ROWS_PER_S - nfull * CHUNK
        tail = N_NODES_C - NS * ROWS_PER_S
        toff = NS * ROWS_PER_S
        zcopies = []
        for kk in range(nfull):
            zcopies.append(pltpu.async_copy(
                rows1, acc.at[pl.ds(base + kk * CHUNK, CHUNK)], zsem))
        zcopies.append(pltpu.async_copy(
            rows1.at[pl.ds(0, rem)],
            acc.at[pl.ds(base + nfull * CHUNK, rem)], zsem))
        for zc in zcopies:
            zc.wait()

        @pl.when(s == NS - 1)
        def _():
            pltpu.sync_copy(rows1.at[pl.ds(0, tail)],
                            acc.at[pl.ds(toff, tail)])

        plsc.subcore_barrier()

        @pl.loop(0, MAIN, step=4)
        def _(j0):
            for u in range(4):
                j = j0 + u
                r2, b4 = u % 2, u % 4
                nr2, nb4 = (u + 1) % 2, (u + 1) % 4
                wait_gather(b4, r2)
                if u == 0:
                    @pl.when(j0 > 0)
                    def _():
                        wait_scatter(3, nr2)
                else:
                    wait_scatter((u + 3) % 4, nr2)
                wait_edata(j + 1, nb4)
                issue_gather(nb4, nr2)
                issue_edata(j + 2, (u + 2) % 4)
                multiply(b4, r2)
                issue_scatter(b4, r2)

        for t in range(NCHUNK - MAIN):
            j = MAIN + t
            r2, b4 = t % 2, t % 4
            nr2, nb4 = (t + 1) % 2, (t + 1) % 4
            wait_gather(b4, r2)
            wait_scatter((t + 3) % 4, nr2)
            if j + 1 < NCHUNK:
                wait_edata(j + 1, nb4)
                issue_gather(nb4, nr2)
            if j + 2 < NCHUNK:
                issue_edata(j + 2, (t + 2) % 4)
            multiply(b4, r2)
            issue_scatter(b4, r2)

        wait_scatter((NCHUNK - 1) % 4, (NCHUNK - 1) % 2)

        plsc.subcore_barrier()

        ocopies = []
        for kk in range(nfull):
            off = base + kk * CHUNK
            ocopies.append(pltpu.async_copy(
                acc.at[pl.ds(off, CHUNK)],
                part_hbm.at[c, pl.ds(off, CHUNK)], zsem))
        off = base + nfull * CHUNK
        ocopies.append(pltpu.async_copy(
            acc.at[pl.ds(off, rem)],
            part_hbm.at[c, pl.ds(off, rem)], zsem))
        for oc in ocopies:
            oc.wait()

        @pl.when(s == NS - 1)
        def _():
            pltpu.sync_copy(acc.at[pl.ds(toff, tail)],
                            part_hbm.at[c, pl.ds(toff, tail)])

    return k(x, edata)


def _tc_linear(part, W0):
    BM = 1000

    def body(p_ref, w_ref, o_ref):
        a = p_ref[0] + p_ref[1]
        o_ref[...] = jnp.maximum(
            jnp.dot(a, w_ref[...], preferred_element_type=jnp.float32), 0.0)

    return pl.pallas_call(
        body,
        grid=(N_NODES_C // BM,),
        in_specs=[
            pl.BlockSpec((NC, BM, D), lambda i: (0, i, 0)),
            pl.BlockSpec((D, D), lambda i: (0, 0)),
        ],
        out_specs=pl.BlockSpec((BM, D), lambda i: (i, 0)),
        out_shape=jax.ShapeDtypeStruct((N_NODES_C, D), jnp.float32),
    )(part, W0)


def kernel(x, edge_index, edge_weight, W0):
    ei = edge_index.astype(jnp.int32)
    pad = N_EDGES_PAD - N_EDGES_C
    pad_idx = jnp.arange(pad, dtype=jnp.int32)
    dst3 = jnp.concatenate([ei[0], pad_idx]).reshape(NW, NCHUNK, CHUNK)
    src3 = jnp.concatenate([ei[1], pad_idx]).reshape(NW, NCHUNK, CHUNK)
    w3 = lax.bitcast_convert_type(
        jnp.pad(edge_weight, (0, pad)), jnp.int32).reshape(NW, NCHUNK, CHUNK)
    zr = jnp.zeros_like(w3)
    edata = jnp.stack([src3, dst3, w3, zr, zr, zr, zr, zr],
                      axis=2)
    part = _sc_partial(x, edata)
    return _tc_linear(part, W0)

# --- scband reference (transcript-rebuilt; emitter-appended) ---
"""Pipeline reference for scband-gcn-5901285065199 (READ-ONLY COPY).

The authoritative reference and input builder live on the scoring server;
editing this copy changes nothing except your own understanding.
"""

import jax, jax.numpy as jnp
import numpy as np

N_NODES = 10000
N_EDGES = 320000
D_IN = 128
D_OUT = 128
REPEAT = 1
FACTOR = 1.0


def setup_inputs(seed: int = 0) -> dict:
    key = jax.random.key(seed)
    k1, k2, k3, k4 = jax.random.split(key, 4)
    x = jax.random.normal(k1, (N_NODES, D_IN), dtype=jnp.float32)
    edge_index = jax.random.randint(k2, (2, N_EDGES), 0, N_NODES, dtype=jnp.int64)
    edge_weight = jax.random.uniform(k3, (N_EDGES,), dtype=jnp.float32)
    # learned parameter for the single linear chain (nodes=[128,128], bias=False)
    W0 = jax.random.normal(k4, (D_IN, D_OUT), dtype=jnp.float32) * (1.0 / np.sqrt(D_IN))
    return {"x": x, "edge_index": edge_index, "edge_weight": edge_weight, "W0": W0}


def _propagate(h, edge_index, edge_weight):
    # torch.sparse.mm(support, h): out[row] += val * h[col]
    dst = edge_index[0]
    src = edge_index[1]
    for _ in range(REPEAT):
        msgs = h[src] * edge_weight[:, None]
        h = jax.ops.segment_sum(msgs, dst, num_segments=N_NODES) * FACTOR
    return h


def reference(x, edge_index, edge_weight, W0):
    # GCN forward: for each chain layer: propagate then linear + activation
    h = x
    # layer 0
    h = _propagate(h, edge_index, edge_weight)
    h = h @ W0  # bias=False
    h = jax.nn.relu(h)  # activations=["relu"]
    return h

if __name__ == "__main__":
    import jax
    _d = setup_inputs()
    print(jax.jit(kernel)(*tuple(_d.values())))

</pallas_src>

<mosaic_0001>
#map = affine_map<(d0, d1) -> (0, 0)>
#map1 = affine_map<(d0, d1) -> (0, 0, 0, 0)>
#map2 = affine_map<(d0, d1) -> (0, 0, 0)>
module attributes {stable_mosaic.version = 14 : i64} {
  func.func @k(%arg0: i32, %arg1: i32, %arg2: memref<10000x128xf32, #tpu.memory_space<hbm>>, %arg3: memref<32x80x8x128xi32, #tpu.memory_space<hbm>>, %arg4: memref<2x10000x128xf32, #tpu.memory_space<hbm>>, %arg5: memref<4x8x128xi32, #tpu.memory_space<vmem>>, %arg6: memref<128x128xf32, #tpu.memory_space<vmem>>, %arg7: memref<128x128xf32, #tpu.memory_space<vmem>>, %arg8: memref<10000x128xf32, #tpu.memory_space<vmem_shared>>, %arg9: memref<!tpu.dma_semaphore, #tpu.memory_space<semaphore_mem>>, %arg10: memref<!tpu.dma_semaphore, #tpu.memory_space<semaphore_mem>>, %arg11: memref<!tpu.dma_semaphore, #tpu.memory_space<semaphore_mem>>, %arg12: memref<!tpu.dma_semaphore, #tpu.memory_space<semaphore_mem>>, %arg13: memref<!tpu.dma_semaphore, #tpu.memory_space<semaphore_mem>>, %arg14: memref<!tpu.dma_semaphore, #tpu.memory_space<semaphore_mem>>, %arg15: memref<!tpu.dma_semaphore, #tpu.memory_space<semaphore_mem>>, %arg16: memref<!tpu.dma_semaphore, #tpu.memory_space<semaphore_mem>>, %arg17: memref<!tpu.dma_semaphore, #tpu.memory_space<semaphore_mem>>) attributes {dimension_semantics = [#tpu.dimension_semantics<core_parallel>, #tpu.dimension_semantics<subcore_parallel>], iteration_bounds = array<i64: 2, 16>, scalar_prefetch = 0 : i64, scratch_operands = 13 : i64, tpu.core_type = #tpu.core_type<sc_vector_subcore>, window_params = [{transform_indices = #map}, {transform_indices = #map1}, {transform_indices = #map2}]} {
    %mul3A = arith.constant 16 : i32
    %mul3A_0 = arith.muli %arg0, %mul3A : i32
    %add3A = arith.addi %mul3A_0, %arg1 : i32
    %dma_start3A = arith.constant 0 : i32
    %dma_start3A_1 = arith.constant 0 : i32
    %dma_start3A_2 = arith.constant 0 : i32
    %dma_start3A_3 = arith.constant 0 : i32
    %dma_start3A_4 = tpu.memref_slice %arg5[%dma_start3A_1, %dma_start3A_2, %dma_start3A_3] : memref<4x8x128xi32, #tpu.memory_space<vmem>> -> memref<1x8x128xi32, #tpu.memory_space<vmem>>
    %dma_start3A_5 = tpu.memref_squeeze %dma_start3A_4 : memref<1x8x128xi32, #tpu.memory_space<vmem>> -> memref<8x128xi32, #tpu.memory_space<vmem>>
    %dma_start3A_6 = arith.constant 0 : i32
    %dma_start3A_7 = arith.constant 0 : i32
    %dma_start3A_8 = tpu.memref_slice %arg3[%add3A, %dma_start3A, %dma_start3A_6, %dma_start3A_7] : memref<32x80x8x128xi32, #tpu.memory_space<hbm>> -> memref<1x1x8x128xi32, #tpu.memory_space<hbm>>
    %dma_start3A_9 = tpu.memref_squeeze %dma_start3A_8 : memref<1x1x8x128xi32, #tpu.memory_space<hbm>> -> memref<8x128xi32, #tpu.memory_space<hbm>>
    %dma_start3A_10 = arith.constant 0 : i32
    %dma_start3A_11 = arith.constant 0 : i32
    %dma_start3A_12 = tpu.memref_slice %arg5[%dma_start3A_1, %dma_start3A_10, %dma_start3A_11] : memref<4x8x128xi32, #tpu.memory_space<vmem>> -> memref<1x8x128xi32, #tpu.memory_space<vmem>>
    %dma_start3A_13 = tpu.memref_squeeze %dma_start3A_12 : memref<1x8x128xi32, #tpu.memory_space<vmem>> -> memref<8x128xi32, #tpu.memory_space<vmem>>
    %dma_start3A_14 = arith.constant 0 : i32
    %dma_start3A_15 = arith.constant 0 : i32
    %dma_start3A_16 = tpu.memref_slice %arg3[%add3A, %dma_start3A, %dma_start3A_14, %dma_start3A_15] : memref<32x80x8x128xi32, #tpu.memory_space<hbm>> -> memref<1x1x8x128xi32, #tpu.memory_space<hbm>>
    %dma_start3A_17 = tpu.memref_squeeze %dma_start3A_16 : memref<1x1x8x128xi32, #tpu.memory_space<hbm>> -> memref<8x128xi32, #tpu.memory_space<hbm>>
    tpu.enqueue_dma source(%dma_start3A_17 : memref<8x128xi32, #tpu.memory_space<hbm>>) target(%dma_start3A_13 : memref<8x128xi32, #tpu.memory_space<vmem>>) target_semaphore(%arg9 : memref<!tpu.dma_semaphore, #tpu.memory_space<semaphore_mem>>)
    %dma_start3A_18 = arith.constant 1 : i32
    %dma_start3A_19 = arith.constant 1 : i32
    %dma_start3A_20 = arith.constant 0 : i32
    %dma_start3A_21 = arith.constant 0 : i32
    %dma_start3A_22 = tpu.memref_slice %arg5[%dma_start3A_19, %dma_start3A_20, %dma_start3A_21] : memref<4x8x128xi32, #tpu.memory_space<vmem>> -> memref<1x8x128xi32, #tpu.memory_space<vmem>>
    %dma_start3A_23 = tpu.memref_squeeze %dma_start3A_22 : memref<1x8x128xi32, #tpu.memory_space<vmem>> -> memref<8x128xi32, #tpu.memory_space<vmem>>
    %dma_start3A_24 = arith.constant 0 : i32
    %dma_start3A_25 = arith.constant 0 : i32
    %dma_start3A_26 = tpu.memref_slice %arg3[%add3A, %dma_start3A_18, %dma_start3A_24, %dma_start3A_25] : memref<32x80x8x128xi32, #tpu.memory_space<hbm>> -> memref<1x1x8x128xi32, #tpu.memory_space<hbm>>
    %dma_start3A_27 = tpu.memref_squeeze %dma_start3A_26 : memref<1x1x8x128xi32, #tpu.memory_space<hbm>> -> memref<8x128xi32, #tpu.memory_space<hbm>>
    %dma_start3A_28 = arith.constant 0 : i32
    %dma_start3A_29 = arith.constant 0 : i32
    %dma_start3A_30 = tpu.memref_slice %arg5[%dma_start3A_19, %dma_start3A_28, %dma_start3A_29] : memref<4x8x128xi32, #tpu.memory_space<vmem>> -> memref<1x8x128xi32, #tpu.memory_space<vmem>>
    %dma_start3A_31 = tpu.memref_squeeze %dma_start3A_30 : memref<1x8x128xi32, #tpu.memory_space<vmem>> -> memref<8x128xi32, #tpu.memory_space<vmem>>
    %dma_start3A_32 = arith.constant 0 : i32
    %dma_start3A_33 = arith.constant 0 : i32
    %dma_start3A_34 = tpu.memref_slice %arg3[%add3A, %dma_start3A_18, %dma_start3A_32, %dma_start3A_33] : memref<32x80x8x128xi32, #tpu.memory_space<hbm>> -> memref<1x1x8x128xi32, #tpu.memory_space<hbm>>
    %dma_start3A_35 = tpu.memref_squeeze %dma_start3A_34 : memref<1x1x8x128xi32, #tpu.memory_space<hbm>> -> memref<8x128xi32, #tpu.memory_space<hbm>>
    tpu.enqueue_dma source(%dma_start3A_35 : memref<8x128xi32, #tpu.memory_space<hbm>>) target(%dma_start3A_31 : memref<8x128xi32, #tpu.memory_space<vmem>>) target_semaphore(%arg10 : memref<!tpu.dma_semaphore, #tpu.memory_space<semaphore_mem>>)
    %dma_wait3A = arith.constant 0 : i32
    %dma_wait3A_36 = arith.constant 0 : i32
    %dma_wait3A_37 = arith.constant 0 : i32
    %dma_wait3A_38 = arith.constant 0 : i32
    %dma_wait3A_39 = tpu.memref_slice %arg5[%dma_wait3A_36, %dma_wait3A_37, %dma_wait3A_38] : memref<4x8x128xi32, #tpu.memory_space<vmem>> -> memref<1x8x128xi32, #tpu.memory_space<vmem>>
    %dma_wait3A_40 = tpu.memref_squeeze %dma_wait3A_39 : memref<1x8x128xi32, #tpu.memory_space<vmem>> -> memref<8x128xi32, #tpu.memory_space<vmem>>
    %dma_wait3A_41 = arith.constant 0 : i32
    %dma_wait3A_42 = arith.constant 0 : i32
    %dma_wait3A_43 = tpu.memref_slice %arg3[%add3A, %dma_wait3A, %dma_wait3A_41, %dma_wait3A_42] : memref<32x80x8x128xi32, #tpu.memory_space<hbm>> -> memref<1x1x8x128xi32, #tpu.memory_space<hbm>>
    %dma_wait3A_44 = tpu.memref_squeeze %dma_wait3A_43 : memref<1x1x8x128xi32, #tpu.memory_space<hbm>> -> memref<8x128xi32, #tpu.memory_space<hbm>>
    %dma_wait3A_45 = arith.constant 0 : i32
    %dma_wait3A_46 = arith.constant 0 : i32
    %dma_wait3A_47 = tpu.memref_slice %arg5[%dma_wait3A_36, %dma_wait3A_45, %dma_wait3A_46] : memref<4x8x128xi32, #tpu.memory_space<vmem>> -> memref<1x8x128xi32, #tpu.memory_space<vmem>>
    %dma_wait3A_48 = tpu.memref_squeeze %dma_wait3A_47 : memref<1x8x128xi32, #tpu.memory_space<vmem>> -> memref<8x128xi32, #tpu.memory_space<vmem>>
    %dma_wait3A_49 = arith.constant 0 : i32
    %dma_wait3A_50 = arith.constant 0 : i32
    %dma_wait3A_51 = tpu.memref_slice %arg3[%add3A, %dma_wait3A, %dma_wait3A_49, %dma_wait3A_50] : memref<32x80x8x128xi32, #tpu.memory_space<hbm>> -> memref<1x1x8x128xi32, #tpu.memory_space<hbm>>
    %dma_wait3A_52 = tpu.memref_squeeze %dma_wait3A_51 : memref<1x1x8x128xi32, #tpu.memory_space<hbm>> -> memref<8x128xi32, #tpu.memory_space<hbm>>
    tpu.wait_dma2 semaphore(%arg9 : memref<!tpu.dma_semaphore, #tpu.memory_space<semaphore_mem>>) src(%dma_wait3A_52 : memref<8x128xi32, #tpu.memory_space<hbm>>) dst(%dma_wait3A_48 : memref<8x128xi32, #tpu.memory_space<vmem>>)
    %dma_start3A_53 = arith.constant 0 : i32
    %dma_start3A_54 = arith.constant 0 : i32
    %dma_start3A_55 = arith.constant 0 : i32
    %dma_start3A_56 = tpu.memref_slice %arg5[%dma_start3A_53, %dma_start3A_54, %dma_start3A_55] : memref<4x8x128xi32, #tpu.memory_space<vmem>> -> memref<1x1x128xi32, #tpu.memory_space<vmem>>
    %dma_start3A_57 = tpu.memref_squeeze %dma_start3A_56 : memref<1x1x128xi32, #tpu.memory_space<vmem>> -> memref<128xi32, #tpu.memory_space<vmem>>
    %dma_start3A_58 = arith.constant 0 : i32
    %dma_start3A_59 = arith.constant 0 : i32
    %dma_start3A_60 = tpu.memref_slice %arg2[%dma_start3A_58, %dma_start3A_59] : memref<10000x128xf32, #tpu.memory_space<hbm>> -> memref<10000x128xf32, #tpu.memory_space<hbm>>
    tpu.enqueue_indirect_dma source(%dma_start3A_60 : memref<10000x128xf32, #tpu.memory_space<hbm>>) target(%arg6 : memref<128x128xf32, #tpu.memory_space<vmem>>) offsets(%dma_start3A_57 : memref<128xi32, #tpu.memory_space<vmem>>) semaphore(%arg13 : memref<!tpu.dma_semaphore, #tpu.memory_space<semaphore_mem>>)
    %broadcast_in_dim3A = arith.constant 0.000000e+00 : f32
    %broadcast_in_dim3A_61 = vector.broadcast %broadcast_in_dim3A : f32 to vector<16xf32>
    %scan3A = arith.constant 0 : i32
    %scan3A_62 = arith.constant 128 : i32
    %scan3A_63 = arith.addi %scan3A, %scan3A_62 : i32
    %scan3A_64 = arith.constant 1 : i32
    scf.for %scan3A_457 = %scan3A to %scan3A_63 step %scan3A_64  : i32 {
      %mul3A_458 = arith.constant 1 : i32
      %mul3A_459 = arith.muli %scan3A_457, %mul3A_458 : i32
      %add3A_460 = arith.constant 0 : i32
      %add3A_461 = arith.addi %add3A_460, %mul3A_459 : i32
      %swap3A = arith.index_cast %add3A_461 : i32 to index
      %swap3A_462 = arith.constant 0 : index
      %swap3A_463 = tpu.vector_load %arg7[%swap3A, %swap3A_462] {strides = array<i32>} : memref<128x128xf32, #tpu.memory_space<vmem>>, vector<16xf32>,
      tpu.vector_store %arg7[%swap3A, %swap3A_462], %broadcast_in_dim3A_61 {strides = array<i32>} : memref<128x128xf32, #tpu.memory_space<vmem>>, vector<16xf32>,
      %swap3A_464 = arith.index_cast %add3A_461 : i32 to index
      %swap3A_465 = arith.constant 16 : index
      %swap3A_466 = tpu.vector_load %arg7[%swap3A_464, %swap3A_465] {strides = array<i32>} : memref<128x128xf32, #tpu.memory_space<vmem>>, vector<16xf32>,
      tpu.vector_store %arg7[%swap3A_464, %swap3A_465], %broadcast_in_dim3A_61 {strides = array<i32>} : memref<128x128xf32, #tpu.memory_space<vmem>>, vector<16xf32>,
      %swap3A_467 = arith.index_cast %add3A_461 : i32 to index
      %swap3A_468 = arith.constant 32 : index
      %swap3A_469 = tpu.vector_load %arg7[%swap3A_467, %swap3A_468] {strides = array<i32>} : memref<128x128xf32, #tpu.memory_space<vmem>>, vector<16xf32>,
      tpu.vector_store %arg7[%swap3A_467, %swap3A_468], %broadcast_in_dim3A_61 {strides = array<i32>} : memref<128x128xf32, #tpu.memory_space<vmem>>, vector<16xf32>,
      %swap3A_470 = arith.index_cast %add3A_461 : i32 to index
      %swap3A_471 = arith.constant 48 : index
      %swap3A_472 = tpu.vector_load %arg7[%swap3A_470, %swap3A_471] {strides = array<i32>} : memref<128x128xf32, #tpu.memory_space<vmem>>, vector<16xf32>,
      tpu.vector_store %arg7[%swap3A_470, %swap3A_471], %broadcast_in_dim3A_61 {strides = array<i32>} : memref<128x128xf32, #tpu.memory_space<vmem>>, vector<16xf32>,
      %swap3A_473 = arith.index_cast %add3A_461 : i32 to index
      %swap3A_474 = arith.constant 64 : index
      %swap3A_475 = tpu.vector_load %arg7[%swap3A_473, %swap3A_474] {strides = array<i32>} : memref<128x128xf32, #tpu.memory_space<vmem>>, vector<16xf32>,
      tpu.vector_store %arg7[%swap3A_473, %swap3A_474], %broadcast_in_dim3A_61 {strides = array<i32>} : memref<128x128xf32, #tpu.memory_space<vmem>>, vector<16xf32>,
      %swap3A_476 = arith.index_cast %add3A_461 : i32 to index
      %swap3A_477 = arith.constant 80 : index
      %swap3A_478 = tpu.vector_load %arg7[%swap3A_476, %swap3A_477] {strides = array<i32>} : memref<128x128xf32, #tpu.memory_space<vmem>>, vector<16xf32>,
      tpu.vector_store %arg7[%swap3A_476, %swap3A_477], %broadcast_in_dim3A_61 {strides = array<i32>} : memref<128x128xf32, #tpu.memory_space<vmem>>, vector<16xf32>,
      %swap3A_479 = arith.index_cast %add3A_461 : i32 to index
      %swap3A_480 = arith.constant 96 : index
      %swap3A_481 = tpu.vector_load %arg7[%swap3A_479, %swap3A_480] {strides = array<i32>} : memref<128x128xf32, #tpu.memory_space<vmem>>, vector<16xf32>,
      tpu.vector_store %arg7[%swap3A_479, %swap3A_480], %broadcast_in_dim3A_61 {strides = array<i32>} : memref<128x128xf32, #tpu.memory_space<vmem>>, vector<16xf32>,
      %swap3A_482 = arith.index_cast %add3A_461 : i32 to index
      %swap3A_483 = arith.constant 112 : index
      %swap3A_484 = tpu.vector_load %arg7[%swap3A_482, %swap3A_483] {strides = array<i32>} : memref<128x128xf32, #tpu.memory_space<vmem>>, vector<16xf32>,
      tpu.vector_store %arg7[%swap3A_482, %swap3A_483], %broadcast_in_dim3A_61 {strides = array<i32>} : memref<128x128xf32, #tpu.memory_space<vmem>>, vector<16xf32>,
    }
    %scan3A_65 = arith.constant 128 : i32
    %mul3A_66 = arith.constant 624 : i32
    %mul3A_67 = arith.muli %arg1, %mul3A_66 : i32
    %add3A_68 = arith.constant 0 : i32
    %add3A_69 = arith.addi %mul3A_67, %add3A_68 : i32
    %dma_start3A_70 = arith.constant 0 : i32
    %dma_start3A_71 = tpu.memref_slice %arg8[%add3A_69, %dma_start3A_70] : memref<10000x128xf32, #tpu.memory_space<vmem_shared>> -> memref<128x128xf32, #tpu.memory_space<vmem_shared>>
    %dma_start3A_72 = arith.constant 0 : i32
    %dma_start3A_73 = tpu.memref_slice %arg8[%add3A_69, %dma_start3A_72] : memref<10000x128xf32, #tpu.memory_space<vmem_shared>> -> memref<128x128xf32, #tpu.memory_space<vmem_shared>>
    tpu.enqueue_dma source(%arg7 : memref<128x128xf32, #tpu.memory_space<vmem>>) target(%dma_start3A_73 : memref<128x128xf32, #tpu.memory_space<vmem_shared>>) target_semaphore(%arg17 : memref<!tpu.dma_semaphore, #tpu.memory_space<semaphore_mem>>)
    %add3A_74 = arith.constant 128 : i32
    %add3A_75 = arith.addi %mul3A_67, %add3A_74 : i32
    %dma_start3A_76 = arith.constant 0 : i32
    %dma_start3A_77 = tpu.memref_slice %arg8[%add3A_75, %dma_start3A_76] : memref<10000x128xf32, #tpu.memory_space<vmem_shared>> -> memref<128x128xf32, #tpu.memory_space<vmem_shared>>
    %dma_start3A_78 = arith.constant 0 : i32
    %dma_start3A_79 = tpu.memref_slice %arg8[%add3A_75, %dma_start3A_78] : memref<10000x128xf32, #tpu.memory_space<vmem_shared>> -> memref<128x128xf32, #tpu.memory_space<vmem_shared>>
    tpu.enqueue_dma source(%arg7 : memref<128x128xf32, #tpu.memory_space<vmem>>) target(%dma_start3A_79 : memref<128x128xf32, #tpu.memory_space<vmem_shared>>) target_semaphore(%arg17 : memref<!tpu.dma_semaphore, #tpu.memory_space<semaphore_mem>>)
    %add3A_80 = arith.constant 256 : i32
    %add3A_81 = arith.addi %mul3A_67, %add3A_80 : i32
    %dma_start3A_82 = arith.constant 0 : i32
    %dma_start3A_83 = tpu.memref_slice %arg8[%add3A_81, %dma_start3A_82] : memref<10000x128xf32, #tpu.memory_space<vmem_shared>> -> memref<128x128xf32, #tpu.memory_space<vmem_shared>>
    %dma_start3A_84 = arith.constant 0 : i32
    %dma_start3A_85 = tpu.memref_slice %arg8[%add3A_81, %dma_start3A_84] : memref<10000x128xf32, #tpu.memory_space<vmem_shared>> -> memref<128x128xf32, #tpu.memory_space<vmem_shared>>
    tpu.enqueue_dma source(%arg7 : memref<128x128xf32, #tpu.memory_space<vmem>>) target(%dma_start3A_85 : memref<128x128xf32, #tpu.memory_space<vmem_shared>>) target_semaphore(%arg17 : memref<!tpu.dma_semaphore, #tpu.memory_space<semaphore_mem>>)
    %add3A_86 = arith.constant 384 : i32
    %add3A_87 = arith.addi %mul3A_67, %add3A_86 : i32
    %dma_start3A_88 = arith.constant 0 : i32
    %dma_start3A_89 = tpu.memref_slice %arg8[%add3A_87, %dma_start3A_88] : memref<10000x128xf32, #tpu.memory_space<vmem_shared>> -> memref<128x128xf32, #tpu.memory_space<vmem_shared>>
    %dma_start3A_90 = arith.constant 0 : i32
    %dma_start3A_91 = tpu.memref_slice %arg8[%add3A_87, %dma_start3A_90] : memref<10000x128xf32, #tpu.memory_space<vmem_shared>> -> memref<128x128xf32, #tpu.memory_space<vmem_shared>>
    tpu.enqueue_dma source(%arg7 : memref<128x128xf32, #tpu.memory_space<vmem>>) target(%dma_start3A_91 : memref<128x128xf32, #tpu.memory_space<vmem_shared>>) target_semaphore(%arg17 : memref<!tpu.dma_semaphore, #tpu.memory_space<semaphore_mem>>)
    %add3A_92 = arith.constant 512 : i32
    %add3A_93 = arith.addi %mul3A_67, %add3A_92 : i32
    %dma_start3A_94 = arith.constant 0 : i32
    %dma_start3A_95 = arith.constant 0 : i32
    %dma_start3A_96 = tpu.memref_slice %arg7[%dma_start3A_94, %dma_start3A_95] : memref<128x128xf32, #tpu.memory_space<vmem>> -> memref<112x128xf32, #tpu.memory_space<vmem>>
    %dma_start3A_97 = arith.constant 0 : i32
    %dma_start3A_98 = tpu.memref_slice %arg8[%add3A_93, %dma_start3A_97] : memref<10000x128xf32, #tpu.memory_space<vmem_shared>> -> memref<112x128xf32, #tpu.memory_space<vmem_shared>>
    %dma_start3A_99 = arith.constant 0 : i32
    %dma_start3A_100 = tpu.memref_slice %arg8[%add3A_93, %dma_start3A_99] : memref<10000x128xf32, #tpu.memory_space<vmem_shared>> -> memref<112x128xf32, #tpu.memory_space<vmem_shared>>
    %dma_start3A_101 = arith.constant 0 : i32
    %dma_start3A_102 = arith.constant 0 : i32
    %dma_start3A_103 = tpu.memref_slice %arg7[%dma_start3A_101, %dma_start3A_102] : memref<128x128xf32, #tpu.memory_space<vmem>> -> memref<112x128xf32, #tpu.memory_space<vmem>>
    tpu.enqueue_dma source(%dma_start3A_103 : memref<112x128xf32, #tpu.memory_space<vmem>>) target(%dma_start3A_100 : memref<112x128xf32, #tpu.memory_space<vmem_shared>>) target_semaphore(%arg17 : memref<!tpu.dma_semaphore, #tpu.memory_space<semaphore_mem>>)
    %dma_wait3A_104 = arith.constant 0 : i32
    %dma_wait3A_105 = tpu.memref_slice %arg8[%add3A_69, %dma_wait3A_104] : memref<10000x128xf32, #tpu.memory_space<vmem_shared>> -> memref<128x128xf32, #tpu.memory_space<vmem_shared>>
    %dma_wait3A_106 = arith.constant 0 : i32
    %dma_wait3A_107 = tpu.memref_slice %arg8[%add3A_69, %dma_wait3A_106] : memref<10000x128xf32, #tpu.memory_space<vmem_shared>> -> memref<128x128xf32, #tpu.memory_space<vmem_shared>>
    tpu.wait_dma2 semaphore(%arg17 : memref<!tpu.dma_semaphore, #tpu.memory_space<semaphore_mem>>) src(%arg7 : memref<128x128xf32, #tpu.memory_space<vmem>>) dst(%dma_wait3A_107 : memref<128x128xf32, #tpu.memory_space<vmem_shared>>)
    %dma_wait3A_108 = arith.constant 0 : i32
    %dma_wait3A_109 = tpu.memref_slice %arg8[%add3A_75, %dma_wait3A_108] : memref<10000x128xf32, #tpu.memory_space<vmem_shared>> -> memref<128x128xf32, #tpu.memory_space<vmem_shared>>
    %dma_wait3A_110 = arith.constant 0 : i32
    %dma_wait3A_111 = tpu.memref_slice %arg8[%add3A_75, %dma_wait3A_110] : memref<10000x128xf32, #tpu.memory_space<vmem_shared>> -> memref<128x128xf32, #tpu.memory_space<vmem_shared>>
    tpu.wait_dma2 semaphore(%arg17 : memref<!tpu.dma_semaphore, #tpu.memory_space<semaphore_mem>>) src(%arg7 : memref<128x128xf32, #tpu.memory_space<vmem>>) dst(%dma_wait3A_111 : memref<128x128xf32, #tpu.memory_space<vmem_shared>>)
    %dma_wait3A_112 = arith.constant 0 : i32
    %dma_wait3A_113 = tpu.memref_slice %arg8[%add3A_81, %dma_wait3A_112] : memref<10000x128xf32, #tpu.memory_space<vmem_shared>> -> memref<128x128xf32, #tpu.memory_space<vmem_shared>>
    %dma_wait3A_114 = arith.constant 0 : i32
    %dma_wait3A_115 = tpu.memref_slice %arg8[%add3A_81, %dma_wait3A_114] : memref<10000x128xf32, #tpu.memory_space<vmem_shared>> -> memref<128x128xf32, #tpu.memory_space<vmem_shared>>
    tpu.wait_dma2 semaphore(%arg17 : memref<!tpu.dma_semaphore, #tpu.memory_space<semaphore_mem>>) src(%arg7 : memref<128x128xf32, #tpu.memory_space<vmem>>) dst(%dma_wait3A_115 : memref<128x128xf32, #tpu.memory_space<vmem_shared>>)
    %dma_wait3A_116 = arith.constant 0 : i32
    %dma_wait3A_117 = tpu.memref_slice %arg8[%add3A_87, %dma_wait3A_116] : memref<10000x128xf32, #tpu.memory_space<vmem_shared>> -> memref<128x128xf32, #tpu.memory_space<vmem_shared>>
    %dma_wait3A_118 = arith.constant 0 : i32
    %dma_wait3A_119 = tpu.memref_slice %arg8[%add3A_87, %dma_wait3A_118] : memref<10000x128xf32, #tpu.memory_space<vmem_shared>> -> memref<128x128xf32, #tpu.memory_space<vmem_shared>>
    tpu.wait_dma2 semaphore(%arg17 : memref<!tpu.dma_semaphore, #tpu.memory_space<semaphore_mem>>) src(%arg7 : memref<128x128xf32, #tpu.memory_space<vmem>>) dst(%dma_wait3A_119 : memref<128x128xf32, #tpu.memory_space<vmem_shared>>)
    %dma_wait3A_120 = arith.constant 0 : i32
    %dma_wait3A_121 = arith.constant 0 : i32
    %dma_wait3A_122 = tpu.memref_slice %arg7[%dma_wait3A_120, %dma_wait3A_121] : memref<128x128xf32, #tpu.memory_space<vmem>> -> memref<112x128xf32, #tpu.memory_space<vmem>>
    %dma_wait3A_123 = arith.constant 0 : i32
    %dma_wait3A_124 = tpu.memref_slice %arg8[%add3A_93, %dma_wait3A_123] : memref<10000x128xf32, #tpu.memory_space<vmem_shared>> -> memref<112x128xf32, #tpu.memory_space<vmem_shared>>
    %dma_wait3A_125 = arith.constant 0 : i32
    %dma_wait3A_126 = tpu.memref_slice %arg8[%add3A_93, %dma_wait3A_125] : memref<10000x128xf32, #tpu.memory_space<vmem_shared>> -> memref<112x128xf32, #tpu.memory_space<vmem_shared>>
    %dma_wait3A_127 = arith.constant 0 : i32
    %dma_wait3A_128 = arith.constant 0 : i32
    %dma_wait3A_129 = tpu.memref_slice %arg7[%dma_wait3A_127, %dma_wait3A_128] : memref<128x128xf32, #tpu.memory_space<vmem>> -> memref<112x128xf32, #tpu.memory_space<vmem>>
    tpu.wait_dma2 semaphore(%arg17 : memref<!tpu.dma_semaphore, #tpu.memory_space<semaphore_mem>>) src(%dma_wait3A_129 : memref<112x128xf32, #tpu.memory_space<vmem>>) dst(%dma_wait3A_126 : memref<112x128xf32, #tpu.memory_space<vmem_shared>>)
    %eq3A = arith.constant 15 : i32
    %eq3A_130 = arith.cmpi eq, %arg1, %eq3A : i32
    %convert_element_type3A = arith.extui %eq3A_130 : i1 to i32
    %cond3A = arith.constant 0 : i32
    %cond3A_131 = arith.cmpi ne, %convert_element_type3A, %cond3A : i32
    scf.if %cond3A_131 {
      "tpu.region"() ({
        %run_scoped3A = tpu.sem_alloc : memref<!tpu.dma_semaphore, #tpu.memory_space<semaphore_mem>>
        %dma_start3A_457 = arith.constant 0 : i32
        %dma_start3A_458 = arith.constant 0 : i32
        %dma_start3A_459 = tpu.memref_slice %arg7[%dma_start3A_457, %dma_start3A_458] : memref<128x128xf32, #tpu.memory_space<vmem>> -> memref<16x128xf32, #tpu.memory_space<vmem>>
        %dma_start3A_460 = arith.constant 9984 : i32
        %dma_start3A_461 = arith.constant 0 : i32
        %dma_start3A_462 = tpu.memref_slice %arg8[%dma_start3A_460, %dma_start3A_461] : memref<10000x128xf32, #tpu.memory_space<vmem_shared>> -> memref<16x128xf32, #tpu.memory_space<vmem_shared>>
        %dma_start3A_463 = arith.constant 9984 : i32
        %dma_start3A_464 = arith.constant 0 : i32
        %dma_start3A_465 = tpu.memref_slice %arg8[%dma_start3A_463, %dma_start3A_464] : memref<10000x128xf32, #tpu.memory_space<vmem_shared>> -> memref<16x128xf32, #tpu.memory_space<vmem_shared>>
        %dma_start3A_466 = arith.constant 0 : i32
        %dma_start3A_467 = arith.constant 0 : i32
        %dma_start3A_468 = tpu.memref_slice %arg7[%dma_start3A_466, %dma_start3A_467] : memref<128x128xf32, #tpu.memory_space<vmem>> -> memref<16x128xf32, #tpu.memory_space<vmem>>
        tpu.enqueue_dma source(%dma_start3A_468 : memref<16x128xf32, #tpu.memory_space<vmem>>) target(%dma_start3A_465 : memref<16x128xf32, #tpu.memory_space<vmem_shared>>) target_semaphore(%run_scoped3A : memref<!tpu.dma_semaphore, #tpu.memory_space<semaphore_mem>>)
        %dma_wait3A_469 = arith.constant 0 : i32
        %dma_wait3A_470 = arith.constant 0 : i32
        %dma_wait3A_471 = tpu.memref_slice %arg7[%dma_wait3A_469, %dma_wait3A_470] : memref<128x128xf32, #tpu.memory_space<vmem>> -> memref<16x128xf32, #tpu.memory_space<vmem>>
        %dma_wait3A_472 = arith.constant 9984 : i32
        %dma_wait3A_473 = arith.constant 0 : i32
        %dma_wait3A_474 = tpu.memref_slice %arg8[%dma_wait3A_472, %dma_wait3A_473] : memref<10000x128xf32, #tpu.memory_space<vmem_shared>> -> memref<16x128xf32, #tpu.memory_space<vmem_shared>>
        %dma_wait3A_475 = arith.constant 9984 : i32
        %dma_wait3A_476 = arith.constant 0 : i32
        %dma_wait3A_477 = tpu.memref_slice %arg8[%dma_wait3A_475, %dma_wait3A_476] : memref<10000x128xf32, #tpu.memory_space<vmem_shared>> -> memref<16x128xf32, #tpu.memory_space<vmem_shared>>
        %dma_wait3A_478 = arith.constant 0 : i32
        %dma_wait3A_479 = arith.constant 0 : i32
        %dma_wait3A_480 = tpu.memref_slice %arg7[%dma_wait3A_478, %dma_wait3A_479] : memref<128x128xf32, #tpu.memory_space<vmem>> -> memref<16x128xf32, #tpu.memory_space<vmem>>
        tpu.wait_dma2 semaphore(%run_scoped3A : memref<!tpu.dma_semaphore, #tpu.memory_space<semaphore_mem>>) src(%dma_wait3A_480 : memref<16x128xf32, #tpu.memory_space<vmem>>) dst(%dma_wait3A_477 : memref<16x128xf32, #tpu.memory_space<vmem_shared>>)
        tpu.yield
      }) : () -> ()
    } else {
    }
    %barrier3A = arith.constant 0 : index
    tpu.barrier barrier_id(%barrier3A)
    %scan3A_132 = arith.constant 0 : i32
    %scan3A_133 = arith.constant 19 : i32
    %scan3A_134 = arith.addi %scan3A_132, %scan3A_133 : i32
    %scan3A_135 = arith.constant 1 : i32
    scf.for %scan3A_457 = %scan3A_132 to %scan3A_134 step %scan3A_135  : i32 {
      %mul3A_458 = arith.constant 4 : i32
      %mul3A_459 = arith.muli %scan3A_457, %mul3A_458 : i32
      %add3A_460 = arith.constant 0 : i32
      %add3A_461 = arith.addi %add3A_460, %mul3A_459 : i32
      %add3A_462 = arith.constant 0 : i32
      %add3A_463 = arith.addi %add3A_461, %add3A_462 : i32
      %dma_wait3A_464 = arith.constant 0 : i32
      %dma_wait3A_465 = arith.constant 0 : i32
      %dma_wait3A_466 = arith.constant 0 : i32
      %dma_wait3A_467 = tpu.memref_slice %arg5[%dma_wait3A_464, %dma_wait3A_465, %dma_wait3A_466] : memref<4x8x128xi32, #tpu.memory_space<vmem>> -> memref<1x1x128xi32, #tpu.memory_space<vmem>>
      %dma_wait3A_468 = tpu.memref_squeeze %dma_wait3A_467 : memref<1x1x128xi32, #tpu.memory_space<vmem>> -> memref<128xi32, #tpu.memory_space<vmem>>
      %dma_wait3A_469 = arith.constant 0 : i32
      %dma_wait3A_470 = arith.constant 0 : i32
      %dma_wait3A_471 = tpu.memref_slice %arg2[%dma_wait3A_469, %dma_wait3A_470] : memref<10000x128xf32, #tpu.memory_space<hbm>> -> memref<10000x128xf32, #tpu.memory_space<hbm>>
      tpu.wait_indirect_dma semaphore(%arg13 : memref<!tpu.dma_semaphore, #tpu.memory_space<semaphore_mem>>) src(%dma_wait3A_471 : memref<10000x128xf32, #tpu.memory_space<hbm>>) dst(%arg6 : memref<128x128xf32, #tpu.memory_space<vmem>>)
      %gt3A = arith.constant 0 : i32
      %gt3A_472 = arith.cmpi sgt, %add3A_461, %gt3A : i32
      %convert_element_type3A_473 = arith.extui %gt3A_472 : i1 to i32
      %cond3A_474 = arith.constant 0 : i32
      %cond3A_475 = arith.cmpi ne, %convert_element_type3A_473, %cond3A_474 : i32
      scf.if %cond3A_475 {
        %dma_wait3A_782 = arith.constant 3 : i32
        %dma_wait3A_783 = arith.constant 1 : i32
        %dma_wait3A_784 = arith.constant 0 : i32
        %dma_wait3A_785 = tpu.memref_slice %arg5[%dma_wait3A_782, %dma_wait3A_783, %dma_wait3A_784] : memref<4x8x128xi32, #tpu.memory_space<vmem>> -> memref<1x1x128xi32, #tpu.memory_space<vmem>>
        %dma_wait3A_786 = tpu.memref_squeeze %dma_wait3A_785 : memref<1x1x128xi32, #tpu.memory_space<vmem>> -> memref<128xi32, #tpu.memory_space<vmem>>
        %dma_wait3A_787 = arith.constant 0 : i32
        %dma_wait3A_788 = arith.constant 0 : i32
        %dma_wait3A_789 = tpu.memref_slice %arg8[%dma_wait3A_787, %dma_wait3A_788] : memref<10000x128xf32, #tpu.memory_space<vmem_shared>> -> memref<10000x128xf32, #tpu.memory_space<vmem_shared>>
        tpu.wait_indirect_dma semaphore(%arg16 : memref<!tpu.dma_semaphore, #tpu.memory_space<semaphore_mem>>) src(%arg7 : memref<128x128xf32, #tpu.memory_space<vmem>>) dst(%dma_wait3A_789 : memref<10000x128xf32, #tpu.memory_space<vmem_shared>>)
      } else {
      }
      %add3A_476 = arith.constant 1 : i32
      %add3A_477 = arith.addi %add3A_463, %add3A_476 : i32
      %dma_wait3A_478 = arith.constant 1 : i32
      %dma_wait3A_479 = arith.constant 0 : i32
      %dma_wait3A_480 = arith.constant 0 : i32
      %dma_wait3A_481 = tpu.memref_slice %arg5[%dma_wait3A_478, %dma_wait3A_479, %dma_wait3A_480] : memref<4x8x128xi32, #tpu.memory_space<vmem>> -> memref<1x8x128xi32, #tpu.memory_space<vmem>>
      %dma_wait3A_482 = tpu.memref_squeeze %dma_wait3A_481 : memref<1x8x128xi32, #tpu.memory_space<vmem>> -> memref<8x128xi32, #tpu.memory_space<vmem>>
      %dma_wait3A_483 = arith.constant 0 : i32
      %dma_wait3A_484 = arith.constant 0 : i32
      %dma_wait3A_485 = tpu.memref_slice %arg3[%add3A, %add3A_477, %dma_wait3A_483, %dma_wait3A_484] : memref<32x80x8x128xi32, #tpu.memory_space<hbm>> -> memref<1x1x8x128xi32, #tpu.memory_space<hbm>>
      %dma_wait3A_486 = tpu.memref_squeeze %dma_wait3A_485 : memref<1x1x8x128xi32, #tpu.memory_space<hbm>> -> memref<8x128xi32, #tpu.memory_space<hbm>>
      %dma_wait3A_487 = arith.constant 0 : i32
      %dma_wait3A_488 = arith.constant 0 : i32
      %dma_wait3A_489 = tpu.memref_slice %arg5[%dma_wait3A_478, %dma_wait3A_487, %dma_wait3A_488] : memref<4x8x128xi32, #tpu.memory_space<vmem>> -> memref<1x8x128xi32, #tpu.memory_space<vmem>>
      %dma_wait3A_490 = tpu.memref_squeeze %dma_wait3A_489 : memref<1x8x128xi32, #tpu.memory_space<vmem>> -> memref<8x128xi32, #tpu.memory_space<vmem>>
      %dma_wait3A_491 = arith.constant 0 : i32
      %dma_wait3A_492 = arith.constant 0 : i32
      %dma_wait3A_493 = tpu.memref_slice %arg3[%add3A, %add3A_477, %dma_wait3A_491, %dma_wait3A_492] : memref<32x80x8x128xi32, #tpu.memory_space<hbm>> -> memref<1x1x8x128xi32, #tpu.memory_space<hbm>>
      %dma_wait3A_494 = tpu.memref_squeeze %dma_wait3A_493 : memref<1x1x8x128xi32, #tpu.memory_space<hbm>> -> memref<8x128xi32, #tpu.memory_space<hbm>>
      tpu.wait_dma2 semaphore(%arg10 : memref<!tpu.dma_semaphore, #tpu.memory_space<semaphore_mem>>) src(%dma_wait3A_494 : memref<8x128xi32, #tpu.memory_space<hbm>>) dst(%dma_wait3A_490 : memref<8x128xi32, #tpu.memory_space<vmem>>)
      %dma_start3A_495 = arith.constant 1 : i32
      %dma_start3A_496 = arith.constant 0 : i32
      %dma_start3A_497 = arith.constant 0 : i32
      %dma_start3A_498 = tpu.memref_slice %arg5[%dma_start3A_495, %dma_start3A_496, %dma_start3A_497] : memref<4x8x128xi32, #tpu.memory_space<vmem>> -> memref<1x1x128xi32, #tpu.memory_space<vmem>>
      %dma_start3A_499 = tpu.memref_squeeze %dma_start3A_498 : memref<1x1x128xi32, #tpu.memory_space<vmem>> -> memref<128xi32, #tpu.memory_space<vmem>>
      %dma_start3A_500 = arith.constant 0 : i32
      %dma_start3A_501 = arith.constant 0 : i32
      %dma_start3A_502 = tpu.memref_slice %arg2[%dma_start3A_500, %dma_start3A_501] : memref<10000x128xf32, #tpu.memory_space<hbm>> -> memref<10000x128xf32, #tpu.memory_space<hbm>>
      tpu.enqueue_indirect_dma source(%dma_start3A_502 : memref<10000x128xf32, #tpu.memory_space<hbm>>) target(%arg7 : memref<128x128xf32, #tpu.memory_space<vmem>>) offsets(%dma_start3A_499 : memref<128xi32, #tpu.memory_space<vmem>>) semaphore(%arg14 : memref<!tpu.dma_semaphore, #tpu.memory_space<semaphore_mem>>)
      %add3A_503 = arith.constant 2 : i32
      %add3A_504 = arith.addi %add3A_463, %add3A_503 : i32
      %dma_start3A_505 = arith.constant 2 : i32
      %dma_start3A_506 = arith.constant 0 : i32
      %dma_start3A_507 = arith.constant 0 : i32
      %dma_start3A_508 = tpu.memref_slice %arg5[%dma_start3A_505, %dma_start3A_506, %dma_start3A_507] : memref<4x8x128xi32, #tpu.memory_space<vmem>> -> memref<1x8x128xi32, #tpu.memory_space<vmem>>
      %dma_start3A_509 = tpu.memref_squeeze %dma_start3A_508 : memref<1x8x128xi32, #tpu.memory_space<vmem>> -> memref<8x128xi32, #tpu.memory_space<vmem>>
      %dma_start3A_510 = arith.constant 0 : i32
      %dma_start3A_511 = arith.constant 0 : i32
      %dma_start3A_512 = tpu.memref_slice %arg3[%add3A, %add3A_504, %dma_start3A_510, %dma_start3A_511] : memref<32x80x8x128xi32, #tpu.memory_space<hbm>> -> memref<1x1x8x128xi32, #tpu.memory_space<hbm>>
      %dma_start3A_513 = tpu.memref_squeeze %dma_start3A_512 : memref<1x1x8x128xi32, #tpu.memory_space<hbm>> -> memref<8x128xi32, #tpu.memory_space<hbm>>
      %dma_start3A_514 = arith.constant 0 : i32
      %dma_start3A_515 = arith.constant 0 : i32
      %dma_start3A_516 = tpu.memref_slice %arg5[%dma_start3A_505, %dma_start3A_514, %dma_start3A_515] : memref<4x8x128xi32, #tpu.memory_space<vmem>> -> memref<1x8x128xi32, #tpu.memory_space<vmem>>
      %dma_start3A_517 = tpu.memref_squeeze %dma_start3A_516 : memref<1x8x128xi32, #tpu.memory_space<vmem>> -> memref<8x128xi32, #tpu.memory_space<vmem>>
      %dma_start3A_518 = arith.constant 0 : i32
      %dma_start3A_519 = arith.constant 0 : i32
      %dma_start3A_520 = tpu.memref_slice %arg3[%add3A, %add3A_504, %dma_start3A_518, %dma_start3A_519] : memref<32x80x8x128xi32, #tpu.memory_space<hbm>> -> memref<1x1x8x128xi32, #tpu.memory_space<hbm>>
      %dma_start3A_521 = tpu.memref_squeeze %dma_start3A_520 : memref<1x1x8x128xi32, #tpu.memory_space<hbm>> -> memref<8x128xi32, #tpu.memory_space<hbm>>
      tpu.enqueue_dma source(%dma_start3A_521 : memref<8x128xi32, #tpu.memory_space<hbm>>) target(%dma_start3A_517 : memref<8x128xi32, #tpu.memory_space<vmem>>) target_semaphore(%arg11 : memref<!tpu.dma_semaphore, #tpu.memory_space<semaphore_mem>>)
      %broadcast_in_dim3A_522 = arith.constant 0 : i32
      %broadcast_in_dim3A_523 = vector.broadcast %broadcast_in_dim3A_522 : i32 to vector<16xi32>
      %broadcast_in_dim3A_524 = arith.constant 2 : i32
      %broadcast_in_dim3A_525 = vector.broadcast %broadcast_in_dim3A_524 : i32 to vector<16xi32>
      %scan3A_526 = arith.constant 0 : i32
      %scan3A_527 = arith.constant 32 : i32
      %scan3A_528 = arith.addi %scan3A_526, %scan3A_527 : i32
      %scan3A_529 = arith.constant 1 : i32
      scf.for %scan3A_782 = %scan3A_526 to %scan3A_528 step %scan3A_529  : i32 {
        %mul3A_783 = arith.constant 4 : i32
        %mul3A_784 = arith.muli %scan3A_782, %mul3A_783 : i32
        %add3A_785 = arith.constant 0 : i32
        %add3A_786 = arith.addi %add3A_785, %mul3A_784 : i32
        %add3A_787 = arith.constant 0 : i32
        %add3A_788 = arith.addi %add3A_786, %add3A_787 : i32
        %broadcast_in_dim3A_789 = vector.broadcast %add3A_788 : i32 to vector<16xi32>
        %gather3A = tpu.vector_load_idx %arg5[%broadcast_in_dim3A_523, %broadcast_in_dim3A_525, %broadcast_in_dim3A_789] : memref<4x8x128xi32, #tpu.memory_space<vmem>>[vector<16xi32>, vector<16xi32>, vector<16xi32>], vector<16xi32>,
        %bitcast3A = vector.bitcast %gather3A : vector<16xi32> to vector<16xf32>
        %add3A_790 = arith.constant 0 : i32
        %add3A_791 = arith.addi %add3A_786, %add3A_790 : i32
        %get3A = arith.index_cast %add3A_791 : i32 to index
        %get3A_792 = arith.constant 0 : index
        %get3A_793 = tpu.vector_load %arg6[%get3A, %get3A_792] {strides = array<i32>} : memref<128x128xf32, #tpu.memory_space<vmem>>, vector<16xf32>,
        %mul3A_794 = arith.mulf %get3A_793, %bitcast3A : vector<16xf32>
        %add3A_795 = arith.constant 0 : i32
        %add3A_796 = arith.addi %add3A_786, %add3A_795 : i32
        %swap3A = arith.index_cast %add3A_796 : i32 to index
        %swap3A_797 = arith.constant 0 : index
        %swap3A_798 = tpu.vector_load %arg6[%swap3A, %swap3A_797] {strides = array<i32>} : memref<128x128xf32, #tpu.memory_space<vmem>>, vector<16xf32>,
        tpu.vector_store %arg6[%swap3A, %swap3A_797], %mul3A_794 {strides = array<i32>} : memref<128x128xf32, #tpu.memory_space<vmem>>, vector<16xf32>,
        %add3A_799 = arith.constant 0 : i32
        %add3A_800 = arith.addi %add3A_786, %add3A_799 : i32
        %get3A_801 = arith.index_cast %add3A_800 : i32 to index
        %get3A_802 = arith.constant 16 : index
        %get3A_803 = tpu.vector_load %arg6[%get3A_801, %get3A_802] {strides = array<i32>} : memref<128x128xf32, #tpu.memory_space<vmem>>, vector<16xf32>,
        %mul3A_804 = arith.mulf %get3A_803, %bitcast3A : vector<16xf32>
        %add3A_805 = arith.constant 0 : i32
        %add3A_806 = arith.addi %add3A_786, %add3A_805 : i32
        %swap3A_807 = arith.index_cast %add3A_806 : i32 to index
        %swap3A_808 = arith.constant 16 : index
        %swap3A_809 = tpu.vector_load %arg6[%swap3A_807, %swap3A_808] {strides = array<i32>} : memref<128x128xf32, #tpu.memory_space<vmem>>, vector<16xf32>,
        tpu.vector_store %arg6[%swap3A_807, %swap3A_808], %mul3A_804 {strides = array<i32>} : memref<128x128xf32, #tpu.memory_space<vmem>>, vector<16xf32>,
        %add3A_810 = arith.constant 0 : i32
        %add3A_811 = arith.addi %add3A_786, %add3A_810 : i32
        %get3A_812 = arith.index_cast %add3A_811 : i32 to index
        %get3A_813 = arith.constant 32 : index
        %get3A_814 = tpu.vector_load %arg6[%get3A_812, %get3A_813] {strides = array<i32>} : memref<128x128xf32, #tpu.memory_space<vmem>>, vector<16xf32>,
        %mul3A_815 = arith.mulf %get3A_814, %bitcast3A : vector<16xf32>
        %add3A_816 = arith.constant 0 : i32
        %add3A_817 = arith.addi %add3A_786, %add3A_816 : i32
        %swap3A_818 = arith.index_cast %add3A_817 : i32 to index
        %swap3A_819 = arith.constant 32 : index
        %swap3A_820 = tpu.vector_load %arg6[%swap3A_818, %swap3A_819] {strides = array<i32>} : memref<128x128xf32, #tpu.memory_space<vmem>>, vector<16xf32>,
        tpu.vector_store %arg6[%swap3A_818, %swap3A_819], %mul3A_815 {strides = array<i32>} : memref<128x128xf32, #tpu.memory_space<vmem>>, vector<16xf32>,
        %add3A_821 = arith.constant 0 : i32
        %add3A_822 = arith.addi %add3A_786, %add3A_821 : i32
        %get3A_823 = arith.index_cast %add3A_822 : i32 to index
        %get3A_824 = arith.constant 48 : index
        %get3A_825 = tpu.vector_load %arg6[%get3A_823, %get3A_824] {strides = array<i32>} : memref<128x128xf32, #tpu.memory_space<vmem>>, vector<16xf32>,
        %mul3A_826 = arith.mulf %get3A_825, %bitcast3A : vector<16xf32>
        %add3A_827 = arith.constant 0 : i32
        %add3A_828 = arith.addi %add3A_786, %add3A_827 : i32
        %swap3A_829 = arith.index_cast %add3A_828 : i32 to index
        %swap3A_830 = arith.constant 48 : index
        %swap3A_831 = tpu.vector_load %arg6[%swap3A_829, %swap3A_830] {strides = array<i32>} : memref<128x128xf32, #tpu.memory_space<vmem>>, vector<16xf32>,
        tpu.vector_store %arg6[%swap3A_829, %swap3A_830], %mul3A_826 {strides = array<i32>} : memref<128x128xf32, #tpu.memory_space<vmem>>, vector<16xf32>,
        %add3A_832 = arith.constant 0 : i32
        %add3A_833 = arith.addi %add3A_786, %add3A_832 : i32
        %get3A_834 = arith.index_cast %add3A_833 : i32 to index
        %get3A_835 = arith.constant 64 : index
        %get3A_836 = tpu.vector_load %arg6[%get3A_834, %get3A_835] {strides = array<i32>} : memref<128x128xf32, #tpu.memory_space<vmem>>, vector<16xf32>,
        %mul3A_837 = arith.mulf %get3A_836, %bitcast3A : vector<16xf32>
        %add3A_838 = arith.constant 0 : i32
        %add3A_839 = arith.addi %add3A_786, %add3A_838 : i32
        %swap3A_840 = arith.index_cast %add3A_839 : i32 to index
        %swap3A_841 = arith.constant 64 : index
        %swap3A_842 = tpu.vector_load %arg6[%swap3A_840, %swap3A_841] {strides = array<i32>} : memref<128x128xf32, #tpu.memory_space<vmem>>, vector<16xf32>,
        tpu.vector_store %arg6[%swap3A_840, %swap3A_841], %mul3A_837 {strides = array<i32>} : memref<128x128xf32, #tpu.memory_space<vmem>>, vector<16xf32>,
        %add3A_843 = arith.constant 0 : i32
        %add3A_844 = arith.addi %add3A_786, %add3A_843 : i32
        %get3A_845 = arith.index_cast %add3A_844 : i32 to index
        %get3A_846 = arith.constant 80 : index
        %get3A_847 = tpu.vector_load %arg6[%get3A_845, %get3A_846] {strides = array<i32>} : memref<128x128xf32, #tpu.memory_space<vmem>>, vector<16xf32>,
        %mul3A_848 = arith.mulf %get3A_847, %bitcast3A : vector<16xf32>
        %add3A_849 = arith.constant 0 : i32
        %add3A_850 = arith.addi %add3A_786, %add3A_849 : i32
        %swap3A_851 = arith.index_cast %add3A_850 : i32 to index
        %swap3A_852 = arith.constant 80 : index
        %swap3A_853 = tpu.vector_load %arg6[%swap3A_851, %swap3A_852] {strides = array<i32>} : memref<128x128xf32, #tpu.memory_space<vmem>>, vector<16xf32>,
        tpu.vector_store %arg6[%swap3A_851, %swap3A_852], %mul3A_848 {strides = array<i32>} : memref<128x128xf32, #tpu.memory_space<vmem>>, vector<16xf32>,
        %add3A_854 = arith.constant 0 : i32
        %add3A_855 = arith.addi %add3A_786, %add3A_854 : i32
        %get3A_856 = arith.index_cast %add3A_855 : i32 to index
        %get3A_857 = arith.constant 96 : index
        %get3A_858 = tpu.vector_load %arg6[%get3A_856, %get3A_857] {strides = array<i32>} : memref<128x128xf32, #tpu.memory_space<vmem>>, vector<16xf32>,
        %mul3A_859 = arith.mulf %get3A_858, %bitcast3A : vector<16xf32>
        %add3A_860 = arith.constant 0 : i32
        %add3A_861 = arith.addi %add3A_786, %add3A_860 : i32
        %swap3A_862 = arith.index_cast %add3A_861 : i32 to index
        %swap3A_863 = arith.constant 96 : index
        %swap3A_864 = tpu.vector_load %arg6[%swap3A_862, %swap3A_863] {strides = array<i32>} : memref<128x128xf32, #tpu.memory_space<vmem>>, vector<16xf32>,
        tpu.vector_store %arg6[%swap3A_862, %swap3A_863], %mul3A_859 {strides = array<i32>} : memref<128x128xf32, #tpu.memory_space<vmem>>, vector<16xf32>,
        %add3A_865 = arith.constant 0 : i32
        %add3A_866 = arith.addi %add3A_786, %add3A_865 : i32
        %get3A_867 = arith.index_cast %add3A_866 : i32 to index
        %get3A_868 = arith.constant 112 : index
        %get3A_869 = tpu.vector_load %arg6[%get3A_867, %get3A_868] {strides = array<i32>} : memref<128x128xf32, #tpu.memory_space<vmem>>, vector<16xf32>,
        %mul3A_870 = arith.mulf %get3A_869, %bitcast3A : vector<16xf32>
        %add3A_871 = arith.constant 0 : i32
        %add3A_872 = arith.addi %add3A_786, %add3A_871 : i32
        %swap3A_873 = arith.index_cast %add3A_872 : i32 to index
        %swap3A_874 = arith.constant 112 : index
        %swap3A_875 = tpu.vector_load %arg6[%swap3A_873, %swap3A_874] {strides = array<i32>} : memref<128x128xf32, #tpu.memory_space<vmem>>, vector<16xf32>,
        tpu.vector_store %arg6[%swap3A_873, %swap3A_874], %mul3A_870 {strides = array<i32>} : memref<128x128xf32, #tpu.memory_space<vmem>>, vector<16xf32>,
        %add3A_876 = arith.constant 1 : i32
        %add3A_877 = arith.addi %add3A_786, %add3A_876 : i32
        %broadcast_in_dim3A_878 = vector.broadcast %add3A_877 : i32 to vector<16xi32>
        %gather3A_879 = tpu.vector_load_idx %arg5[%broadcast_in_dim3A_523, %broadcast_in_dim3A_525, %broadcast_in_dim3A_878] : memref<4x8x128xi32, #tpu.memory_space<vmem>>[vector<16xi32>, vector<16xi32>, vector<16xi32>], vector<16xi32>,
        %bitcast3A_880 = vector.bitcast %gather3A_879 : vector<16xi32> to vector<16xf32>
        %add3A_881 = arith.constant 1 : i32
        %add3A_882 = arith.addi %add3A_786, %add3A_881 : i32
        %get3A_883 = arith.index_cast %add3A_882 : i32 to index
        %get3A_884 = arith.constant 0 : index
        %get3A_885 = tpu.vector_load %arg6[%get3A_883, %get3A_884] {strides = array<i32>} : memref<128x128xf32, #tpu.memory_space<vmem>>, vector<16xf32>,
        %mul3A_886 = arith.mulf %get3A_885, %bitcast3A_880 : vector<16xf32>
        %add3A_887 = arith.constant 1 : i32
        %add3A_888 = arith.addi %add3A_786, %add3A_887 : i32
        %swap3A_889 = arith.index_cast %add3A_888 : i32 to index
        %swap3A_890 = arith.constant 0 : index
        %swap3A_891 = tpu.vector_load %arg6[%swap3A_889, %swap3A_890] {strides = array<i32>} : memref<128x128xf32, #tpu.memory_space<vmem>>, vector<16xf32>,
        tpu.vector_store %arg6[%swap3A_889, %swap3A_890], %mul3A_886 {strides = array<i32>} : memref<128x128xf32, #tpu.memory_space<vmem>>, vector<16xf32>,
        %add3A_892 = arith.constant 1 : i32
        %add3A_893 = arith.addi %add3A_786, %add3A_892 : i32
        %get3A_894 = arith.index_cast %add3A_893 : i32 to index
        %get3A_895 = arith.constant 16 : index
        %get3A_896 = tpu.vector_load %arg6[%get3A_894, %get3A_895] {strides = array<i32>} : memref<128x128xf32, #tpu.memory_space<vmem>>, vector<16xf32>,
        %mul3A_897 = arith.mulf %get3A_896, %bitcast3A_880 : vector<16xf32>
        %add3A_898 = arith.constant 1 : i32
        %add3A_899 = arith.addi %add3A_786, %add3A_898 : i32
        %swap3A_900 = arith.index_cast %add3A_899 : i32 to index
        %swap3A_901 = arith.constant 16 : index
        %swap3A_902 = tpu.vector_load %arg6[%swap3A_900, %swap3A_901] {strides = array<i32>} : memref<128x128xf32, #tpu.memory_space<vmem>>, vector<16xf32>,
        tpu.vector_store %arg6[%swap3A_900, %swap3A_901], %mul3A_897 {strides = array<i32>} : memref<128x128xf32, #tpu.memory_space<vmem>>, vector<16xf32>,
        %add3A_903 = arith.constant 1 : i32
        %add3A_904 = arith.addi %add3A_786, %add3A_903 : i32
        %get3A_905 = arith.index_cast %add3A_904 : i32 to index
        %get3A_906 = arith.constant 32 : index
        %get3A_907 = tpu.vector_load %arg6[%get3A_905, %get3A_906] {strides = array<i32>} : memref<128x128xf32, #tpu.memory_space<vmem>>, vector<16xf32>,
        %mul3A_908 = arith.mulf %get3A_907, %bitcast3A_880 : vector<16xf32>
        %add3A_909 = arith.constant 1 : i32
        %add3A_910 = arith.addi %add3A_786, %add3A_909 : i32
        %swap3A_911 = arith.index_cast %add3A_910 : i32 to index
        %swap3A_912 = arith.constant 32 : index
        %swap3A_913 = tpu.vector_load %arg6[%swap3A_911, %swap3A_912] {strides = array<i32>} : memref<128x128xf32, #tpu.memory_space<vmem>>, vector<16xf32>,
        tpu.vector_store %arg6[%swap3A_911, %swap3A_912], %mul3A_908 {strides = array<i32>} : memref<128x128xf32, #tpu.memory_space<vmem>>, vector<16xf32>,
        %add3A_914 = arith.constant 1 : i32
        %add3A_915 = arith.addi %add3A_786, %add3A_914 : i32
        %get3A_916 = arith.index_cast %add3A_915 : i32 to index
        %get3A_917 = arith.constant 48 : index
        %get3A_918 = tpu.vector_load %arg6[%get3A_916, %get3A_917] {strides = array<i32>} : memref<128x128xf32, #tpu.memory_space<vmem>>, vector<16xf32>,
        %mul3A_919 = arith.mulf %get3A_918, %bitcast3A_880 : vector<16xf32>
        %add3A_920 = arith.constant 1 : i32
        %add3A_921 = arith.addi %add3A_786, %add3A_920 : i32
        %swap3A_922 = arith.index_cast %add3A_921 : i32 to index
        %swap3A_923 = arith.constant 48 : index
        %swap3A_924 = tpu.vector_load %arg6[%swap3A_922, %swap3A_923] {strides = array<i32>} : memref<128x128xf32, #tpu.memory_space<vmem>>, vector<16xf32>,
        tpu.vector_store %arg6[%swap3A_922, %swap3A_923], %mul3A_919 {strides = array<i32>} : memref<128x128xf32, #tpu.memory_space<vmem>>, vector<16xf32>,
        %add3A_925 = arith.constant 1 : i32
        %add3A_926 = arith.addi %add3A_786, %add3A_925 : i32
        %get3A_927 = arith.index_cast %add3A_926 : i32 to index
        %get3A_928 = arith.constant 64 : index
        %get3A_929 = tpu.vector_load %arg6[%get3A_927, %get3A_928] {strides = array<i32>} : memref<128x128xf32, #tpu.memory_space<vmem>>, vector<16xf32>,
        %mul3A_930 = arith.mulf %get3A_929, %bitcast3A_880 : vector<16xf32>
        %add3A_931 = arith.constant 1 : i32
        %add3A_932 = arith.addi %add3A_786, %add3A_931 : i32
        %swap3A_933 = arith.index_cast %add3A_932 : i32 to index
        %swap3A_934 = arith.constant 64 : index
        %swap3A_935 = tpu.vector_load %arg6[%swap3A_933, %swap3A_934] {strides = array<i32>} : memref<128x128xf32, #tpu.memory_space<vmem>>, vector<16xf32>,
        tpu.vector_store %arg6[%swap3A_933, %swap3A_934], %mul3A_930 {strides = array<i32>} : memref<128x128xf32, #tpu.memory_space<vmem>>, vector<16xf32>,
        %add3A_936 = arith.constant 1 : i32
        %add3A_937 = arith.addi %add3A_786, %add3A_936 : i32
        %get3A_938 = arith.index_cast %add3A_937 : i32 to index
        %get3A_939 = arith.constant 80 : index
        %get3A_940 = tpu.vector_load %arg6[%get3A_938, %get3A_939] {strides = array<i32>} : memref<128x128xf32, #tpu.memory_space<vmem>>, vector<16xf32>,
        %mul3A_941 = arith.mulf %get3A_940, %bitcast3A_880 : vector<16xf32>
        %add3A_942 = arith.constant 1 : i32
        %add3A_943 = arith.addi %add3A_786, %add3A_942 : i32
        %swap3A_944 = arith.index_cast %add3A_943 : i32 to index
        %swap3A_945 = arith.constant 80 : index
        %swap3A_946 = tpu.vector_load %arg6[%swap3A_944, %swap3A_945] {strides = array<i32>} : memref<128x128xf32, #tpu.memory_space<vmem>>, vector<16xf32>,
        tpu.vector_store %arg6[%swap3A_944, %swap3A_945], %mul3A_941 {strides = array<i32>} : memref<128x128xf32, #tpu.memory_space<vmem>>, vector<16xf32>,
        %add3A_947 = arith.constant 1 : i32
        %add3A_948 = arith.addi %add3A_786, %add3A_947 : i32
        %get3A_949 = arith.index_cast %add3A_948 : i32 to index
        %get3A_950 = arith.constant 96 : index
        %get3A_951 = tpu.vector_load %arg6[%get3A_949, %get3A_950] {strides = array<i32>} : memref<128x128xf32, #tpu.memory_space<vmem>>, vector<16xf32>,
        %mul3A_952 = arith.mulf %get3A_951, %bitcast3A_880 : vector<16xf32>
        %add3A_953 = arith.constant 1 : i32
        %add3A_954 = arith.addi %add3A_786, %add3A_953 : i32
        %swap3A_955 = arith.index_cast %add3A_954 : i32 to index
        %swap3A_956 = arith.constant 96 : index
        %swap3A_957 = tpu.vector_load %arg6[%swap3A_955, %swap3A_956] {strides = array<i32>} : memref<128x128xf32, #tpu.memory_space<vmem>>, vector<16xf32>,
        tpu.vector_store %arg6[%swap3A_955, %swap3A_956], %mul3A_952 {strides = array<i32>} : memref<128x128xf32, #tpu.memory_space<vmem>>, vector<16xf32>,
        %add3A_958 = arith.constant 1 : i32
        %add3A_959 = arith.addi %add3A_786, %add3A_958 : i32
        %get3A_960 = arith.index_cast %add3A_959 : i32 to index
        %get3A_961 = arith.constant 112 : index
        %get3A_962 = tpu.vector_load %arg6[%get3A_960, %get3A_961] {strides = array<i32>} : memref<128x128xf32, #tpu.memory_space<vmem>>, vector<16xf32>,
        %mul3A_963 = arith.mulf %get3A_962, %bitcast3A_880 : vector<16xf32>
        %add3A_964 = arith.constant 1 : i32
        %add3A_965 = arith.addi %add3A_786, %add3A_964 : i32
        %swap3A_966 = arith.index_cast %add3A_965 : i32 to index
        %swap3A_967 = arith.constant 112 : index
        %swap3A_968 = tpu.vector_load %arg6[%swap3A_966, %swap3A_967] {strides = array<i32>} : memref<128x128xf32, #tpu.memory_space<vmem>>, vector<16xf32>,
        tpu.vector_store %arg6[%swap3A_966, %swap3A_967], %mul3A_963 {strides = array<i32>} : memref<128x128xf32, #tpu.memory_space<vmem>>, vector<16xf32>,
        %add3A_969 = arith.constant 2 : i32
        %add3A_970 = arith.addi %add3A_786, %add3A_969 : i32
        %broadcast_in_dim3A_971 = vector.broadcast %add3A_970 : i32 to vector<16xi32>
        %gather3A_972 = tpu.vector_load_idx %arg5[%broadcast_in_dim3A_523, %broadcast_in_dim3A_525, %broadcast_in_dim3A_971] : memref<4x8x128xi32, #tpu.memory_space<vmem>>[vector<16xi32>, vector<16xi32>, vector<16xi32>], vector<16xi32>,
        %bitcast3A_973 = vector.bitcast %gather3A_972 : vector<16xi32> to vector<16xf32>
        %add3A_974 = arith.constant 2 : i32
        %add3A_975 = arith.addi %add3A_786, %add3A_974 : i32
        %get3A_976 = arith.index_cast %add3A_975 : i32 to index
        %get3A_977 = arith.constant 0 : index
        %get3A_978 = tpu.vector_load %arg6[%get3A_976, %get3A_977] {strides = array<i32>} : memref<128x128xf32, #tpu.memory_space<vmem>>, vector<16xf32>,
        %mul3A_979 = arith.mulf %get3A_978, %bitcast3A_973 : vector<16xf32>
        %add3A_980 = arith.constant 2 : i32
        %add3A_981 = arith.addi %add3A_786, %add3A_980 : i32
        %swap3A_982 = arith.index_cast %add3A_981 : i32 to index
        %swap3A_983 = arith.constant 0 : index
        %swap3A_984 = tpu.vector_load %arg6[%swap3A_982, %swap3A_983] {strides = array<i32>} : memref<128x128xf32, #tpu.memory_space<vmem>>, vector<16xf32>,
        tpu.vector_store %arg6[%swap3A_982, %swap3A_983], %mul3A_979 {strides = array<i32>} : memref<128x128xf32, #tpu.memory_space<vmem>>, vector<16xf32>,
        %add3A_985 = arith.constant 2 : i32
        %add3A_986 = arith.addi %add3A_786, %add3A_985 : i32
        %get3A_987 = arith.index_cast %add3A_986 : i32 to index
        %get3A_988 = arith.constant 16 : index
        %get3A_989 = tpu.vector_load %arg6[%get3A_987, %get3A_988] {strides = array<i32>} : memref<128x128xf32, #tpu.memory_space<vmem>>, vector<16xf32>,
        %mul3A_990 = arith.mulf %get3A_989, %bitcast3A_973 : vector<16xf32>
        %add3A_991 = arith.constant 2 : i32
        %add3A_992 = arith.addi %add3A_786, %add3A_991 : i32
        %swap3A_993 = arith.index_cast %add3A_992 : i32 to index
        %swap3A_994 = arith.constant 16 : index
        %swap3A_995 = tpu.vector_load %arg6[%swap3A_993, %swap3A_994] {strides = array<i32>} : memref<128x128xf32, #tpu.memory_space<vmem>>, vector<16xf32>,
        tpu.vector_store %arg6[%swap3A_993, %swap3A_994], %mul3A_990 {strides = array<i32>} : memref<128x128xf32, #tpu.memory_space<vmem>>, vector<16xf32>,
        %add3A_996 = arith.constant 2 : i32
        %add3A_997 = arith.addi %add3A_786, %add3A_996 : i32
        %get3A_998 = arith.index_cast %add3A_997 : i32 to index
        %get3A_999 = arith.constant 32 : index
        %get3A_1000 = tpu.vector_load %arg6[%get3A_998, %get3A_999] {strides = array<i32>} : memref<128x128xf32, #tpu.memory_space<vmem>>, vector<16xf32>,
        %mul3A_1001 = arith.mulf %get3A_1000, %bitcast3A_973 : vector<16xf32>
        %add3A_1002 = arith.constant 2 : i32
        %add3A_1003 = arith.addi %add3A_786, %add3A_1002 : i32
        %swap3A_1004 = arith.index_cast %add3A_1003 : i32 to index
        %swap3A_1005 = arith.constant 32 : index
        %swap3A_1006 = tpu.vector_load %arg6[%swap3A_1004, %swap3A_1005] {strides = array<i32>} : memref<128x128xf32, #tpu.memory_space<vmem>>, vector<16xf32>,
        tpu.vector_store %arg6[%swap3A_1004, %swap3A_1005], %mul3A_1001 {strides = array<i32>} : memref<128x128xf32, #tpu.memory_space<vmem>>, vector<16xf32>,
        %add3A_1007 = arith.constant 2 : i32
        %add3A_1008 = arith.addi %add3A_786, %add3A_1007 : i32
        %get3A_1009 = arith.index_cast %add3A_1008 : i32 to index
        %get3A_1010 = arith.constant 48 : index
        %get3A_1011 = tpu.vector_load %arg6[%get3A_1009, %get3A_1010] {strides = array<i32>} : memref<128x128xf32, #tpu.memory_space<vmem>>, vector<16xf32>,
        %mul3A_1012 = arith.mulf %get3A_1011, %bitcast3A_973 : vector<16xf32>
        %add3A_1013 = arith.constant 2 : i32
        %add3A_1014 = arith.addi %add3A_786, %add3A_1013 : i32
        %swap3A_1015 = arith.index_cast %add3A_1014 : i32 to index
        %swap3A_1016 = arith.constant 48 : index
        %swap3A_1017 = tpu.vector_load %arg6[%swap3A_1015, %swap3A_1016] {strides = array<i32>} : memref<128x128xf32, #tpu.memory_space<vmem>>, vector<16xf32>,
        tpu.vector_store %arg6[%swap3A_1015, %swap3A_1016], %mul3A_1012 {strides = array<i32>} : memref<128x128xf32, #tpu.memory_space<vmem>>, vector<16xf32>,
        %add3A_1018 = arith.constant 2 : i32
        %add3A_1019 = arith.addi %add3A_786, %add3A_1018 : i32
        %get3A_1020 = arith.index_cast %add3A_1019 : i32 to index
        %get3A_1021 = arith.constant 64 : index
        %get3A_1022 = tpu.vector_load %arg6[%get3A_1020, %get3A_1021] {strides = array<i32>} : memref<128x128xf32, #tpu.memory_space<vmem>>, vector<16xf32>,
        %mul3A_1023 = arith.mulf %get3A_1022, %bitcast3A_973 : vector<16xf32>
        %add3A_1024 = arith.constant 2 : i32
        %add3A_1025 = arith.addi %add3A_786, %add3A_1024 : i32
        %swap3A_1026 = arith.index_cast %add3A_1025 : i32 to index
        %swap3A_1027 = arith.constant 64 : index
        %swap3A_1028 = tpu.vector_load %arg6[%swap3A_1026, %swap3A_1027] {strides = array<i32>} : memref<128x128xf32, #tpu.memory_space<vmem>>, vector<16xf32>,
        tpu.vector_store %arg6[%swap3A_1026, %swap3A_1027], %mul3A_1023 {strides = array<i32>} : memref<128x128xf32, #tpu.memory_space<vmem>>, vector<16xf32>,
        %add3A_1029 = arith.constant 2 : i32
        %add3A_1030 = arith.addi %add3A_786, %add3A_1029 : i32
        %get3A_1031 = arith.index_cast %add3A_1030 : i32 to index
        %get3A_1032 = arith.constant 80 : index
        %get3A_1033 = tpu.vector_load %arg6[%get3A_1031, %get3A_1032] {strides = array<i32>} : memref<128x128xf32, #tpu.memory_space<vmem>>, vector<16xf32>,
        %mul3A_1034 = arith.mulf %get3A_1033, %bitcast3A_973 : vector<16xf32>
        %add3A_1035 = arith.constant 2 : i32
        %add3A_1036 = arith.addi %add3A_786, %add3A_1035 : i32
        %swap3A_1037 = arith.index_cast %add3A_1036 : i32 to index
        %swap3A_1038 = arith.constant 80 : index
        %swap3A_1039 = tpu.vector_load %arg6[%swap3A_1037, %swap3A_1038] {strides = array<i32>} : memref<128x128xf32, #tpu.memory_space<vmem>>, vector<16xf32>,
        tpu.vector_store %arg6[%swap3A_1037, %swap3A_1038], %mul3A_1034 {strides = array<i32>} : memref<128x128xf32, #tpu.memory_space<vmem>>, vector<16xf32>,
        %add3A_1040 = arith.constant 2 : i32
        %add3A_1041 = arith.addi %add3A_786, %add3A_1040 : i32
        %get3A_1042 = arith.index_cast %add3A_1041 : i32 to index
        %get3A_1043 = arith.constant 96 : index
        %get3A_1044 = tpu.vector_load %arg6[%get3A_1042, %get3A_1043] {strides = array<i32>} : memref<128x128xf32, #tpu.memory_space<vmem>>, vector<16xf32>,
        %mul3A_1045 = arith.mulf %get3A_1044, %bitcast3A_973 : vector<16xf32>
        %add3A_1046 = arith.constant 2 : i32
        %add3A_1047 = arith.addi %add3A_786, %add3A_1046 : i32
        %swap3A_1048 = arith.index_cast %add3A_1047 : i32 to index
        %swap3A_1049 = arith.constant 96 : index
        %swap3A_1050 = tpu.vector_load %arg6[%swap3A_1048, %swap3A_1049] {strides = array<i32>} : memref<128x128xf32, #tpu.memory_space<vmem>>, vector<16xf32>,
        tpu.vector_store %arg6[%swap3A_1048, %swap3A_1049], %mul3A_1045 {strides = array<i32>} : memref<128x128xf32, #tpu.memory_space<vmem>>, vector<16xf32>,
        %add3A_1051 = arith.constant 2 : i32
        %add3A_1052 = arith.addi %add3A_786, %add3A_1051 : i32
        %get3A_1053 = arith.index_cast %add3A_1052 : i32 to index
        %get3A_1054 = arith.constant 112 : index
        %get3A_1055 = tpu.vector_load %arg6[%get3A_1053, %get3A_1054] {strides = array<i32>} : memref<128x128xf32, #tpu.memory_space<vmem>>, vector<16xf32>,
        %mul3A_1056 = arith.mulf %get3A_1055, %bitcast3A_973 : vector<16xf32>
        %add3A_1057 = arith.constant 2 : i32
        %add3A_1058 = arith.addi %add3A_786, %add3A_1057 : i32
        %swap3A_1059 = arith.index_cast %add3A_1058 : i32 to index
        %swap3A_1060 = arith.constant 112 : index
        %swap3A_1061 = tpu.vector_load %arg6[%swap3A_1059, %swap3A_1060] {strides = array<i32>} : memref<128x128xf32, #tpu.memory_space<vmem>>, vector<16xf32>,
        tpu.vector_store %arg6[%swap3A_1059, %swap3A_1060], %mul3A_1056 {strides = array<i32>} : memref<128x128xf32, #tpu.memory_space<vmem>>, vector<16xf32>,
        %add3A_1062 = arith.constant 3 : i32
        %add3A_1063 = arith.addi %add3A_786, %add3A_1062 : i32
        %broadcast_in_dim3A_1064 = vector.broadcast %add3A_1063 : i32 to vector<16xi32>
        %gather3A_1065 = tpu.vector_load_idx %arg5[%broadcast_in_dim3A_523, %broadcast_in_dim3A_525, %broadcast_in_dim3A_1064] : memref<4x8x128xi32, #tpu.memory_space<vmem>>[vector<16xi32>, vector<16xi32>, vector<16xi32>], vector<16xi32>,
        %bitcast3A_1066 = vector.bitcast %gather3A_1065 : vector<16xi32> to vector<16xf32>
        %add3A_1067 = arith.constant 3 : i32
        %add3A_1068 = arith.addi %add3A_786, %add3A_1067 : i32
        %get3A_1069 = arith.index_cast %add3A_1068 : i32 to index
        %get3A_1070 = arith.constant 0 : index
        %get3A_1071 = tpu.vector_load %arg6[%get3A_1069, %get3A_1070] {strides = array<i32>} : memref<128x128xf32, #tpu.memory_space<vmem>>, vector<16xf32>,
        %mul3A_1072 = arith.mulf %get3A_1071, %bitcast3A_1066 : vector<16xf32>
        %add3A_1073 = arith.constant 3 : i32
        %add3A_1074 = arith.addi %add3A_786, %add3A_1073 : i32
        %swap3A_1075 = arith.index_cast %add3A_1074 : i32 to index
        %swap3A_1076 = arith.constant 0 : index
        %swap3A_1077 = tpu.vector_load %arg6[%swap3A_1075, %swap3A_1076] {strides = array<i32>} : memref<128x128xf32, #tpu.memory_space<vmem>>, vector<16xf32>,
        tpu.vector_store %arg6[%swap3A_1075, %swap3A_1076], %mul3A_1072 {strides = array<i32>} : memref<128x128xf32, #tpu.memory_space<vmem>>, vector<16xf32>,
        %add3A_1078 = arith.constant 3 : i32
        %add3A_1079 = arith.addi %add3A_786, %add3A_1078 : i32
        %get3A_1080 = arith.index_cast %add3A_1079 : i32 to index
        %get3A_1081 = arith.constant 16 : index
        %get3A_1082 = tpu.vector_load %arg6[%get3A_1080, %get3A_1081] {strides = array<i32>} : memref<128x128xf32, #tpu.memory_space<vmem>>, vector<16xf32>,
        %mul3A_1083 = arith.mulf %get3A_1082, %bitcast3A_1066 : vector<16xf32>
        %add3A_1084 = arith.constant 3 : i32
        %add3A_1085 = arith.addi %add3A_786, %add3A_1084 : i32
        %swap3A_1086 = arith.index_cast %add3A_1085 : i32 to index
        %swap3A_1087 = arith.constant 16 : index
        %swap3A_1088 = tpu.vector_load %arg6[%swap3A_1086, %swap3A_1087] {strides = array<i32>} : memref<128x128xf32, #tpu.memory_space<vmem>>, vector<16xf32>,
        tpu.vector_store %arg6[%swap3A_1086, %swap3A_1087], %mul3A_1083 {strides = array<i32>} : memref<128x128xf32, #tpu.memory_space<vmem>>, vector<16xf32>,
        %add3A_1089 = arith.constant 3 : i32
        %add3A_1090 = arith.addi %add3A_786, %add3A_1089 : i32
        %get3A_1091 = arith.index_cast %add3A_1090 : i32 to index
        %get3A_1092 = arith.constant 32 : index
        %get3A_1093 = tpu.vector_load %arg6[%get3A_1091, %get3A_1092] {strides = array<i32>} : memref<128x128xf32, #tpu.memory_space<vmem>>, vector<16xf32>,
        %mul3A_1094 = arith.mulf %get3A_1093, %bitcast3A_1066 : vector<16xf32>
        %add3A_1095 = arith.constant 3 : i32
        %add3A_1096 = arith.addi %add3A_786, %add3A_1095 : i32
        %swap3A_1097 = arith.index_cast %add3A_1096 : i32 to index
        %swap3A_1098 = arith.constant 32 : index
        %swap3A_1099 = tpu.vector_load %arg6[%swap3A_1097, %swap3A_1098] {strides = array<i32>} : memref<128x128xf32, #tpu.memory_space<vmem>>, vector<16xf32>,
        tpu.vector_store %arg6[%swap3A_1097, %swap3A_1098], %mul3A_1094 {strides = array<i32>} : memref<128x128xf32, #tpu.memory_space<vmem>>, vector<16xf32>,
        %add3A_1100 = arith.constant 3 : i32
        %add3A_1101 = arith.addi %add3A_786, %add3A_1100 : i32
        %get3A_1102 = arith.index_cast %add3A_1101 : i32 to index
        %get3A_1103 = arith.constant 48 : index
        %get3A_1104 = tpu.vector_load %arg6[%get3A_1102, %get3A_1103] {strides = array<i32>} : memref<128x128xf32, #tpu.memory_space<vmem>>, vector<16xf32>,
        %mul3A_1105 = arith.mulf %get3A_1104, %bitcast3A_1066 : vector<16xf32>
        %add3A_1106 = arith.constant 3 : i32
        %add3A_1107 = arith.addi %add3A_786, %add3A_1106 : i32
        %swap3A_1108 = arith.index_cast %add3A_1107 : i32 to index
        %swap3A_1109 = arith.constant 48 : index
        %swap3A_1110 = tpu.vector_load %arg6[%swap3A_1108, %swap3A_1109] {strides = array<i32>} : memref<128x128xf32, #tpu.memory_space<vmem>>, vector<16xf32>,
        tpu.vector_store %arg6[%swap3A_1108, %swap3A_1109], %mul3A_1105 {strides = array<i32>} : memref<128x128xf32, #tpu.memory_space<vmem>>, vector<16xf32>,
        %add3A_1111 = arith.constant 3 : i32
        %add3A_1112 = arith.addi %add3A_786, %add3A_1111 : i32
        %get3A_1113 = arith.index_cast %add3A_1112 : i32 to index
        %get3A_1114 = arith.constant 64 : index
        %get3A_1115 = tpu.vector_load %arg6[%get3A_1113, %get3A_1114] {strides = array<i32>} : memref<128x128xf32, #tpu.memory_space<vmem>>, vector<16xf32>,
        %mul3A_1116 = arith.mulf %get3A_1115, %bitcast3A_1066 : vector<16xf32>
        %add3A_1117 = arith.constant 3 : i32
        %add3A_1118 = arith.addi %add3A_786, %add3A_1117 : i32
        %swap3A_1119 = arith.index_cast %add3A_1118 : i32 to index
        %swap3A_1120 = arith.constant 64 : index
        %swap3A_1121 = tpu.vector_load %arg6[%swap3A_1119, %swap3A_1120] {strides = array<i32>} : memref<128x128xf32, #tpu.memory_space<vmem>>, vector<16xf32>,
        tpu.vector_store %arg6[%swap3A_1119, %swap3A_1120], %mul3A_1116 {strides = array<i32>} : memref<128x128xf32, #tpu.memory_space<vmem>>, vector<16xf32>,
        %add3A_1122 = arith.constant 3 : i32
        %add3A_1123 = arith.addi %add3A_786, %add3A_1122 : i32
        %get3A_1124 = arith.index_cast %add3A_1123 : i32 to index
        %get3A_1125 = arith.constant 80 : index
        %get3A_1126 = tpu.vector_load %arg6[%get3A_1124, %get3A_1125] {strides = array<i32>} : memref<128x128xf32, #tpu.memory_space<vmem>>, vector<16xf32>,
        %mul3A_1127 = arith.mulf %get3A_1126, %bitcast3A_1066 : vector<16xf32>
        %add3A_1128 = arith.constant 3 : i32
        %add3A_1129 = arith.addi %add3A_786, %add3A_1128 : i32
        %swap3A_1130 = arith.index_cast %add3A_1129 : i32 to index
        %swap3A_1131 = arith.constant 80 : index
        %swap3A_1132 = tpu.vector_load %arg6[%swap3A_1130, %swap3A_1131] {strides = array<i32>} : memref<128x128xf32, #tpu.memory_space<vmem>>, vector<16xf32>,
        tpu.vector_store %arg6[%swap3A_1130, %swap3A_1131], %mul3A_1127 {strides = array<i32>} : memref<128x128xf32, #tpu.memory_space<vmem>>, vector<16xf32>,
        %add3A_1133 = arith.constant 3 : i32
        %add3A_1134 = arith.addi %add3A_786, %add3A_1133 : i32
        %get3A_1135 = arith.index_cast %add3A_1134 : i32 to index
        %get3A_1136 = arith.constant 96 : index
        %get3A_1137 = tpu.vector_load %arg6[%get3A_1135, %get3A_1136] {strides = array<i32>} : memref<128x128xf32, #tpu.memory_space<vmem>>, vector<16xf32>,
        %mul3A_1138 = arith.mulf %get3A_1137, %bitcast3A_1066 : vector<16xf32>
        %add3A_1139 = arith.constant 3 : i32
        %add3A_1140 = arith.addi %add3A_786, %add3A_1139 : i32
        %swap3A_1141 = arith.index_cast %add3A_1140 : i32 to index
        %swap3A_1142 = arith.constant 96 : index
        %swap3A_1143 = tpu.vector_load %arg6[%swap3A_1141, %swap3A_1142] {strides = array<i32>} : memref<128x128xf32, #tpu.memory_space<vmem>>, vector<16xf32>,
        tpu.vector_store %arg6[%swap3A_1141, %swap3A_1142], %mul3A_1138 {strides = array<i32>} : memref<128x128xf32, #tpu.memory_space<vmem>>, vector<16xf32>,
        %add3A_1144 = arith.constant 3 : i32
        %add3A_1145 = arith.addi %add3A_786, %add3A_1144 : i32
        %get3A_1146 = arith.index_cast %add3A_1145 : i32 to index
        %get3A_1147 = arith.constant 112 : index
        %get3A_1148 = tpu.vector_load %arg6[%get3A_1146, %get3A_1147] {strides = array<i32>} : memref<128x128xf32, #tpu.memory_space<vmem>>, vector<16xf32>,
        %mul3A_1149 = arith.mulf %get3A_1148, %bitcast3A_1066 : vector<16xf32>
        %add3A_1150 = arith.constant 3 : i32
        %add3A_1151 = arith.addi %add3A_786, %add3A_1150 : i32
        %swap3A_1152 = arith.index_cast %add3A_1151 : i32 to index
        %swap3A_1153 = arith.constant 112 : index
        %swap3A_1154 = tpu.vector_load %arg6[%swap3A_1152, %swap3A_1153] {strides = array<i32>} : memref<128x128xf32, #tpu.memory_space<vmem>>, vector<16xf32>,
        tpu.vector_store %arg6[%swap3A_1152, %swap3A_1153], %mul3A_1149 {strides = array<i32>} : memref<128x128xf32, #tpu.memory_space<vmem>>, vector<16xf32>,
      }
      %scan3A_530 = arith.constant 32 : i32
      %dma_start3A_531 = arith.constant 0 : i32
      %dma_start3A_532 = arith.constant 1 : i32
      %dma_start3A_533 = arith.constant 0 : i32
      %dma_start3A_534 = tpu.memref_slice %arg5[%dma_start3A_531, %dma_start3A_532, %dma_start3A_533] : memref<4x8x128xi32, #tpu.memory_space<vmem>> -> memref<1x1x128xi32, #tpu.memory_space<vmem>>
      %dma_start3A_535 = tpu.memref_squeeze %dma_start3A_534 : memref<1x1x128xi32, #tpu.memory_space<vmem>> -> memref<128xi32, #tpu.memory_space<vmem>>
      %dma_start3A_536 = arith.constant 0 : i32
      %dma_start3A_537 = arith.constant 0 : i32
      %dma_start3A_538 = tpu.memref_slice %arg8[%dma_start3A_536, %dma_start3A_537] : memref<10000x128xf32, #tpu.memory_space<vmem_shared>> -> memref<10000x128xf32, #tpu.memory_space<vmem_shared>>
      tpu.enqueue_indirect_dma source(%arg6 : memref<128x128xf32, #tpu.memory_space<vmem>>) target(%dma_start3A_538 : memref<10000x128xf32, #tpu.memory_space<vmem_shared>>) offsets(%dma_start3A_535 : memref<128xi32, #tpu.memory_space<vmem>>) semaphore(%arg15 : memref<!tpu.dma_semaphore, #tpu.memory_space<semaphore_mem>>) {add = true}
      %add3A_539 = arith.constant 1 : i32
      %add3A_540 = arith.addi %add3A_461, %add3A_539 : i32
      %dma_wait3A_541 = arith.constant 1 : i32
      %dma_wait3A_542 = arith.constant 0 : i32
      %dma_wait3A_543 = arith.constant 0 : i32
      %dma_wait3A_544 = tpu.memref_slice %arg5[%dma_wait3A_541, %dma_wait3A_542, %dma_wait3A_543] : memref<4x8x128xi32, #tpu.memory_space<vmem>> -> memref<1x1x128xi32, #tpu.memory_space<vmem>>
      %dma_wait3A_545 = tpu.memref_squeeze %dma_wait3A_544 : memref<1x1x128xi32, #tpu.memory_space<vmem>> -> memref<128xi32, #tpu.memory_space<vmem>>
      %dma_wait3A_546 = arith.constant 0 : i32
      %dma_wait3A_547 = arith.constant 0 : i32
      %dma_wait3A_548 = tpu.memref_slice %arg2[%dma_wait3A_546, %dma_wait3A_547] : memref<10000x128xf32, #tpu.memory_space<hbm>> -> memref<10000x128xf32, #tpu.memory_space<hbm>>
      tpu.wait_indirect_dma semaphore(%arg14 : memref<!tpu.dma_semaphore, #tpu.memory_space<semaphore_mem>>) src(%dma_wait3A_548 : memref<10000x128xf32, #tpu.memory_space<hbm>>) dst(%arg7 : memref<128x128xf32, #tpu.memory_space<vmem>>)
      %dma_wait3A_549 = arith.constant 0 : i32
      %dma_wait3A_550 = arith.constant 1 : i32
      %dma_wait3A_551 = arith.constant 0 : i32
      %dma_wait3A_552 = tpu.memref_slice %arg5[%dma_wait3A_549, %dma_wait3A_550, %dma_wait3A_551] : memref<4x8x128xi32, #tpu.memory_space<vmem>> -> memref<1x1x128xi32, #tpu.memory_space<vmem>>
      %dma_wait3A_553 = tpu.memref_squeeze %dma_wait3A_552 : memref<1x1x128xi32, #tpu.memory_space<vmem>> -> memref<128xi32, #tpu.memory_space<vmem>>
      %dma_wait3A_554 = arith.constant 0 : i32
      %dma_wait3A_555 = arith.constant 0 : i32
      %dma_wait3A_556 = tpu.memref_slice %arg8[%dma_wait3A_554, %dma_wait3A_555] : memref<10000x128xf32, #tpu.memory_space<vmem_shared>> -> memref<10000x128xf32, #tpu.memory_space<vmem_shared>>
      tpu.wait_indirect_dma semaphore(%arg15 : memref<!tpu.dma_semaphore, #tpu.memory_space<semaphore_mem>>) src(%arg6 : memref<128x128xf32, #tpu.memory_space<vmem>>) dst(%dma_wait3A_556 : memref<10000x128xf32, #tpu.memory_space<vmem_shared>>)
      %add3A_557 = arith.constant 1 : i32
      %add3A_558 = arith.addi %add3A_540, %add3A_557 : i32
      %dma_wait3A_559 = arith.constant 2 : i32
      %dma_wait3A_560 = arith.constant 0 : i32
      %dma_wait3A_561 = arith.constant 0 : i32
      %dma_wait3A_562 = tpu.memref_slice %arg5[%dma_wait3A_559, %dma_wait3A_560, %dma_wait3A_561] : memref<4x8x128xi32, #tpu.memory_space<vmem>> -> memref<1x8x128xi32, #tpu.memory_space<vmem>>
      %dma_wait3A_563 = tpu.memref_squeeze %dma_wait3A_562 : memref<1x8x128xi32, #tpu.memory_space<vmem>> -> memref<8x128xi32, #tpu.memory_space<vmem>>
      %dma_wait3A_564 = arith.constant 0 : i32
      %dma_wait3A_565 = arith.constant 0 : i32
      %dma_wait3A_566 = tpu.memref_slice %arg3[%add3A, %add3A_558, %dma_wait3A_564, %dma_wait3A_565] : memref<32x80x8x128xi32, #tpu.memory_space<hbm>> -> memref<1x1x8x128xi32, #tpu.memory_space<hbm>>
      %dma_wait3A_567 = tpu.memref_squeeze %dma_wait3A_566 : memref<1x1x8x128xi32, #tpu.memory_space<hbm>> -> memref<8x128xi32, #tpu.memory_space<hbm>>
      %dma_wait3A_568 = arith.constant 0 : i32
      %dma_wait3A_569 = arith.constant 0 : i32
      %dma_wait3A_570 = tpu.memref_slice %arg5[%dma_wait3A_559, %dma_wait3A_568, %dma_wait3A_569] : memref<4x8x128xi32, #tpu.memory_space<vmem>> -> memref<1x8x128xi32, #tpu.memory_space<vmem>>
      %dma_wait3A_571 = tpu.memref_squeeze %dma_wait3A_570 : memref<1x8x128xi32, #tpu.memory_space<vmem>> -> memref<8x128xi32, #tpu.memory_space<vmem>>
      %dma_wait3A_572 = arith.constant 0 : i32
      %dma_wait3A_573 = arith.constant 0 : i32
      %dma_wait3A_574 = tpu.memref_slice %arg3[%add3A, %add3A_558, %dma_wait3A_572, %dma_wait3A_573] : memref<32x80x8x128xi32, #tpu.memory_space<hbm>> -> memref<1x1x8x128xi32, #tpu.memory_space<hbm>>
      %dma_wait3A_575 = tpu.memref_squeeze %dma_wait3A_574 : memref<1x1x8x128xi32, #tpu.memory_space<hbm>> -> memref<8x128xi32, #tpu.memory_space<hbm>>
      tpu.wait_dma2 semaphore(%arg11 : memref<!tpu.dma_semaphore, #tpu.memory_space<semaphore_mem>>) src(%dma_wait3A_575 : memref<8x128xi32, #tpu.memory_space<hbm>>) dst(%dma_wait3A_571 : memref<8x128xi32, #tpu.memory_space<vmem>>)
      %dma_start3A_576 = arith.constant 2 : i32
      %dma_start3A_577 = arith.constant 0 : i32
      %dma_start3A_578 = arith.constant 0 : i32
      %dma_start3A_579 = tpu.memref_slice %arg5[%dma_start3A_576, %dma_start3A_577, %dma_start3A_578] : memref<4x8x128xi32, #tpu.memory_space<vmem>> -> memref<1x1x128xi32, #tpu.memory_space<vmem>>
      %dma_start3A_580 = tpu.memref_squeeze %dma_start3A_579 : memref<1x1x128xi32, #tpu.memory_space<vmem>> -> memref<128xi32, #tpu.memory_space<vmem>>
      %dma_start3A_581 = arith.constant 0 : i32
      %dma_start3A_582 = arith.constant 0 : i32
      %dma_start3A_583 = tpu.memref_slice %arg2[%dma_start3A_581, %dma_start3A_582] : memref<10000x128xf32, #tpu.memory_space<hbm>> -> memref<10000x128xf32, #tpu.memory_space<hbm>>
      tpu.enqueue_indirect_dma source(%dma_start3A_583 : memref<10000x128xf32, #tpu.memory_space<hbm>>) target(%arg6 : memref<128x128xf32, #tpu.memory_space<vmem>>) offsets(%dma_start3A_580 : memref<128xi32, #tpu.memory_space<vmem>>) semaphore(%arg13 : memref<!tpu.dma_semaphore, #tpu.memory_space<semaphore_mem>>)
      %add3A_584 = arith.constant 2 : i32
      %add3A_585 = arith.addi %add3A_540, %add3A_584 : i32
      %dma_start3A_586 = arith.constant 3 : i32
      %dma_start3A_587 = arith.constant 0 : i32
      %dma_start3A_588 = arith.constant 0 : i32
      %dma_start3A_589 = tpu.memref_slice %arg5[%dma_start3A_586, %dma_start3A_587, %dma_start3A_588] : memref<4x8x128xi32, #tpu.memory_space<vmem>> -> memref<1x8x128xi32, #tpu.memory_space<vmem>>
      %dma_start3A_590 = tpu.memref_squeeze %dma_start3A_589 : memref<1x8x128xi32, #tpu.memory_space<vmem>> -> memref<8x128xi32, #tpu.memory_space<vmem>>
      %dma_start3A_591 = arith.constant 0 : i32
      %dma_start3A_592 = arith.constant 0 : i32
      %dma_start3A_593 = tpu.memref_slice %arg3[%add3A, %add3A_585, %dma_start3A_591, %dma_start3A_592] : memref<32x80x8x128xi32, #tpu.memory_space<hbm>> -> memref<1x1x8x128xi32, #tpu.memory_space<hbm>>
      %dma_start3A_594 = tpu.memref_squeeze %dma_start3A_593 : memref<1x1x8x128xi32, #tpu.memory_space<hbm>> -> memref<8x128xi32, #tpu.memory_space<hbm>>
      %dma_start3A_595 = arith.constant 0 : i32
      %dma_start3A_596 = arith.constant 0 : i32
      %dma_start3A_597 = tpu.memref_slice %arg5[%dma_start3A_586, %dma_start3A_595, %dma_start3A_596] : memref<4x8x128xi32, #tpu.memory_space<vmem>> -> memref<1x8x128xi32, #tpu.memory_space<vmem>>
      %dma_start3A_598 = tpu.memref_squeeze %dma_start3A_597 : memref<1x8x128xi32, #tpu.memory_space<vmem>> -> memref<8x128xi32, #tpu.memory_space<vmem>>
      %dma_start3A_599 = arith.constant 0 : i32
      %dma_start3A_600 = arith.constant 0 : i32
      %dma_start3A_601 = tpu.memref_slice %arg3[%add3A, %add3A_585, %dma_start3A_599, %dma_start3A_600] : memref<32x80x8x128xi32, #tpu.memory_space<hbm>> -> memref<1x1x8x128xi32, #tpu.memory_space<hbm>>
      %dma_start3A_602 = tpu.memref_squeeze %dma_start3A_601 : memref<1x1x8x128xi32, #tpu.memory_space<hbm>> -> memref<8x128xi32, #tpu.memory_space<hbm>>
      tpu.enqueue_dma source(%dma_start3A_602 : memref<8x128xi32, #tpu.memory_space<hbm>>) target(%dma_start3A_598 : memref<8x128xi32, #tpu.memory_space<vmem>>) target_semaphore(%arg12 : memref<!tpu.dma_semaphore, #tpu.memory_space<semaphore_mem>>)
      %broadcast_in_dim3A_603 = arith.constant 1 : i32
      %broadcast_in_dim3A_604 = vector.broadcast %broadcast_in_dim3A_603 : i32 to vector<16xi32>
      %broadcast_in_dim3A_605 = arith.constant 2 : i32
      %broadcast_in_dim3A_606 = vector.broadcast %broadcast_in_dim3A_605 : i32 to vector<16xi32>
      %scan3A_607 = arith.constant 0 : i32
      %scan3A_608 = arith.constant 32 : i32
      %scan3A_609 = arith.addi %scan3A_607, %scan3A_608 : i32
      %scan3A_610 = arith.constant 1 : i32
      scf.for %scan3A_782 = %scan3A_607 to %scan3A_609 step %scan3A_610  : i32 {
        %mul3A_783 = arith.constant 4 : i32
        %mul3A_784 = arith.muli %scan3A_782, %mul3A_783 : i32
        %add3A_785 = arith.constant 0 : i32
        %add3A_786 = arith.addi %add3A_785, %mul3A_784 : i32
        %add3A_787 = arith.constant 0 : i32
        %add3A_788 = arith.addi %add3A_786, %add3A_787 : i32
        %broadcast_in_dim3A_789 = vector.broadcast %add3A_788 : i32 to vector<16xi32>
        %gather3A = tpu.vector_load_idx %arg5[%broadcast_in_dim3A_604, %broadcast_in_dim3A_606, %broadcast_in_dim3A_789] : memref<4x8x128xi32, #tpu.memory_space<vmem>>[vector<16xi32>, vector<16xi32>, vector<16xi32>], vector<16xi32>,
        %bitcast3A = vector.bitcast %gather3A : vector<16xi32> to vector<16xf32>
        %add3A_790 = arith.constant 0 : i32
        %add3A_791 = arith.addi %add3A_786, %add3A_790 : i32
        %get3A = arith.index_cast %add3A_791 : i32 to index
        %get3A_792 = arith.constant 0 : index
        %get3A_793 = tpu.vector_load %arg7[%get3A, %get3A_792] {strides = array<i32>} : memref<128x128xf32, #tpu.memory_space<vmem>>, vector<16xf32>,
        %mul3A_794 = arith.mulf %get3A_793, %bitcast3A : vector<16xf32>
        %add3A_795 = arith.constant 0 : i32
        %add3A_796 = arith.addi %add3A_786, %add3A_795 : i32
        %swap3A = arith.index_cast %add3A_796 : i32 to index
        %swap3A_797 = arith.constant 0 : index
        %swap3A_798 = tpu.vector_load %arg7[%swap3A, %swap3A_797] {strides = array<i32>} : memref<128x128xf32, #tpu.memory_space<vmem>>, vector<16xf32>,
        tpu.vector_store %arg7[%swap3A, %swap3A_797], %mul3A_794 {strides = array<i32>} : memref<128x128xf32, #tpu.memory_space<vmem>>, vector<16xf32>,
        %add3A_799 = arith.constant 0 : i32
        %add3A_800 = arith.addi %add3A_786, %add3A_799 : i32
        %get3A_801 = arith.index_cast %add3A_800 : i32 to index
        %get3A_802 = arith.constant 16 : index
        %get3A_803 = tpu.vector_load %arg7[%get3A_801, %get3A_802] {strides = array<i32>} : memref<128x128xf32, #tpu.memory_space<vmem>>, vector<16xf32>,
        %mul3A_804 = arith.mulf %get3A_803, %bitcast3A : vector<16xf32>
        %add3A_805 = arith.constant 0 : i32
        %add3A_806 = arith.addi %add3A_786, %add3A_805 : i32
        %swap3A_807 = arith.index_cast %add3A_806 : i32 to index
        %swap3A_808 = arith.constant 16 : index
        %swap3A_809 = tpu.vector_load %arg7[%swap3A_807, %swap3A_808] {strides = array<i32>} : memref<128x128xf32, #tpu.memory_space<vmem>>, vector<16xf32>,
        tpu.vector_store %arg7[%swap3A_807, %swap3A_808], %mul3A_804 {strides = array<i32>} : memref<128x128xf32, #tpu.memory_space<vmem>>, vector<16xf32>,
        %add3A_810 = arith.constant 0 : i32
        %add3A_811 = arith.addi %add3A_786, %add3A_810 : i32
        %get3A_812 = arith.index_cast %add3A_811 : i32 to index
        %get3A_813 = arith.constant 32 : index
        %get3A_814 = tpu.vector_load %arg7[%get3A_812, %get3A_813] {strides = array<i32>} : memref<128x128xf32, #tpu.memory_space<vmem>>, vector<16xf32>,
        %mul3A_815 = arith.mulf %get3A_814, %bitcast3A : vector<16xf32>
        %add3A_816 = arith.constant 0 : i32
        %add3A_817 = arith.addi %add3A_786, %add3A_816 : i32
        %swap3A_818 = arith.index_cast %add3A_817 : i32 to index
        %swap3A_819 = arith.constant 32 : index
        %swap3A_820 = tpu.vector_load %arg7[%swap3A_818, %swap3A_819] {strides = array<i32>} : memref<128x128xf32, #tpu.memory_space<vmem>>, vector<16xf32>,
        tpu.vector_store %arg7[%swap3A_818, %swap3A_819], %mul3A_815 {strides = array<i32>} : memref<128x128xf32, #tpu.memory_space<vmem>>, vector<16xf32>,
        %add3A_821 = arith.constant 0 : i32
        %add3A_822 = arith.addi %add3A_786, %add3A_821 : i32
        %get3A_823 = arith.index_cast %add3A_822 : i32 to index
        %get3A_824 = arith.constant 48 : index
        %get3A_825 = tpu.vector_load %arg7[%get3A_823, %get3A_824] {strides = array<i32>} : memref<128x128xf32, #tpu.memory_space<vmem>>, vector<16xf32>,
        %mul3A_826 = arith.mulf %get3A_825, %bitcast3A : vector<16xf32>
        %add3A_827 = arith.constant 0 : i32
        %add3A_828 = arith.addi %add3A_786, %add3A_827 : i32
        %swap3A_829 = arith.index_cast %add3A_828 : i32 to index
        %swap3A_830 = arith.constant 48 : index
        %swap3A_831 = tpu.vector_load %arg7[%swap3A_829, %swap3A_830] {strides = array<i32>} : memref<128x128xf32, #tpu.memory_space<vmem>>, vector<16xf32>,
        tpu.vector_store %arg7[%swap3A_829, %swap3A_830], %mul3A_826 {strides = array<i32>} : memref<128x128xf32, #tpu.memory_space<vmem>>, vector<16xf32>,
        %add3A_832 = arith.constant 0 : i32
        %add3A_833 = arith.addi %add3A_786, %add3A_832 : i32
        %get3A_834 = arith.index_cast %add3A_833 : i32 to index
        %get3A_835 = arith.constant 64 : index
        %get3A_836 = tpu.vector_load %arg7[%get3A_834, %get3A_835] {strides = array<i32>} : memref<128x128xf32, #tpu.memory_space<vmem>>, vector<16xf32>,
        %mul3A_837 = arith.mulf %get3A_836, %bitcast3A : vector<16xf32>
        %add3A_838 = arith.constant 0 : i32
        %add3A_839 = arith.addi %add3A_786, %add3A_838 : i32
        %swap3A_840 = arith.index_cast %add3A_839 : i32 to index
        %swap3A_841 = arith.constant 64 : index
        %swap3A_842 = tpu.vector_load %arg7[%swap3A_840, %swap3A_841] {strides = array<i32>} : memref<128x128xf32, #tpu.memory_space<vmem>>, vector<16xf32>,
        tpu.vector_store %arg7[%swap3A_840, %swap3A_841], %mul3A_837 {strides = array<i32>} : memref<128x128xf32, #tpu.memory_space<vmem>>, vector<16xf32>,
        %add3A_843 = arith.constant 0 : i32
        %add3A_844 = arith.addi %add3A_786, %add3A_843 : i32
        %get3A_845 = arith.index_cast %add3A_844 : i32 to index
        %get3A_846 = arith.constant 80 : index
        %get3A_847 = tpu.vector_load %arg7[%get3A_845, %get3A_846] {strides = array<i32>} : memref<128x128xf32, #tpu.memory_space<vmem>>, vector<16xf32>,
        %mul3A_848 = arith.mulf %get3A_847, %bitcast3A : vector<16xf32>
        %add3A_849 = arith.constant 0 : i32
        %add3A_850 = arith.addi %add3A_786, %add3A_849 : i32
        %swap3A_851 = arith.index_cast %add3A_850 : i32 to index
        %swap3A_852 = arith.constant 80 : index
        %swap3A_853 = tpu.vector_load %arg7[%swap3A_851, %swap3A_852] {strides = array<i32>} : memref<128x128xf32, #tpu.memory_space<vmem>>, vector<16xf32>,
        tpu.vector_store %arg7[%swap3A_851, %swap3A_852], %mul3A_848 {strides = array<i32>} : memref<128x128xf32, #tpu.memory_space<vmem>>, vector<16xf32>,
        %add3A_854 = arith.constant 0 : i32
        %add3A_855 = arith.addi %add3A_786, %add3A_854 : i32
        %get3A_856 = arith.index_cast %add3A_855 : i32 to index
        %get3A_857 = arith.constant 96 : index
        %get3A_858 = tpu.vector_load %arg7[%get3A_856, %get3A_857] {strides = array<i32>} : memref<128x128xf32, #tpu.memory_space<vmem>>, vector<16xf32>,
        %mul3A_859 = arith.mulf %get3A_858, %bitcast3A : vector<16xf32>
        %add3A_860 = arith.constant 0 : i32
        %add3A_861 = arith.addi %add3A_786, %add3A_860 : i32
        %swap3A_862 = arith.index_cast %add3A_861 : i32 to index
        %swap3A_863 = arith.constant 96 : index
        %swap3A_864 = tpu.vector_load %arg7[%swap3A_862, %swap3A_863] {strides = array<i32>} : memref<128x128xf32, #tpu.memory_space<vmem>>, vector<16xf32>,
        tpu.vector_store %arg7[%swap3A_862, %swap3A_863], %mul3A_859 {strides = array<i32>} : memref<128x128xf32, #tpu.memory_space<vmem>>, vector<16xf32>,
        %add3A_865 = arith.constant 0 : i32
        %add3A_866 = arith.addi %add3A_786, %add3A_865 : i32
        %get3A_867 = arith.index_cast %add3A_866 : i32 to index
        %get3A_868 = arith.constant 112 : index
        %get3A_869 = tpu.vector_load %arg7[%get3A_867, %get3A_868] {strides = array<i32>} : memref<128x128xf32, #tpu.memory_space<vmem>>, vector<16xf32>,
        %mul3A_870 = arith.mulf %get3A_869, %bitcast3A : vector<16xf32>
        %add3A_871 = arith.constant 0 : i32
        %add3A_872 = arith.addi %add3A_786, %add3A_871 : i32
        %swap3A_873 = arith.index_cast %add3A_872 : i32 to index
        %swap3A_874 = arith.constant 112 : index
        %swap3A_875 = tpu.vector_load %arg7[%swap3A_873, %swap3A_874] {strides = array<i32>} : memref<128x128xf32, #tpu.memory_space<vmem>>, vector<16xf32>,
        tpu.vector_store %arg7[%swap3A_873, %swap3A_874], %mul3A_870 {strides = array<i32>} : memref<128x128xf32, #tpu.memory_space<vmem>>, vector<16xf32>,
        %add3A_876 = arith.constant 1 : i32
        %add3A_877 = arith.addi %add3A_786, %add3A_876 : i32
        %broadcast_in_dim3A_878 = vector.broadcast %add3A_877 : i32 to vector<16xi32>
        %gather3A_879 = tpu.vector_load_idx %arg5[%broadcast_in_dim3A_604, %broadcast_in_dim3A_606, %broadcast_in_dim3A_878] : memref<4x8x128xi32, #tpu.memory_space<vmem>>[vector<16xi32>, vector<16xi32>, vector<16xi32>], vector<16xi32>,
        %bitcast3A_880 = vector.bitcast %gather3A_879 : vector<16xi32> to vector<16xf32>
        %add3A_881 = arith.constant 1 : i32
        %add3A_882 = arith.addi %add3A_786, %add3A_881 : i32
        %get3A_883 = arith.index_cast %add3A_882 : i32 to index
        %get3A_884 = arith.constant 0 : index
        %get3A_885 = tpu.vector_load %arg7[%get3A_883, %get3A_884] {strides = array<i32>} : memref<128x128xf32, #tpu.memory_space<vmem>>, vector<16xf32>,
        %mul3A_886 = arith.mulf %get3A_885, %bitcast3A_880 : vector<16xf32>
        %add3A_887 = arith.constant 1 : i32
        %add3A_888 = arith.addi %add3A_786, %add3A_887 : i32
        %swap3A_889 = arith.index_cast %add3A_888 : i32 to index
        %swap3A_890 = arith.constant 0 : index
        %swap3A_891 = tpu.vector_load %arg7[%swap3A_889, %swap3A_890] {strides = array<i32>} : memref<128x128xf32, #tpu.memory_space<vmem>>, vector<16xf32>,
        tpu.vector_store %arg7[%swap3A_889, %swap3A_890], %mul3A_886 {strides = array<i32>} : memref<128x128xf32, #tpu.memory_space<vmem>>, vector<16xf32>,
        %add3A_892 = arith.constant 1 : i32
        %add3A_893 = arith.addi %add3A_786, %add3A_892 : i32
        %get3A_894 = arith.index_cast %add3A_893 : i32 to index
        %get3A_895 = arith.constant 16 : index
        %get3A_896 = tpu.vector_load %arg7[%get3A_894, %get3A_895] {strides = array<i32>} : memref<128x128xf32, #tpu.memory_space<vmem>>, vector<16xf32>,
        %mul3A_897 = arith.mulf %get3A_896, %bitcast3A_880 : vector<16xf32>
        %add3A_898 = arith.constant 1 : i32
        %add3A_899 = arith.addi %add3A_786, %add3A_898 : i32
        %swap3A_900 = arith.index_cast %add3A_899 : i32 to index
        %swap3A_901 = arith.constant 16 : index
        %swap3A_902 = tpu.vector_load %arg7[%swap3A_900, %swap3A_901] {strides = array<i32>} : memref<128x128xf32, #tpu.memory_space<vmem>>, vector<16xf32>,
        tpu.vector_store %arg7[%swap3A_900, %swap3A_901], %mul3A_897 {strides = array<i32>} : memref<128x128xf32, #tpu.memory_space<vmem>>, vector<16xf32>,
        %add3A_903 = arith.constant 1 : i32
        %add3A_904 = arith.addi %add3A_786, %add3A_903 : i32
        %get3A_905 = arith.index_cast %add3A_904 : i32 to index
        %get3A_906 = arith.constant 32 : index
        %get3A_907 = tpu.vector_load %arg7[%get3A_905, %get3A_906] {strides = array<i32>} : memref<128x128xf32, #tpu.memory_space<vmem>>, vector<16xf32>,
        %mul3A_908 = arith.mulf %get3A_907, %bitcast3A_880 : vector<16xf32>
        %add3A_909 = arith.constant 1 : i32
        %add3A_910 = arith.addi %add3A_786, %add3A_909 : i32
        %swap3A_911 = arith.index_cast %add3A_910 : i32 to index
        %swap3A_912 = arith.constant 32 : index
        %swap3A_913 = tpu.vector_load %arg7[%swap3A_911, %swap3A_912] {strides = array<i32>} : memref<128x128xf32, #tpu.memory_space<vmem>>, vector<16xf32>,
        tpu.vector_store %arg7[%swap3A_911, %swap3A_912], %mul3A_908 {strides = array<i32>} : memref<128x128xf32, #tpu.memory_space<vmem>>, vector<16xf32>,
        %add3A_914 = arith.constant 1 : i32
        %add3A_915 = arith.addi %add3A_786, %add3A_914 : i32
        %get3A_916 = arith.index_cast %add3A_915 : i32 to index
        %get3A_917 = arith.constant 48 : index
        %get3A_918 = tpu.vector_load %arg7[%get3A_916, %get3A_917] {strides = array<i32>} : memref<128x128xf32, #tpu.memory_space<vmem>>, vector<16xf32>,
        %mul3A_919 = arith.mulf %get3A_918, %bitcast3A_880 : vector<16xf32>
        %add3A_920 = arith.constant 1 : i32
        %add3A_921 = arith.addi %add3A_786, %add3A_920 : i32
        %swap3A_922 = arith.index_cast %add3A_921 : i32 to index
        %swap3A_923 = arith.constant 48 : index
        %swap3A_924 = tpu.vector_load %arg7[%swap3A_922, %swap3A_923] {strides = array<i32>} : memref<128x128xf32, #tpu.memory_space<vmem>>, vector<16xf32>,
        tpu.vector_store %arg7[%swap3A_922, %swap3A_923], %mul3A_919 {strides = array<i32>} : memref<128x128xf32, #tpu.memory_space<vmem>>, vector<16xf32>,
        %add3A_925 = arith.constant 1 : i32
        %add3A_926 = arith.addi %add3A_786, %add3A_925 : i32
        %get3A_927 = arith.index_cast %add3A_926 : i32 to index
        %get3A_928 = arith.constant 64 : index
        %get3A_929 = tpu.vector_load %arg7[%get3A_927, %get3A_928] {strides = array<i32>} : memref<128x128xf32, #tpu.memory_space<vmem>>, vector<16xf32>,
        %mul3A_930 = arith.mulf %get3A_929, %bitcast3A_880 : vector<16xf32>
        %add3A_931 = arith.constant 1 : i32
        %add3A_932 = arith.addi %add3A_786, %add3A_931 : i32
        %swap3A_933 = arith.index_cast %add3A_932 : i32 to index
        %swap3A_934 = arith.constant 64 : index
        %swap3A_935 = tpu.vector_load %arg7[%swap3A_933, %swap3A_934] {strides = array<i32>} : memref<128x128xf32, #tpu.memory_space<vmem>>, vector<16xf32>,
        tpu.vector_store %arg7[%swap3A_933, %swap3A_934], %mul3A_930 {strides = array<i32>} : memref<128x128xf32, #tpu.memory_space<vmem>>, vector<16xf32>,
        %add3A_936 = arith.constant 1 : i32
        %add3A_937 = arith.addi %add3A_786, %add3A_936 : i32
        %get3A_938 = arith.index_cast %add3A_937 : i32 to index
        %get3A_939 = arith.constant 80 : index
        %get3A_940 = tpu.vector_load %arg7[%get3A_938, %get3A_939] {strides = array<i32>} : memref<128x128xf32, #tpu.memory_space<vmem>>, vector<16xf32>,
        %mul3A_941 = arith.mulf %get3A_940, %bitcast3A_880 : vector<16xf32>
        %add3A_942 = arith.constant 1 : i32
        %add3A_943 = arith.addi %add3A_786, %add3A_942 : i32
        %swap3A_944 = arith.index_cast %add3A_943 : i32 to index
        %swap3A_945 = arith.constant 80 : index
        %swap3A_946 = tpu.vector_load %arg7[%swap3A_944, %swap3A_945] {strides = array<i32>} : memref<128x128xf32, #tpu.memory_space<vmem>>, vector<16xf32>,
        tpu.vector_store %arg7[%swap3A_944, %swap3A_945], %mul3A_941 {strides = array<i32>} : memref<128x128xf32, #tpu.memory_space<vmem>>, vector<16xf32>,
        %add3A_947 = arith.constant 1 : i32
        %add3A_948 = arith.addi %add3A_786, %add3A_947 : i32
        %get3A_949 = arith.index_cast %add3A_948 : i32 to index
        %get3A_950 = arith.constant 96 : index
        %get3A_951 = tpu.vector_load %arg7[%get3A_949, %get3A_950] {strides = array<i32>} : memref<128x128xf32, #tpu.memory_space<vmem>>, vector<16xf32>,
        %mul3A_952 = arith.mulf %get3A_951, %bitcast3A_880 : vector<16xf32>
        %add3A_953 = arith.constant 1 : i32
        %add3A_954 = arith.addi %add3A_786, %add3A_953 : i32
        %swap3A_955 = arith.index_cast %add3A_954 : i32 to index
        %swap3A_956 = arith.constant 96 : index
        %swap3A_957 = tpu.vector_load %arg7[%swap3A_955, %swap3A_956] {strides = array<i32>} : memref<128x128xf32, #tpu.memory_space<vmem>>, vector<16xf32>,
        tpu.vector_store %arg7[%swap3A_955, %swap3A_956], %mul3A_952 {strides = array<i32>} : memref<128x128xf32, #tpu.memory_space<vmem>>, vector<16xf32>,
        %add3A_958 = arith.constant 1 : i32
        %add3A_959 = arith.addi %add3A_786, %add3A_958 : i32
        %get3A_960 = arith.index_cast %add3A_959 : i32 to index
        %get3A_961 = arith.constant 112 : index
        %get3A_962 = tpu.vector_load %arg7[%get3A_960, %get3A_961] {strides = array<i32>} : memref<128x128xf32, #tpu.memory_space<vmem>>, vector<16xf32>,
        %mul3A_963 = arith.mulf %get3A_962, %bitcast3A_880 : vector<16xf32>
        %add3A_964 = arith.constant 1 : i32
        %add3A_965 = arith.addi %add3A_786, %add3A_964 : i32
        %swap3A_966 = arith.index_cast %add3A_965 : i32 to index
        %swap3A_967 = arith.constant 112 : index
        %swap3A_968 = tpu.vector_load %arg7[%swap3A_966, %swap3A_967] {strides = array<i32>} : memref<128x128xf32, #tpu.memory_space<vmem>>, vector<16xf32>,
        tpu.vector_store %arg7[%swap3A_966, %swap3A_967], %mul3A_963 {strides = array<i32>} : memref<128x128xf32, #tpu.memory_space<vmem>>, vector<16xf32>,
        %add3A_969 = arith.constant 2 : i32
        %add3A_970 = arith.addi %add3A_786, %add3A_969 : i32
        %broadcast_in_dim3A_971 = vector.broadcast %add3A_970 : i32 to vector<16xi32>
        %gather3A_972 = tpu.vector_load_idx %arg5[%broadcast_in_dim3A_604, %broadcast_in_dim3A_606, %broadcast_in_dim3A_971] : memref<4x8x128xi32, #tpu.memory_space<vmem>>[vector<16xi32>, vector<16xi32>, vector<16xi32>], vector<16xi32>,
        %bitcast3A_973 = vector.bitcast %gather3A_972 : vector<16xi32> to vector<16xf32>
        %add3A_974 = arith.constant 2 : i32
        %add3A_975 = arith.addi %add3A_786, %add3A_974 : i32
        %get3A_976 = arith.index_cast %add3A_975 : i32 to index
        %get3A_977 = arith.constant 0 : index
        %get3A_978 = tpu.vector_load %arg7[%get3A_976, %get3A_977] {strides = array<i32>} : memref<128x128xf32, #tpu.memory_space<vmem>>, vector<16xf32>,
        %mul3A_979 = arith.mulf %get3A_978, %bitcast3A_973 : vector<16xf32>
        %add3A_980 = arith.constant 2 : i32
        %add3A_981 = arith.addi %add3A_786, %add3A_980 : i32
        %swap3A_982 = arith.index_cast %add3A_981 : i32 to index
        %swap3A_983 = arith.constant 0 : index
        %swap3A_984 = tpu.vector_load %arg7[%swap3A_982, %swap3A_983] {strides = array<i32>} : memref<128x128xf32, #tpu.memory_space<vmem>>, vector<16xf32>,
        tpu.vector_store %arg7[%swap3A_982, %swap3A_983], %mul3A_979 {strides = array<i32>} : memref<128x128xf32, #tpu.memory_space<vmem>>, vector<16xf32>,
        %add3A_985 = arith.constant 2 : i32
        %add3A_986 = arith.addi %add3A_786, %add3A_985 : i32
        %get3A_987 = arith.index_cast %add3A_986 : i32 to index
        %get3A_988 = arith.constant 16 : index
        %get3A_989 = tpu.vector_load %arg7[%get3A_987, %get3A_988] {strides = array<i32>} : memref<128x128xf32, #tpu.memory_space<vmem>>, vector<16xf32>,
        %mul3A_990 = arith.mulf %get3A_989, %bitcast3A_973 : vector<16xf32>
        %add3A_991 = arith.constant 2 : i32
        %add3A_992 = arith.addi %add3A_786, %add3A_991 : i32
        %swap3A_993 = arith.index_cast %add3A_992 : i32 to index
        %swap3A_994 = arith.constant 16 : index
        %swap3A_995 = tpu.vector_load %arg7[%swap3A_993, %swap3A_994] {strides = array<i32>} : memref<128x128xf32, #tpu.memory_space<vmem>>, vector<16xf32>,
        tpu.vector_store %arg7[%swap3A_993, %swap3A_994], %mul3A_990 {strides = array<i32>} : memref<128x128xf32, #tpu.memory_space<vmem>>, vector<16xf32>,
        %add3A_996 = arith.constant 2 : i32
        %add3A_997 = arith.addi %add3A_786, %add3A_996 : i32
        %get3A_998 = arith.index_cast %add3A_997 : i32 to index
        %get3A_999 = arith.constant 32 : index
        %get3A_1000 = tpu.vector_load %arg7[%get3A_998, %get3A_999] {strides = array<i32>} : memref<128x128xf32, #tpu.memory_space<vmem>>, vector<16xf32>,
        %mul3A_1001 = arith.mulf %get3A_1000, %bitcast3A_973 : vector<16xf32>
        %add3A_1002 = arith.constant 2 : i32
        %add3A_1003 = arith.addi %add3A_786, %add3A_1002 : i32
        %swap3A_1004 = arith.index_cast %add3A_1003 : i32 to index
        %swap3A_1005 = arith.constant 32 : index
        %swap3A_1006 = tpu.vector_load %arg7[%swap3A_1004, %swap3A_1005] {strides = array<i32>} : memref<128x128xf32, #tpu.memory_space<vmem>>, vector<16xf32>,
        tpu.vector_store %arg7[%swap3A_1004, %swap3A_1005], %mul3A_1001 {strides = array<i32>} : memref<128x128xf32, #tpu.memory_space<vmem>>, vector<16xf32>,
        %add3A_1007 = arith.constant 2 : i32
        %add3A_1008 = arith.addi %add3A_786, %add3A_1007 : i32
        %get3A_1009 = arith.index_cast %add3A_1008 : i32 to index
        %get3A_1010 = arith.constant 48 : index
        %get3A_1011 = tpu.vector_load %arg7[%get3A_1009, %get3A_1010] {strides = array<i32>} : memref<128x128xf32, #tpu.memory_space<vmem>>, vector<16xf32>,
        %mul3A_1012 = arith.mulf %get3A_1011, %bitcast3A_973 : vector<16xf32>
        %add3A_1013 = arith.constant 2 : i32
        %add3A_1014 = arith.addi %add3A_786, %add3A_1013 : i32
        %swap3A_1015 = arith.index_cast %add3A_1014 : i32 to index
        %swap3A_1016 = arith.constant 48 : index
        %swap3A_1017 = tpu.vector_load %arg7[%swap3A_1015, %swap3A_1016] {strides = array<i32>} : memref<128x128xf32, #tpu.memory_space<vmem>>, vector<16xf32>,
        tpu.vector_store %arg7[%swap3A_1015, %swap3A_1016], %mul3A_1012 {strides = array<i32>} : memref<128x128xf32, #tpu.memory_space<vmem>>, vector<16xf32>,
        %add3A_1018 = arith.constant 2 : i32
        %add3A_1019 = arith.addi %add3A_786, %add3A_1018 : i32
        %get3A_1020 = arith.index_cast %add3A_1019 : i32 to index
        %get3A_1021 = arith.constant 64 : index
        %get3A_1022 = tpu.vector_load %arg7[%get3A_1020, %get3A_1021] {strides = array<i32>} : memref<128x128xf32, #tpu.memory_space<vmem>>, vector<16xf32>,
        %mul3A_1023 = arith.mulf %get3A_1022, %bitcast3A_973 : vector<16xf32>
        %add3A_1024 = arith.constant 2 : i32
        %add3A_1025 = arith.addi %add3A_786, %add3A_1024 : i32
        %swap3A_1026 = arith.index_cast %add3A_1025 : i32 to index
        %swap3A_1027 = arith.constant 64 : index
        %swap3A_1028 = tpu.vector_load %arg7[%swap3A_1026, %swap3A_1027] {strides = array<i32>} : memref<128x128xf32, #tpu.memory_space<vmem>>, vector<16xf32>,
        tpu.vector_store %arg7[%swap3A_1026, %swap3A_1027], %mul3A_1023 {strides = array<i32>} : memref<128x128xf32, #tpu.memory_space<vmem>>, vector<16xf32>,
        %add3A_1029 = arith.constant 2 : i32
        %add3A_1030 = arith.addi %add3A_786, %add3A_1029 : i32
        %get3A_1031 = arith.index_cast %add3A_1030 : i32 to index
        %get3A_1032 = arith.constant 80 : index
        %get3A_1033 = tpu.vector_load %arg7[%get3A_1031, %get3A_1032] {strides = array<i32>} : memref<128x128xf32, #tpu.memory_space<vmem>>, vector<16xf32>,
        %mul3A_1034 = arith.mulf %get3A_1033, %bitcast3A_973 : vector<16xf32>
        %add3A_1035 = arith.constant 2 : i32
        %add3A_1036 = arith.addi %add3A_786, %add3A_1035 : i32
        %swap3A_1037 = arith.index_cast %add3A_1036 : i32 to index
        %swap3A_1038 = arith.constant 80 : index
        %swap3A_1039 = tpu.vector_load %arg7[%swap3A_1037, %swap3A_1038] {strides = array<i32>} : memref<128x128xf32, #tpu.memory_space<vmem>>, vector<16xf32>,
        tpu.vector_store %arg7[%swap3A_1037, %swap3A_1038], %mul3A_1034 {strides = array<i32>} : memref<128x128xf32, #tpu.memory_space<vmem>>, vector<16xf32>,
        %add3A_1040 = arith.constant 2 : i32
        %add3A_1041 = arith.addi %add3A_786, %add3A_1040 : i32
        %get3A_1042 = arith.index_cast %add3A_1041 : i32 to index
        %get3A_1043 = arith.constant 96 : index
        %get3A_1044 = tpu.vector_load %arg7[%get3A_1042, %get3A_1043] {strides = array<i32>} : memref<128x128xf32, #tpu.memory_space<vmem>>, vector<16xf32>,
        %mul3A_1045 = arith.mulf %get3A_1044, %bitcast3A_973 : vector<16xf32>
        %add3A_1046 = arith.constant 2 : i32
        %add3A_1047 = arith.addi %add3A_786, %add3A_1046 : i32
        %swap3A_1048 = arith.index_cast %add3A_1047 : i32 to index
        %swap3A_1049 = arith.constant 96 : index
        %swap3A_1050 = tpu.vector_load %arg7[%swap3A_1048, %swap3A_1049] {strides = array<i32>} : memref<128x128xf32, #tpu.memory_space<vmem>>, vector<16xf32>,
        tpu.vector_store %arg7[%swap3A_1048, %swap3A_1049], %mul3A_1045 {strides = array<i32>} : memref<128x128xf32, #tpu.memory_space<vmem>>, vector<16xf32>,
        %add3A_1051 = arith.constant 2 : i32
        %add3A_1052 = arith.addi %add3A_786, %add3A_1051 : i32
        %get3A_1053 = arith.index_cast %add3A_1052 : i32 to index
        %get3A_1054 = arith.constant 112 : index
        %get3A_1055 = tpu.vector_load %arg7[%get3A_1053, %get3A_1054] {strides = array<i32>} : memref<128x128xf32, #tpu.memory_space<vmem>>, vector<16xf32>,
        %mul3A_1056 = arith.mulf %get3A_1055, %bitcast3A_973 : vector<16xf32>
        %add3A_1057 = arith.constant 2 : i32
        %add3A_1058 = arith.addi %add3A_786, %add3A_1057 : i32
        %swap3A_1059 = arith.index_cast %add3A_1058 : i32 to index
        %swap3A_1060 = arith.constant 112 : index
        %swap3A_1061 = tpu.vector_load %arg7[%swap3A_1059, %swap3A_1060] {strides = array<i32>} : memref<128x128xf32, #tpu.memory_space<vmem>>, vector<16xf32>,
        tpu.vector_store %arg7[%swap3A_1059, %swap3A_1060], %mul3A_1056 {strides = array<i32>} : memref<128x128xf32, #tpu.memory_space<vmem>>, vector<16xf32>,
        %add3A_1062 = arith.constant 3 : i32
        %add3A_1063 = arith.addi %add3A_786, %add3A_1062 : i32
        %broadcast_in_dim3A_1064 = vector.broadcast %add3A_1063 : i32 to vector<16xi32>
        %gather3A_1065 = tpu.vector_load_idx %arg5[%broadcast_in_dim3A_604, %broadcast_in_dim3A_606, %broadcast_in_dim3A_1064] : memref<4x8x128xi32, #tpu.memory_space<vmem>>[vector<16xi32>, vector<16xi32>, vector<16xi32>], vector<16xi32>,
        %bitcast3A_1066 = vector.bitcast %gather3A_1065 : vector<16xi32> to vector<16xf32>
        %add3A_1067 = arith.constant 3 : i32
        %add3A_1068 = arith.addi %add3A_786, %add3A_1067 : i32
        %get3A_1069 = arith.index_cast %add3A_1068 : i32 to index
        %get3A_1070 = arith.constant 0 : index
        %get3A_1071 = tpu.vector_load %arg7[%get3A_1069, %get3A_1070] {strides = array<i32>} : memref<128x128xf32, #tpu.memory_space<vmem>>, vector<16xf32>,
        %mul3A_1072 = arith.mulf %get3A_1071, %bitcast3A_1066 : vector<16xf32>
        %add3A_1073 = arith.constant 3 : i32
        %add3A_1074 = arith.addi %add3A_786, %add3A_1073 : i32
        %swap3A_1075 = arith.index_cast %add3A_1074 : i32 to index
        %swap3A_1076 = arith.constant 0 : index
        %swap3A_1077 = tpu.vector_load %arg7[%swap3A_1075, %swap3A_1076] {strides = array<i32>} : memref<128x128xf32, #tpu.memory_space<vmem>>, vector<16xf32>,
        tpu.vector_store %arg7[%swap3A_1075, %swap3A_1076], %mul3A_1072 {strides = array<i32>} : memref<128x128xf32, #tpu.memory_space<vmem>>, vector<16xf32>,
        %add3A_1078 = arith.constant 3 : i32
        %add3A_1079 = arith.addi %add3A_786, %add3A_1078 : i32
        %get3A_1080 = arith.index_cast %add3A_1079 : i32 to index
        %get3A_1081 = arith.constant 16 : index
        %get3A_1082 = tpu.vector_load %arg7[%get3A_1080, %get3A_1081] {strides = array<i32>} : memref<128x128xf32, #tpu.memory_space<vmem>>, vector<16xf32>,
        %mul3A_1083 = arith.mulf %get3A_1082, %bitcast3A_1066 : vector<16xf32>
        %add3A_1084 = arith.constant 3 : i32
        %add3A_1085 = arith.addi %add3A_786, %add3A_1084 : i32
        %swap3A_1086 = arith.index_cast %add3A_1085 : i32 to index
        %swap3A_1087 = arith.constant 16 : index
        %swap3A_1088 = tpu.vector_load %arg7[%swap3A_1086, %swap3A_1087] {strides = array<i32>} : memref<128x128xf32, #tpu.memory_space<vmem>>, vector<16xf32>,
        tpu.vector_store %arg7[%swap3A_1086, %swap3A_1087], %mul3A_1083 {strides = array<i32>} : memref<128x128xf32, #tpu.memory_space<vmem>>, vector<16xf32>,
        %add3A_1089 = arith.constant 3 : i32
        %add3A_1090 = arith.addi %add3A_786, %add3A_1089 : i32
        %get3A_1091 = arith.index_cast %add3A_1090 : i32 to index
        %get3A_1092 = arith.constant 32 : index
        %get3A_1093 = tpu.vector_load %arg7[%get3A_1091, %get3A_1092] {strides = array<i32>} : memref<128x128xf32, #tpu.memory_space<vmem>>, vector<16xf32>,
        %mul3A_1094 = arith.mulf %get3A_1093, %bitcast3A_1066 : vector<16xf32>
        %add3A_1095 = arith.constant 3 : i32
        %add3A_1096 = arith.addi %add3A_786, %add3A_1095 : i32
        %swap3A_1097 = arith.index_cast %add3A_1096 : i32 to index
        %swap3A_1098 = arith.constant 32 : index
        %swap3A_1099 = tpu.vector_load %arg7[%swap3A_1097, %swap3A_1098] {strides = array<i32>} : memref<128x128xf32, #tpu.memory_space<vmem>>, vector<16xf32>,
        tpu.vector_store %arg7[%swap3A_1097, %swap3A_1098], %mul3A_1094 {strides = array<i32>} : memref<128x128xf32, #tpu.memory_space<vmem>>, vector<16xf32>,
        %add3A_1100 = arith.constant 3 : i32
        %add3A_1101 = arith.addi %add3A_786, %add3A_1100 : i32
        %get3A_1102 = arith.index_cast %add3A_1101 : i32 to index
        %get3A_1103 = arith.constant 48 : index
        %get3A_1104 = tpu.vector_load %arg7[%get3A_1102, %get3A_1103] {strides = array<i32>} : memref<128x128xf32, #tpu.memory_space<vmem>>, vector<16xf32>,
        %mul3A_1105 = arith.mulf %get3A_1104, %bitcast3A_1066 : vector<16xf32>
        %add3A_1106 = arith.constant 3 : i32
        %add3A_1107 = arith.addi %add3A_786, %add3A_1106 : i32
        %swap3A_1108 = arith.index_cast %add3A_1107 : i32 to index
        %swap3A_1109 = arith.constant 48 : index
        %swap3A_1110 = tpu.vector_load %arg7[%swap3A_1108, %swap3A_1109] {strides = array<i32>} : memref<128x128xf32, #tpu.memory_space<vmem>>, vector<16xf32>,
        tpu.vector_store %arg7[%swap3A_1108, %swap3A_1109], %mul3A_1105 {strides = array<i32>} : memref<128x128xf32, #tpu.memory_space<vmem>>, vector<16xf32>,
        %add3A_1111 = arith.constant 3 : i32
        %add3A_1112 = arith.addi %add3A_786, %add3A_1111 : i32
        %get3A_1113 = arith.index_cast %add3A_1112 : i32 to index
        %get3A_1114 = arith.constant 64 : index
        %get3A_1115 = tpu.vector_load %arg7[%get3A_1113, %get3A_1114] {strides = array<i32>} : memref<128x128xf32, #tpu.memory_space<vmem>>, vector<16xf32>,
        %mul3A_1116 = arith.mulf %get3A_1115, %bitcast3A_1066 : vector<16xf32>
        %add3A_1117 = arith.constant 3 : i32
        %add3A_1118 = arith.addi %add3A_786, %add3A_1117 : i32
        %swap3A_1119 = arith.index_cast %add3A_1118 : i32 to index
        %swap3A_1120 = arith.constant 64 : index
        %swap3A_1121 = tpu.vector_load %arg7[%swap3A_1119, %swap3A_1120] {strides = array<i32>} : memref<128x128xf32, #tpu.memory_space<vmem>>, vector<16xf32>,
        tpu.vector_store %arg7[%swap3A_1119, %swap3A_1120], %mul3A_1116 {strides = array<i32>} : memref<128x128xf32, #tpu.memory_space<vmem>>, vector<16xf32>,
        %add3A_1122 = arith.constant 3 : i32
        %add3A_1123 = arith.addi %add3A_786, %add3A_1122 : i32
        %get3A_1124 = arith.index_cast %add3A_1123 : i32 to index
        %get3A_1125 = arith.constant 80 : index
        %get3A_1126 = tpu.vector_load %arg7[%get3A_1124, %get3A_1125] {strides = array<i32>} : memref<128x128xf32, #tpu.memory_space<vmem>>, vector<16xf32>,
        %mul3A_1127 = arith.mulf %get3A_1126, %bitcast3A_1066 : vector<16xf32>
        %add3A_1128 = arith.constant 3 : i32
        %add3A_1129 = arith.addi %add3A_786, %add3A_1128 : i32
        %swap3A_1130 = arith.index_cast %add3A_1129 : i32 to index
        %swap3A_1131 = arith.constant 80 : index
        %swap3A_1132 = tpu.vector_load %arg7[%swap3A_1130, %swap3A_1131] {strides = array<i32>} : memref<128x128xf32, #tpu.memory_space<vmem>>, vector<16xf32>,
        tpu.vector_store %arg7[%swap3A_1130, %swap3A_1131], %mul3A_1127 {strides = array<i32>} : memref<128x128xf32, #tpu.memory_space<vmem>>, vector<16xf32>,
        %add3A_1133 = arith.constant 3 : i32
        %add3A_1134 = arith.addi %add3A_786, %add3A_1133 : i32
        %get3A_1135 = arith.index_cast %add3A_1134 : i32 to index
        %get3A_1136 = arith.constant 96 : index
        %get3A_1137 = tpu.vector_load %arg7[%get3A_1135, %get3A_1136] {strides = array<i32>} : memref<128x128xf32, #tpu.memory_space<vmem>>, vector<16xf32>,
        %mul3A_1138 = arith.mulf %get3A_1137, %bitcast3A_1066 : vector<16xf32>
        %add3A_1139 = arith.constant 3 : i32
        %add3A_1140 = arith.addi %add3A_786, %add3A_1139 : i32
        %swap3A_1141 = arith.index_cast %add3A_1140 : i32 to index
        %swap3A_1142 = arith.constant 96 : index
        %swap3A_1143 = tpu.vector_load %arg7[%swap3A_1141, %swap3A_1142] {strides = array<i32>} : memref<128x128xf32, #tpu.memory_space<vmem>>, vector<16xf32>,
        tpu.vector_store %arg7[%swap3A_1141, %swap3A_1142], %mul3A_1138 {strides = array<i32>} : memref<128x128xf32, #tpu.memory_space<vmem>>, vector<16xf32>,
        %add3A_1144 = arith.constant 3 : i32
        %add3A_1145 = arith.addi %add3A_786, %add3A_1144 : i32
        %get3A_1146 = arith.index_cast %add3A_1145 : i32 to index
        %get3A_1147 = arith.constant 112 : index
        %get3A_1148 = tpu.vector_load %arg7[%get3A_1146, %get3A_1147] {strides = array<i32>} : memref<128x128xf32, #tpu.memory_space<vmem>>, vector<16xf32>,
        %mul3A_1149 = arith.mulf %get3A_1148, %bitcast3A_1066 : vector<16xf32>
        %add3A_1150 = arith.constant 3 : i32
        %add3A_1151 = arith.addi %add3A_786, %add3A_1150 : i32
        %swap3A_1152 = arith.index_cast %add3A_1151 : i32 to index
        %swap3A_1153 = arith.constant 112 : index
        %swap3A_1154 = tpu.vector_load %arg7[%swap3A_1152, %swap3A_1153] {strides = array<i32>} : memref<128x128xf32, #tpu.memory_space<vmem>>, vector<16xf32>,
        tpu.vector_store %arg7[%swap3A_1152, %swap3A_1153], %mul3A_1149 {strides = array<i32>} : memref<128x128xf32, #tpu.memory_space<vmem>>, vector<16xf32>,
      }
      %scan3A_611 = arith.constant 32 : i32
      %dma_start3A_612 = arith.constant 1 : i32
      %dma_start3A_613 = arith.constant 1 : i32
      %dma_start3A_614 = arith.constant 0 : i32
      %dma_start3A_615 = tpu.memref_slice %arg5[%dma_start3A_612, %dma_start3A_613, %dma_start3A_614] : memref<4x8x128xi32, #tpu.memory_space<vmem>> -> memref<1x1x128xi32, #tpu.memory_space<vmem>>
      %dma_start3A_616 = tpu.memref_squeeze %dma_start3A_615 : memref<1x1x128xi32, #tpu.memory_space<vmem>> -> memref<128xi32, #tpu.memory_space<vmem>>
      %dma_start3A_617 = arith.constant 0 : i32
      %dma_start3A_618 = arith.constant 0 : i32
      %dma_start3A_619 = tpu.memref_slice %arg8[%dma_start3A_617, %dma_start3A_618] : memref<10000x128xf32, #tpu.memory_space<vmem_shared>> -> memref<10000x128xf32, #tpu.memory_space<vmem_shared>>
      tpu.enqueue_indirect_dma source(%arg7 : memref<128x128xf32, #tpu.memory_space<vmem>>) target(%dma_start3A_619 : memref<10000x128xf32, #tpu.memory_space<vmem_shared>>) offsets(%dma_start3A_616 : memref<128xi32, #tpu.memory_space<vmem>>) semaphore(%arg16 : memref<!tpu.dma_semaphore, #tpu.memory_space<semaphore_mem>>) {add = true}
      %add3A_620 = arith.constant 2 : i32
      %add3A_621 = arith.addi %add3A_461, %add3A_620 : i32
      %dma_wait3A_622 = arith.constant 2 : i32
      %dma_wait3A_623 = arith.constant 0 : i32
      %dma_wait3A_624 = arith.constant 0 : i32
      %dma_wait3A_625 = tpu.memref_slice %arg5[%dma_wait3A_622, %dma_wait3A_623, %dma_wait3A_624] : memref<4x8x128xi32, #tpu.memory_space<vmem>> -> memref<1x1x128xi32, #tpu.memory_space<vmem>>
      %dma_wait3A_626 = tpu.memref_squeeze %dma_wait3A_625 : memref<1x1x128xi32, #tpu.memory_space<vmem>> -> memref<128xi32, #tpu.memory_space<vmem>>
      %dma_wait3A_627 = arith.constant 0 : i32
      %dma_wait3A_628 = arith.constant 0 : i32
      %dma_wait3A_629 = tpu.memref_slice %arg2[%dma_wait3A_627, %dma_wait3A_628] : memref<10000x128xf32, #tpu.memory_space<hbm>> -> memref<10000x128xf32, #tpu.memory_space<hbm>>
      tpu.wait_indirect_dma semaphore(%arg13 : memref<!tpu.dma_semaphore, #tpu.memory_space<semaphore_mem>>) src(%dma_wait3A_629 : memref<10000x128xf32, #tpu.memory_space<hbm>>) dst(%arg6 : memref<128x128xf32, #tpu.memory_space<vmem>>)
      %dma_wait3A_630 = arith.constant 1 : i32
      %dma_wait3A_631 = arith.constant 1 : i32
      %dma_wait3A_632 = arith.constant 0 : i32
      %dma_wait3A_633 = tpu.memref_slice %arg5[%dma_wait3A_630, %dma_wait3A_631, %dma_wait3A_632] : memref<4x8x128xi32, #tpu.memory_space<vmem>> -> memref<1x1x128xi32, #tpu.memory_space<vmem>>
      %dma_wait3A_634 = tpu.memref_squeeze %dma_wait3A_633 : memref<1x1x128xi32, #tpu.memory_space<vmem>> -> memref<128xi32, #tpu.memory_space<vmem>>
      %dma_wait3A_635 = arith.constant 0 : i32
      %dma_wait3A_636 = arith.constant 0 : i32
      %dma_wait3A_637 = tpu.memref_slice %arg8[%dma_wait3A_635, %dma_wait3A_636] : memref<10000x128xf32, #tpu.memory_space<vmem_shared>> -> memref<10000x128xf32, #tpu.memory_space<vmem_shared>>
      tpu.wait_indirect_dma semaphore(%arg16 : memref<!tpu.dma_semaphore, #tpu.memory_space<semaphore_mem>>) src(%arg7 : memref<128x128xf32, #tpu.memory_space<vmem>>) dst(%dma_wait3A_637 : memref<10000x128xf32, #tpu.memory_space<vmem_shared>>)
      %add3A_638 = arith.constant 1 : i32
      %add3A_639 = arith.addi %add3A_621, %add3A_638 : i32
      %dma_wait3A_640 = arith.constant 3 : i32
      %dma_wait3A_641 = arith.constant 0 : i32
      %dma_wait3A_642 = arith.constant 0 : i32
      %dma_wait3A_643 = tpu.memref_slice %arg5[%dma_wait3A_640, %dma_wait3A_641, %dma_wait3A_642] : memref<4x8x128xi32, #tpu.memory_space<vmem>> -> memref<1x8x128xi32, #tpu.memory_space<vmem>>
      %dma_wait3A_644 = tpu.memref_squeeze %dma_wait3A_643 : memref<1x8x128xi32, #tpu.memory_space<vmem>> -> memref<8x128xi32, #tpu.memory_space<vmem>>
      %dma_wait3A_645 = arith.constant 0 : i32
      %dma_wait3A_646 = arith.constant 0 : i32
      %dma_wait3A_647 = tpu.memref_slice %arg3[%add3A, %add3A_639, %dma_wait3A_645, %dma_wait3A_646] : memref<32x80x8x128xi32, #tpu.memory_space<hbm>> -> memref<1x1x8x128xi32, #tpu.memory_space<hbm>>
      %dma_wait3A_648 = tpu.memref_squeeze %dma_wait3A_647 : memref<1x1x8x128xi32, #tpu.memory_space<hbm>> -> memref<8x128xi32, #tpu.memory_space<hbm>>
      %dma_wait3A_649 = arith.constant 0 : i32
      %dma_wait3A_650 = arith.constant 0 : i32
      %dma_wait3A_651 = tpu.memref_slice %arg5[%dma_wait3A_640, %dma_wait3A_649, %dma_wait3A_650] : memref<4x8x128xi32, #tpu.memory_space<vmem>> -> memref<1x8x128xi32, #tpu.memory_space<vmem>>
      %dma_wait3A_652 = tpu.memref_squeeze %dma_wait3A_651 : memref<1x8x128xi32, #tpu.memory_space<vmem>> -> memref<8x128xi32, #tpu.memory_space<vmem>>
      %dma_wait3A_653 = arith.constant 0 : i32
      %dma_wait3A_654 = arith.constant 0 : i32
      %dma_wait3A_655 = tpu.memref_slice %arg3[%add3A, %add3A_639, %dma_wait3A_653, %dma_wait3A_654] : memref<32x80x8x128xi32, #tpu.memory_space<hbm>> -> memref<1x1x8x128xi32, #tpu.memory_space<hbm>>
      %dma_wait3A_656 = tpu.memref_squeeze %dma_wait3A_655 : memref<1x1x8x128xi32, #tpu.memory_space<hbm>> -> memref<8x128xi32, #tpu.memory_space<hbm>>
      tpu.wait_dma2 semaphore(%arg12 : memref<!tpu.dma_semaphore, #tpu.memory_space<semaphore_mem>>) src(%dma_wait3A_656 : memref<8x128xi32, #tpu.memory_space<hbm>>) dst(%dma_wait3A_652 : memref<8x128xi32, #tpu.memory_space<vmem>>)
      %dma_start3A_657 = arith.constant 3 : i32
      %dma_start3A_658 = arith.constant 0 : i32
      %dma_start3A_659 = arith.constant 0 : i32
      %dma_start3A_660 = tpu.memref_slice %arg5[%dma_start3A_657, %dma_start3A_658, %dma_start3A_659] : memref<4x8x128xi32, #tpu.memory_space<vmem>> -> memref<1x1x128xi32, #tpu.memory_space<vmem>>
      %dma_start3A_661 = tpu.memref_squeeze %dma_start3A_660 : memref<1x1x128xi32, #tpu.memory_space<vmem>> -> memref<128xi32, #tpu.memory_space<vmem>>
      %dma_start3A_662 = arith.constant 0 : i32
      %dma_start3A_663 = arith.constant 0 : i32
      %dma_start3A_664 = tpu.memref_slice %arg2[%dma_start3A_662, %dma_start3A_663] : memref<10000x128xf32, #tpu.memory_space<hbm>> -> memref<10000x128xf32, #tpu.memory_space<hbm>>
      tpu.enqueue_indirect_dma source(%dma_start3A_664 : memref<10000x128xf32, #tpu.memory_space<hbm>>) target(%arg7 : memref<128x128xf32, #tpu.memory_space<vmem>>) offsets(%dma_start3A_661 : memref<128xi32, #tpu.memory_space<vmem>>) semaphore(%arg14 : memref<!tpu.dma_semaphore, #tpu.memory_space<semaphore_mem>>)
      %add3A_665 = arith.constant 2 : i32
      %add3A_666 = arith.addi %add3A_621, %add3A_665 : i32
      %dma_start3A_667 = arith.constant 0 : i32
      %dma_start3A_668 = arith.constant 0 : i32
      %dma_start3A_669 = arith.constant 0 : i32
      %dma_start3A_670 = tpu.memref_slice %arg5[%dma_start3A_667, %dma_start3A_668, %dma_start3A_669] : memref<4x8x128xi32, #tpu.memory_space<vmem>> -> memref<1x8x128xi32, #tpu.memory_space<vmem>>
      %dma_start3A_671 = tpu.memref_squeeze %dma_start3A_670 : memref<1x8x128xi32, #tpu.memory_space<vmem>> -> memref<8x128xi32, #tpu.memory_space<vmem>>
      %dma_start3A_672 = arith.constant 0 : i32
      %dma_start3A_673 = arith.constant 0 : i32
      %dma_start3A_674 = tpu.memref_slice %arg3[%add3A, %add3A_666, %dma_start3A_672, %dma_start3A_673] : memref<32x80x8x128xi32, #tpu.memory_space<hbm>> -> memref<1x1x8x128xi32, #tpu.memory_space<hbm>>
      %dma_start3A_675 = tpu.memref_squeeze %dma_start3A_674 : memref<1x1x8x128xi32, #tpu.memory_space<hbm>> -> memref<8x128xi32, #tpu.memory_space<hbm>>
      %dma_start3A_676 = arith.constant 0 : i32
      %dma_start3A_677 = arith.constant 0 : i32
      %dma_start3A_678 = tpu.memref_slice %arg5[%dma_start3A_667, %dma_start3A_676, %dma_start3A_677] : memref<4x8x128xi32, #tpu.memory_space<vmem>> -> memref<1x8x128xi32, #tpu.memory_space<vmem>>
      %dma_start3A_679 = tpu.memref_squeeze %dma_start3A_678 : memref<1x8x128xi32, #tpu.memory_space<vmem>> -> memref<8x128xi32, #tpu.memory_space<vmem>>
      %dma_start3A_680 = arith.constant 0 : i32
      %dma_start3A_681 = arith.constant 0 : i32
      %dma_start3A_682 = tpu.memref_slice %arg3[%add3A, %add3A_666, %dma_start3A_680, %dma_start3A_681] : memref<32x80x8x128xi32, #tpu.memory_space<hbm>> -> memref<1x1x8x128xi32, #tpu.memory_space<hbm>>
      %dma_start3A_683 = tpu.memref_squeeze %dma_start3A_682 : memref<1x1x8x128xi32, #tpu.memory_space<hbm>> -> memref<8x128xi32, #tpu.memory_space<hbm>>
      tpu.enqueue_dma source(%dma_start3A_683 : memref<8x128xi32, #tpu.memory_space<hbm>>) target(%dma_start3A_679 : memref<8x128xi32, #tpu.memory_space<vmem>>) target_semaphore(%arg9 : memref<!tpu.dma_semaphore, #tpu.memory_space<semaphore_mem>>)
      %broadcast_in_dim3A_684 = arith.constant 2 : i32
      %broadcast_in_dim3A_685 = vector.broadcast %broadcast_in_dim3A_684 : i32 to vector<16xi32>
      %broadcast_in_dim3A_686 = arith.constant 2 : i32
      %broadcast_in_dim3A_687 = vector.broadcast %broadcast_in_dim3A_686 : i32 to vector<16xi32>
      %scan3A_688 = arith.constant 0 : i32
      %scan3A_689 = arith.constant 32 : i32
      %scan3A_690 = arith.addi %scan3A_688, %scan3A_689 : i32
      %scan3A_691 = arith.constant 1 : i32
      scf.for %scan3A_782 = %scan3A_688 to %scan3A_690 step %scan3A_691  : i32 {
        %mul3A_783 = arith.constant 4 : i32
        %mul3A_784 = arith.muli %scan3A_782, %mul3A_783 : i32
        %add3A_785 = arith.constant 0 : i32
        %add3A_786 = arith.addi %add3A_785, %mul3A_784 : i32
        %add3A_787 = arith.constant 0 : i32
        %add3A_788 = arith.addi %add3A_786, %add3A_787 : i32
        %broadcast_in_dim3A_789 = vector.broadcast %add3A_788 : i32 to vector<16xi32>
        %gather3A = tpu.vector_load_idx %arg5[%broadcast_in_dim3A_685, %broadcast_in_dim3A_687, %broadcast_in_dim3A_789] : memref<4x8x128xi32, #tpu.memory_space<vmem>>[vector<16xi32>, vector<16xi32>, vector<16xi32>], vector<16xi32>,
        %bitcast3A = vector.bitcast %gather3A : vector<16xi32> to vector<16xf32>
        %add3A_790 = arith.constant 0 : i32
        %add3A_791 = arith.addi %add3A_786, %add3A_790 : i32
        %get3A = arith.index_cast %add3A_791 : i32 to index
        %get3A_792 = arith.constant 0 : index
        %get3A_793 = tpu.vector_load %arg6[%get3A, %get3A_792] {strides = array<i32>} : memref<128x128xf32, #tpu.memory_space<vmem>>, vector<16xf32>,
        %mul3A_794 = arith.mulf %get3A_793, %bitcast3A : vector<16xf32>
        %add3A_795 = arith.constant 0 : i32
        %add3A_796 = arith.addi %add3A_786, %add3A_795 : i32
        %swap3A = arith.index_cast %add3A_796 : i32 to index
        %swap3A_797 = arith.constant 0 : index
        %swap3A_798 = tpu.vector_load %arg6[%swap3A, %swap3A_797] {strides = array<i32>} : memref<128x128xf32, #tpu.memory_space<vmem>>, vector<16xf32>,
        tpu.vector_store %arg6[%swap3A, %swap3A_797], %mul3A_794 {strides = array<i32>} : memref<128x128xf32, #tpu.memory_space<vmem>>, vector<16xf32>,
        %add3A_799 = arith.constant 0 : i32
        %add3A_800 = arith.addi %add3A_786, %add3A_799 : i32
        %get3A_801 = arith.index_cast %add3A_800 : i32 to index
        %get3A_802 = arith.constant 16 : index
        %get3A_803 = tpu.vector_load %arg6[%get3A_801, %get3A_802] {strides = array<i32>} : memref<128x128xf32, #tpu.memory_space<vmem>>, vector<16xf32>,
        %mul3A_804 = arith.mulf %get3A_803, %bitcast3A : vector<16xf32>
        %add3A_805 = arith.constant 0 : i32
        %add3A_806 = arith.addi %add3A_786, %add3A_805 : i32
        %swap3A_807 = arith.index_cast %add3A_806 : i32 to index
        %swap3A_808 = arith.constant 16 : index
        %swap3A_809 = tpu.vector_load %arg6[%swap3A_807, %swap3A_808] {strides = array<i32>} : memref<128x128xf32, #tpu.memory_space<vmem>>, vector<16xf32>,
        tpu.vector_store %arg6[%swap3A_807, %swap3A_808], %mul3A_804 {strides = array<i32>} : memref<128x128xf32, #tpu.memory_space<vmem>>, vector<16xf32>,
        %add3A_810 = arith.constant 0 : i32
        %add3A_811 = arith.addi %add3A_786, %add3A_810 : i32
        %get3A_812 = arith.index_cast %add3A_811 : i32 to index
        %get3A_813 = arith.constant 32 : index
        %get3A_814 = tpu.vector_load %arg6[%get3A_812, %get3A_813] {strides = array<i32>} : memref<128x128xf32, #tpu.memory_space<vmem>>, vector<16xf32>,
        %mul3A_815 = arith.mulf %get3A_814, %bitcast3A : vector<16xf32>
        %add3A_816 = arith.constant 0 : i32
        %add3A_817 = arith.addi %add3A_786, %add3A_816 : i32
        %swap3A_818 = arith.index_cast %add3A_817 : i32 to index
        %swap3A_819 = arith.constant 32 : index
        %swap3A_820 = tpu.vector_load %arg6[%swap3A_818, %swap3A_819] {strides = array<i32>} : memref<128x128xf32, #tpu.memory_space<vmem>>, vector<16xf32>,
        tpu.vector_store %arg6[%swap3A_818, %swap3A_819], %mul3A_815 {strides = array<i32>} : memref<128x128xf32, #tpu.memory_space<vmem>>, vector<16xf32>,
        %add3A_821 = arith.constant 0 : i32
        %add3A_822 = arith.addi %add3A_786, %add3A_821 : i32
        %get3A_823 = arith.index_cast %add3A_822 : i32 to index
        %get3A_824 = arith.constant 48 : index
        %get3A_825 = tpu.vector_load %arg6[%get3A_823, %get3A_824] {strides = array<i32>} : memref<128x128xf32, #tpu.memory_space<vmem>>, vector<16xf32>,
        %mul3A_826 = arith.mulf %get3A_825, %bitcast3A : vector<16xf32>
        %add3A_827 = arith.constant 0 : i32
        %add3A_828 = arith.addi %add3A_786, %add3A_827 : i32
        %swap3A_829 = arith.index_cast %add3A_828 : i32 to index
        %swap3A_830 = arith.constant 48 : index
        %swap3A_831 = tpu.vector_load %arg6[%swap3A_829, %swap3A_830] {strides = array<i32>} : memref<128x128xf32, #tpu.memory_space<vmem>>, vector<16xf32>,
        tpu.vector_store %arg6[%swap3A_829, %swap3A_830], %mul3A_826 {strides = array<i32>} : memref<128x128xf32, #tpu.memory_space<vmem>>, vector<16xf32>,
        %add3A_832 = arith.constant 0 : i32
        %add3A_833 = arith.addi %add3A_786, %add3A_832 : i32
        %get3A_834 = arith.index_cast %add3A_833 : i32 to index
        %get3A_835 = arith.constant 64 : index
        %get3A_836 = tpu.vector_load %arg6[%get3A_834, %get3A_835] {strides = array<i32>} : memref<128x128xf32, #tpu.memory_space<vmem>>, vector<16xf32>,
        %mul3A_837 = arith.mulf %get3A_836, %bitcast3A : vector<16xf32>
        %add3A_838 = arith.constant 0 : i32
        %add3A_839 = arith.addi %add3A_786, %add3A_838 : i32
        %swap3A_840 = arith.index_cast %add3A_839 : i32 to index
        %swap3A_841 = arith.constant 64 : index
        %swap3A_842 = tpu.vector_load %arg6[%swap3A_840, %swap3A_841] {strides = array<i32>} : memref<128x128xf32, #tpu.memory_space<vmem>>, vector<16xf32>,
        tpu.vector_store %arg6[%swap3A_840, %swap3A_841], %mul3A_837 {strides = array<i32>} : memref<128x128xf32, #tpu.memory_space<vmem>>, vector<16xf32>,
        %add3A_843 = arith.constant 0 : i32
        %add3A_844 = arith.addi %add3A_786, %add3A_843 : i32
        %get3A_845 = arith.index_cast %add3A_844 : i32 to index
        %get3A_846 = arith.constant 80 : index
        %get3A_847 = tpu.vector_load %arg6[%get3A_845, %get3A_846] {strides = array<i32>} : memref<128x128xf32, #tpu.memory_space<vmem>>, vector<16xf32>,
        %mul3A_848 = arith.mulf %get3A_847, %bitcast3A : vector<16xf32>
        %add3A_849 = arith.constant 0 : i32
        %add3A_850 = arith.addi %add3A_786, %add3A_849 : i32
        %swap3A_851 = arith.index_cast %add3A_850 : i32 to index
        %swap3A_852 = arith.constant 80 : index
        %swap3A_853 = tpu.vector_load %arg6[%swap3A_851, %swap3A_852] {strides = array<i32>} : memref<128x128xf32, #tpu.memory_space<vmem>>, vector<16xf32>,
        tpu.vector_store %arg6[%swap3A_851, %swap3A_852], %mul3A_848 {strides = array<i32>} : memref<128x128xf32, #tpu.memory_space<vmem>>, vector<16xf32>,
        %add3A_854 = arith.constant 0 : i32
        %add3A_855 = arith.addi %add3A_786, %add3A_854 : i32
        %get3A_856 = arith.index_cast %add3A_855 : i32 to index
        %get3A_857 = arith.constant 96 : index
        %get3A_858 = tpu.vector_load %arg6[%get3A_856, %get3A_857] {strides = array<i32>} : memref<128x128xf32, #tpu.memory_space<vmem>>, vector<16xf32>,
        %mul3A_859 = arith.mulf %get3A_858, %bitcast3A : vector<16xf32>
        %add3A_860 = arith.constant 0 : i32
        %add3A_861 = arith.addi %add3A_786, %add3A_860 : i32
        %swap3A_862 = arith.index_cast %add3A_861 : i32 to index
        %swap3A_863 = arith.constant 96 : index
        %swap3A_864 = tpu.vector_load %arg6[%swap3A_862, %swap3A_863] {strides = array<i32>} : memref<128x128xf32, #tpu.memory_space<vmem>>, vector<16xf32>,
        tpu.vector_store %arg6[%swap3A_862, %swap3A_863], %mul3A_859 {strides = array<i32>} : memref<128x128xf32, #tpu.memory_space<vmem>>, vector<16xf32>,
        %add3A_865 = arith.constant 0 : i32
        %add3A_866 = arith.addi %add3A_786, %add3A_865 : i32
        %get3A_867 = arith.index_cast %add3A_866 : i32 to index
        %get3A_868 = arith.constant 112 : index
        %get3A_869 = tpu.vector_load %arg6[%get3A_867, %get3A_868] {strides = array<i32>} : memref<128x128xf32, #tpu.memory_space<vmem>>, vector<16xf32>,
        %mul3A_870 = arith.mulf %get3A_869, %bitcast3A : vector<16xf32>
        %add3A_871 = arith.constant 0 : i32
        %add3A_872 = arith.addi %add3A_786, %add3A_871 : i32
        %swap3A_873 = arith.index_cast %add3A_872 : i32 to index
        %swap3A_874 = arith.constant 112 : index
        %swap3A_875 = tpu.vector_load %arg6[%swap3A_873, %swap3A_874] {strides = array<i32>} : memref<128x128xf32, #tpu.memory_space<vmem>>, vector<16xf32>,
        tpu.vector_store %arg6[%swap3A_873, %swap3A_874], %mul3A_870 {strides = array<i32>} : memref<128x128xf32, #tpu.memory_space<vmem>>, vector<16xf32>,
        %add3A_876 = arith.constant 1 : i32
        %add3A_877 = arith.addi %add3A_786, %add3A_876 : i32
        %broadcast_in_dim3A_878 = vector.broadcast %add3A_877 : i32 to vector<16xi32>
        %gather3A_879 = tpu.vector_load_idx %arg5[%broadcast_in_dim3A_685, %broadcast_in_dim3A_687, %broadcast_in_dim3A_878] : memref<4x8x128xi32, #tpu.memory_space<vmem>>[vector<16xi32>, vector<16xi32>, vector<16xi32>], vector<16xi32>,
        %bitcast3A_880 = vector.bitcast %gather3A_879 : vector<16xi32> to vector<16xf32>
        %add3A_881 = arith.constant 1 : i32
        %add3A_882 = arith.addi %add3A_786, %add3A_881 : i32
        %get3A_883 = arith.index_cast %add3A_882 : i32 to index
        %get3A_884 = arith.constant 0 : index
        %get3A_885 = tpu.vector_load %arg6[%get3A_883, %get3A_884] {strides = array<i32>} : memref<128x128xf32, #tpu.memory_space<vmem>>, vector<16xf32>,
        %mul3A_886 = arith.mulf %get3A_885, %bitcast3A_880 : vector<16xf32>
        %add3A_887 = arith.constant 1 : i32
        %add3A_888 = arith.addi %add3A_786, %add3A_887 : i32
        %swap3A_889 = arith.index_cast %add3A_888 : i32 to index
        %swap3A_890 = arith.constant 0 : index
        %swap3A_891 = tpu.vector_load %arg6[%swap3A_889, %swap3A_890] {strides = array<i32>} : memref<128x128xf32, #tpu.memory_space<vmem>>, vector<16xf32>,
        tpu.vector_store %arg6[%swap3A_889, %swap3A_890], %mul3A_886 {strides = array<i32>} : memref<128x128xf32, #tpu.memory_space<vmem>>, vector<16xf32>,
        %add3A_892 = arith.constant 1 : i32
        %add3A_893 = arith.addi %add3A_786, %add3A_892 : i32
        %get3A_894 = arith.index_cast %add3A_893 : i32 to index
        %get3A_895 = arith.constant 16 : index
        %get3A_896 = tpu.vector_load %arg6[%get3A_894, %get3A_895] {strides = array<i32>} : memref<128x128xf32, #tpu.memory_space<vmem>>, vector<16xf32>,
        %mul3A_897 = arith.mulf %get3A_896, %bitcast3A_880 : vector<16xf32>
        %add3A_898 = arith.constant 1 : i32
        %add3A_899 = arith.addi %add3A_786, %add3A_898 : i32
        %swap3A_900 = arith.index_cast %add3A_899 : i32 to index
        %swap3A_901 = arith.constant 16 : index
        %swap3A_902 = tpu.vector_load %arg6[%swap3A_900, %swap3A_901] {strides = array<i32>} : memref<128x128xf32, #tpu.memory_space<vmem>>, vector<16xf32>,
        tpu.vector_store %arg6[%swap3A_900, %swap3A_901], %mul3A_897 {strides = array<i32>} : memref<128x128xf32, #tpu.memory_space<vmem>>, vector<16xf32>,
        %add3A_903 = arith.constant 1 : i32
        %add3A_904 = arith.addi %add3A_786, %add3A_903 : i32
        %get3A_905 = arith.index_cast %add3A_904 : i32 to index
        %get3A_906 = arith.constant 32 : index
        %get3A_907 = tpu.vector_load %arg6[%get3A_905, %get3A_906] {strides = array<i32>} : memref<128x128xf32, #tpu.memory_space<vmem>>, vector<16xf32>,
        %mul3A_908 = arith.mulf %get3A_907, %bitcast3A_880 : vector<16xf32>
        %add3A_909 = arith.constant 1 : i32
        %add3A_910 = arith.addi %add3A_786, %add3A_909 : i32
        %swap3A_911 = arith.index_cast %add3A_910 : i32 to index
        %swap3A_912 = arith.constant 32 : index
        %swap3A_913 = tpu.vector_load %arg6[%swap3A_911, %swap3A_912] {strides = array<i32>} : memref<128x128xf32, #tpu.memory_space<vmem>>, vector<16xf32>,
        tpu.vector_store %arg6[%swap3A_911, %swap3A_912], %mul3A_908 {strides = array<i32>} : memref<128x128xf32, #tpu.memory_space<vmem>>, vector<16xf32>,
        %add3A_914 = arith.constant 1 : i32
        %add3A_915 = arith.addi %add3A_786, %add3A_914 : i32
        %get3A_916 = arith.index_cast %add3A_915 : i32 to index
        %get3A_917 = arith.constant 48 : index
        %get3A_918 = tpu.vector_load %arg6[%get3A_916, %get3A_917] {strides = array<i32>} : memref<128x128xf32, #tpu.memory_space<vmem>>, vector<16xf32>,
        %mul3A_919 = arith.mulf %get3A_918, %bitcast3A_880 : vector<16xf32>
        %add3A_920 = arith.constant 1 : i32
        %add3A_921 = arith.addi %add3A_786, %add3A_920 : i32
        %swap3A_922 = arith.index_cast %add3A_921 : i32 to index
        %swap3A_923 = arith.constant 48 : index
        %swap3A_924 = tpu.vector_load %arg6[%swap3A_922, %swap3A_923] {strides = array<i32>} : memref<128x128xf32, #tpu.memory_space<vmem>>, vector<16xf32>,
        tpu.vector_store %arg6[%swap3A_922, %swap3A_923], %mul3A_919 {strides = array<i32>} : memref<128x128xf32, #tpu.memory_space<vmem>>, vector<16xf32>,
        %add3A_925 = arith.constant 1 : i32
        %add3A_926 = arith.addi %add3A_786, %add3A_925 : i32
        %get3A_927 = arith.index_cast %add3A_926 : i32 to index
        %get3A_928 = arith.constant 64 : index
        %get3A_929 = tpu.vector_load %arg6[%get3A_927, %get3A_928] {strides = array<i32>} : memref<128x128xf32, #tpu.memory_space<vmem>>, vector<16xf32>,
        %mul3A_930 = arith.mulf %get3A_929, %bitcast3A_880 : vector<16xf32>
        %add3A_931 = arith.constant 1 : i32
        %add3A_932 = arith.addi %add3A_786, %add3A_931 : i32
        %swap3A_933 = arith.index_cast %add3A_932 : i32 to index
        %swap3A_934 = arith.constant 64 : index
        %swap3A_935 = tpu.vector_load %arg6[%swap3A_933, %swap3A_934] {strides = array<i32>} : memref<128x128xf32, #tpu.memory_space<vmem>>, vector<16xf32>,
        tpu.vector_store %arg6[%swap3A_933, %swap3A_934], %mul3A_930 {strides = array<i32>} : memref<128x128xf32, #tpu.memory_space<vmem>>, vector<16xf32>,
        %add3A_936 = arith.constant 1 : i32
        %add3A_937 = arith.addi %add3A_786, %add3A_936 : i32
        %get3A_938 = arith.index_cast %add3A_937 : i32 to index
        %get3A_939 = arith.constant 80 : index
        %get3A_940 = tpu.vector_load %arg6[%get3A_938, %get3A_939] {strides = array<i32>} : memref<128x128xf32, #tpu.memory_space<vmem>>, vector<16xf32>,
        %mul3A_941 = arith.mulf %get3A_940, %bitcast3A_880 : vector<16xf32>
        %add3A_942 = arith.constant 1 : i32
        %add3A_943 = arith.addi %add3A_786, %add3A_942 : i32
        %swap3A_944 = arith.index_cast %add3A_943 : i32 to index
        %swap3A_945 = arith.constant 80 : index
        %swap3A_946 = tpu.vector_load %arg6[%swap3A_944, %swap3A_945] {strides = array<i32>} : memref<128x128xf32, #tpu.memory_space<vmem>>, vector<16xf32>,
        tpu.vector_store %arg6[%swap3A_944, %swap3A_945], %mul3A_941 {strides = array<i32>} : memref<128x128xf32, #tpu.memory_space<vmem>>, vector<16xf32>,
        %add3A_947 = arith.constant 1 : i32
        %add3A_948 = arith.addi %add3A_786, %add3A_947 : i32
        %get3A_949 = arith.index_cast %add3A_948 : i32 to index
        %get3A_950 = arith.constant 96 : index
        %get3A_951 = tpu.vector_load %arg6[%get3A_949, %get3A_950] {strides = array<i32>} : memref<128x128xf32, #tpu.memory_space<vmem>>, vector<16xf32>,
        %mul3A_952 = arith.mulf %get3A_951, %bitcast3A_880 : vector<16xf32>
        %add3A_953 = arith.constant 1 : i32
        %add3A_954 = arith.addi %add3A_786, %add3A_953 : i32
        %swap3A_955 = arith.index_cast %add3A_954 : i32 to index
        %swap3A_956 = arith.constant 96 : index
        %swap3A_957 = tpu.vector_load %arg6[%swap3A_955, %swap3A_956] {strides = array<i32>} : memref<128x128xf32, #tpu.memory_space<vmem>>, vector<16xf32>,
        tpu.vector_store %arg6[%swap3A_955, %swap3A_956], %mul3A_952 {strides = array<i32>} : memref<128x128xf32, #tpu.memory_space<vmem>>, vector<16xf32>,
        %add3A_958 = arith.constant 1 : i32
        %add3A_959 = arith.addi %add3A_786, %add3A_958 : i32
        %get3A_960 = arith.index_cast %add3A_959 : i32 to index
        %get3A_961 = arith.constant 112 : index
        %get3A_962 = tpu.vector_load %arg6[%get3A_960, %get3A_961] {strides = array<i32>} : memref<128x128xf32, #tpu.memory_space<vmem>>, vector<16xf32>,
        %mul3A_963 = arith.mulf %get3A_962, %bitcast3A_880 : vector<16xf32>
        %add3A_964 = arith.constant 1 : i32
        %add3A_965 = arith.addi %add3A_786, %add3A_964 : i32
        %swap3A_966 = arith.index_cast %add3A_965 : i32 to index
        %swap3A_967 = arith.constant 112 : index
        %swap3A_968 = tpu.vector_load %arg6[%swap3A_966, %swap3A_967] {strides = array<i32>} : memref<128x128xf32, #tpu.memory_space<vmem>>, vector<16xf32>,
        tpu.vector_store %arg6[%swap3A_966, %swap3A_967], %mul3A_963 {strides = array<i32>} : memref<128x128xf32, #tpu.memory_space<vmem>>, vector<16xf32>,
        %add3A_969 = arith.constant 2 : i32
        %add3A_970 = arith.addi %add3A_786, %add3A_969 : i32
        %broadcast_in_dim3A_971 = vector.broadcast %add3A_970 : i32 to vector<16xi32>
        %gather3A_972 = tpu.vector_load_idx %arg5[%broadcast_in_dim3A_685, %broadcast_in_dim3A_687, %broadcast_in_dim3A_971] : memref<4x8x128xi32, #tpu.memory_space<vmem>>[vector<16xi32>, vector<16xi32>, vector<16xi32>], vector<16xi32>,
        %bitcast3A_973 = vector.bitcast %gather3A_972 : vector<16xi32> to vector<16xf32>
        %add3A_974 = arith.constant 2 : i32
        %add3A_975 = arith.addi %add3A_786, %add3A_974 : i32
        %get3A_976 = arith.index_cast %add3A_975 : i32 to index
        %get3A_977 = arith.constant 0 : index
        %get3A_978 = tpu.vector_load %arg6[%get3A_976, %get3A_977] {strides = array<i32>} : memref<128x128xf32, #tpu.memory_space<vmem>>, vector<16xf32>,
        %mul3A_979 = arith.mulf %get3A_978, %bitcast3A_973 : vector<16xf32>
        %add3A_980 = arith.constant 2 : i32
        %add3A_981 = arith.addi %add3A_786, %add3A_980 : i32
        %swap3A_982 = arith.index_cast %add3A_981 : i32 to index
        %swap3A_983 = arith.constant 0 : index
        %swap3A_984 = tpu.vector_load %arg6[%swap3A_982, %swap3A_983] {strides = array<i32>} : memref<128x128xf32, #tpu.memory_space<vmem>>, vector<16xf32>,
        tpu.vector_store %arg6[%swap3A_982, %swap3A_983], %mul3A_979 {strides = array<i32>} : memref<128x128xf32, #tpu.memory_space<vmem>>, vector<16xf32>,
        %add3A_985 = arith.constant 2 : i32
        %add3A_986 = arith.addi %add3A_786, %add3A_985 : i32
        %get3A_987 = arith.index_cast %add3A_986 : i32 to index
        %get3A_988 = arith.constant 16 : index
        %get3A_989 = tpu.vector_load %arg6[%get3A_987, %get3A_988] {strides = array<i32>} : memref<128x128xf32, #tpu.memory_space<vmem>>, vector<16xf32>,
        %mul3A_990 = arith.mulf %get3A_989, %bitcast3A_973 : vector<16xf32>
        %add3A_991 = arith.constant 2 : i32
        %add3A_992 = arith.addi %add3A_786, %add3A_991 : i32
        %swap3A_993 = arith.index_cast %add3A_992 : i32 to index
        %swap3A_994 = arith.constant 16 : index
        %swap3A_995 = tpu.vector_load %arg6[%swap3A_993, %swap3A_994] {strides = array<i32>} : memref<128x128xf32, #tpu.memory_space<vmem>>, vector<16xf32>,
        tpu.vector_store %arg6[%swap3A_993, %swap3A_994], %mul3A_990 {strides = array<i32>} : memref<128x128xf32, #tpu.memory_space<vmem>>, vector<16xf32>,
        %add3A_996 = arith.constant 2 : i32
        %add3A_997 = arith.addi %add3A_786, %add3A_996 : i32
        %get3A_998 = arith.index_cast %add3A_997 : i32 to index
        %get3A_999 = arith.constant 32 : index
        %get3A_1000 = tpu.vector_load %arg6[%get3A_998, %get3A_999] {strides = array<i32>} : memref<128x128xf32, #tpu.memory_space<vmem>>, vector<16xf32>,
        %mul3A_1001 = arith.mulf %get3A_1000, %bitcast3A_973 : vector<16xf32>
        %add3A_1002 = arith.constant 2 : i32
        %add3A_1003 = arith.addi %add3A_786, %add3A_1002 : i32
        %swap3A_1004 = arith.index_cast %add3A_1003 : i32 to index
        %swap3A_1005 = arith.constant 32 : index
        %swap3A_1006 = tpu.vector_load %arg6[%swap3A_1004, %swap3A_1005] {strides = array<i32>} : memref<128x128xf32, #tpu.memory_space<vmem>>, vector<16xf32>,
        tpu.vector_store %arg6[%swap3A_1004, %swap3A_1005], %mul3A_1001 {strides = array<i32>} : memref<128x128xf32, #tpu.memory_space<vmem>>, vector<16xf32>,
        %add3A_1007 = arith.constant 2 : i32
        %add3A_1008 = arith.addi %add3A_786, %add3A_1007 : i32
        %get3A_1009 = arith.index_cast %add3A_1008 : i32 to index
        %get3A_1010 = arith.constant 48 : index
        %get3A_1011 = tpu.vector_load %arg6[%get3A_1009, %get3A_1010] {strides = array<i32>} : memref<128x128xf32, #tpu.memory_space<vmem>>, vector<16xf32>,
        %mul3A_1012 = arith.mulf %get3A_1011, %bitcast3A_973 : vector<16xf32>
        %add3A_1013 = arith.constant 2 : i32
        %add3A_1014 = arith.addi %add3A_786, %add3A_1013 : i32
        %swap3A_1015 = arith.index_cast %add3A_1014 : i32 to index
        %swap3A_1016 = arith.constant 48 : index
        %swap3A_1017 = tpu.vector_load %arg6[%swap3A_1015, %swap3A_1016] {strides = array<i32>} : memref<128x128xf32, #tpu.memory_space<vmem>>, vector<16xf32>,
        tpu.vector_store %arg6[%swap3A_1015, %swap3A_1016], %mul3A_1012 {strides = array<i32>} : memref<128x128xf32, #tpu.memory_space<vmem>>, vector<16xf32>,
        %add3A_1018 = arith.constant 2 : i32
        %add3A_1019 = arith.addi %add3A_786, %add3A_1018 : i32
        %get3A_1020 = arith.index_cast %add3A_1019 : i32 to index
        %get3A_1021 = arith.constant 64 : index
        %get3A_1022 = tpu.vector_load %arg6[%get3A_1020, %get3A_1021] {strides = array<i32>} : memref<128x128xf32, #tpu.memory_space<vmem>>, vector<16xf32>,
        %mul3A_1023 = arith.mulf %get3A_1022, %bitcast3A_973 : vector<16xf32>
        %add3A_1024 = arith.constant 2 : i32
        %add3A_1025 = arith.addi %add3A_786, %add3A_1024 : i32
        %swap3A_1026 = arith.index_cast %add3A_1025 : i32 to index
        %swap3A_1027 = arith.constant 64 : index
        %swap3A_1028 = tpu.vector_load %arg6[%swap3A_1026, %swap3A_1027] {strides = array<i32>} : memref<128x128xf32, #tpu.memory_space<vmem>>, vector<16xf32>,
        tpu.vector_store %arg6[%swap3A_1026, %swap3A_1027], %mul3A_1023 {strides = array<i32>} : memref<128x128xf32, #tpu.memory_space<vmem>>, vector<16xf32>,
        %add3A_1029 = arith.constant 2 : i32
        %add3A_1030 = arith.addi %add3A_786, %add3A_1029 : i32
        %get3A_1031 = arith.index_cast %add3A_1030 : i32 to index
        %get3A_1032 = arith.constant 80 : index
        %get3A_1033 = tpu.vector_load %arg6[%get3A_1031, %get3A_1032] {strides = array<i32>} : memref<128x128xf32, #tpu.memory_space<vmem>>, vector<16xf32>,
        %mul3A_1034 = arith.mulf %get3A_1033, %bitcast3A_973 : vector<16xf32>
        %add3A_1035 = arith.constant 2 : i32
        %add3A_1036 = arith.addi %add3A_786, %add3A_1035 : i32
        %swap3A_1037 = arith.index_cast %add3A_1036 : i32 to index
        %swap3A_1038 = arith.constant 80 : index
        %swap3A_1039 = tpu.vector_load %arg6[%swap3A_1037, %swap3A_1038] {strides = array<i32>} : memref<128x128xf32, #tpu.memory_space<vmem>>, vector<16xf32>,
        tpu.vector_store %arg6[%swap3A_1037, %swap3A_1038], %mul3A_1034 {strides = array<i32>} : memref<128x128xf32, #tpu.memory_space<vmem>>, vector<16xf32>,
        %add3A_1040 = arith.constant 2 : i32
        %add3A_1041 = arith.addi %add3A_786, %add3A_1040 : i32
        %get3A_1042 = arith.index_cast %add3A_1041 : i32 to index
        %get3A_1043 = arith.constant 96 : index
        %get3A_1044 = tpu.vector_load %arg6[%get3A_1042, %get3A_1043] {strides = array<i32>} : memref<128x128xf32, #tpu.memory_space<vmem>>, vector<16xf32>,
        %mul3A_1045 = arith.mulf %get3A_1044, %bitcast3A_973 : vector<16xf32>
        %add3A_1046 = arith.constant 2 : i32
        %add3A_1047 = arith.addi %add3A_786, %add3A_1046 : i32
        %swap3A_1048 = arith.index_cast %add3A_1047 : i32 to index
        %swap3A_1049 = arith.constant 96 : index
        %swap3A_1050 = tpu.vector_load %arg6[%swap3A_1048, %swap3A_1049] {strides = array<i32>} : memref<128x128xf32, #tpu.memory_space<vmem>>, vector<16xf32>,
        tpu.vector_store %arg6[%swap3A_1048, %swap3A_1049], %mul3A_1045 {strides = array<i32>} : memref<128x128xf32, #tpu.memory_space<vmem>>, vector<16xf32>,
        %add3A_1051 = arith.constant 2 : i32
        %add3A_1052 = arith.addi %add3A_786, %add3A_1051 : i32
        %get3A_1053 = arith.index_cast %add3A_1052 : i32 to index
        %get3A_1054 = arith.constant 112 : index
        %get3A_1055 = tpu.vector_load %arg6[%get3A_1053, %get3A_1054] {strides = array<i32>} : memref<128x128xf32, #tpu.memory_space<vmem>>, vector<16xf32>,
        %mul3A_1056 = arith.mulf %get3A_1055, %bitcast3A_973 : vector<16xf32>
        %add3A_1057 = arith.constant 2 : i32
        %add3A_1058 = arith.addi %add3A_786, %add3A_1057 : i32
        %swap3A_1059 = arith.index_cast %add3A_1058 : i32 to index
        %swap3A_1060 = arith.constant 112 : index
        %swap3A_1061 = tpu.vector_load %arg6[%swap3A_1059, %swap3A_1060] {strides = array<i32>} : memref<128x128xf32, #tpu.memory_space<vmem>>, vector<16xf32>,
        tpu.vector_store %arg6[%swap3A_1059, %swap3A_1060], %mul3A_1056 {strides = array<i32>} : memref<128x128xf32, #tpu.memory_space<vmem>>, vector<16xf32>,
        %add3A_1062 = arith.constant 3 : i32
        %add3A_1063 = arith.addi %add3A_786, %add3A_1062 : i32
        %broadcast_in_dim3A_1064 = vector.broadcast %add3A_1063 : i32 to vector<16xi32>
        %gather3A_1065 = tpu.vector_load_idx %arg5[%broadcast_in_dim3A_685, %broadcast_in_dim3A_687, %broadcast_in_dim3A_1064] : memref<4x8x128xi32, #tpu.memory_space<vmem>>[vector<16xi32>, vector<16xi32>, vector<16xi32>], vector<16xi32>,
        %bitcast3A_1066 = vector.bitcast %gather3A_1065 : vector<16xi32> to vector<16xf32>
        %add3A_1067 = arith.constant 3 : i32
        %add3A_1068 = arith.addi %add3A_786, %add3A_1067 : i32
        %get3A_1069 = arith.index_cast %add3A_1068 : i32 to index
        %get3A_1070 = arith.constant 0 : index
        %get3A_1071 = tpu.vector_load %arg6[%get3A_1069, %get3A_1070] {strides = array<i32>} : memref<128x128xf32, #tpu.memory_space<vmem>>, vector<16xf32>,
        %mul3A_1072 = arith.mulf %get3A_1071, %bitcast3A_1066 : vector<16xf32>
        %add3A_1073 = arith.constant 3 : i32
        %add3A_1074 = arith.addi %add3A_786, %add3A_1073 : i32
        %swap3A_1075 = arith.index_cast %add3A_1074 : i32 to index
        %swap3A_1076 = arith.constant 0 : index
        %swap3A_1077 = tpu.vector_load %arg6[%swap3A_1075, %swap3A_1076] {strides = array<i32>} : memref<128x128xf32, #tpu.memory_space<vmem>>, vector<16xf32>,
        tpu.vector_store %arg6[%swap3A_1075, %swap3A_1076], %mul3A_1072 {strides = array<i32>} : memref<128x128xf32, #tpu.memory_space<vmem>>, vector<16xf32>,
        %add3A_1078 = arith.constant 3 : i32
        %add3A_1079 = arith.addi %add3A_786, %add3A_1078 : i32
        %get3A_1080 = arith.index_cast %add3A_1079 : i32 to index
        %get3A_1081 = arith.constant 16 : index
        %get3A_1082 = tpu.vector_load %arg6[%get3A_1080, %get3A_1081] {strides = array<i32>} : memref<128x128xf32, #tpu.memory_space<vmem>>, vector<16xf32>,
        %mul3A_1083 = arith.mulf %get3A_1082, %bitcast3A_1066 : vector<16xf32>
        %add3A_1084 = arith.constant 3 : i32
        %add3A_1085 = arith.addi %add3A_786, %add3A_1084 : i32
        %swap3A_1086 = arith.index_cast %add3A_1085 : i32 to index
        %swap3A_1087 = arith.constant 16 : index
        %swap3A_1088 = tpu.vector_load %arg6[%swap3A_1086, %swap3A_1087] {strides = array<i32>} : memref<128x128xf32, #tpu.memory_space<vmem>>, vector<16xf32>,
        tpu.vector_store %arg6[%swap3A_1086, %swap3A_1087], %mul3A_1083 {strides = array<i32>} : memref<128x128xf32, #tpu.memory_space<vmem>>, vector<16xf32>,
        %add3A_1089 = arith.constant 3 : i32
        %add3A_1090 = arith.addi %add3A_786, %add3A_1089 : i32
        %get3A_1091 = arith.index_cast %add3A_1090 : i32 to index
        %get3A_1092 = arith.constant 32 : index
        %get3A_1093 = tpu.vector_load %arg6[%get3A_1091, %get3A_1092] {strides = array<i32>} : memref<128x128xf32, #tpu.memory_space<vmem>>, vector<16xf32>,
        %mul3A_1094 = arith.mulf %get3A_1093, %bitcast3A_1066 : vector<16xf32>
        %add3A_1095 = arith.constant 3 : i32
        %add3A_1096 = arith.addi %add3A_786, %add3A_1095 : i32
        %swap3A_1097 = arith.index_cast %add3A_1096 : i32 to index
        %swap3A_1098 = arith.constant 32 : index
        %swap3A_1099 = tpu.vector_load %arg6[%swap3A_1097, %swap3A_1098] {strides = array<i32>} : memref<128x128xf32, #tpu.memory_space<vmem>>, vector<16xf32>,
        tpu.vector_store %arg6[%swap3A_1097, %swap3A_1098], %mul3A_1094 {strides = array<i32>} : memref<128x128xf32, #tpu.memory_space<vmem>>, vector<16xf32>,
        %add3A_1100 = arith.constant 3 : i32
        %add3A_1101 = arith.addi %add3A_786, %add3A_1100 : i32
        %get3A_1102 = arith.index_cast %add3A_1101 : i32 to index
        %get3A_1103 = arith.constant 48 : index
        %get3A_1104 = tpu.vector_load %arg6[%get3A_1102, %get3A_1103] {strides = array<i32>} : memref<128x128xf32, #tpu.memory_space<vmem>>, vector<16xf32>,
        %mul3A_1105 = arith.mulf %get3A_1104, %bitcast3A_1066 : vector<16xf32>
        %add3A_1106 = arith.constant 3 : i32
        %add3A_1107 = arith.addi %add3A_786, %add3A_1106 : i32
        %swap3A_1108 = arith.index_cast %add3A_1107 : i32 to index
        %swap3A_1109 = arith.constant 48 : index
        %swap3A_1110 = tpu.vector_load %arg6[%swap3A_1108, %swap3A_1109] {strides = array<i32>} : memref<128x128xf32, #tpu.memory_space<vmem>>, vector<16xf32>,
        tpu.vector_store %arg6[%swap3A_1108, %swap3A_1109], %mul3A_1105 {strides = array<i32>} : memref<128x128xf32, #tpu.memory_space<vmem>>, vector<16xf32>,
        %add3A_1111 = arith.constant 3 : i32
        %add3A_1112 = arith.addi %add3A_786, %add3A_1111 : i32
        %get3A_1113 = arith.index_cast %add3A_1112 : i32 to index
        %get3A_1114 = arith.constant 64 : index
        %get3A_1115 = tpu.vector_load %arg6[%get3A_1113, %get3A_1114] {strides = array<i32>} : memref<128x128xf32, #tpu.memory_space<vmem>>, vector<16xf32>,
        %mul3A_1116 = arith.mulf %get3A_1115, %bitcast3A_1066 : vector<16xf32>
        %add3A_1117 = arith.constant 3 : i32
        %add3A_1118 = arith.addi %add3A_786, %add3A_1117 : i32
        %swap3A_1119 = arith.index_cast %add3A_1118 : i32 to index
        %swap3A_1120 = arith.constant 64 : index
        %swap3A_1121 = tpu.vector_load %arg6[%swap3A_1119, %swap3A_1120] {strides = array<i32>} : memref<128x128xf32, #tpu.memory_space<vmem>>, vector<16xf32>,
        tpu.vector_store %arg6[%swap3A_1119, %swap3A_1120], %mul3A_1116 {strides = array<i32>} : memref<128x128xf32, #tpu.memory_space<vmem>>, vector<16xf32>,
        %add3A_1122 = arith.constant 3 : i32
        %add3A_1123 = arith.addi %add3A_786, %add3A_1122 : i32
        %get3A_1124 = arith.index_cast %add3A_1123 : i32 to index
        %get3A_1125 = arith.constant 80 : index
        %get3A_1126 = tpu.vector_load %arg6[%get3A_1124, %get3A_1125] {strides = array<i32>} : memref<128x128xf32, #tpu.memory_space<vmem>>, vector<16xf32>,
        %mul3A_1127 = arith.mulf %get3A_1126, %bitcast3A_1066 : vector<16xf32>
        %add3A_1128 = arith.constant 3 : i32
        %add3A_1129 = arith.addi %add3A_786, %add3A_1128 : i32
        %swap3A_1130 = arith.index_cast %add3A_1129 : i32 to index
        %swap3A_1131 = arith.constant 80 : index
        %swap3A_1132 = tpu.vector_load %arg6[%swap3A_1130, %swap3A_1131] {strides = array<i32>} : memref<128x128xf32, #tpu.memory_space<vmem>>, vector<16xf32>,
        tpu.vector_store %arg6[%swap3A_1130, %swap3A_1131], %mul3A_1127 {strides = array<i32>} : memref<128x128xf32, #tpu.memory_space<vmem>>, vector<16xf32>,
        %add3A_1133 = arith.constant 3 : i32
        %add3A_1134 = arith.addi %add3A_786, %add3A_1133 : i32
        %get3A_1135 = arith.index_cast %add3A_1134 : i32 to index
        %get3A_1136 = arith.constant 96 : index
        %get3A_1137 = tpu.vector_load %arg6[%get3A_1135, %get3A_1136] {strides = array<i32>} : memref<128x128xf32, #tpu.memory_space<vmem>>, vector<16xf32>,
        %mul3A_1138 = arith.mulf %get3A_1137, %bitcast3A_1066 : vector<16xf32>
        %add3A_1139 = arith.constant 3 : i32
        %add3A_1140 = arith.addi %add3A_786, %add3A_1139 : i32
        %swap3A_1141 = arith.index_cast %add3A_1140 : i32 to index
        %swap3A_1142 = arith.constant 96 : index
        %swap3A_1143 = tpu.vector_load %arg6[%swap3A_1141, %swap3A_1142] {strides = array<i32>} : memref<128x128xf32, #tpu.memory_space<vmem>>, vector<16xf32>,
        tpu.vector_store %arg6[%swap3A_1141, %swap3A_1142], %mul3A_1138 {strides = array<i32>} : memref<128x128xf32, #tpu.memory_space<vmem>>, vector<16xf32>,
        %add3A_1144 = arith.constant 3 : i32
        %add3A_1145 = arith.addi %add3A_786, %add3A_1144 : i32
        %get3A_1146 = arith.index_cast %add3A_1145 : i32 to index
        %get3A_1147 = arith.constant 112 : index
        %get3A_1148 = tpu.vector_load %arg6[%get3A_1146, %get3A_1147] {strides = array<i32>} : memref<128x128xf32, #tpu.memory_space<vmem>>, vector<16xf32>,
        %mul3A_1149 = arith.mulf %get3A_1148, %bitcast3A_1066 : vector<16xf32>
        %add3A_1150 = arith.constant 3 : i32
        %add3A_1151 = arith.addi %add3A_786, %add3A_1150 : i32
        %swap3A_1152 = arith.index_cast %add3A_1151 : i32 to index
        %swap3A_1153 = arith.constant 112 : index
        %swap3A_1154 = tpu.vector_load %arg6[%swap3A_1152, %swap3A_1153] {strides = array<i32>} : memref<128x128xf32, #tpu.memory_space<vmem>>, vector<16xf32>,
        tpu.vector_store %arg6[%swap3A_1152, %swap3A_1153], %mul3A_1149 {strides = array<i32>} : memref<128x128xf32, #tpu.memory_space<vmem>>, vector<16xf32>,
      }
      %scan3A_692 = arith.constant 32 : i32
      %dma_start3A_693 = arith.constant 2 : i32
      %dma_start3A_694 = arith.constant 1 : i32
      %dma_start3A_695 = arith.constant 0 : i32
      %dma_start3A_696 = tpu.memref_slice %arg5[%dma_start3A_693, %dma_start3A_694, %dma_start3A_695] : memref<4x8x128xi32, #tpu.memory_space<vmem>> -> memref<1x1x128xi32, #tpu.memory_space<vmem>>
      %dma_start3A_697 = tpu.memref_squeeze %dma_start3A_696 : memref<1x1x128xi32, #tpu.memory_space<vmem>> -> memref<128xi32, #tpu.memory_space<vmem>>
      %dma_start3A_698 = arith.constant 0 : i32
      %dma_start3A_699 = arith.constant 0 : i32
      %dma_start3A_700 = tpu.memref_slice %arg8[%dma_start3A_698, %dma_start3A_699] : memref<10000x128xf32, #tpu.memory_space<vmem_shared>> -> memref<10000x128xf32, #tpu.memory_space<vmem_shared>>
      tpu.enqueue_indirect_dma source(%arg6 : memref<128x128xf32, #tpu.memory_space<vmem>>) target(%dma_start3A_700 : memref<10000x128xf32, #tpu.memory_space<vmem_shared>>) offsets(%dma_start3A_697 : memref<128xi32, #tpu.memory_space<vmem>>) semaphore(%arg15 : memref<!tpu.dma_semaphore, #tpu.memory_space<semaphore_mem>>) {add = true}
      %add3A_701 = arith.constant 3 : i32
      %add3A_702 = arith.addi %add3A_461, %add3A_701 : i32
      %dma_wait3A_703 = arith.constant 3 : i32
      %dma_wait3A_704 = arith.constant 0 : i32
      %dma_wait3A_705 = arith.constant 0 : i32
      %dma_wait3A_706 = tpu.memref_slice %arg5[%dma_wait3A_703, %dma_wait3A_704, %dma_wait3A_705] : memref<4x8x128xi32, #tpu.memory_space<vmem>> -> memref<1x1x128xi32, #tpu.memory_space<vmem>>
      %dma_wait3A_707 = tpu.memref_squeeze %dma_wait3A_706 : memref<1x1x128xi32, #tpu.memory_space<vmem>> -> memref<128xi32, #tpu.memory_space<vmem>>
      %dma_wait3A_708 = arith.constant 0 : i32
      %dma_wait3A_709 = arith.constant 0 : i32
      %dma_wait3A_710 = tpu.memref_slice %arg2[%dma_wait3A_708, %dma_wait3A_709] : memref<10000x128xf32, #tpu.memory_space<hbm>> -> memref<10000x128xf32, #tpu.memory_space<hbm>>
      tpu.wait_indirect_dma semaphore(%arg14 : memref<!tpu.dma_semaphore, #tpu.memory_space<semaphore_mem>>) src(%dma_wait3A_710 : memref<10000x128xf32, #tpu.memory_space<hbm>>) dst(%arg7 : memref<128x128xf32, #tpu.memory_space<vmem>>)
      %dma_wait3A_711 = arith.constant 2 : i32
      %dma_wait3A_712 = arith.constant 1 : i32
      %dma_wait3A_713 = arith.constant 0 : i32
      %dma_wait3A_714 = tpu.memref_slice %arg5[%dma_wait3A_711, %dma_wait3A_712, %dma_wait3A_713] : memref<4x8x128xi32, #tpu.memory_space<vmem>> -> memref<1x1x128xi32, #tpu.memory_space<vmem>>
      %dma_wait3A_715 = tpu.memref_squeeze %dma_wait3A_714 : memref<1x1x128xi32, #tpu.memory_space<vmem>> -> memref<128xi32, #tpu.memory_space<vmem>>
      %dma_wait3A_716 = arith.constant 0 : i32
      %dma_wait3A_717 = arith.constant 0 : i32
      %dma_wait3A_718 = tpu.memref_slice %arg8[%dma_wait3A_716, %dma_wait3A_717] : memref<10000x128xf32, #tpu.memory_space<vmem_shared>> -> memref<10000x128xf32, #tpu.memory_space<vmem_shared>>
      tpu.wait_indirect_dma semaphore(%arg15 : memref<!tpu.dma_semaphore, #tpu.memory_space<semaphore_mem>>) src(%arg6 : memref<128x128xf32, #tpu.memory_space<vmem>>) dst(%dma_wait3A_718 : memref<10000x128xf32, #tpu.memory_space<vmem_shared>>)
      %add3A_719 = arith.constant 1 : i32
      %add3A_720 = arith.addi %add3A_702, %add3A_719 : i32
      %dma_wait3A_721 = arith.constant 0 : i32
      %dma_wait3A_722 = arith.constant 0 : i32
      %dma_wait3A_723 = arith.constant 0 : i32
      %dma_wait3A_724 = tpu.memref_slice %arg5[%dma_wait3A_721, %dma_wait3A_722, %dma_wait3A_723] : memref<4x8x128xi32, #tpu.memory_space<vmem>> -> memref<1x8x128xi32, #tpu.memory_space<vmem>>
      %dma_wait3A_725 = tpu.memref_squeeze %dma_wait3A_724 : memref<1x8x128xi32, #tpu.memory_space<vmem>> -> memref<8x128xi32, #tpu.memory_space<vmem>>
      %dma_wait3A_726 = arith.constant 0 : i32
      %dma_wait3A_727 = arith.constant 0 : i32
      %dma_wait3A_728 = tpu.memref_slice %arg3[%add3A, %add3A_720, %dma_wait3A_726, %dma_wait3A_727] : memref<32x80x8x128xi32, #tpu.memory_space<hbm>> -> memref<1x1x8x128xi32, #tpu.memory_space<hbm>>
      %dma_wait3A_729 = tpu.memref_squeeze %dma_wait3A_728 : memref<1x1x8x128xi32, #tpu.memory_space<hbm>> -> memref<8x128xi32, #tpu.memory_space<hbm>>
      %dma_wait3A_730 = arith.constant 0 : i32
      %dma_wait3A_731 = arith.constant 0 : i32
      %dma_wait3A_732 = tpu.memref_slice %arg5[%dma_wait3A_721, %dma_wait3A_730, %dma_wait3A_731] : memref<4x8x128xi32, #tpu.memory_space<vmem>> -> memref<1x8x128xi32, #tpu.memory_space<vmem>>
      %dma_wait3A_733 = tpu.memref_squeeze %dma_wait3A_732 : memref<1x8x128xi32, #tpu.memory_space<vmem>> -> memref<8x128xi32, #tpu.memory_space<vmem>>
      %dma_wait3A_734 = arith.constant 0 : i32
      %dma_wait3A_735 = arith.constant 0 : i32
      %dma_wait3A_736 = tpu.memref_slice %arg3[%add3A, %add3A_720, %dma_wait3A_734, %dma_wait3A_735] : memref<32x80x8x128xi32, #tpu.memory_space<hbm>> -> memref<1x1x8x128xi32, #tpu.memory_space<hbm>>
      %dma_wait3A_737 = tpu.memref_squeeze %dma_wait3A_736 : memref<1x1x8x128xi32, #tpu.memory_space<hbm>> -> memref<8x128xi32, #tpu.memory_space<hbm>>
      tpu.wait_dma2 semaphore(%arg9 : memref<!tpu.dma_semaphore, #tpu.memory_space<semaphore_mem>>) src(%dma_wait3A_737 : memref<8x128xi32, #tpu.memory_space<hbm>>) dst(%dma_wait3A_733 : memref<8x128xi32, #tpu.memory_space<vmem>>)
      %dma_start3A_738 = arith.constant 0 : i32
      %dma_start3A_739 = arith.constant 0 : i32
      %dma_start3A_740 = arith.constant 0 : i32
      %dma_start3A_741 = tpu.memref_slice %arg5[%dma_start3A_738, %dma_start3A_739, %dma_start3A_740] : memref<4x8x128xi32, #tpu.memory_space<vmem>> -> memref<1x1x128xi32, #tpu.memory_space<vmem>>
      %dma_start3A_742 = tpu.memref_squeeze %dma_start3A_741 : memref<1x1x128xi32, #tpu.memory_space<vmem>> -> memref<128xi32, #tpu.memory_space<vmem>>
      %dma_start3A_743 = arith.constant 0 : i32
      %dma_start3A_744 = arith.constant 0 : i32
      %dma_start3A_745 = tpu.memref_slice %arg2[%dma_start3A_743, %dma_start3A_744] : memref<10000x128xf32, #tpu.memory_space<hbm>> -> memref<10000x128xf32, #tpu.memory_space<hbm>>
      tpu.enqueue_indirect_dma source(%dma_start3A_745 : memref<10000x128xf32, #tpu.memory_space<hbm>>) target(%arg6 : memref<128x128xf32, #tpu.memory_space<vmem>>) offsets(%dma_start3A_742 : memref<128xi32, #tpu.memory_space<vmem>>) semaphore(%arg13 : memref<!tpu.dma_semaphore, #tpu.memory_space<semaphore_mem>>)
      %add3A_746 = arith.constant 2 : i32
      %add3A_747 = arith.addi %add3A_702, %add3A_746 : i32
      %dma_start3A_748 = arith.constant 1 : i32
      %dma_start3A_749 = arith.constant 0 : i32
      %dma_start3A_750 = arith.constant 0 : i32
      %dma_start3A_751 = tpu.memref_slice %arg5[%dma_start3A_748, %dma_start3A_749, %dma_start3A_750] : memref<4x8x128xi32, #tpu.memory_space<vmem>> -> memref<1x8x128xi32, #tpu.memory_space<vmem>>
      %dma_start3A_752 = tpu.memref_squeeze %dma_start3A_751 : memref<1x8x128xi32, #tpu.memory_space<vmem>> -> memref<8x128xi32, #tpu.memory_space<vmem>>
      %dma_start3A_753 = arith.constant 0 : i32
      %dma_start3A_754 = arith.constant 0 : i32
      %dma_start3A_755 = tpu.memref_slice %arg3[%add3A, %add3A_747, %dma_start3A_753, %dma_start3A_754] : memref<32x80x8x128xi32, #tpu.memory_space<hbm>> -> memref<1x1x8x128xi32, #tpu.memory_space<hbm>>
      %dma_start3A_756 = tpu.memref_squeeze %dma_start3A_755 : memref<1x1x8x128xi32, #tpu.memory_space<hbm>> -> memref<8x128xi32, #tpu.memory_space<hbm>>
      %dma_start3A_757 = arith.constant 0 : i32
      %dma_start3A_758 = arith.constant 0 : i32
      %dma_start3A_759 = tpu.memref_slice %arg5[%dma_start3A_748, %dma_start3A_757, %dma_start3A_758] : memref<4x8x128xi32, #tpu.memory_space<vmem>> -> memref<1x8x128xi32, #tpu.memory_space<vmem>>
      %dma_start3A_760 = tpu.memref_squeeze %dma_start3A_759 : memref<1x8x128xi32, #tpu.memory_space<vmem>> -> memref<8x128xi32, #tpu.memory_space<vmem>>
      %dma_start3A_761 = arith.constant 0 : i32
      %dma_start3A_762 = arith.constant 0 : i32
      %dma_start3A_763 = tpu.memref_slice %arg3[%add3A, %add3A_747, %dma_start3A_761, %dma_start3A_762] : memref<32x80x8x128xi32, #tpu.memory_space<hbm>> -> memref<1x1x8x128xi32, #tpu.memory_space<hbm>>
      %dma_start3A_764 = tpu.memref_squeeze %dma_start3A_763 : memref<1x1x8x128xi32, #tpu.memory_space<hbm>> -> memref<8x128xi32, #tpu.memory_space<hbm>>
      tpu.enqueue_dma source(%dma_start3A_764 : memref<8x128xi32, #tpu.memory_space<hbm>>) target(%dma_start3A_760 : memref<8x128xi32, #tpu.memory_space<vmem>>) target_semaphore(%arg10 : memref<!tpu.dma_semaphore, #tpu.memory_space<semaphore_mem>>)
      %broadcast_in_dim3A_765 = arith.constant 3 : i32
      %broadcast_in_dim3A_766 = vector.broadcast %broadcast_in_dim3A_765 : i32 to vector<16xi32>
      %broadcast_in_dim3A_767 = arith.constant 2 : i32
      %broadcast_in_dim3A_768 = vector.broadcast %broadcast_in_dim3A_767 : i32 to vector<16xi32>
      %scan3A_769 = arith.constant 0 : i32
      %scan3A_770 = arith.constant 32 : i32
      %scan3A_771 = arith.addi %scan3A_769, %scan3A_770 : i32
      %scan3A_772 = arith.constant 1 : i32
      scf.for %scan3A_782 = %scan3A_769 to %scan3A_771 step %scan3A_772  : i32 {
        %mul3A_783 = arith.constant 4 : i32
        %mul3A_784 = arith.muli %scan3A_782, %mul3A_783 : i32
        %add3A_785 = arith.constant 0 : i32
        %add3A_786 = arith.addi %add3A_785, %mul3A_784 : i32
        %add3A_787 = arith.constant 0 : i32
        %add3A_788 = arith.addi %add3A_786, %add3A_787 : i32
        %broadcast_in_dim3A_789 = vector.broadcast %add3A_788 : i32 to vector<16xi32>
        %gather3A = tpu.vector_load_idx %arg5[%broadcast_in_dim3A_766, %broadcast_in_dim3A_768, %broadcast_in_dim3A_789] : memref<4x8x128xi32, #tpu.memory_space<vmem>>[vector<16xi32>, vector<16xi32>, vector<16xi32>], vector<16xi32>,
        %bitcast3A = vector.bitcast %gather3A : vector<16xi32> to vector<16xf32>
        %add3A_790 = arith.constant 0 : i32
        %add3A_791 = arith.addi %add3A_786, %add3A_790 : i32
        %get3A = arith.index_cast %add3A_791 : i32 to index
        %get3A_792 = arith.constant 0 : index
        %get3A_793 = tpu.vector_load %arg7[%get3A, %get3A_792] {strides = array<i32>} : memref<128x128xf32, #tpu.memory_space<vmem>>, vector<16xf32>,
        %mul3A_794 = arith.mulf %get3A_793, %bitcast3A : vector<16xf32>
        %add3A_795 = arith.constant 0 : i32
        %add3A_796 = arith.addi %add3A_786, %add3A_795 : i32
        %swap3A = arith.index_cast %add3A_796 : i32 to index
        %swap3A_797 = arith.constant 0 : index
        %swap3A_798 = tpu.vector_load %arg7[%swap3A, %swap3A_797] {strides = array<i32>} : memref<128x128xf32, #tpu.memory_space<vmem>>, vector<16xf32>,
        tpu.vector_store %arg7[%swap3A, %swap3A_797], %mul3A_794 {strides = array<i32>} : memref<128x128xf32, #tpu.memory_space<vmem>>, vector<16xf32>,
        %add3A_799 = arith.constant 0 : i32
        %add3A_800 = arith.addi %add3A_786, %add3A_799 : i32
        %get3A_801 = arith.index_cast %add3A_800 : i32 to index
        %get3A_802 = arith.constant 16 : index
        %get3A_803 = tpu.vector_load %arg7[%get3A_801, %get3A_802] {strides = array<i32>} : memref<128x128xf32, #tpu.memory_space<vmem>>, vector<16xf32>,
        %mul3A_804 = arith.mulf %get3A_803, %bitcast3A : vector<16xf32>
        %add3A_805 = arith.constant 0 : i32
        %add3A_806 = arith.addi %add3A_786, %add3A_805 : i32
        %swap3A_807 = arith.index_cast %add3A_806 : i32 to index
        %swap3A_808 = arith.constant 16 : index
        %swap3A_809 = tpu.vector_load %arg7[%swap3A_807, %swap3A_808] {strides = array<i32>} : memref<128x128xf32, #tpu.memory_space<vmem>>, vector<16xf32>,
        tpu.vector_store %arg7[%swap3A_807, %swap3A_808], %mul3A_804 {strides = array<i32>} : memref<128x128xf32, #tpu.memory_space<vmem>>, vector<16xf32>,
        %add3A_810 = arith.constant 0 : i32
        %add3A_811 = arith.addi %add3A_786, %add3A_810 : i32
        %get3A_812 = arith.index_cast %add3A_811 : i32 to index
        %get3A_813 = arith.constant 32 : index
        %get3A_814 = tpu.vector_load %arg7[%get3A_812, %get3A_813] {strides = array<i32>} : memref<128x128xf32, #tpu.memory_space<vmem>>, vector<16xf32>,
        %mul3A_815 = arith.mulf %get3A_814, %bitcast3A : vector<16xf32>
        %add3A_816 = arith.constant 0 : i32
        %add3A_817 = arith.addi %add3A_786, %add3A_816 : i32
        %swap3A_818 = arith.index_cast %add3A_817 : i32 to index
        %swap3A_819 = arith.constant 32 : index
        %swap3A_820 = tpu.vector_load %arg7[%swap3A_818, %swap3A_819] {strides = array<i32>} : memref<128x128xf32, #tpu.memory_space<vmem>>, vector<16xf32>,
        tpu.vector_store %arg7[%swap3A_818, %swap3A_819], %mul3A_815 {strides = array<i32>} : memref<128x128xf32, #tpu.memory_space<vmem>>, vector<16xf32>,
        %add3A_821 = arith.constant 0 : i32
        %add3A_822 = arith.addi %add3A_786, %add3A_821 : i32
        %get3A_823 = arith.index_cast %add3A_822 : i32 to index
        %get3A_824 = arith.constant 48 : index
        %get3A_825 = tpu.vector_load %arg7[%get3A_823, %get3A_824] {strides = array<i32>} : memref<128x128xf32, #tpu.memory_space<vmem>>, vector<16xf32>,
        %mul3A_826 = arith.mulf %get3A_825, %bitcast3A : vector<16xf32>
        %add3A_827 = arith.constant 0 : i32
        %add3A_828 = arith.addi %add3A_786, %add3A_827 : i32
        %swap3A_829 = arith.index_cast %add3A_828 : i32 to index
        %swap3A_830 = arith.constant 48 : index
        %swap3A_831 = tpu.vector_load %arg7[%swap3A_829, %swap3A_830] {strides = array<i32>} : memref<128x128xf32, #tpu.memory_space<vmem>>, vector<16xf32>,
        tpu.vector_store %arg7[%swap3A_829, %swap3A_830], %mul3A_826 {strides = array<i32>} : memref<128x128xf32, #tpu.memory_space<vmem>>, vector<16xf32>,
        %add3A_832 = arith.constant 0 : i32
        %add3A_833 = arith.addi %add3A_786, %add3A_832 : i32
        %get3A_834 = arith.index_cast %add3A_833 : i32 to index
        %get3A_835 = arith.constant 64 : index
        %get3A_836 = tpu.vector_load %arg7[%get3A_834, %get3A_835] {strides = array<i32>} : memref<128x128xf32, #tpu.memory_space<vmem>>, vector<16xf32>,
        %mul3A_837 = arith.mulf %get3A_836, %bitcast3A : vector<16xf32>
        %add3A_838 = arith.constant 0 : i32
        %add3A_839 = arith.addi %add3A_786, %add3A_838 : i32
        %swap3A_840 = arith.index_cast %add3A_839 : i32 to index
        %swap3A_841 = arith.constant 64 : index
        %swap3A_842 = tpu.vector_load %arg7[%swap3A_840, %swap3A_841] {strides = array<i32>} : memref<128x128xf32, #tpu.memory_space<vmem>>, vector<16xf32>,
        tpu.vector_store %arg7[%swap3A_840, %swap3A_841], %mul3A_837 {strides = array<i32>} : memref<128x128xf32, #tpu.memory_space<vmem>>, vector<16xf32>,
        %add3A_843 = arith.constant 0 : i32
        %add3A_844 = arith.addi %add3A_786, %add3A_843 : i32
        %get3A_845 = arith.index_cast %add3A_844 : i32 to index
        %get3A_846 = arith.constant 80 : index
        %get3A_847 = tpu.vector_load %arg7[%get3A_845, %get3A_846] {strides = array<i32>} : memref<128x128xf32, #tpu.memory_space<vmem>>, vector<16xf32>,
        %mul3A_848 = arith.mulf %get3A_847, %bitcast3A : vector<16xf32>
        %add3A_849 = arith.constant 0 : i32
        %add3A_850 = arith.addi %add3A_786, %add3A_849 : i32
        %swap3A_851 = arith.index_cast %add3A_850 : i32 to index
        %swap3A_852 = arith.constant 80 : index
        %swap3A_853 = tpu.vector_load %arg7[%swap3A_851, %swap3A_852] {strides = array<i32>} : memref<128x128xf32, #tpu.memory_space<vmem>>, vector<16xf32>,
        tpu.vector_store %arg7[%swap3A_851, %swap3A_852], %mul3A_848 {strides = array<i32>} : memref<128x128xf32, #tpu.memory_space<vmem>>, vector<16xf32>,
        %add3A_854 = arith.constant 0 : i32
        %add3A_855 = arith.addi %add3A_786, %add3A_854 : i32
        %get3A_856 = arith.index_cast %add3A_855 : i32 to index
        %get3A_857 = arith.constant 96 : index
        %get3A_858 = tpu.vector_load %arg7[%get3A_856, %get3A_857] {strides = array<i32>} : memref<128x128xf32, #tpu.memory_space<vmem>>, vector<16xf32>,
        %mul3A_859 = arith.mulf %get3A_858, %bitcast3A : vector<16xf32>
        %add3A_860 = arith.constant 0 : i32
        %add3A_861 = arith.addi %add3A_786, %add3A_860 : i32
        %swap3A_862 = arith.index_cast %add3A_861 : i32 to index
        %swap3A_863 = arith.constant 96 : index
        %swap3A_864 = tpu.vector_load %arg7[%swap3A_862, %swap3A_863] {strides = array<i32>} : memref<128x128xf32, #tpu.memory_space<vmem>>, vector<16xf32>,
        tpu.vector_store %arg7[%swap3A_862, %swap3A_863], %mul3A_859 {strides = array<i32>} : memref<128x128xf32, #tpu.memory_space<vmem>>, vector<16xf32>,
        %add3A_865 = arith.constant 0 : i32
        %add3A_866 = arith.addi %add3A_786, %add3A_865 : i32
        %get3A_867 = arith.index_cast %add3A_866 : i32 to index
        %get3A_868 = arith.constant 112 : index
        %get3A_869 = tpu.vector_load %arg7[%get3A_867, %get3A_868] {strides = array<i32>} : memref<128x128xf32, #tpu.memory_space<vmem>>, vector<16xf32>,
        %mul3A_870 = arith.mulf %get3A_869, %bitcast3A : vector<16xf32>
        %add3A_871 = arith.constant 0 : i32
        %add3A_872 = arith.addi %add3A_786, %add3A_871 : i32
        %swap3A_873 = arith.index_cast %add3A_872 : i32 to index
        %swap3A_874 = arith.constant 112 : index
        %swap3A_875 = tpu.vector_load %arg7[%swap3A_873, %swap3A_874] {strides = array<i32>} : memref<128x128xf32, #tpu.memory_space<vmem>>, vector<16xf32>,
        tpu.vector_store %arg7[%swap3A_873, %swap3A_874], %mul3A_870 {strides = array<i32>} : memref<128x128xf32, #tpu.memory_space<vmem>>, vector<16xf32>,
        %add3A_876 = arith.constant 1 : i32
        %add3A_877 = arith.addi %add3A_786, %add3A_876 : i32
        %broadcast_in_dim3A_878 = vector.broadcast %add3A_877 : i32 to vector<16xi32>
        %gather3A_879 = tpu.vector_load_idx %arg5[%broadcast_in_dim3A_766, %broadcast_in_dim3A_768, %broadcast_in_dim3A_878] : memref<4x8x128xi32, #tpu.memory_space<vmem>>[vector<16xi32>, vector<16xi32>, vector<16xi32>], vector<16xi32>,
        %bitcast3A_880 = vector.bitcast %gather3A_879 : vector<16xi32> to vector<16xf32>
        %add3A_881 = arith.constant 1 : i32
        %add3A_882 = arith.addi %add3A_786, %add3A_881 : i32
        %get3A_883 = arith.index_cast %add3A_882 : i32 to index
        %get3A_884 = arith.constant 0 : index
        %get3A_885 = tpu.vector_load %arg7[%get3A_883, %get3A_884] {strides = array<i32>} : memref<128x128xf32, #tpu.memory_space<vmem>>, vector<16xf32>,
        %mul3A_886 = arith.mulf %get3A_885, %bitcast3A_880 : vector<16xf32>
        %add3A_887 = arith.constant 1 : i32
        %add3A_888 = arith.addi %add3A_786, %add3A_887 : i32
        %swap3A_889 = arith.index_cast %add3A_888 : i32 to index
        %swap3A_890 = arith.constant 0 : index
        %swap3A_891 = tpu.vector_load %arg7[%swap3A_889, %swap3A_890] {strides = array<i32>} : memref<128x128xf32, #tpu.memory_space<vmem>>, vector<16xf32>,
        tpu.vector_store %arg7[%swap3A_889, %swap3A_890], %mul3A_886 {strides = array<i32>} : memref<128x128xf32, #tpu.memory_space<vmem>>, vector<16xf32>,
        %add3A_892 = arith.constant 1 : i32
        %add3A_893 = arith.addi %add3A_786, %add3A_892 : i32
        %get3A_894 = arith.index_cast %add3A_893 : i32 to index
        %get3A_895 = arith.constant 16 : index
        %get3A_896 = tpu.vector_load %arg7[%get3A_894, %get3A_895] {strides = array<i32>} : memref<128x128xf32, #tpu.memory_space<vmem>>, vector<16xf32>,
        %mul3A_897 = arith.mulf %get3A_896, %bitcast3A_880 : vector<16xf32>
        %add3A_898 = arith.constant 1 : i32
        %add3A_899 = arith.addi %add3A_786, %add3A_898 : i32
        %swap3A_900 = arith.index_cast %add3A_899 : i32 to index
        %swap3A_901 = arith.constant 16 : index
        %swap3A_902 = tpu.vector_load %arg7[%swap3A_900, %swap3A_901] {strides = array<i32>} : memref<128x128xf32, #tpu.memory_space<vmem>>, vector<16xf32>,
        tpu.vector_store %arg7[%swap3A_900, %swap3A_901], %mul3A_897 {strides = array<i32>} : memref<128x128xf32, #tpu.memory_space<vmem>>, vector<16xf32>,
        %add3A_903 = arith.constant 1 : i32
        %add3A_904 = arith.addi %add3A_786, %add3A_903 : i32
        %get3A_905 = arith.index_cast %add3A_904 : i32 to index
        %get3A_906 = arith.constant 32 : index
        %get3A_907 = tpu.vector_load %arg7[%get3A_905, %get3A_906] {strides = array<i32>} : memref<128x128xf32, #tpu.memory_space<vmem>>, vector<16xf32>,
        %mul3A_908 = arith.mulf %get3A_907, %bitcast3A_880 : vector<16xf32>
        %add3A_909 = arith.constant 1 : i32
        %add3A_910 = arith.addi %add3A_786, %add3A_909 : i32
        %swap3A_911 = arith.index_cast %add3A_910 : i32 to index
        %swap3A_912 = arith.constant 32 : index
        %swap3A_913 = tpu.vector_load %arg7[%swap3A_911, %swap3A_912] {strides = array<i32>} : memref<128x128xf32, #tpu.memory_space<vmem>>, vector<16xf32>,
        tpu.vector_store %arg7[%swap3A_911, %swap3A_912], %mul3A_908 {strides = array<i32>} : memref<128x128xf32, #tpu.memory_space<vmem>>, vector<16xf32>,
        %add3A_914 = arith.constant 1 : i32
        %add3A_915 = arith.addi %add3A_786, %add3A_914 : i32
        %get3A_916 = arith.index_cast %add3A_915 : i32 to index
        %get3A_917 = arith.constant 48 : index
        %get3A_918 = tpu.vector_load %arg7[%get3A_916, %get3A_917] {strides = array<i32>} : memref<128x128xf32, #tpu.memory_space<vmem>>, vector<16xf32>,
        %mul3A_919 = arith.mulf %get3A_918, %bitcast3A_880 : vector<16xf32>
        %add3A_920 = arith.constant 1 : i32
        %add3A_921 = arith.addi %add3A_786, %add3A_920 : i32
        %swap3A_922 = arith.index_cast %add3A_921 : i32 to index
        %swap3A_923 = arith.constant 48 : index
        %swap3A_924 = tpu.vector_load %arg7[%swap3A_922, %swap3A_923] {strides = array<i32>} : memref<128x128xf32, #tpu.memory_space<vmem>>, vector<16xf32>,
        tpu.vector_store %arg7[%swap3A_922, %swap3A_923], %mul3A_919 {strides = array<i32>} : memref<128x128xf32, #tpu.memory_space<vmem>>, vector<16xf32>,
        %add3A_925 = arith.constant 1 : i32
        %add3A_926 = arith.addi %add3A_786, %add3A_925 : i32
        %get3A_927 = arith.index_cast %add3A_926 : i32 to index
        %get3A_928 = arith.constant 64 : index
        %get3A_929 = tpu.vector_load %arg7[%get3A_927, %get3A_928] {strides = array<i32>} : memref<128x128xf32, #tpu.memory_space<vmem>>, vector<16xf32>,
        %mul3A_930 = arith.mulf %get3A_929, %bitcast3A_880 : vector<16xf32>
        %add3A_931 = arith.constant 1 : i32
        %add3A_932 = arith.addi %add3A_786, %add3A_931 : i32
        %swap3A_933 = arith.index_cast %add3A_932 : i32 to index
        %swap3A_934 = arith.constant 64 : index
        %swap3A_935 = tpu.vector_load %arg7[%swap3A_933, %swap3A_934] {strides = array<i32>} : memref<128x128xf32, #tpu.memory_space<vmem>>, vector<16xf32>,
        tpu.vector_store %arg7[%swap3A_933, %swap3A_934], %mul3A_930 {strides = array<i32>} : memref<128x128xf32, #tpu.memory_space<vmem>>, vector<16xf32>,
        %add3A_936 = arith.constant 1 : i32
        %add3A_937 = arith.addi %add3A_786, %add3A_936 : i32
        %get3A_938 = arith.index_cast %add3A_937 : i32 to index
        %get3A_939 = arith.constant 80 : index
        %get3A_940 = tpu.vector_load %arg7[%get3A_938, %get3A_939] {strides = array<i32>} : memref<128x128xf32, #tpu.memory_space<vmem>>, vector<16xf32>,
        %mul3A_941 = arith.mulf %get3A_940, %bitcast3A_880 : vector<16xf32>
        %add3A_942 = arith.constant 1 : i32
        %add3A_943 = arith.addi %add3A_786, %add3A_942 : i32
        %swap3A_944 = arith.index_cast %add3A_943 : i32 to index
        %swap3A_945 = arith.constant 80 : index
        %swap3A_946 = tpu.vector_load %arg7[%swap3A_944, %swap3A_945] {strides = array<i32>} : memref<128x128xf32, #tpu.memory_space<vmem>>, vector<16xf32>,
        tpu.vector_store %arg7[%swap3A_944, %swap3A_945], %mul3A_941 {strides = array<i32>} : memref<128x128xf32, #tpu.memory_space<vmem>>, vector<16xf32>,
        %add3A_947 = arith.constant 1 : i32
        %add3A_948 = arith.addi %add3A_786, %add3A_947 : i32
        %get3A_949 = arith.index_cast %add3A_948 : i32 to index
        %get3A_950 = arith.constant 96 : index
        %get3A_951 = tpu.vector_load %arg7[%get3A_949, %get3A_950] {strides = array<i32>} : memref<128x128xf32, #tpu.memory_space<vmem>>, vector<16xf32>,
        %mul3A_952 = arith.mulf %get3A_951, %bitcast3A_880 : vector<16xf32>
        %add3A_953 = arith.constant 1 : i32
        %add3A_954 = arith.addi %add3A_786, %add3A_953 : i32
        %swap3A_955 = arith.index_cast %add3A_954 : i32 to index
        %swap3A_956 = arith.constant 96 : index
        %swap3A_957 = tpu.vector_load %arg7[%swap3A_955, %swap3A_956] {strides = array<i32>} : memref<128x128xf32, #tpu.memory_space<vmem>>, vector<16xf32>,
        tpu.vector_store %arg7[%swap3A_955, %swap3A_956], %mul3A_952 {strides = array<i32>} : memref<128x128xf32, #tpu.memory_space<vmem>>, vector<16xf32>,
        %add3A_958 = arith.constant 1 : i32
        %add3A_959 = arith.addi %add3A_786, %add3A_958 : i32
        %get3A_960 = arith.index_cast %add3A_959 : i32 to index
        %get3A_961 = arith.constant 112 : index
        %get3A_962 = tpu.vector_load %arg7[%get3A_960, %get3A_961] {strides = array<i32>} : memref<128x128xf32, #tpu.memory_space<vmem>>, vector<16xf32>,
        %mul3A_963 = arith.mulf %get3A_962, %bitcast3A_880 : vector<16xf32>
        %add3A_964 = arith.constant 1 : i32
        %add3A_965 = arith.addi %add3A_786, %add3A_964 : i32
        %swap3A_966 = arith.index_cast %add3A_965 : i32 to index
        %swap3A_967 = arith.constant 112 : index
        %swap3A_968 = tpu.vector_load %arg7[%swap3A_966, %swap3A_967] {strides = array<i32>} : memref<128x128xf32, #tpu.memory_space<vmem>>, vector<16xf32>,
        tpu.vector_store %arg7[%swap3A_966, %swap3A_967], %mul3A_963 {strides = array<i32>} : memref<128x128xf32, #tpu.memory_space<vmem>>, vector<16xf32>,
        %add3A_969 = arith.constant 2 : i32
        %add3A_970 = arith.addi %add3A_786, %add3A_969 : i32
        %broadcast_in_dim3A_971 = vector.broadcast %add3A_970 : i32 to vector<16xi32>
        %gather3A_972 = tpu.vector_load_idx %arg5[%broadcast_in_dim3A_766, %broadcast_in_dim3A_768, %broadcast_in_dim3A_971] : memref<4x8x128xi32, #tpu.memory_space<vmem>>[vector<16xi32>, vector<16xi32>, vector<16xi32>], vector<16xi32>,
        %bitcast3A_973 = vector.bitcast %gather3A_972 : vector<16xi32> to vector<16xf32>
        %add3A_974 = arith.constant 2 : i32
        %add3A_975 = arith.addi %add3A_786, %add3A_974 : i32
        %get3A_976 = arith.index_cast %add3A_975 : i32 to index
        %get3A_977 = arith.constant 0 : index
        %get3A_978 = tpu.vector_load %arg7[%get3A_976, %get3A_977] {strides = array<i32>} : memref<128x128xf32, #tpu.memory_space<vmem>>, vector<16xf32>,
        %mul3A_979 = arith.mulf %get3A_978, %bitcast3A_973 : vector<16xf32>
        %add3A_980 = arith.constant 2 : i32
        %add3A_981 = arith.addi %add3A_786, %add3A_980 : i32
        %swap3A_982 = arith.index_cast %add3A_981 : i32 to index
        %swap3A_983 = arith.constant 0 : index
        %swap3A_984 = tpu.vector_load %arg7[%swap3A_982, %swap3A_983] {strides = array<i32>} : memref<128x128xf32, #tpu.memory_space<vmem>>, vector<16xf32>,
        tpu.vector_store %arg7[%swap3A_982, %swap3A_983], %mul3A_979 {strides = array<i32>} : memref<128x128xf32, #tpu.memory_space<vmem>>, vector<16xf32>,
        %add3A_985 = arith.constant 2 : i32
        %add3A_986 = arith.addi %add3A_786, %add3A_985 : i32
        %get3A_987 = arith.index_cast %add3A_986 : i32 to index
        %get3A_988 = arith.constant 16 : index
        %get3A_989 = tpu.vector_load %arg7[%get3A_987, %get3A_988] {strides = array<i32>} : memref<128x128xf32, #tpu.memory_space<vmem>>, vector<16xf32>,
        %mul3A_990 = arith.mulf %get3A_989, %bitcast3A_973 : vector<16xf32>
        %add3A_991 = arith.constant 2 : i32
        %add3A_992 = arith.addi %add3A_786, %add3A_991 : i32
        %swap3A_993 = arith.index_cast %add3A_992 : i32 to index
        %swap3A_994 = arith.constant 16 : index
        %swap3A_995 = tpu.vector_load %arg7[%swap3A_993, %swap3A_994] {strides = array<i32>} : memref<128x128xf32, #tpu.memory_space<vmem>>, vector<16xf32>,
        tpu.vector_store %arg7[%swap3A_993, %swap3A_994], %mul3A_990 {strides = array<i32>} : memref<128x128xf32, #tpu.memory_space<vmem>>, vector<16xf32>,
        %add3A_996 = arith.constant 2 : i32
        %add3A_997 = arith.addi %add3A_786, %add3A_996 : i32
        %get3A_998 = arith.index_cast %add3A_997 : i32 to index
        %get3A_999 = arith.constant 32 : index
        %get3A_1000 = tpu.vector_load %arg7[%get3A_998, %get3A_999] {strides = array<i32>} : memref<128x128xf32, #tpu.memory_space<vmem>>, vector<16xf32>,
        %mul3A_1001 = arith.mulf %get3A_1000, %bitcast3A_973 : vector<16xf32>
        %add3A_1002 = arith.constant 2 : i32
        %add3A_1003 = arith.addi %add3A_786, %add3A_1002 : i32
        %swap3A_1004 = arith.index_cast %add3A_1003 : i32 to index
        %swap3A_1005 = arith.constant 32 : index
        %swap3A_1006 = tpu.vector_load %arg7[%swap3A_1004, %swap3A_1005] {strides = array<i32>} : memref<128x128xf32, #tpu.memory_space<vmem>>, vector<16xf32>,
        tpu.vector_store %arg7[%swap3A_1004, %swap3A_1005], %mul3A_1001 {strides = array<i32>} : memref<128x128xf32, #tpu.memory_space<vmem>>, vector<16xf32>,
        %add3A_1007 = arith.constant 2 : i32
        %add3A_1008 = arith.addi %add3A_786, %add3A_1007 : i32
        %get3A_1009 = arith.index_cast %add3A_1008 : i32 to index
        %get3A_1010 = arith.constant 48 : index
        %get3A_1011 = tpu.vector_load %arg7[%get3A_1009, %get3A_1010] {strides = array<i32>} : memref<128x128xf32, #tpu.memory_space<vmem>>, vector<16xf32>,
        %mul3A_1012 = arith.mulf %get3A_1011, %bitcast3A_973 : vector<16xf32>
        %add3A_1013 = arith.constant 2 : i32
        %add3A_1014 = arith.addi %add3A_786, %add3A_1013 : i32
        %swap3A_1015 = arith.index_cast %add3A_1014 : i32 to index
        %swap3A_1016 = arith.constant 48 : index
        %swap3A_1017 = tpu.vector_load %arg7[%swap3A_1015, %swap3A_1016] {strides = array<i32>} : memref<128x128xf32, #tpu.memory_space<vmem>>, vector<16xf32>,
        tpu.vector_store %arg7[%swap3A_1015, %swap3A_1016], %mul3A_1012 {strides = array<i32>} : memref<128x128xf32, #tpu.memory_space<vmem>>, vector<16xf32>,
        %add3A_1018 = arith.constant 2 : i32
        %add3A_1019 = arith.addi %add3A_786, %add3A_1018 : i32
        %get3A_1020 = arith.index_cast %add3A_1019 : i32 to index
        %get3A_1021 = arith.constant 64 : index
        %get3A_1022 = tpu.vector_load %arg7[%get3A_1020, %get3A_1021] {strides = array<i32>} : memref<128x128xf32, #tpu.memory_space<vmem>>, vector<16xf32>,
        %mul3A_1023 = arith.mulf %get3A_1022, %bitcast3A_973 : vector<16xf32>
        %add3A_1024 = arith.constant 2 : i32
        %add3A_1025 = arith.addi %add3A_786, %add3A_1024 : i32
        %swap3A_1026 = arith.index_cast %add3A_1025 : i32 to index
        %swap3A_1027 = arith.constant 64 : index
        %swap3A_1028 = tpu.vector_load %arg7[%swap3A_1026, %swap3A_1027] {strides = array<i32>} : memref<128x128xf32, #tpu.memory_space<vmem>>, vector<16xf32>,
        tpu.vector_store %arg7[%swap3A_1026, %swap3A_1027], %mul3A_1023 {strides = array<i32>} : memref<128x128xf32, #tpu.memory_space<vmem>>, vector<16xf32>,
        %add3A_1029 = arith.constant 2 : i32
        %add3A_1030 = arith.addi %add3A_786, %add3A_1029 : i32
        %get3A_1031 = arith.index_cast %add3A_1030 : i32 to index
        %get3A_1032 = arith.constant 80 : index
        %get3A_1033 = tpu.vector_load %arg7[%get3A_1031, %get3A_1032] {strides = array<i32>} : memref<128x128xf32, #tpu.memory_space<vmem>>, vector<16xf32>,
        %mul3A_1034 = arith.mulf %get3A_1033, %bitcast3A_973 : vector<16xf32>
        %add3A_1035 = arith.constant 2 : i32
        %add3A_1036 = arith.addi %add3A_786, %add3A_1035 : i32
        %swap3A_1037 = arith.index_cast %add3A_1036 : i32 to index
        %swap3A_1038 = arith.constant 80 : index
        %swap3A_1039 = tpu.vector_load %arg7[%swap3A_1037, %swap3A_1038] {strides = array<i32>} : memref<128x128xf32, #tpu.memory_space<vmem>>, vector<16xf32>,
        tpu.vector_store %arg7[%swap3A_1037, %swap3A_1038], %mul3A_1034 {strides = array<i32>} : memref<128x128xf32, #tpu.memory_space<vmem>>, vector<16xf32>,
        %add3A_1040 = arith.constant 2 : i32
        %add3A_1041 = arith.addi %add3A_786, %add3A_1040 : i32
        %get3A_1042 = arith.index_cast %add3A_1041 : i32 to index
        %get3A_1043 = arith.constant 96 : index
        %get3A_1044 = tpu.vector_load %arg7[%get3A_1042, %get3A_1043] {strides = array<i32>} : memref<128x128xf32, #tpu.memory_space<vmem>>, vector<16xf32>,
        %mul3A_1045 = arith.mulf %get3A_1044, %bitcast3A_973 : vector<16xf32>
        %add3A_1046 = arith.constant 2 : i32
        %add3A_1047 = arith.addi %add3A_786, %add3A_1046 : i32
        %swap3A_1048 = arith.index_cast %add3A_1047 : i32 to index
        %swap3A_1049 = arith.constant 96 : index
        %swap3A_1050 = tpu.vector_load %arg7[%swap3A_1048, %swap3A_1049] {strides = array<i32>} : memref<128x128xf32, #tpu.memory_space<vmem>>, vector<16xf32>,
        tpu.vector_store %arg7[%swap3A_1048, %swap3A_1049], %mul3A_1045 {strides = array<i32>} : memref<128x128xf32, #tpu.memory_space<vmem>>, vector<16xf32>,
        %add3A_1051 = arith.constant 2 : i32
        %add3A_1052 = arith.addi %add3A_786, %add3A_1051 : i32
        %get3A_1053 = arith.index_cast %add3A_1052 : i32 to index
        %get3A_1054 = arith.constant 112 : index
        %get3A_1055 = tpu.vector_load %arg7[%get3A_1053, %get3A_1054] {strides = array<i32>} : memref<128x128xf32, #tpu.memory_space<vmem>>, vector<16xf32>,
        %mul3A_1056 = arith.mulf %get3A_1055, %bitcast3A_973 : vector<16xf32>
        %add3A_1057 = arith.constant 2 : i32
        %add3A_1058 = arith.addi %add3A_786, %add3A_1057 : i32
        %swap3A_1059 = arith.index_cast %add3A_1058 : i32 to index
        %swap3A_1060 = arith.constant 112 : index
        %swap3A_1061 = tpu.vector_load %arg7[%swap3A_1059, %swap3A_1060] {strides = array<i32>} : memref<128x128xf32, #tpu.memory_space<vmem>>, vector<16xf32>,
        tpu.vector_store %arg7[%swap3A_1059, %swap3A_1060], %mul3A_1056 {strides = array<i32>} : memref<128x128xf32, #tpu.memory_space<vmem>>, vector<16xf32>,
        %add3A_1062 = arith.constant 3 : i32
        %add3A_1063 = arith.addi %add3A_786, %add3A_1062 : i32
        %broadcast_in_dim3A_1064 = vector.broadcast %add3A_1063 : i32 to vector<16xi32>
        %gather3A_1065 = tpu.vector_load_idx %arg5[%broadcast_in_dim3A_766, %broadcast_in_dim3A_768, %broadcast_in_dim3A_1064] : memref<4x8x128xi32, #tpu.memory_space<vmem>>[vector<16xi32>, vector<16xi32>, vector<16xi32>], vector<16xi32>,
        %bitcast3A_1066 = vector.bitcast %gather3A_1065 : vector<16xi32> to vector<16xf32>
        %add3A_1067 = arith.constant 3 : i32
        %add3A_1068 = arith.addi %add3A_786, %add3A_1067 : i32
        %get3A_1069 = arith.index_cast %add3A_1068 : i32 to index
        %get3A_1070 = arith.constant 0 : index
        %get3A_1071 = tpu.vector_load %arg7[%get3A_1069, %get3A_1070] {strides = array<i32>} : memref<128x128xf32, #tpu.memory_space<vmem>>, vector<16xf32>,
        %mul3A_1072 = arith.mulf %get3A_1071, %bitcast3A_1066 : vector<16xf32>
        %add3A_1073 = arith.constant 3 : i32
        %add3A_1074 = arith.addi %add3A_786, %add3A_1073 : i32
        %swap3A_1075 = arith.index_cast %add3A_1074 : i32 to index
        %swap3A_1076 = arith.constant 0 : index
        %swap3A_1077 = tpu.vector_load %arg7[%swap3A_1075, %swap3A_1076] {strides = array<i32>} : memref<128x128xf32, #tpu.memory_space<vmem>>, vector<16xf32>,
        tpu.vector_store %arg7[%swap3A_1075, %swap3A_1076], %mul3A_1072 {strides = array<i32>} : memref<128x128xf32, #tpu.memory_space<vmem>>, vector<16xf32>,
        %add3A_1078 = arith.constant 3 : i32
        %add3A_1079 = arith.addi %add3A_786, %add3A_1078 : i32
        %get3A_1080 = arith.index_cast %add3A_1079 : i32 to index
        %get3A_1081 = arith.constant 16 : index
        %get3A_1082 = tpu.vector_load %arg7[%get3A_1080, %get3A_1081] {strides = array<i32>} : memref<128x128xf32, #tpu.memory_space<vmem>>, vector<16xf32>,
        %mul3A_1083 = arith.mulf %get3A_1082, %bitcast3A_1066 : vector<16xf32>
        %add3A_1084 = arith.constant 3 : i32
        %add3A_1085 = arith.addi %add3A_786, %add3A_1084 : i32
        %swap3A_1086 = arith.index_cast %add3A_1085 : i32 to index
        %swap3A_1087 = arith.constant 16 : index
        %swap3A_1088 = tpu.vector_load %arg7[%swap3A_1086, %swap3A_1087] {strides = array<i32>} : memref<128x128xf32, #tpu.memory_space<vmem>>, vector<16xf32>,
        tpu.vector_store %arg7[%swap3A_1086, %swap3A_1087], %mul3A_1083 {strides = array<i32>} : memref<128x128xf32, #tpu.memory_space<vmem>>, vector<16xf32>,
        %add3A_1089 = arith.constant 3 : i32
        %add3A_1090 = arith.addi %add3A_786, %add3A_1089 : i32
        %get3A_1091 = arith.index_cast %add3A_1090 : i32 to index
        %get3A_1092 = arith.constant 32 : index
        %get3A_1093 = tpu.vector_load %arg7[%get3A_1091, %get3A_1092] {strides = array<i32>} : memref<128x128xf32, #tpu.memory_space<vmem>>, vector<16xf32>,
        %mul3A_1094 = arith.mulf %get3A_1093, %bitcast3A_1066 : vector<16xf32>
        %add3A_1095 = arith.constant 3 : i32
        %add3A_1096 = arith.addi %add3A_786, %add3A_1095 : i32
        %swap3A_1097 = arith.index_cast %add3A_1096 : i32 to index
        %swap3A_1098 = arith.constant 32 : index
        %swap3A_1099 = tpu.vector_load %arg7[%swap3A_1097, %swap3A_1098] {strides = array<i32>} : memref<128x128xf32, #tpu.memory_space<vmem>>, vector<16xf32>,
        tpu.vector_store %arg7[%swap3A_1097, %swap3A_1098], %mul3A_1094 {strides = array<i32>} : memref<128x128xf32, #tpu.memory_space<vmem>>, vector<16xf32>,
        %add3A_1100 = arith.constant 3 : i32
        %add3A_1101 = arith.addi %add3A_786, %add3A_1100 : i32
        %get3A_1102 = arith.index_cast %add3A_1101 : i32 to index
        %get3A_1103 = arith.constant 48 : index
        %get3A_1104 = tpu.vector_load %arg7[%get3A_1102, %get3A_1103] {strides = array<i32>} : memref<128x128xf32, #tpu.memory_space<vmem>>, vector<16xf32>,
        %mul3A_1105 = arith.mulf %get3A_1104, %bitcast3A_1066 : vector<16xf32>
        %add3A_1106 = arith.constant 3 : i32
        %add3A_1107 = arith.addi %add3A_786, %add3A_1106 : i32
        %swap3A_1108 = arith.index_cast %add3A_1107 : i32 to index
        %swap3A_1109 = arith.constant 48 : index
        %swap3A_1110 = tpu.vector_load %arg7[%swap3A_1108, %swap3A_1109] {strides = array<i32>} : memref<128x128xf32, #tpu.memory_space<vmem>>, vector<16xf32>,
        tpu.vector_store %arg7[%swap3A_1108, %swap3A_1109], %mul3A_1105 {strides = array<i32>} : memref<128x128xf32, #tpu.memory_space<vmem>>, vector<16xf32>,
        %add3A_1111 = arith.constant 3 : i32
        %add3A_1112 = arith.addi %add3A_786, %add3A_1111 : i32
        %get3A_1113 = arith.index_cast %add3A_1112 : i32 to index
        %get3A_1114 = arith.constant 64 : index
        %get3A_1115 = tpu.vector_load %arg7[%get3A_1113, %get3A_1114] {strides = array<i32>} : memref<128x128xf32, #tpu.memory_space<vmem>>, vector<16xf32>,
        %mul3A_1116 = arith.mulf %get3A_1115, %bitcast3A_1066 : vector<16xf32>
        %add3A_1117 = arith.constant 3 : i32
        %add3A_1118 = arith.addi %add3A_786, %add3A_1117 : i32
        %swap3A_1119 = arith.index_cast %add3A_1118 : i32 to index
        %swap3A_1120 = arith.constant 64 : index
        %swap3A_1121 = tpu.vector_load %arg7[%swap3A_1119, %swap3A_1120] {strides = array<i32>} : memref<128x128xf32, #tpu.memory_space<vmem>>, vector<16xf32>,
        tpu.vector_store %arg7[%swap3A_1119, %swap3A_1120], %mul3A_1116 {strides = array<i32>} : memref<128x128xf32, #tpu.memory_space<vmem>>, vector<16xf32>,
        %add3A_1122 = arith.constant 3 : i32
        %add3A_1123 = arith.addi %add3A_786, %add3A_1122 : i32
        %get3A_1124 = arith.index_cast %add3A_1123 : i32 to index
        %get3A_1125 = arith.constant 80 : index
        %get3A_1126 = tpu.vector_load %arg7[%get3A_1124, %get3A_1125] {strides = array<i32>} : memref<128x128xf32, #tpu.memory_space<vmem>>, vector<16xf32>,
        %mul3A_1127 = arith.mulf %get3A_1126, %bitcast3A_1066 : vector<16xf32>
        %add3A_1128 = arith.constant 3 : i32
        %add3A_1129 = arith.addi %add3A_786, %add3A_1128 : i32
        %swap3A_1130 = arith.index_cast %add3A_1129 : i32 to index
        %swap3A_1131 = arith.constant 80 : index
        %swap3A_1132 = tpu.vector_load %arg7[%swap3A_1130, %swap3A_1131] {strides = array<i32>} : memref<128x128xf32, #tpu.memory_space<vmem>>, vector<16xf32>,
        tpu.vector_store %arg7[%swap3A_1130, %swap3A_1131], %mul3A_1127 {strides = array<i32>} : memref<128x128xf32, #tpu.memory_space<vmem>>, vector<16xf32>,
        %add3A_1133 = arith.constant 3 : i32
        %add3A_1134 = arith.addi %add3A_786, %add3A_1133 : i32
        %get3A_1135 = arith.index_cast %add3A_1134 : i32 to index
        %get3A_1136 = arith.constant 96 : index
        %get3A_1137 = tpu.vector_load %arg7[%get3A_1135, %get3A_1136] {strides = array<i32>} : memref<128x128xf32, #tpu.memory_space<vmem>>, vector<16xf32>,
        %mul3A_1138 = arith.mulf %get3A_1137, %bitcast3A_1066 : vector<16xf32>
        %add3A_1139 = arith.constant 3 : i32
        %add3A_1140 = arith.addi %add3A_786, %add3A_1139 : i32
        %swap3A_1141 = arith.index_cast %add3A_1140 : i32 to index
        %swap3A_1142 = arith.constant 96 : index
        %swap3A_1143 = tpu.vector_load %arg7[%swap3A_1141, %swap3A_1142] {strides = array<i32>} : memref<128x128xf32, #tpu.memory_space<vmem>>, vector<16xf32>,
        tpu.vector_store %arg7[%swap3A_1141, %swap3A_1142], %mul3A_1138 {strides = array<i32>} : memref<128x128xf32, #tpu.memory_space<vmem>>, vector<16xf32>,
        %add3A_1144 = arith.constant 3 : i32
        %add3A_1145 = arith.addi %add3A_786, %add3A_1144 : i32
        %get3A_1146 = arith.index_cast %add3A_1145 : i32 to index
        %get3A_1147 = arith.constant 112 : index
        %get3A_1148 = tpu.vector_load %arg7[%get3A_1146, %get3A_1147] {strides = array<i32>} : memref<128x128xf32, #tpu.memory_space<vmem>>, vector<16xf32>,
        %mul3A_1149 = arith.mulf %get3A_1148, %bitcast3A_1066 : vector<16xf32>
        %add3A_1150 = arith.constant 3 : i32
        %add3A_1151 = arith.addi %add3A_786, %add3A_1150 : i32
        %swap3A_1152 = arith.index_cast %add3A_1151 : i32 to index
        %swap3A_1153 = arith.constant 112 : index
        %swap3A_1154 = tpu.vector_load %arg7[%swap3A_1152, %swap3A_1153] {strides = array<i32>} : memref<128x128xf32, #tpu.memory_space<vmem>>, vector<16xf32>,
        tpu.vector_store %arg7[%swap3A_1152, %swap3A_1153], %mul3A_1149 {strides = array<i32>} : memref<128x128xf32, #tpu.memory_space<vmem>>, vector<16xf32>,
      }
      %scan3A_773 = arith.constant 32 : i32
      %dma_start3A_774 = arith.constant 3 : i32
      %dma_start3A_775 = arith.constant 1 : i32
      %dma_start3A_776 = arith.constant 0 : i32
      %dma_start3A_777 = tpu.memref_slice %arg5[%dma_start3A_774, %dma_start3A_775, %dma_start3A_776] : memref<4x8x128xi32, #tpu.memory_space<vmem>> -> memref<1x1x128xi32, #tpu.memory_space<vmem>>
      %dma_start3A_778 = tpu.memref_squeeze %dma_start3A_777 : memref<1x1x128xi32, #tpu.memory_space<vmem>> -> memref<128xi32, #tpu.memory_space<vmem>>
      %dma_start3A_779 = arith.constant 0 : i32
      %dma_start3A_780 = arith.constant 0 : i32
      %dma_start3A_781 = tpu.memref_slice %arg8[%dma_start3A_779, %dma_start3A_780] : memref<10000x128xf32, #tpu.memory_space<vmem_shared>> -> memref<10000x128xf32, #tpu.memory_space<vmem_shared>>
      tpu.enqueue_indirect_dma source(%arg7 : memref<128x128xf32, #tpu.memory_space<vmem>>) target(%dma_start3A_781 : memref<10000x128xf32, #tpu.memory_space<vmem_shared>>) offsets(%dma_start3A_778 : memref<128xi32, #tpu.memory_space<vmem>>) semaphore(%arg16 : memref<!tpu.dma_semaphore, #tpu.memory_space<semaphore_mem>>) {add = true}
    }
    %scan3A_136 = arith.constant 19 : i32
    %dma_wait3A_137 = arith.constant 0 : i32
    %dma_wait3A_138 = arith.constant 0 : i32
    %dma_wait3A_139 = arith.constant 0 : i32
    %dma_wait3A_140 = tpu.memref_slice %arg5[%dma_wait3A_137, %dma_wait3A_138, %dma_wait3A_139] : memref<4x8x128xi32, #tpu.memory_space<vmem>> -> memref<1x1x128xi32, #tpu.memory_space<vmem>>
    %dma_wait3A_141 = tpu.memref_squeeze %dma_wait3A_140 : memref<1x1x128xi32, #tpu.memory_space<vmem>> -> memref<128xi32, #tpu.memory_space<vmem>>
    %dma_wait3A_142 = arith.constant 0 : i32
    %dma_wait3A_143 = arith.constant 0 : i32
    %dma_wait3A_144 = tpu.memref_slice %arg2[%dma_wait3A_142, %dma_wait3A_143] : memref<10000x128xf32, #tpu.memory_space<hbm>> -> memref<10000x128xf32, #tpu.memory_space<hbm>>
    tpu.wait_indirect_dma semaphore(%arg13 : memref<!tpu.dma_semaphore, #tpu.memory_space<semaphore_mem>>) src(%dma_wait3A_144 : memref<10000x128xf32, #tpu.memory_space<hbm>>) dst(%arg6 : memref<128x128xf32, #tpu.memory_space<vmem>>)
    %dma_wait3A_145 = arith.constant 3 : i32
    %dma_wait3A_146 = arith.constant 1 : i32
    %dma_wait3A_147 = arith.constant 0 : i32
    %dma_wait3A_148 = tpu.memref_slice %arg5[%dma_wait3A_145, %dma_wait3A_146, %dma_wait3A_147] : memref<4x8x128xi32, #tpu.memory_space<vmem>> -> memref<1x1x128xi32, #tpu.memory_space<vmem>>
    %dma_wait3A_149 = tpu.memref_squeeze %dma_wait3A_148 : memref<1x1x128xi32, #tpu.memory_space<vmem>> -> memref<128xi32, #tpu.memory_space<vmem>>
    %dma_wait3A_150 = arith.constant 0 : i32
    %dma_wait3A_151 = arith.constant 0 : i32
    %dma_wait3A_152 = tpu.memref_slice %arg8[%dma_wait3A_150, %dma_wait3A_151] : memref<10000x128xf32, #tpu.memory_space<vmem_shared>> -> memref<10000x128xf32, #tpu.memory_space<vmem_shared>>
    tpu.wait_indirect_dma semaphore(%arg16 : memref<!tpu.dma_semaphore, #tpu.memory_space<semaphore_mem>>) src(%arg7 : memref<128x128xf32, #tpu.memory_space<vmem>>) dst(%dma_wait3A_152 : memref<10000x128xf32, #tpu.memory_space<vmem_shared>>)
    %dma_wait3A_153 = arith.constant 77 : i32
    %dma_wait3A_154 = arith.constant 1 : i32
    %dma_wait3A_155 = arith.constant 0 : i32
    %dma_wait3A_156 = arith.constant 0 : i32
    %dma_wait3A_157 = tpu.memref_slice %arg5[%dma_wait3A_154, %dma_wait3A_155, %dma_wait3A_156] : memref<4x8x128xi32, #tpu.memory_space<vmem>> -> memref<1x8x128xi32, #tpu.memory_space<vmem>>
    %dma_wait3A_158 = tpu.memref_squeeze %dma_wait3A_157 : memref<1x8x128xi32, #tpu.memory_space<vmem>> -> memref<8x128xi32, #tpu.memory_space<vmem>>
    %dma_wait3A_159 = arith.constant 0 : i32
    %dma_wait3A_160 = arith.constant 0 : i32
    %dma_wait3A_161 = tpu.memref_slice %arg3[%add3A, %dma_wait3A_153, %dma_wait3A_159, %dma_wait3A_160] : memref<32x80x8x128xi32, #tpu.memory_space<hbm>> -> memref<1x1x8x128xi32, #tpu.memory_space<hbm>>
    %dma_wait3A_162 = tpu.memref_squeeze %dma_wait3A_161 : memref<1x1x8x128xi32, #tpu.memory_space<hbm>> -> memref<8x128xi32, #tpu.memory_space<hbm>>
    %dma_wait3A_163 = arith.constant 0 : i32
    %dma_wait3A_164 = arith.constant 0 : i32
    %dma_wait3A_165 = tpu.memref_slice %arg5[%dma_wait3A_154, %dma_wait3A_163, %dma_wait3A_164] : memref<4x8x128xi32, #tpu.memory_space<vmem>> -> memref<1x8x128xi32, #tpu.memory_space<vmem>>
    %dma_wait3A_166 = tpu.memref_squeeze %dma_wait3A_165 : memref<1x8x128xi32, #tpu.memory_space<vmem>> -> memref<8x128xi32, #tpu.memory_space<vmem>>
    %dma_wait3A_167 = arith.constant 0 : i32
    %dma_wait3A_168 = arith.constant 0 : i32
    %dma_wait3A_169 = tpu.memref_slice %arg3[%add3A, %dma_wait3A_153, %dma_wait3A_167, %dma_wait3A_168] : memref<32x80x8x128xi32, #tpu.memory_space<hbm>> -> memref<1x1x8x128xi32, #tpu.memory_space<hbm>>
    %dma_wait3A_170 = tpu.memref_squeeze %dma_wait3A_169 : memref<1x1x8x128xi32, #tpu.memory_space<hbm>> -> memref<8x128xi32, #tpu.memory_space<hbm>>
    tpu.wait_dma2 semaphore(%arg10 : memref<!tpu.dma_semaphore, #tpu.memory_space<semaphore_mem>>) src(%dma_wait3A_170 : memref<8x128xi32, #tpu.memory_space<hbm>>) dst(%dma_wait3A_166 : memref<8x128xi32, #tpu.memory_space<vmem>>)
    %dma_start3A_171 = arith.constant 1 : i32
    %dma_start3A_172 = arith.constant 0 : i32
    %dma_start3A_173 = arith.constant 0 : i32
    %dma_start3A_174 = tpu.memref_slice %arg5[%dma_start3A_171, %dma_start3A_172, %dma_start3A_173] : memref<4x8x128xi32, #tpu.memory_space<vmem>> -> memref<1x1x128xi32, #tpu.memory_space<vmem>>
    %dma_start3A_175 = tpu.memref_squeeze %dma_start3A_174 : memref<1x1x128xi32, #tpu.memory_space<vmem>> -> memref<128xi32, #tpu.memory_space<vmem>>
    %dma_start3A_176 = arith.constant 0 : i32
    %dma_start3A_177 = arith.constant 0 : i32
    %dma_start3A_178 = tpu.memref_slice %arg2[%dma_start3A_176, %dma_start3A_177] : memref<10000x128xf32, #tpu.memory_space<hbm>> -> memref<10000x128xf32, #tpu.memory_space<hbm>>
    tpu.enqueue_indirect_dma source(%dma_start3A_178 : memref<10000x128xf32, #tpu.memory_space<hbm>>) target(%arg7 : memref<128x128xf32, #tpu.memory_space<vmem>>) offsets(%dma_start3A_175 : memref<128xi32, #tpu.memory_space<vmem>>) semaphore(%arg14 : memref<!tpu.dma_semaphore, #tpu.memory_space<semaphore_mem>>)
    %dma_start3A_179 = arith.constant 78 : i32
    %dma_start3A_180 = arith.constant 2 : i32
    %dma_start3A_181 = arith.constant 0 : i32
    %dma_start3A_182 = arith.constant 0 : i32
    %dma_start3A_183 = tpu.memref_slice %arg5[%dma_start3A_180, %dma_start3A_181, %dma_start3A_182] : memref<4x8x128xi32, #tpu.memory_space<vmem>> -> memref<1x8x128xi32, #tpu.memory_space<vmem>>
    %dma_start3A_184 = tpu.memref_squeeze %dma_start3A_183 : memref<1x8x128xi32, #tpu.memory_space<vmem>> -> memref<8x128xi32, #tpu.memory_space<vmem>>
    %dma_start3A_185 = arith.constant 0 : i32
    %dma_start3A_186 = arith.constant 0 : i32
    %dma_start3A_187 = tpu.memref_slice %arg3[%add3A, %dma_start3A_179, %dma_start3A_185, %dma_start3A_186] : memref<32x80x8x128xi32, #tpu.memory_space<hbm>> -> memref<1x1x8x128xi32, #tpu.memory_space<hbm>>
    %dma_start3A_188 = tpu.memref_squeeze %dma_start3A_187 : memref<1x1x8x128xi32, #tpu.memory_space<hbm>> -> memref<8x128xi32, #tpu.memory_space<hbm>>
    %dma_start3A_189 = arith.constant 0 : i32
    %dma_start3A_190 = arith.constant 0 : i32
    %dma_start3A_191 = tpu.memref_slice %arg5[%dma_start3A_180, %dma_start3A_189, %dma_start3A_190] : memref<4x8x128xi32, #tpu.memory_space<vmem>> -> memref<1x8x128xi32, #tpu.memory_space<vmem>>
    %dma_start3A_192 = tpu.memref_squeeze %dma_start3A_191 : memref<1x8x128xi32, #tpu.memory_space<vmem>> -> memref<8x128xi32, #tpu.memory_space<vmem>>
    %dma_start3A_193 = arith.constant 0 : i32
    %dma_start3A_194 = arith.constant 0 : i32
    %dma_start3A_195 = tpu.memref_slice %arg3[%add3A, %dma_start3A_179, %dma_start3A_193, %dma_start3A_194] : memref<32x80x8x128xi32, #tpu.memory_space<hbm>> -> memref<1x1x8x128xi32, #tpu.memory_space<hbm>>
    %dma_start3A_196 = tpu.memref_squeeze %dma_start3A_195 : memref<1x1x8x128xi32, #tpu.memory_space<hbm>> -> memref<8x128xi32, #tpu.memory_space<hbm>>
    tpu.enqueue_dma source(%dma_start3A_196 : memref<8x128xi32, #tpu.memory_space<hbm>>) target(%dma_start3A_192 : memref<8x128xi32, #tpu.memory_space<vmem>>) target_semaphore(%arg11 : memref<!tpu.dma_semaphore, #tpu.memory_space<semaphore_mem>>)
    %broadcast_in_dim3A_197 = arith.constant 0 : i32
    %broadcast_in_dim3A_198 = vector.broadcast %broadcast_in_dim3A_197 : i32 to vector<16xi32>
    %broadcast_in_dim3A_199 = arith.constant 2 : i32
    %broadcast_in_dim3A_200 = vector.broadcast %broadcast_in_dim3A_199 : i32 to vector<16xi32>
    %scan3A_201 = arith.constant 0 : i32
    %scan3A_202 = arith.constant 32 : i32
    %scan3A_203 = arith.addi %scan3A_201, %scan3A_202 : i32
    %scan3A_204 = arith.constant 1 : i32
    scf.for %scan3A_457 = %scan3A_201 to %scan3A_203 step %scan3A_204  : i32 {
      %mul3A_458 = arith.constant 4 : i32
      %mul3A_459 = arith.muli %scan3A_457, %mul3A_458 : i32
      %add3A_460 = arith.constant 0 : i32
      %add3A_461 = arith.addi %add3A_460, %mul3A_459 : i32
      %add3A_462 = arith.constant 0 : i32
      %add3A_463 = arith.addi %add3A_461, %add3A_462 : i32
      %broadcast_in_dim3A_464 = vector.broadcast %add3A_463 : i32 to vector<16xi32>
      %gather3A = tpu.vector_load_idx %arg5[%broadcast_in_dim3A_198, %broadcast_in_dim3A_200, %broadcast_in_dim3A_464] : memref<4x8x128xi32, #tpu.memory_space<vmem>>[vector<16xi32>, vector<16xi32>, vector<16xi32>], vector<16xi32>,
      %bitcast3A = vector.bitcast %gather3A : vector<16xi32> to vector<16xf32>
      %add3A_465 = arith.constant 0 : i32
      %add3A_466 = arith.addi %add3A_461, %add3A_465 : i32
      %get3A = arith.index_cast %add3A_466 : i32 to index
      %get3A_467 = arith.constant 0 : index
      %get3A_468 = tpu.vector_load %arg6[%get3A, %get3A_467] {strides = array<i32>} : memref<128x128xf32, #tpu.memory_space<vmem>>, vector<16xf32>,
      %mul3A_469 = arith.mulf %get3A_468, %bitcast3A : vector<16xf32>
      %add3A_470 = arith.constant 0 : i32
      %add3A_471 = arith.addi %add3A_461, %add3A_470 : i32
      %swap3A = arith.index_cast %add3A_471 : i32 to index
      %swap3A_472 = arith.constant 0 : index
      %swap3A_473 = tpu.vector_load %arg6[%swap3A, %swap3A_472] {strides = array<i32>} : memref<128x128xf32, #tpu.memory_space<vmem>>, vector<16xf32>,
      tpu.vector_store %arg6[%swap3A, %swap3A_472], %mul3A_469 {strides = array<i32>} : memref<128x128xf32, #tpu.memory_space<vmem>>, vector<16xf32>,
      %add3A_474 = arith.constant 0 : i32
      %add3A_475 = arith.addi %add3A_461, %add3A_474 : i32
      %get3A_476 = arith.index_cast %add3A_475 : i32 to index
      %get3A_477 = arith.constant 16 : index
      %get3A_478 = tpu.vector_load %arg6[%get3A_476, %get3A_477] {strides = array<i32>} : memref<128x128xf32, #tpu.memory_space<vmem>>, vector<16xf32>,
      %mul3A_479 = arith.mulf %get3A_478, %bitcast3A : vector<16xf32>
      %add3A_480 = arith.constant 0 : i32
      %add3A_481 = arith.addi %add3A_461, %add3A_480 : i32
      %swap3A_482 = arith.index_cast %add3A_481 : i32 to index
      %swap3A_483 = arith.constant 16 : index
      %swap3A_484 = tpu.vector_load %arg6[%swap3A_482, %swap3A_483] {strides = array<i32>} : memref<128x128xf32, #tpu.memory_space<vmem>>, vector<16xf32>,
      tpu.vector_store %arg6[%swap3A_482, %swap3A_483], %mul3A_479 {strides = array<i32>} : memref<128x128xf32, #tpu.memory_space<vmem>>, vector<16xf32>,
      %add3A_485 = arith.constant 0 : i32
      %add3A_486 = arith.addi %add3A_461, %add3A_485 : i32
      %get3A_487 = arith.index_cast %add3A_486 : i32 to index
      %get3A_488 = arith.constant 32 : index
      %get3A_489 = tpu.vector_load %arg6[%get3A_487, %get3A_488] {strides = array<i32>} : memref<128x128xf32, #tpu.memory_space<vmem>>, vector<16xf32>,
      %mul3A_490 = arith.mulf %get3A_489, %bitcast3A : vector<16xf32>
      %add3A_491 = arith.constant 0 : i32
      %add3A_492 = arith.addi %add3A_461, %add3A_491 : i32
      %swap3A_493 = arith.index_cast %add3A_492 : i32 to index
      %swap3A_494 = arith.constant 32 : index
      %swap3A_495 = tpu.vector_load %arg6[%swap3A_493, %swap3A_494] {strides = array<i32>} : memref<128x128xf32, #tpu.memory_space<vmem>>, vector<16xf32>,
      tpu.vector_store %arg6[%swap3A_493, %swap3A_494], %mul3A_490 {strides = array<i32>} : memref<128x128xf32, #tpu.memory_space<vmem>>, vector<16xf32>,
      %add3A_496 = arith.constant 0 : i32
      %add3A_497 = arith.addi %add3A_461, %add3A_496 : i32
      %get3A_498 = arith.index_cast %add3A_497 : i32 to index
      %get3A_499 = arith.constant 48 : index
      %get3A_500 = tpu.vector_load %arg6[%get3A_498, %get3A_499] {strides = array<i32>} : memref<128x128xf32, #tpu.memory_space<vmem>>, vector<16xf32>,
      %mul3A_501 = arith.mulf %get3A_500, %bitcast3A : vector<16xf32>
      %add3A_502 = arith.constant 0 : i32
      %add3A_503 = arith.addi %add3A_461, %add3A_502 : i32
      %swap3A_504 = arith.index_cast %add3A_503 : i32 to index
      %swap3A_505 = arith.constant 48 : index
      %swap3A_506 = tpu.vector_load %arg6[%swap3A_504, %swap3A_505] {strides = array<i32>} : memref<128x128xf32, #tpu.memory_space<vmem>>, vector<16xf32>,
      tpu.vector_store %arg6[%swap3A_504, %swap3A_505], %mul3A_501 {strides = array<i32>} : memref<128x128xf32, #tpu.memory_space<vmem>>, vector<16xf32>,
      %add3A_507 = arith.constant 0 : i32
      %add3A_508 = arith.addi %add3A_461, %add3A_507 : i32
      %get3A_509 = arith.index_cast %add3A_508 : i32 to index
      %get3A_510 = arith.constant 64 : index
      %get3A_511 = tpu.vector_load %arg6[%get3A_509, %get3A_510] {strides = array<i32>} : memref<128x128xf32, #tpu.memory_space<vmem>>, vector<16xf32>,
      %mul3A_512 = arith.mulf %get3A_511, %bitcast3A : vector<16xf32>
      %add3A_513 = arith.constant 0 : i32
      %add3A_514 = arith.addi %add3A_461, %add3A_513 : i32
      %swap3A_515 = arith.index_cast %add3A_514 : i32 to index
      %swap3A_516 = arith.constant 64 : index
      %swap3A_517 = tpu.vector_load %arg6[%swap3A_515, %swap3A_516] {strides = array<i32>} : memref<128x128xf32, #tpu.memory_space<vmem>>, vector<16xf32>,
      tpu.vector_store %arg6[%swap3A_515, %swap3A_516], %mul3A_512 {strides = array<i32>} : memref<128x128xf32, #tpu.memory_space<vmem>>, vector<16xf32>,
      %add3A_518 = arith.constant 0 : i32
      %add3A_519 = arith.addi %add3A_461, %add3A_518 : i32
      %get3A_520 = arith.index_cast %add3A_519 : i32 to index
      %get3A_521 = arith.constant 80 : index
      %get3A_522 = tpu.vector_load %arg6[%get3A_520, %get3A_521] {strides = array<i32>} : memref<128x128xf32, #tpu.memory_space<vmem>>, vector<16xf32>,
      %mul3A_523 = arith.mulf %get3A_522, %bitcast3A : vector<16xf32>
      %add3A_524 = arith.constant 0 : i32
      %add3A_525 = arith.addi %add3A_461, %add3A_524 : i32
      %swap3A_526 = arith.index_cast %add3A_525 : i32 to index
      %swap3A_527 = arith.constant 80 : index
      %swap3A_528 = tpu.vector_load %arg6[%swap3A_526, %swap3A_527] {strides = array<i32>} : memref<128x128xf32, #tpu.memory_space<vmem>>, vector<16xf32>,
      tpu.vector_store %arg6[%swap3A_526, %swap3A_527], %mul3A_523 {strides = array<i32>} : memref<128x128xf32, #tpu.memory_space<vmem>>, vector<16xf32>,
      %add3A_529 = arith.constant 0 : i32
      %add3A_530 = arith.addi %add3A_461, %add3A_529 : i32
      %get3A_531 = arith.index_cast %add3A_530 : i32 to index
      %get3A_532 = arith.constant 96 : index
      %get3A_533 = tpu.vector_load %arg6[%get3A_531, %get3A_532] {strides = array<i32>} : memref<128x128xf32, #tpu.memory_space<vmem>>, vector<16xf32>,
      %mul3A_534 = arith.mulf %get3A_533, %bitcast3A : vector<16xf32>
      %add3A_535 = arith.constant 0 : i32
      %add3A_536 = arith.addi %add3A_461, %add3A_535 : i32
      %swap3A_537 = arith.index_cast %add3A_536 : i32 to index
      %swap3A_538 = arith.constant 96 : index
      %swap3A_539 = tpu.vector_load %arg6[%swap3A_537, %swap3A_538] {strides = array<i32>} : memref<128x128xf32, #tpu.memory_space<vmem>>, vector<16xf32>,
      tpu.vector_store %arg6[%swap3A_537, %swap3A_538], %mul3A_534 {strides = array<i32>} : memref<128x128xf32, #tpu.memory_space<vmem>>, vector<16xf32>,
      %add3A_540 = arith.constant 0 : i32
      %add3A_541 = arith.addi %add3A_461, %add3A_540 : i32
      %get3A_542 = arith.index_cast %add3A_541 : i32 to index
      %get3A_543 = arith.constant 112 : index
      %get3A_544 = tpu.vector_load %arg6[%get3A_542, %get3A_543] {strides = array<i32>} : memref<128x128xf32, #tpu.memory_space<vmem>>, vector<16xf32>,
      %mul3A_545 = arith.mulf %get3A_544, %bitcast3A : vector<16xf32>
      %add3A_546 = arith.constant 0 : i32
      %add3A_547 = arith.addi %add3A_461, %add3A_546 : i32
      %swap3A_548 = arith.index_cast %add3A_547 : i32 to index
      %swap3A_549 = arith.constant 112 : index
      %swap3A_550 = tpu.vector_load %arg6[%swap3A_548, %swap3A_549] {strides = array<i32>} : memref<128x128xf32, #tpu.memory_space<vmem>>, vector<16xf32>,
      tpu.vector_store %arg6[%swap3A_548, %swap3A_549], %mul3A_545 {strides = array<i32>} : memref<128x128xf32, #tpu.memory_space<vmem>>, vector<16xf32>,
      %add3A_551 = arith.constant 1 : i32
      %add3A_552 = arith.addi %add3A_461, %add3A_551 : i32
      %broadcast_in_dim3A_553 = vector.broadcast %add3A_552 : i32 to vector<16xi32>
      %gather3A_554 = tpu.vector_load_idx %arg5[%broadcast_in_dim3A_198, %broadcast_in_dim3A_200, %broadcast_in_dim3A_553] : memref<4x8x128xi32, #tpu.memory_space<vmem>>[vector<16xi32>, vector<16xi32>, vector<16xi32>], vector<16xi32>,
      %bitcast3A_555 = vector.bitcast %gather3A_554 : vector<16xi32> to vector<16xf32>
      %add3A_556 = arith.constant 1 : i32
      %add3A_557 = arith.addi %add3A_461, %add3A_556 : i32
      %get3A_558 = arith.index_cast %add3A_557 : i32 to index
      %get3A_559 = arith.constant 0 : index
      %get3A_560 = tpu.vector_load %arg6[%get3A_558, %get3A_559] {strides = array<i32>} : memref<128x128xf32, #tpu.memory_space<vmem>>, vector<16xf32>,
      %mul3A_561 = arith.mulf %get3A_560, %bitcast3A_555 : vector<16xf32>
      %add3A_562 = arith.constant 1 : i32
      %add3A_563 = arith.addi %add3A_461, %add3A_562 : i32
      %swap3A_564 = arith.index_cast %add3A_563 : i32 to index
      %swap3A_565 = arith.constant 0 : index
      %swap3A_566 = tpu.vector_load %arg6[%swap3A_564, %swap3A_565] {strides = array<i32>} : memref<128x128xf32, #tpu.memory_space<vmem>>, vector<16xf32>,
      tpu.vector_store %arg6[%swap3A_564, %swap3A_565], %mul3A_561 {strides = array<i32>} : memref<128x128xf32, #tpu.memory_space<vmem>>, vector<16xf32>,
      %add3A_567 = arith.constant 1 : i32
      %add3A_568 = arith.addi %add3A_461, %add3A_567 : i32
      %get3A_569 = arith.index_cast %add3A_568 : i32 to index
      %get3A_570 = arith.constant 16 : index
      %get3A_571 = tpu.vector_load %arg6[%get3A_569, %get3A_570] {strides = array<i32>} : memref<128x128xf32, #tpu.memory_space<vmem>>, vector<16xf32>,
      %mul3A_572 = arith.mulf %get3A_571, %bitcast3A_555 : vector<16xf32>
      %add3A_573 = arith.constant 1 : i32
      %add3A_574 = arith.addi %add3A_461, %add3A_573 : i32
      %swap3A_575 = arith.index_cast %add3A_574 : i32 to index
      %swap3A_576 = arith.constant 16 : index
      %swap3A_577 = tpu.vector_load %arg6[%swap3A_575, %swap3A_576] {strides = array<i32>} : memref<128x128xf32, #tpu.memory_space<vmem>>, vector<16xf32>,
      tpu.vector_store %arg6[%swap3A_575, %swap3A_576], %mul3A_572 {strides = array<i32>} : memref<128x128xf32, #tpu.memory_space<vmem>>, vector<16xf32>,
      %add3A_578 = arith.constant 1 : i32
      %add3A_579 = arith.addi %add3A_461, %add3A_578 : i32
      %get3A_580 = arith.index_cast %add3A_579 : i32 to index
      %get3A_581 = arith.constant 32 : index
      %get3A_582 = tpu.vector_load %arg6[%get3A_580, %get3A_581] {strides = array<i32>} : memref<128x128xf32, #tpu.memory_space<vmem>>, vector<16xf32>,
      %mul3A_583 = arith.mulf %get3A_582, %bitcast3A_555 : vector<16xf32>
      %add3A_584 = arith.constant 1 : i32
      %add3A_585 = arith.addi %add3A_461, %add3A_584 : i32
      %swap3A_586 = arith.index_cast %add3A_585 : i32 to index
      %swap3A_587 = arith.constant 32 : index
      %swap3A_588 = tpu.vector_load %arg6[%swap3A_586, %swap3A_587] {strides = array<i32>} : memref<128x128xf32, #tpu.memory_space<vmem>>, vector<16xf32>,
      tpu.vector_store %arg6[%swap3A_586, %swap3A_587], %mul3A_583 {strides = array<i32>} : memref<128x128xf32, #tpu.memory_space<vmem>>, vector<16xf32>,
      %add3A_589 = arith.constant 1 : i32
      %add3A_590 = arith.addi %add3A_461, %add3A_589 : i32
      %get3A_591 = arith.index_cast %add3A_590 : i32 to index
      %get3A_592 = arith.constant 48 : index
      %get3A_593 = tpu.vector_load %arg6[%get3A_591, %get3A_592] {strides = array<i32>} : memref<128x128xf32, #tpu.memory_space<vmem>>, vector<16xf32>,
      %mul3A_594 = arith.mulf %get3A_593, %bitcast3A_555 : vector<16xf32>
      %add3A_595 = arith.constant 1 : i32
      %add3A_596 = arith.addi %add3A_461, %add3A_595 : i32
      %swap3A_597 = arith.index_cast %add3A_596 : i32 to index
      %swap3A_598 = arith.constant 48 : index
      %swap3A_599 = tpu.vector_load %arg6[%swap3A_597, %swap3A_598] {strides = array<i32>} : memref<128x128xf32, #tpu.memory_space<vmem>>, vector<16xf32>,
      tpu.vector_store %arg6[%swap3A_597, %swap3A_598], %mul3A_594 {strides = array<i32>} : memref<128x128xf32, #tpu.memory_space<vmem>>, vector<16xf32>,
      %add3A_600 = arith.constant 1 : i32
      %add3A_601 = arith.addi %add3A_461, %add3A_600 : i32
      %get3A_602 = arith.index_cast %add3A_601 : i32 to index
      %get3A_603 = arith.constant 64 : index
      %get3A_604 = tpu.vector_load %arg6[%get3A_602, %get3A_603] {strides = array<i32>} : memref<128x128xf32, #tpu.memory_space<vmem>>, vector<16xf32>,
      %mul3A_605 = arith.mulf %get3A_604, %bitcast3A_555 : vector<16xf32>
      %add3A_606 = arith.constant 1 : i32
      %add3A_607 = arith.addi %add3A_461, %add3A_606 : i32
      %swap3A_608 = arith.index_cast %add3A_607 : i32 to index
      %swap3A_609 = arith.constant 64 : index
      %swap3A_610 = tpu.vector_load %arg6[%swap3A_608, %swap3A_609] {strides = array<i32>} : memref<128x128xf32, #tpu.memory_space<vmem>>, vector<16xf32>,
      tpu.vector_store %arg6[%swap3A_608, %swap3A_609], %mul3A_605 {strides = array<i32>} : memref<128x128xf32, #tpu.memory_space<vmem>>, vector<16xf32>,
      %add3A_611 = arith.constant 1 : i32
      %add3A_612 = arith.addi %add3A_461, %add3A_611 : i32
      %get3A_613 = arith.index_cast %add3A_612 : i32 to index
      %get3A_614 = arith.constant 80 : index
      %get3A_615 = tpu.vector_load %arg6[%get3A_613, %get3A_614] {strides = array<i32>} : memref<128x128xf32, #tpu.memory_space<vmem>>, vector<16xf32>,
      %mul3A_616 = arith.mulf %get3A_615, %bitcast3A_555 : vector<16xf32>
      %add3A_617 = arith.constant 1 : i32
      %add3A_618 = arith.addi %add3A_461, %add3A_617 : i32
      %swap3A_619 = arith.index_cast %add3A_618 : i32 to index
      %swap3A_620 = arith.constant 80 : index
      %swap3A_621 = tpu.vector_load %arg6[%swap3A_619, %swap3A_620] {strides = array<i32>} : memref<128x128xf32, #tpu.memory_space<vmem>>, vector<16xf32>,
      tpu.vector_store %arg6[%swap3A_619, %swap3A_620], %mul3A_616 {strides = array<i32>} : memref<128x128xf32, #tpu.memory_space<vmem>>, vector<16xf32>,
      %add3A_622 = arith.constant 1 : i32
      %add3A_623 = arith.addi %add3A_461, %add3A_622 : i32
      %get3A_624 = arith.index_cast %add3A_623 : i32 to index
      %get3A_625 = arith.constant 96 : index
      %get3A_626 = tpu.vector_load %arg6[%get3A_624, %get3A_625] {strides = array<i32>} : memref<128x128xf32, #tpu.memory_space<vmem>>, vector<16xf32>,
      %mul3A_627 = arith.mulf %get3A_626, %bitcast3A_555 : vector<16xf32>
      %add3A_628 = arith.constant 1 : i32
      %add3A_629 = arith.addi %add3A_461, %add3A_628 : i32
      %swap3A_630 = arith.index_cast %add3A_629 : i32 to index
      %swap3A_631 = arith.constant 96 : index
      %swap3A_632 = tpu.vector_load %arg6[%swap3A_630, %swap3A_631] {strides = array<i32>} : memref<128x128xf32, #tpu.memory_space<vmem>>, vector<16xf32>,
      tpu.vector_store %arg6[%swap3A_630, %swap3A_631], %mul3A_627 {strides = array<i32>} : memref<128x128xf32, #tpu.memory_space<vmem>>, vector<16xf32>,
      %add3A_633 = arith.constant 1 : i32
      %add3A_634 = arith.addi %add3A_461, %add3A_633 : i32
      %get3A_635 = arith.index_cast %add3A_634 : i32 to index
      %get3A_636 = arith.constant 112 : index
      %get3A_637 = tpu.vector_load %arg6[%get3A_635, %get3A_636] {strides = array<i32>} : memref<128x128xf32, #tpu.memory_space<vmem>>, vector<16xf32>,
      %mul3A_638 = arith.mulf %get3A_637, %bitcast3A_555 : vector<16xf32>
      %add3A_639 = arith.constant 1 : i32
      %add3A_640 = arith.addi %add3A_461, %add3A_639 : i32
      %swap3A_641 = arith.index_cast %add3A_640 : i32 to index
      %swap3A_642 = arith.constant 112 : index
      %swap3A_643 = tpu.vector_load %arg6[%swap3A_641, %swap3A_642] {strides = array<i32>} : memref<128x128xf32, #tpu.memory_space<vmem>>, vector<16xf32>,
      tpu.vector_store %arg6[%swap3A_641, %swap3A_642], %mul3A_638 {strides = array<i32>} : memref<128x128xf32, #tpu.memory_space<vmem>>, vector<16xf32>,
      %add3A_644 = arith.constant 2 : i32
      %add3A_645 = arith.addi %add3A_461, %add3A_644 : i32
      %broadcast_in_dim3A_646 = vector.broadcast %add3A_645 : i32 to vector<16xi32>
      %gather3A_647 = tpu.vector_load_idx %arg5[%broadcast_in_dim3A_198, %broadcast_in_dim3A_200, %broadcast_in_dim3A_646] : memref<4x8x128xi32, #tpu.memory_space<vmem>>[vector<16xi32>, vector<16xi32>, vector<16xi32>], vector<16xi32>,
      %bitcast3A_648 = vector.bitcast %gather3A_647 : vector<16xi32> to vector<16xf32>
      %add3A_649 = arith.constant 2 : i32
      %add3A_650 = arith.addi %add3A_461, %add3A_649 : i32
      %get3A_651 = arith.index_cast %add3A_650 : i32 to index
      %get3A_652 = arith.constant 0 : index
      %get3A_653 = tpu.vector_load %arg6[%get3A_651, %get3A_652] {strides = array<i32>} : memref<128x128xf32, #tpu.memory_space<vmem>>, vector<16xf32>,
      %mul3A_654 = arith.mulf %get3A_653, %bitcast3A_648 : vector<16xf32>
      %add3A_655 = arith.constant 2 : i32
      %add3A_656 = arith.addi %add3A_461, %add3A_655 : i32
      %swap3A_657 = arith.index_cast %add3A_656 : i32 to index
      %swap3A_658 = arith.constant 0 : index
      %swap3A_659 = tpu.vector_load %arg6[%swap3A_657, %swap3A_658] {strides = array<i32>} : memref<128x128xf32, #tpu.memory_space<vmem>>, vector<16xf32>,
      tpu.vector_store %arg6[%swap3A_657, %swap3A_658], %mul3A_654 {strides = array<i32>} : memref<128x128xf32, #tpu.memory_space<vmem>>, vector<16xf32>,
      %add3A_660 = arith.constant 2 : i32
      %add3A_661 = arith.addi %add3A_461, %add3A_660 : i32
      %get3A_662 = arith.index_cast %add3A_661 : i32 to index
      %get3A_663 = arith.constant 16 : index
      %get3A_664 = tpu.vector_load %arg6[%get3A_662, %get3A_663] {strides = array<i32>} : memref<128x128xf32, #tpu.memory_space<vmem>>, vector<16xf32>,
      %mul3A_665 = arith.mulf %get3A_664, %bitcast3A_648 : vector<16xf32>
      %add3A_666 = arith.constant 2 : i32
      %add3A_667 = arith.addi %add3A_461, %add3A_666 : i32
      %swap3A_668 = arith.index_cast %add3A_667 : i32 to index
      %swap3A_669 = arith.constant 16 : index
      %swap3A_670 = tpu.vector_load %arg6[%swap3A_668, %swap3A_669] {strides = array<i32>} : memref<128x128xf32, #tpu.memory_space<vmem>>, vector<16xf32>,
      tpu.vector_store %arg6[%swap3A_668, %swap3A_669], %mul3A_665 {strides = array<i32>} : memref<128x128xf32, #tpu.memory_space<vmem>>, vector<16xf32>,
      %add3A_671 = arith.constant 2 : i32
      %add3A_672 = arith.addi %add3A_461, %add3A_671 : i32
      %get3A_673 = arith.index_cast %add3A_672 : i32 to index
      %get3A_674 = arith.constant 32 : index
      %get3A_675 = tpu.vector_load %arg6[%get3A_673, %get3A_674] {strides = array<i32>} : memref<128x128xf32, #tpu.memory_space<vmem>>, vector<16xf32>,
      %mul3A_676 = arith.mulf %get3A_675, %bitcast3A_648 : vector<16xf32>
      %add3A_677 = arith.constant 2 : i32
      %add3A_678 = arith.addi %add3A_461, %add3A_677 : i32
      %swap3A_679 = arith.index_cast %add3A_678 : i32 to index
      %swap3A_680 = arith.constant 32 : index
      %swap3A_681 = tpu.vector_load %arg6[%swap3A_679, %swap3A_680] {strides = array<i32>} : memref<128x128xf32, #tpu.memory_space<vmem>>, vector<16xf32>,
      tpu.vector_store %arg6[%swap3A_679, %swap3A_680], %mul3A_676 {strides = array<i32>} : memref<128x128xf32, #tpu.memory_space<vmem>>, vector<16xf32>,
      %add3A_682 = arith.constant 2 : i32
      %add3A_683 = arith.addi %add3A_461, %add3A_682 : i32
      %get3A_684 = arith.index_cast %add3A_683 : i32 to index
      %get3A_685 = arith.constant 48 : index
      %get3A_686 = tpu.vector_load %arg6[%get3A_684, %get3A_685] {strides = array<i32>} : memref<128x128xf32, #tpu.memory_space<vmem>>, vector<16xf32>,
      %mul3A_687 = arith.mulf %get3A_686, %bitcast3A_648 : vector<16xf32>
      %add3A_688 = arith.constant 2 : i32
      %add3A_689 = arith.addi %add3A_461, %add3A_688 : i32
      %swap3A_690 = arith.index_cast %add3A_689 : i32 to index
      %swap3A_691 = arith.constant 48 : index
      %swap3A_692 = tpu.vector_load %arg6[%swap3A_690, %swap3A_691] {strides = array<i32>} : memref<128x128xf32, #tpu.memory_space<vmem>>, vector<16xf32>,
      tpu.vector_store %arg6[%swap3A_690, %swap3A_691], %mul3A_687 {strides = array<i32>} : memref<128x128xf32, #tpu.memory_space<vmem>>, vector<16xf32>,
      %add3A_693 = arith.constant 2 : i32
      %add3A_694 = arith.addi %add3A_461, %add3A_693 : i32
      %get3A_695 = arith.index_cast %add3A_694 : i32 to index
      %get3A_696 = arith.constant 64 : index
      %get3A_697 = tpu.vector_load %arg6[%get3A_695, %get3A_696] {strides = array<i32>} : memref<128x128xf32, #tpu.memory_space<vmem>>, vector<16xf32>,
      %mul3A_698 = arith.mulf %get3A_697, %bitcast3A_648 : vector<16xf32>
      %add3A_699 = arith.constant 2 : i32
      %add3A_700 = arith.addi %add3A_461, %add3A_699 : i32
      %swap3A_701 = arith.index_cast %add3A_700 : i32 to index
      %swap3A_702 = arith.constant 64 : index
      %swap3A_703 = tpu.vector_load %arg6[%swap3A_701, %swap3A_702] {strides = array<i32>} : memref<128x128xf32, #tpu.memory_space<vmem>>, vector<16xf32>,
      tpu.vector_store %arg6[%swap3A_701, %swap3A_702], %mul3A_698 {strides = array<i32>} : memref<128x128xf32, #tpu.memory_space<vmem>>, vector<16xf32>,
      %add3A_704 = arith.constant 2 : i32
      %add3A_705 = arith.addi %add3A_461, %add3A_704 : i32
      %get3A_706 = arith.index_cast %add3A_705 : i32 to index
      %get3A_707 = arith.constant 80 : index
      %get3A_708 = tpu.vector_load %arg6[%get3A_706, %get3A_707] {strides = array<i32>} : memref<128x128xf32, #tpu.memory_space<vmem>>, vector<16xf32>,
      %mul3A_709 = arith.mulf %get3A_708, %bitcast3A_648 : vector<16xf32>
      %add3A_710 = arith.constant 2 : i32
      %add3A_711 = arith.addi %add3A_461, %add3A_710 : i32
      %swap3A_712 = arith.index_cast %add3A_711 : i32 to index
      %swap3A_713 = arith.constant 80 : index
      %swap3A_714 = tpu.vector_load %arg6[%swap3A_712, %swap3A_713] {strides = array<i32>} : memref<128x128xf32, #tpu.memory_space<vmem>>, vector<16xf32>,
      tpu.vector_store %arg6[%swap3A_712, %swap3A_713], %mul3A_709 {strides = array<i32>} : memref<128x128xf32, #tpu.memory_space<vmem>>, vector<16xf32>,
      %add3A_715 = arith.constant 2 : i32
      %add3A_716 = arith.addi %add3A_461, %add3A_715 : i32
      %get3A_717 = arith.index_cast %add3A_716 : i32 to index
      %get3A_718 = arith.constant 96 : index
      %get3A_719 = tpu.vector_load %arg6[%get3A_717, %get3A_718] {strides = array<i32>} : memref<128x128xf32, #tpu.memory_space<vmem>>, vector<16xf32>,
      %mul3A_720 = arith.mulf %get3A_719, %bitcast3A_648 : vector<16xf32>
      %add3A_721 = arith.constant 2 : i32
      %add3A_722 = arith.addi %add3A_461, %add3A_721 : i32
      %swap3A_723 = arith.index_cast %add3A_722 : i32 to index
      %swap3A_724 = arith.constant 96 : index
      %swap3A_725 = tpu.vector_load %arg6[%swap3A_723, %swap3A_724] {strides = array<i32>} : memref<128x128xf32, #tpu.memory_space<vmem>>, vector<16xf32>,
      tpu.vector_store %arg6[%swap3A_723, %swap3A_724], %mul3A_720 {strides = array<i32>} : memref<128x128xf32, #tpu.memory_space<vmem>>, vector<16xf32>,
      %add3A_726 = arith.constant 2 : i32
      %add3A_727 = arith.addi %add3A_461, %add3A_726 : i32
      %get3A_728 = arith.index_cast %add3A_727 : i32 to index
      %get3A_729 = arith.constant 112 : index
      %get3A_730 = tpu.vector_load %arg6[%get3A_728, %get3A_729] {strides = array<i32>} : memref<128x128xf32, #tpu.memory_space<vmem>>, vector<16xf32>,
      %mul3A_731 = arith.mulf %get3A_730, %bitcast3A_648 : vector<16xf32>
      %add3A_732 = arith.constant 2 : i32
      %add3A_733 = arith.addi %add3A_461, %add3A_732 : i32
      %swap3A_734 = arith.index_cast %add3A_733 : i32 to index
      %swap3A_735 = arith.constant 112 : index
      %swap3A_736 = tpu.vector_load %arg6[%swap3A_734, %swap3A_735] {strides = array<i32>} : memref<128x128xf32, #tpu.memory_space<vmem>>, vector<16xf32>,
      tpu.vector_store %arg6[%swap3A_734, %swap3A_735], %mul3A_731 {strides = array<i32>} : memref<128x128xf32, #tpu.memory_space<vmem>>, vector<16xf32>,
      %add3A_737 = arith.constant 3 : i32
      %add3A_738 = arith.addi %add3A_461, %add3A_737 : i32
      %broadcast_in_dim3A_739 = vector.broadcast %add3A_738 : i32 to vector<16xi32>
      %gather3A_740 = tpu.vector_load_idx %arg5[%broadcast_in_dim3A_198, %broadcast_in_dim3A_200, %broadcast_in_dim3A_739] : memref<4x8x128xi32, #tpu.memory_space<vmem>>[vector<16xi32>, vector<16xi32>, vector<16xi32>], vector<16xi32>,
      %bitcast3A_741 = vector.bitcast %gather3A_740 : vector<16xi32> to vector<16xf32>
      %add3A_742 = arith.constant 3 : i32
      %add3A_743 = arith.addi %add3A_461, %add3A_742 : i32
      %get3A_744 = arith.index_cast %add3A_743 : i32 to index
      %get3A_745 = arith.constant 0 : index
      %get3A_746 = tpu.vector_load %arg6[%get3A_744, %get3A_745] {strides = array<i32>} : memref<128x128xf32, #tpu.memory_space<vmem>>, vector<16xf32>,
      %mul3A_747 = arith.mulf %get3A_746, %bitcast3A_741 : vector<16xf32>
      %add3A_748 = arith.constant 3 : i32
      %add3A_749 = arith.addi %add3A_461, %add3A_748 : i32
      %swap3A_750 = arith.index_cast %add3A_749 : i32 to index
      %swap3A_751 = arith.constant 0 : index
      %swap3A_752 = tpu.vector_load %arg6[%swap3A_750, %swap3A_751] {strides = array<i32>} : memref<128x128xf32, #tpu.memory_space<vmem>>, vector<16xf32>,
      tpu.vector_store %arg6[%swap3A_750, %swap3A_751], %mul3A_747 {strides = array<i32>} : memref<128x128xf32, #tpu.memory_space<vmem>>, vector<16xf32>,
      %add3A_753 = arith.constant 3 : i32
      %add3A_754 = arith.addi %add3A_461, %add3A_753 : i32
      %get3A_755 = arith.index_cast %add3A_754 : i32 to index
      %get3A_756 = arith.constant 16 : index
      %get3A_757 = tpu.vector_load %arg6[%get3A_755, %get3A_756] {strides = array<i32>} : memref<128x128xf32, #tpu.memory_space<vmem>>, vector<16xf32>,
      %mul3A_758 = arith.mulf %get3A_757, %bitcast3A_741 : vector<16xf32>
      %add3A_759 = arith.constant 3 : i32
      %add3A_760 = arith.addi %add3A_461, %add3A_759 : i32
      %swap3A_761 = arith.index_cast %add3A_760 : i32 to index
      %swap3A_762 = arith.constant 16 : index
      %swap3A_763 = tpu.vector_load %arg6[%swap3A_761, %swap3A_762] {strides = array<i32>} : memref<128x128xf32, #tpu.memory_space<vmem>>, vector<16xf32>,
      tpu.vector_store %arg6[%swap3A_761, %swap3A_762], %mul3A_758 {strides = array<i32>} : memref<128x128xf32, #tpu.memory_space<vmem>>, vector<16xf32>,
      %add3A_764 = arith.constant 3 : i32
      %add3A_765 = arith.addi %add3A_461, %add3A_764 : i32
      %get3A_766 = arith.index_cast %add3A_765 : i32 to index
      %get3A_767 = arith.constant 32 : index
      %get3A_768 = tpu.vector_load %arg6[%get3A_766, %get3A_767] {strides = array<i32>} : memref<128x128xf32, #tpu.memory_space<vmem>>, vector<16xf32>,
      %mul3A_769 = arith.mulf %get3A_768, %bitcast3A_741 : vector<16xf32>
      %add3A_770 = arith.constant 3 : i32
      %add3A_771 = arith.addi %add3A_461, %add3A_770 : i32
      %swap3A_772 = arith.index_cast %add3A_771 : i32 to index
      %swap3A_773 = arith.constant 32 : index
      %swap3A_774 = tpu.vector_load %arg6[%swap3A_772, %swap3A_773] {strides = array<i32>} : memref<128x128xf32, #tpu.memory_space<vmem>>, vector<16xf32>,
      tpu.vector_store %arg6[%swap3A_772, %swap3A_773], %mul3A_769 {strides = array<i32>} : memref<128x128xf32, #tpu.memory_space<vmem>>, vector<16xf32>,
      %add3A_775 = arith.constant 3 : i32
      %add3A_776 = arith.addi %add3A_461, %add3A_775 : i32
      %get3A_777 = arith.index_cast %add3A_776 : i32 to index
      %get3A_778 = arith.constant 48 : index
      %get3A_779 = tpu.vector_load %arg6[%get3A_777, %get3A_778] {strides = array<i32>} : memref<128x128xf32, #tpu.memory_space<vmem>>, vector<16xf32>,
      %mul3A_780 = arith.mulf %get3A_779, %bitcast3A_741 : vector<16xf32>
      %add3A_781 = arith.constant 3 : i32
      %add3A_782 = arith.addi %add3A_461, %add3A_781 : i32
      %swap3A_783 = arith.index_cast %add3A_782 : i32 to index
      %swap3A_784 = arith.constant 48 : index
      %swap3A_785 = tpu.vector_load %arg6[%swap3A_783, %swap3A_784] {strides = array<i32>} : memref<128x128xf32, #tpu.memory_space<vmem>>, vector<16xf32>,
      tpu.vector_store %arg6[%swap3A_783, %swap3A_784], %mul3A_780 {strides = array<i32>} : memref<128x128xf32, #tpu.memory_space<vmem>>, vector<16xf32>,
      %add3A_786 = arith.constant 3 : i32
      %add3A_787 = arith.addi %add3A_461, %add3A_786 : i32
      %get3A_788 = arith.index_cast %add3A_787 : i32 to index
      %get3A_789 = arith.constant 64 : index
      %get3A_790 = tpu.vector_load %arg6[%get3A_788, %get3A_789] {strides = array<i32>} : memref<128x128xf32, #tpu.memory_space<vmem>>, vector<16xf32>,
      %mul3A_791 = arith.mulf %get3A_790, %bitcast3A_741 : vector<16xf32>
      %add3A_792 = arith.constant 3 : i32
      %add3A_793 = arith.addi %add3A_461, %add3A_792 : i32
      %swap3A_794 = arith.index_cast %add3A_793 : i32 to index
      %swap3A_795 = arith.constant 64 : index
      %swap3A_796 = tpu.vector_load %arg6[%swap3A_794, %swap3A_795] {strides = array<i32>} : memref<128x128xf32, #tpu.memory_space<vmem>>, vector<16xf32>,
      tpu.vector_store %arg6[%swap3A_794, %swap3A_795], %mul3A_791 {strides = array<i32>} : memref<128x128xf32, #tpu.memory_space<vmem>>, vector<16xf32>,
      %add3A_797 = arith.constant 3 : i32
      %add3A_798 = arith.addi %add3A_461, %add3A_797 : i32
      %get3A_799 = arith.index_cast %add3A_798 : i32 to index
      %get3A_800 = arith.constant 80 : index
      %get3A_801 = tpu.vector_load %arg6[%get3A_799, %get3A_800] {strides = array<i32>} : memref<128x128xf32, #tpu.memory_space<vmem>>, vector<16xf32>,
      %mul3A_802 = arith.mulf %get3A_801, %bitcast3A_741 : vector<16xf32>
      %add3A_803 = arith.constant 3 : i32
      %add3A_804 = arith.addi %add3A_461, %add3A_803 : i32
      %swap3A_805 = arith.index_cast %add3A_804 : i32 to index
      %swap3A_806 = arith.constant 80 : index
      %swap3A_807 = tpu.vector_load %arg6[%swap3A_805, %swap3A_806] {strides = array<i32>} : memref<128x128xf32, #tpu.memory_space<vmem>>, vector<16xf32>,
      tpu.vector_store %arg6[%swap3A_805, %swap3A_806], %mul3A_802 {strides = array<i32>} : memref<128x128xf32, #tpu.memory_space<vmem>>, vector<16xf32>,
      %add3A_808 = arith.constant 3 : i32
      %add3A_809 = arith.addi %add3A_461, %add3A_808 : i32
      %get3A_810 = arith.index_cast %add3A_809 : i32 to index
      %get3A_811 = arith.constant 96 : index
      %get3A_812 = tpu.vector_load %arg6[%get3A_810, %get3A_811] {strides = array<i32>} : memref<128x128xf32, #tpu.memory_space<vmem>>, vector<16xf32>,
      %mul3A_813 = arith.mulf %get3A_812, %bitcast3A_741 : vector<16xf32>
      %add3A_814 = arith.constant 3 : i32
      %add3A_815 = arith.addi %add3A_461, %add3A_814 : i32
      %swap3A_816 = arith.index_cast %add3A_815 : i32 to index
      %swap3A_817 = arith.constant 96 : index
      %swap3A_818 = tpu.vector_load %arg6[%swap3A_816, %swap3A_817] {strides = array<i32>} : memref<128x128xf32, #tpu.memory_space<vmem>>, vector<16xf32>,
      tpu.vector_store %arg6[%swap3A_816, %swap3A_817], %mul3A_813 {strides = array<i32>} : memref<128x128xf32, #tpu.memory_space<vmem>>, vector<16xf32>,
      %add3A_819 = arith.constant 3 : i32
      %add3A_820 = arith.addi %add3A_461, %add3A_819 : i32
      %get3A_821 = arith.index_cast %add3A_820 : i32 to index
      %get3A_822 = arith.constant 112 : index
      %get3A_823 = tpu.vector_load %arg6[%get3A_821, %get3A_822] {strides = array<i32>} : memref<128x128xf32, #tpu.memory_space<vmem>>, vector<16xf32>,
      %mul3A_824 = arith.mulf %get3A_823, %bitcast3A_741 : vector<16xf32>
      %add3A_825 = arith.constant 3 : i32
      %add3A_826 = arith.addi %add3A_461, %add3A_825 : i32
      %swap3A_827 = arith.index_cast %add3A_826 : i32 to index
      %swap3A_828 = arith.constant 112 : index
      %swap3A_829 = tpu.vector_load %arg6[%swap3A_827, %swap3A_828] {strides = array<i32>} : memref<128x128xf32, #tpu.memory_space<vmem>>, vector<16xf32>,
      tpu.vector_store %arg6[%swap3A_827, %swap3A_828], %mul3A_824 {strides = array<i32>} : memref<128x128xf32, #tpu.memory_space<vmem>>, vector<16xf32>,
    }
    %scan3A_205 = arith.constant 32 : i32
    %dma_start3A_206 = arith.constant 0 : i32
    %dma_start3A_207 = arith.constant 1 : i32
    %dma_start3A_208 = arith.constant 0 : i32
    %dma_start3A_209 = tpu.memref_slice %arg5[%dma_start3A_206, %dma_start3A_207, %dma_start3A_208] : memref<4x8x128xi32, #tpu.memory_space<vmem>> -> memref<1x1x128xi32, #tpu.memory_space<vmem>>
    %dma_start3A_210 = tpu.memref_squeeze %dma_start3A_209 : memref<1x1x128xi32, #tpu.memory_space<vmem>> -> memref<128xi32, #tpu.memory_space<vmem>>
    %dma_start3A_211 = arith.constant 0 : i32
    %dma_start3A_212 = arith.constant 0 : i32
    %dma_start3A_213 = tpu.memref_slice %arg8[%dma_start3A_211, %dma_start3A_212] : memref<10000x128xf32, #tpu.memory_space<vmem_shared>> -> memref<10000x128xf32, #tpu.memory_space<vmem_shared>>
    tpu.enqueue_indirect_dma source(%arg6 : memref<128x128xf32, #tpu.memory_space<vmem>>) target(%dma_start3A_213 : memref<10000x128xf32, #tpu.memory_space<vmem_shared>>) offsets(%dma_start3A_210 : memref<128xi32, #tpu.memory_space<vmem>>) semaphore(%arg15 : memref<!tpu.dma_semaphore, #tpu.memory_space<semaphore_mem>>) {add = true}
    %dma_wait3A_214 = arith.constant 1 : i32
    %dma_wait3A_215 = arith.constant 0 : i32
    %dma_wait3A_216 = arith.constant 0 : i32
    %dma_wait3A_217 = tpu.memref_slice %arg5[%dma_wait3A_214, %dma_wait3A_215, %dma_wait3A_216] : memref<4x8x128xi32, #tpu.memory_space<vmem>> -> memref<1x1x128xi32, #tpu.memory_space<vmem>>
    %dma_wait3A_218 = tpu.memref_squeeze %dma_wait3A_217 : memref<1x1x128xi32, #tpu.memory_space<vmem>> -> memref<128xi32, #tpu.memory_space<vmem>>
    %dma_wait3A_219 = arith.constant 0 : i32
    %dma_wait3A_220 = arith.constant 0 : i32
    %dma_wait3A_221 = tpu.memref_slice %arg2[%dma_wait3A_219, %dma_wait3A_220] : memref<10000x128xf32, #tpu.memory_space<hbm>> -> memref<10000x128xf32, #tpu.memory_space<hbm>>
    tpu.wait_indirect_dma semaphore(%arg14 : memref<!tpu.dma_semaphore, #tpu.memory_space<semaphore_mem>>) src(%dma_wait3A_221 : memref<10000x128xf32, #tpu.memory_space<hbm>>) dst(%arg7 : memref<128x128xf32, #tpu.memory_space<vmem>>)
    %dma_wait3A_222 = arith.constant 0 : i32
    %dma_wait3A_223 = arith.constant 1 : i32
    %dma_wait3A_224 = arith.constant 0 : i32
    %dma_wait3A_225 = tpu.memref_slice %arg5[%dma_wait3A_222, %dma_wait3A_223, %dma_wait3A_224] : memref<4x8x128xi32, #tpu.memory_space<vmem>> -> memref<1x1x128xi32, #tpu.memory_space<vmem>>
    %dma_wait3A_226 = tpu.memref_squeeze %dma_wait3A_225 : memref<1x1x128xi32, #tpu.memory_space<vmem>> -> memref<128xi32, #tpu.memory_space<vmem>>
    %dma_wait3A_227 = arith.constant 0 : i32
    %dma_wait3A_228 = arith.constant 0 : i32
    %dma_wait3A_229 = tpu.memref_slice %arg8[%dma_wait3A_227, %dma_wait3A_228] : memref<10000x128xf32, #tpu.memory_space<vmem_shared>> -> memref<10000x128xf32, #tpu.memory_space<vmem_shared>>
    tpu.wait_indirect_dma semaphore(%arg15 : memref<!tpu.dma_semaphore, #tpu.memory_space<semaphore_mem>>) src(%arg6 : memref<128x128xf32, #tpu.memory_space<vmem>>) dst(%dma_wait3A_229 : memref<10000x128xf32, #tpu.memory_space<vmem_shared>>)
    %dma_wait3A_230 = arith.constant 78 : i32
    %dma_wait3A_231 = arith.constant 2 : i32
    %dma_wait3A_232 = arith.constant 0 : i32
    %dma_wait3A_233 = arith.constant 0 : i32
    %dma_wait3A_234 = tpu.memref_slice %arg5[%dma_wait3A_231, %dma_wait3A_232, %dma_wait3A_233] : memref<4x8x128xi32, #tpu.memory_space<vmem>> -> memref<1x8x128xi32, #tpu.memory_space<vmem>>
    %dma_wait3A_235 = tpu.memref_squeeze %dma_wait3A_234 : memref<1x8x128xi32, #tpu.memory_space<vmem>> -> memref<8x128xi32, #tpu.memory_space<vmem>>
    %dma_wait3A_236 = arith.constant 0 : i32
    %dma_wait3A_237 = arith.constant 0 : i32
    %dma_wait3A_238 = tpu.memref_slice %arg3[%add3A, %dma_wait3A_230, %dma_wait3A_236, %dma_wait3A_237] : memref<32x80x8x128xi32, #tpu.memory_space<hbm>> -> memref<1x1x8x128xi32, #tpu.memory_space<hbm>>
    %dma_wait3A_239 = tpu.memref_squeeze %dma_wait3A_238 : memref<1x1x8x128xi32, #tpu.memory_space<hbm>> -> memref<8x128xi32, #tpu.memory_space<hbm>>
    %dma_wait3A_240 = arith.constant 0 : i32
    %dma_wait3A_241 = arith.constant 0 : i32
    %dma_wait3A_242 = tpu.memref_slice %arg5[%dma_wait3A_231, %dma_wait3A_240, %dma_wait3A_241] : memref<4x8x128xi32, #tpu.memory_space<vmem>> -> memref<1x8x128xi32, #tpu.memory_space<vmem>>
    %dma_wait3A_243 = tpu.memref_squeeze %dma_wait3A_242 : memref<1x8x128xi32, #tpu.memory_space<vmem>> -> memref<8x128xi32, #tpu.memory_space<vmem>>
    %dma_wait3A_244 = arith.constant 0 : i32
    %dma_wait3A_245 = arith.constant 0 : i32
    %dma_wait3A_246 = tpu.memref_slice %arg3[%add3A, %dma_wait3A_230, %dma_wait3A_244, %dma_wait3A_245] : memref<32x80x8x128xi32, #tpu.memory_space<hbm>> -> memref<1x1x8x128xi32, #tpu.memory_space<hbm>>
    %dma_wait3A_247 = tpu.memref_squeeze %dma_wait3A_246 : memref<1x1x8x128xi32, #tpu.memory_space<hbm>> -> memref<8x128xi32, #tpu.memory_space<hbm>>
    tpu.wait_dma2 semaphore(%arg11 : memref<!tpu.dma_semaphore, #tpu.memory_space<semaphore_mem>>) src(%dma_wait3A_247 : memref<8x128xi32, #tpu.memory_space<hbm>>) dst(%dma_wait3A_243 : memref<8x128xi32, #tpu.memory_space<vmem>>)
    %dma_start3A_248 = arith.constant 2 : i32
    %dma_start3A_249 = arith.constant 0 : i32
    %dma_start3A_250 = arith.constant 0 : i32
    %dma_start3A_251 = tpu.memref_slice %arg5[%dma_start3A_248, %dma_start3A_249, %dma_start3A_250] : memref<4x8x128xi32, #tpu.memory_space<vmem>> -> memref<1x1x128xi32, #tpu.memory_space<vmem>>
    %dma_start3A_252 = tpu.memref_squeeze %dma_start3A_251 : memref<1x1x128xi32, #tpu.memory_space<vmem>> -> memref<128xi32, #tpu.memory_space<vmem>>
    %dma_start3A_253 = arith.constant 0 : i32
    %dma_start3A_254 = arith.constant 0 : i32
    %dma_start3A_255 = tpu.memref_slice %arg2[%dma_start3A_253, %dma_start3A_254] : memref<10000x128xf32, #tpu.memory_space<hbm>> -> memref<10000x128xf32, #tpu.memory_space<hbm>>
    tpu.enqueue_indirect_dma source(%dma_start3A_255 : memref<10000x128xf32, #tpu.memory_space<hbm>>) target(%arg6 : memref<128x128xf32, #tpu.memory_space<vmem>>) offsets(%dma_start3A_252 : memref<128xi32, #tpu.memory_space<vmem>>) semaphore(%arg13 : memref<!tpu.dma_semaphore, #tpu.memory_space<semaphore_mem>>)
    %dma_start3A_256 = arith.constant 79 : i32
    %dma_start3A_257 = arith.constant 3 : i32
    %dma_start3A_258 = arith.constant 0 : i32
    %dma_start3A_259 = arith.constant 0 : i32
    %dma_start3A_260 = tpu.memref_slice %arg5[%dma_start3A_257, %dma_start3A_258, %dma_start3A_259] : memref<4x8x128xi32, #tpu.memory_space<vmem>> -> memref<1x8x128xi32, #tpu.memory_space<vmem>>
    %dma_start3A_261 = tpu.memref_squeeze %dma_start3A_260 : memref<1x8x128xi32, #tpu.memory_space<vmem>> -> memref<8x128xi32, #tpu.memory_space<vmem>>
    %dma_start3A_262 = arith.constant 0 : i32
    %dma_start3A_263 = arith.constant 0 : i32
    %dma_start3A_264 = tpu.memref_slice %arg3[%add3A, %dma_start3A_256, %dma_start3A_262, %dma_start3A_263] : memref<32x80x8x128xi32, #tpu.memory_space<hbm>> -> memref<1x1x8x128xi32, #tpu.memory_space<hbm>>
    %dma_start3A_265 = tpu.memref_squeeze %dma_start3A_264 : memref<1x1x8x128xi32, #tpu.memory_space<hbm>> -> memref<8x128xi32, #tpu.memory_space<hbm>>
    %dma_start3A_266 = arith.constant 0 : i32
    %dma_start3A_267 = arith.constant 0 : i32
    %dma_start3A_268 = tpu.memref_slice %arg5[%dma_start3A_257, %dma_start3A_266, %dma_start3A_267] : memref<4x8x128xi32, #tpu.memory_space<vmem>> -> memref<1x8x128xi32, #tpu.memory_space<vmem>>
    %dma_start3A_269 = tpu.memref_squeeze %dma_start3A_268 : memref<1x8x128xi32, #tpu.memory_space<vmem>> -> memref<8x128xi32, #tpu.memory_space<vmem>>
    %dma_start3A_270 = arith.constant 0 : i32
    %dma_start3A_271 = arith.constant 0 : i32
    %dma_start3A_272 = tpu.memref_slice %arg3[%add3A, %dma_start3A_256, %dma_start3A_270, %dma_start3A_271] : memref<32x80x8x128xi32, #tpu.memory_space<hbm>> -> memref<1x1x8x128xi32, #tpu.memory_space<hbm>>
    %dma_start3A_273 = tpu.memref_squeeze %dma_start3A_272 : memref<1x1x8x128xi32, #tpu.memory_space<hbm>> -> memref<8x128xi32, #tpu.memory_space<hbm>>
    tpu.enqueue_dma source(%dma_start3A_273 : memref<8x128xi32, #tpu.memory_space<hbm>>) target(%dma_start3A_269 : memref<8x128xi32, #tpu.memory_space<vmem>>) target_semaphore(%arg12 : memref<!tpu.dma_semaphore, #tpu.memory_space<semaphore_mem>>)
    %broadcast_in_dim3A_274 = arith.constant 1 : i32
    %broadcast_in_dim3A_275 = vector.broadcast %broadcast_in_dim3A_274 : i32 to vector<16xi32>
    %broadcast_in_dim3A_276 = arith.constant 2 : i32
    %broadcast_in_dim3A_277 = vector.broadcast %broadcast_in_dim3A_276 : i32 to vector<16xi32>
    %scan3A_278 = arith.constant 0 : i32
    %scan3A_279 = arith.constant 32 : i32
    %scan3A_280 = arith.addi %scan3A_278, %scan3A_279 : i32
    %scan3A_281 = arith.constant 1 : i32
    scf.for %scan3A_457 = %scan3A_278 to %scan3A_280 step %scan3A_281  : i32 {
      %mul3A_458 = arith.constant 4 : i32
      %mul3A_459 = arith.muli %scan3A_457, %mul3A_458 : i32
      %add3A_460 = arith.constant 0 : i32
      %add3A_461 = arith.addi %add3A_460, %mul3A_459 : i32
      %add3A_462 = arith.constant 0 : i32
      %add3A_463 = arith.addi %add3A_461, %add3A_462 : i32
      %broadcast_in_dim3A_464 = vector.broadcast %add3A_463 : i32 to vector<16xi32>
      %gather3A = tpu.vector_load_idx %arg5[%broadcast_in_dim3A_275, %broadcast_in_dim3A_277, %broadcast_in_dim3A_464] : memref<4x8x128xi32, #tpu.memory_space<vmem>>[vector<16xi32>, vector<16xi32>, vector<16xi32>], vector<16xi32>,
      %bitcast3A = vector.bitcast %gather3A : vector<16xi32> to vector<16xf32>
      %add3A_465 = arith.constant 0 : i32
      %add3A_466 = arith.addi %add3A_461, %add3A_465 : i32
      %get3A = arith.index_cast %add3A_466 : i32 to index
      %get3A_467 = arith.constant 0 : index
      %get3A_468 = tpu.vector_load %arg7[%get3A, %get3A_467] {strides = array<i32>} : memref<128x128xf32, #tpu.memory_space<vmem>>, vector<16xf32>,
      %mul3A_469 = arith.mulf %get3A_468, %bitcast3A : vector<16xf32>
      %add3A_470 = arith.constant 0 : i32
      %add3A_471 = arith.addi %add3A_461, %add3A_470 : i32
      %swap3A = arith.index_cast %add3A_471 : i32 to index
      %swap3A_472 = arith.constant 0 : index
      %swap3A_473 = tpu.vector_load %arg7[%swap3A, %swap3A_472] {strides = array<i32>} : memref<128x128xf32, #tpu.memory_space<vmem>>, vector<16xf32>,
      tpu.vector_store %arg7[%swap3A, %swap3A_472], %mul3A_469 {strides = array<i32>} : memref<128x128xf32, #tpu.memory_space<vmem>>, vector<16xf32>,
      %add3A_474 = arith.constant 0 : i32
      %add3A_475 = arith.addi %add3A_461, %add3A_474 : i32
      %get3A_476 = arith.index_cast %add3A_475 : i32 to index
      %get3A_477 = arith.constant 16 : index
      %get3A_478 = tpu.vector_load %arg7[%get3A_476, %get3A_477] {strides = array<i32>} : memref<128x128xf32, #tpu.memory_space<vmem>>, vector<16xf32>,
      %mul3A_479 = arith.mulf %get3A_478, %bitcast3A : vector<16xf32>
      %add3A_480 = arith.constant 0 : i32
      %add3A_481 = arith.addi %add3A_461, %add3A_480 : i32
      %swap3A_482 = arith.index_cast %add3A_481 : i32 to index
      %swap3A_483 = arith.constant 16 : index
      %swap3A_484 = tpu.vector_load %arg7[%swap3A_482, %swap3A_483] {strides = array<i32>} : memref<128x128xf32, #tpu.memory_space<vmem>>, vector<16xf32>,
      tpu.vector_store %arg7[%swap3A_482, %swap3A_483], %mul3A_479 {strides = array<i32>} : memref<128x128xf32, #tpu.memory_space<vmem>>, vector<16xf32>,
      %add3A_485 = arith.constant 0 : i32
      %add3A_486 = arith.addi %add3A_461, %add3A_485 : i32
      %get3A_487 = arith.index_cast %add3A_486 : i32 to index
      %get3A_488 = arith.constant 32 : index
      %get3A_489 = tpu.vector_load %arg7[%get3A_487, %get3A_488] {strides = array<i32>} : memref<128x128xf32, #tpu.memory_space<vmem>>, vector<16xf32>,
      %mul3A_490 = arith.mulf %get3A_489, %bitcast3A : vector<16xf32>
      %add3A_491 = arith.constant 0 : i32
      %add3A_492 = arith.addi %add3A_461, %add3A_491 : i32
      %swap3A_493 = arith.index_cast %add3A_492 : i32 to index
      %swap3A_494 = arith.constant 32 : index
      %swap3A_495 = tpu.vector_load %arg7[%swap3A_493, %swap3A_494] {strides = array<i32>} : memref<128x128xf32, #tpu.memory_space<vmem>>, vector<16xf32>,
      tpu.vector_store %arg7[%swap3A_493, %swap3A_494], %mul3A_490 {strides = array<i32>} : memref<128x128xf32, #tpu.memory_space<vmem>>, vector<16xf32>,
      %add3A_496 = arith.constant 0 : i32
      %add3A_497 = arith.addi %add3A_461, %add3A_496 : i32
      %get3A_498 = arith.index_cast %add3A_497 : i32 to index
      %get3A_499 = arith.constant 48 : index
      %get3A_500 = tpu.vector_load %arg7[%get3A_498, %get3A_499] {strides = array<i32>} : memref<128x128xf32, #tpu.memory_space<vmem>>, vector<16xf32>,
      %mul3A_501 = arith.mulf %get3A_500, %bitcast3A : vector<16xf32>
      %add3A_502 = arith.constant 0 : i32
      %add3A_503 = arith.addi %add3A_461, %add3A_502 : i32
      %swap3A_504 = arith.index_cast %add3A_503 : i32 to index
      %swap3A_505 = arith.constant 48 : index
      %swap3A_506 = tpu.vector_load %arg7[%swap3A_504, %swap3A_505] {strides = array<i32>} : memref<128x128xf32, #tpu.memory_space<vmem>>, vector<16xf32>,
      tpu.vector_store %arg7[%swap3A_504, %swap3A_505], %mul3A_501 {strides = array<i32>} : memref<128x128xf32, #tpu.memory_space<vmem>>, vector<16xf32>,
      %add3A_507 = arith.constant 0 : i32
      %add3A_508 = arith.addi %add3A_461, %add3A_507 : i32
      %get3A_509 = arith.index_cast %add3A_508 : i32 to index
      %get3A_510 = arith.constant 64 : index
      %get3A_511 = tpu.vector_load %arg7[%get3A_509, %get3A_510] {strides = array<i32>} : memref<128x128xf32, #tpu.memory_space<vmem>>, vector<16xf32>,
      %mul3A_512 = arith.mulf %get3A_511, %bitcast3A : vector<16xf32>
      %add3A_513 = arith.constant 0 : i32
      %add3A_514 = arith.addi %add3A_461, %add3A_513 : i32
      %swap3A_515 = arith.index_cast %add3A_514 : i32 to index
      %swap3A_516 = arith.constant 64 : index
      %swap3A_517 = tpu.vector_load %arg7[%swap3A_515, %swap3A_516] {strides = array<i32>} : memref<128x128xf32, #tpu.memory_space<vmem>>, vector<16xf32>,
      tpu.vector_store %arg7[%swap3A_515, %swap3A_516], %mul3A_512 {strides = array<i32>} : memref<128x128xf32, #tpu.memory_space<vmem>>, vector<16xf32>,
      %add3A_518 = arith.constant 0 : i32
      %add3A_519 = arith.addi %add3A_461, %add3A_518 : i32
      %get3A_520 = arith.index_cast %add3A_519 : i32 to index
      %get3A_521 = arith.constant 80 : index
      %get3A_522 = tpu.vector_load %arg7[%get3A_520, %get3A_521] {strides = array<i32>} : memref<128x128xf32, #tpu.memory_space<vmem>>, vector<16xf32>,
      %mul3A_523 = arith.mulf %get3A_522, %bitcast3A : vector<16xf32>
      %add3A_524 = arith.constant 0 : i32
      %add3A_525 = arith.addi %add3A_461, %add3A_524 : i32
      %swap3A_526 = arith.index_cast %add3A_525 : i32 to index
      %swap3A_527 = arith.constant 80 : index
      %swap3A_528 = tpu.vector_load %arg7[%swap3A_526, %swap3A_527] {strides = array<i32>} : memref<128x128xf32, #tpu.memory_space<vmem>>, vector<16xf32>,
      tpu.vector_store %arg7[%swap3A_526, %swap3A_527], %mul3A_523 {strides = array<i32>} : memref<128x128xf32, #tpu.memory_space<vmem>>, vector<16xf32>,
      %add3A_529 = arith.constant 0 : i32
      %add3A_530 = arith.addi %add3A_461, %add3A_529 : i32
      %get3A_531 = arith.index_cast %add3A_530 : i32 to index
      %get3A_532 = arith.constant 96 : index
      %get3A_533 = tpu.vector_load %arg7[%get3A_531, %get3A_532] {strides = array<i32>} : memref<128x128xf32, #tpu.memory_space<vmem>>, vector<16xf32>,
      %mul3A_534 = arith.mulf %get3A_533, %bitcast3A : vector<16xf32>
      %add3A_535 = arith.constant 0 : i32
      %add3A_536 = arith.addi %add3A_461, %add3A_535 : i32
      %swap3A_537 = arith.index_cast %add3A_536 : i32 to index
      %swap3A_538 = arith.constant 96 : index
      %swap3A_539 = tpu.vector_load %arg7[%swap3A_537, %swap3A_538] {strides = array<i32>} : memref<128x128xf32, #tpu.memory_space<vmem>>, vector<16xf32>,
      tpu.vector_store %arg7[%swap3A_537, %swap3A_538], %mul3A_534 {strides = array<i32>} : memref<128x128xf32, #tpu.memory_space<vmem>>, vector<16xf32>,
      %add3A_540 = arith.constant 0 : i32
      %add3A_541 = arith.addi %add3A_461, %add3A_540 : i32
      %get3A_542 = arith.index_cast %add3A_541 : i32 to index
      %get3A_543 = arith.constant 112 : index
      %get3A_544 = tpu.vector_load %arg7[%get3A_542, %get3A_543] {strides = array<i32>} : memref<128x128xf32, #tpu.memory_space<vmem>>, vector<16xf32>,
      %mul3A_545 = arith.mulf %get3A_544, %bitcast3A : vector<16xf32>
      %add3A_546 = arith.constant 0 : i32
      %add3A_547 = arith.addi %add3A_461, %add3A_546 : i32
      %swap3A_548 = arith.index_cast %add3A_547 : i32 to index
      %swap3A_549 = arith.constant 112 : index
      %swap3A_550 = tpu.vector_load %arg7[%swap3A_548, %swap3A_549] {strides = array<i32>} : memref<128x128xf32, #tpu.memory_space<vmem>>, vector<16xf32>,
      tpu.vector_store %arg7[%swap3A_548, %swap3A_549], %mul3A_545 {strides = array<i32>} : memref<128x128xf32, #tpu.memory_space<vmem>>, vector<16xf32>,
      %add3A_551 = arith.constant 1 : i32
      %add3A_552 = arith.addi %add3A_461, %add3A_551 : i32
      %broadcast_in_dim3A_553 = vector.broadcast %add3A_552 : i32 to vector<16xi32>
      %gather3A_554 = tpu.vector_load_idx %arg5[%broadcast_in_dim3A_275, %broadcast_in_dim3A_277, %broadcast_in_dim3A_553] : memref<4x8x128xi32, #tpu.memory_space<vmem>>[vector<16xi32>, vector<16xi32>, vector<16xi32>], vector<16xi32>,
      %bitcast3A_555 = vector.bitcast %gather3A_554 : vector<16xi32> to vector<16xf32>
      %add3A_556 = arith.constant 1 : i32
      %add3A_557 = arith.addi %add3A_461, %add3A_556 : i32
      %get3A_558 = arith.index_cast %add3A_557 : i32 to index
      %get3A_559 = arith.constant 0 : index
      %get3A_560 = tpu.vector_load %arg7[%get3A_558, %get3A_559] {strides = array<i32>} : memref<128x128xf32, #tpu.memory_space<vmem>>, vector<16xf32>,
      %mul3A_561 = arith.mulf %get3A_560, %bitcast3A_555 : vector<16xf32>
      %add3A_562 = arith.constant 1 : i32
      %add3A_563 = arith.addi %add3A_461, %add3A_562 : i32
      %swap3A_564 = arith.index_cast %add3A_563 : i32 to index
      %swap3A_565 = arith.constant 0 : index
      %swap3A_566 = tpu.vector_load %arg7[%swap3A_564, %swap3A_565] {strides = array<i32>} : memref<128x128xf32, #tpu.memory_space<vmem>>, vector<16xf32>,
      tpu.vector_store %arg7[%swap3A_564, %swap3A_565], %mul3A_561 {strides = array<i32>} : memref<128x128xf32, #tpu.memory_space<vmem>>, vector<16xf32>,
      %add3A_567 = arith.constant 1 : i32
      %add3A_568 = arith.addi %add3A_461, %add3A_567 : i32
      %get3A_569 = arith.index_cast %add3A_568 : i32 to index
      %get3A_570 = arith.constant 16 : index
      %get3A_571 = tpu.vector_load %arg7[%get3A_569, %get3A_570] {strides = array<i32>} : memref<128x128xf32, #tpu.memory_space<vmem>>, vector<16xf32>,
      %mul3A_572 = arith.mulf %get3A_571, %bitcast3A_555 : vector<16xf32>
      %add3A_573 = arith.constant 1 : i32
      %add3A_574 = arith.addi %add3A_461, %add3A_573 : i32
      %swap3A_575 = arith.index_cast %add3A_574 : i32 to index
      %swap3A_576 = arith.constant 16 : index
      %swap3A_577 = tpu.vector_load %arg7[%swap3A_575, %swap3A_576] {strides = array<i32>} : memref<128x128xf32, #tpu.memory_space<vmem>>, vector<16xf32>,
      tpu.vector_store %arg7[%swap3A_575, %swap3A_576], %mul3A_572 {strides = array<i32>} : memref<128x128xf32, #tpu.memory_space<vmem>>, vector<16xf32>,
      %add3A_578 = arith.constant 1 : i32
      %add3A_579 = arith.addi %add3A_461, %add3A_578 : i32
      %get3A_580 = arith.index_cast %add3A_579 : i32 to index
      %get3A_581 = arith.constant 32 : index
      %get3A_582 = tpu.vector_load %arg7[%get3A_580, %get3A_581] {strides = array<i32>} : memref<128x128xf32, #tpu.memory_space<vmem>>, vector<16xf32>,
      %mul3A_583 = arith.mulf %get3A_582, %bitcast3A_555 : vector<16xf32>
      %add3A_584 = arith.constant 1 : i32
      %add3A_585 = arith.addi %add3A_461, %add3A_584 : i32
      %swap3A_586 = arith.index_cast %add3A_585 : i32 to index
      %swap3A_587 = arith.constant 32 : index
      %swap3A_588 = tpu.vector_load %arg7[%swap3A_586, %swap3A_587] {strides = array<i32>} : memref<128x128xf32, #tpu.memory_space<vmem>>, vector<16xf32>,
      tpu.vector_store %arg7[%swap3A_586, %swap3A_587], %mul3A_583 {strides = array<i32>} : memref<128x128xf32, #tpu.memory_space<vmem>>, vector<16xf32>,
      %add3A_589 = arith.constant 1 : i32
      %add3A_590 = arith.addi %add3A_461, %add3A_589 : i32
      %get3A_591 = arith.index_cast %add3A_590 : i32 to index
      %get3A_592 = arith.constant 48 : index
      %get3A_593 = tpu.vector_load %arg7[%get3A_591, %get3A_592] {strides = array<i32>} : memref<128x128xf32, #tpu.memory_space<vmem>>, vector<16xf32>,
      %mul3A_594 = arith.mulf %get3A_593, %bitcast3A_555 : vector<16xf32>
      %add3A_595 = arith.constant 1 : i32
      %add3A_596 = arith.addi %add3A_461, %add3A_595 : i32
      %swap3A_597 = arith.index_cast %add3A_596 : i32 to index
      %swap3A_598 = arith.constant 48 : index
      %swap3A_599 = tpu.vector_load %arg7[%swap3A_597, %swap3A_598] {strides = array<i32>} : memref<128x128xf32, #tpu.memory_space<vmem>>, vector<16xf32>,
      tpu.vector_store %arg7[%swap3A_597, %swap3A_598], %mul3A_594 {strides = array<i32>} : memref<128x128xf32, #tpu.memory_space<vmem>>, vector<16xf32>,
      %add3A_600 = arith.constant 1 : i32
      %add3A_601 = arith.addi %add3A_461, %add3A_600 : i32
      %get3A_602 = arith.index_cast %add3A_601 : i32 to index
      %get3A_603 = arith.constant 64 : index
      %get3A_604 = tpu.vector_load %arg7[%get3A_602, %get3A_603] {strides = array<i32>} : memref<128x128xf32, #tpu.memory_space<vmem>>, vector<16xf32>,
      %mul3A_605 = arith.mulf %get3A_604, %bitcast3A_555 : vector<16xf32>
      %add3A_606 = arith.constant 1 : i32
      %add3A_607 = arith.addi %add3A_461, %add3A_606 : i32
      %swap3A_608 = arith.index_cast %add3A_607 : i32 to index
      %swap3A_609 = arith.constant 64 : index
      %swap3A_610 = tpu.vector_load %arg7[%swap3A_608, %swap3A_609] {strides = array<i32>} : memref<128x128xf32, #tpu.memory_space<vmem>>, vector<16xf32>,
      tpu.vector_store %arg7[%swap3A_608, %swap3A_609], %mul3A_605 {strides = array<i32>} : memref<128x128xf32, #tpu.memory_space<vmem>>, vector<16xf32>,
      %add3A_611 = arith.constant 1 : i32
      %add3A_612 = arith.addi %add3A_461, %add3A_611 : i32
      %get3A_613 = arith.index_cast %add3A_612 : i32 to index
      %get3A_614 = arith.constant 80 : index
      %get3A_615 = tpu.vector_load %arg7[%get3A_613, %get3A_614] {strides = array<i32>} : memref<128x128xf32, #tpu.memory_space<vmem>>, vector<16xf32>,
      %mul3A_616 = arith.mulf %get3A_615, %bitcast3A_555 : vector<16xf32>
      %add3A_617 = arith.constant 1 : i32
      %add3A_618 = arith.addi %add3A_461, %add3A_617 : i32
      %swap3A_619 = arith.index_cast %add3A_618 : i32 to index
      %swap3A_620 = arith.constant 80 : index
      %swap3A_621 = tpu.vector_load %arg7[%swap3A_619, %swap3A_620] {strides = array<i32>} : memref<128x128xf32, #tpu.memory_space<vmem>>, vector<16xf32>,
      tpu.vector_store %arg7[%swap3A_619, %swap3A_620], %mul3A_616 {strides = array<i32>} : memref<128x128xf32, #tpu.memory_space<vmem>>, vector<16xf32>,
      %add3A_622 = arith.constant 1 : i32
      %add3A_623 = arith.addi %add3A_461, %add3A_622 : i32
      %get3A_624 = arith.index_cast %add3A_623 : i32 to index
      %get3A_625 = arith.constant 96 : index
      %get3A_626 = tpu.vector_load %arg7[%get3A_624, %get3A_625] {strides = array<i32>} : memref<128x128xf32, #tpu.memory_space<vmem>>, vector<16xf32>,
      %mul3A_627 = arith.mulf %get3A_626, %bitcast3A_555 : vector<16xf32>
      %add3A_628 = arith.constant 1 : i32
      %add3A_629 = arith.addi %add3A_461, %add3A_628 : i32
      %swap3A_630 = arith.index_cast %add3A_629 : i32 to index
      %swap3A_631 = arith.constant 96 : index
      %swap3A_632 = tpu.vector_load %arg7[%swap3A_630, %swap3A_631] {strides = array<i32>} : memref<128x128xf32, #tpu.memory_space<vmem>>, vector<16xf32>,
      tpu.vector_store %arg7[%swap3A_630, %swap3A_631], %mul3A_627 {strides = array<i32>} : memref<128x128xf32, #tpu.memory_space<vmem>>, vector<16xf32>,
      %add3A_633 = arith.constant 1 : i32
      %add3A_634 = arith.addi %add3A_461, %add3A_633 : i32
      %get3A_635 = arith.index_cast %add3A_634 : i32 to index
      %get3A_636 = arith.constant 112 : index
      %get3A_637 = tpu.vector_load %arg7[%get3A_635, %get3A_636] {strides = array<i32>} : memref<128x128xf32, #tpu.memory_space<vmem>>, vector<16xf32>,
      %mul3A_638 = arith.mulf %get3A_637, %bitcast3A_555 : vector<16xf32>
      %add3A_639 = arith.constant 1 : i32
      %add3A_640 = arith.addi %add3A_461, %add3A_639 : i32
      %swap3A_641 = arith.index_cast %add3A_640 : i32 to index
      %swap3A_642 = arith.constant 112 : index
      %swap3A_643 = tpu.vector_load %arg7[%swap3A_641, %swap3A_642] {strides = array<i32>} : memref<128x128xf32, #tpu.memory_space<vmem>>, vector<16xf32>,
      tpu.vector_store %arg7[%swap3A_641, %swap3A_642], %mul3A_638 {strides = array<i32>} : memref<128x128xf32, #tpu.memory_space<vmem>>, vector<16xf32>,
      %add3A_644 = arith.constant 2 : i32
      %add3A_645 = arith.addi %add3A_461, %add3A_644 : i32
      %broadcast_in_dim3A_646 = vector.broadcast %add3A_645 : i32 to vector<16xi32>
      %gather3A_647 = tpu.vector_load_idx %arg5[%broadcast_in_dim3A_275, %broadcast_in_dim3A_277, %broadcast_in_dim3A_646] : memref<4x8x128xi32, #tpu.memory_space<vmem>>[vector<16xi32>, vector<16xi32>, vector<16xi32>], vector<16xi32>,
      %bitcast3A_648 = vector.bitcast %gather3A_647 : vector<16xi32> to vector<16xf32>
      %add3A_649 = arith.constant 2 : i32
      %add3A_650 = arith.addi %add3A_461, %add3A_649 : i32
      %get3A_651 = arith.index_cast %add3A_650 : i32 to index
      %get3A_652 = arith.constant 0 : index
      %get3A_653 = tpu.vector_load %arg7[%get3A_651, %get3A_652] {strides = array<i32>} : memref<128x128xf32, #tpu.memory_space<vmem>>, vector<16xf32>,
      %mul3A_654 = arith.mulf %get3A_653, %bitcast3A_648 : vector<16xf32>
      %add3A_655 = arith.constant 2 : i32
      %add3A_656 = arith.addi %add3A_461, %add3A_655 : i32
      %swap3A_657 = arith.index_cast %add3A_656 : i32 to index
      %swap3A_658 = arith.constant 0 : index
      %swap3A_659 = tpu.vector_load %arg7[%swap3A_657, %swap3A_658] {strides = array<i32>} : memref<128x128xf32, #tpu.memory_space<vmem>>, vector<16xf32>,
      tpu.vector_store %arg7[%swap3A_657, %swap3A_658], %mul3A_654 {strides = array<i32>} : memref<128x128xf32, #tpu.memory_space<vmem>>, vector<16xf32>,
      %add3A_660 = arith.constant 2 : i32
      %add3A_661 = arith.addi %add3A_461, %add3A_660 : i32
      %get3A_662 = arith.index_cast %add3A_661 : i32 to index
      %get3A_663 = arith.constant 16 : index
      %get3A_664 = tpu.vector_load %arg7[%get3A_662, %get3A_663] {strides = array<i32>} : memref<128x128xf32, #tpu.memory_space<vmem>>, vector<16xf32>,
      %mul3A_665 = arith.mulf %get3A_664, %bitcast3A_648 : vector<16xf32>
      %add3A_666 = arith.constant 2 : i32
      %add3A_667 = arith.addi %add3A_461, %add3A_666 : i32
      %swap3A_668 = arith.index_cast %add3A_667 : i32 to index
      %swap3A_669 = arith.constant 16 : index
      %swap3A_670 = tpu.vector_load %arg7[%swap3A_668, %swap3A_669] {strides = array<i32>} : memref<128x128xf32, #tpu.memory_space<vmem>>, vector<16xf32>,
      tpu.vector_store %arg7[%swap3A_668, %swap3A_669], %mul3A_665 {strides = array<i32>} : memref<128x128xf32, #tpu.memory_space<vmem>>, vector<16xf32>,
      %add3A_671 = arith.constant 2 : i32
      %add3A_672 = arith.addi %add3A_461, %add3A_671 : i32
      %get3A_673 = arith.index_cast %add3A_672 : i32 to index
      %get3A_674 = arith.constant 32 : index
      %get3A_675 = tpu.vector_load %arg7[%get3A_673, %get3A_674] {strides = array<i32>} : memref<128x128xf32, #tpu.memory_space<vmem>>, vector<16xf32>,
      %mul3A_676 = arith.mulf %get3A_675, %bitcast3A_648 : vector<16xf32>
      %add3A_677 = arith.constant 2 : i32
      %add3A_678 = arith.addi %add3A_461, %add3A_677 : i32
      %swap3A_679 = arith.index_cast %add3A_678 : i32 to index
      %swap3A_680 = arith.constant 32 : index
      %swap3A_681 = tpu.vector_load %arg7[%swap3A_679, %swap3A_680] {strides = array<i32>} : memref<128x128xf32, #tpu.memory_space<vmem>>, vector<16xf32>,
      tpu.vector_store %arg7[%swap3A_679, %swap3A_680], %mul3A_676 {strides = array<i32>} : memref<128x128xf32, #tpu.memory_space<vmem>>, vector<16xf32>,
      %add3A_682 = arith.constant 2 : i32
      %add3A_683 = arith.addi %add3A_461, %add3A_682 : i32
      %get3A_684 = arith.index_cast %add3A_683 : i32 to index
      %get3A_685 = arith.constant 48 : index
      %get3A_686 = tpu.vector_load %arg7[%get3A_684, %get3A_685] {strides = array<i32>} : memref<128x128xf32, #tpu.memory_space<vmem>>, vector<16xf32>,
      %mul3A_687 = arith.mulf %get3A_686, %bitcast3A_648 : vector<16xf32>
      %add3A_688 = arith.constant 2 : i32
      %add3A_689 = arith.addi %add3A_461, %add3A_688 : i32
      %swap3A_690 = arith.index_cast %add3A_689 : i32 to index
      %swap3A_691 = arith.constant 48 : index
      %swap3A_692 = tpu.vector_load %arg7[%swap3A_690, %swap3A_691] {strides = array<i32>} : memref<128x128xf32, #tpu.memory_space<vmem>>, vector<16xf32>,
      tpu.vector_store %arg7[%swap3A_690, %swap3A_691], %mul3A_687 {strides = array<i32>} : memref<128x128xf32, #tpu.memory_space<vmem>>, vector<16xf32>,
      %add3A_693 = arith.constant 2 : i32
      %add3A_694 = arith.addi %add3A_461, %add3A_693 : i32
      %get3A_695 = arith.index_cast %add3A_694 : i32 to index
      %get3A_696 = arith.constant 64 : index
      %get3A_697 = tpu.vector_load %arg7[%get3A_695, %get3A_696] {strides = array<i32>} : memref<128x128xf32, #tpu.memory_space<vmem>>, vector<16xf32>,
      %mul3A_698 = arith.mulf %get3A_697, %bitcast3A_648 : vector<16xf32>
      %add3A_699 = arith.constant 2 : i32
      %add3A_700 = arith.addi %add3A_461, %add3A_699 : i32
      %swap3A_701 = arith.index_cast %add3A_700 : i32 to index
      %swap3A_702 = arith.constant 64 : index
      %swap3A_703 = tpu.vector_load %arg7[%swap3A_701, %swap3A_702] {strides = array<i32>} : memref<128x128xf32, #tpu.memory_space<vmem>>, vector<16xf32>,
      tpu.vector_store %arg7[%swap3A_701, %swap3A_702], %mul3A_698 {strides = array<i32>} : memref<128x128xf32, #tpu.memory_space<vmem>>, vector<16xf32>,
      %add3A_704 = arith.constant 2 : i32
      %add3A_705 = arith.addi %add3A_461, %add3A_704 : i32
      %get3A_706 = arith.index_cast %add3A_705 : i32 to index
      %get3A_707 = arith.constant 80 : index
      %get3A_708 = tpu.vector_load %arg7[%get3A_706, %get3A_707] {strides = array<i32>} : memref<128x128xf32, #tpu.memory_space<vmem>>, vector<16xf32>,
      %mul3A_709 = arith.mulf %get3A_708, %bitcast3A_648 : vector<16xf32>
      %add3A_710 = arith.constant 2 : i32
      %add3A_711 = arith.addi %add3A_461, %add3A_710 : i32
      %swap3A_712 = arith.index_cast %add3A_711 : i32 to index
      %swap3A_713 = arith.constant 80 : index
      %swap3A_714 = tpu.vector_load %arg7[%swap3A_712, %swap3A_713] {strides = array<i32>} : memref<128x128xf32, #tpu.memory_space<vmem>>, vector<16xf32>,
      tpu.vector_store %arg7[%swap3A_712, %swap3A_713], %mul3A_709 {strides = array<i32>} : memref<128x128xf32, #tpu.memory_space<vmem>>, vector<16xf32>,
      %add3A_715 = arith.constant 2 : i32
      %add3A_716 = arith.addi %add3A_461, %add3A_715 : i32
      %get3A_717 = arith.index_cast %add3A_716 : i32 to index
      %get3A_718 = arith.constant 96 : index
      %get3A_719 = tpu.vector_load %arg7[%get3A_717, %get3A_718] {strides = array<i32>} : memref<128x128xf32, #tpu.memory_space<vmem>>, vector<16xf32>,
      %mul3A_720 = arith.mulf %get3A_719, %bitcast3A_648 : vector<16xf32>
      %add3A_721 = arith.constant 2 : i32
      %add3A_722 = arith.addi %add3A_461, %add3A_721 : i32
      %swap3A_723 = arith.index_cast %add3A_722 : i32 to index
      %swap3A_724 = arith.constant 96 : index
      %swap3A_725 = tpu.vector_load %arg7[%swap3A_723, %swap3A_724] {strides = array<i32>} : memref<128x128xf32, #tpu.memory_space<vmem>>, vector<16xf32>,
      tpu.vector_store %arg7[%swap3A_723, %swap3A_724], %mul3A_720 {strides = array<i32>} : memref<128x128xf32, #tpu.memory_space<vmem>>, vector<16xf32>,
      %add3A_726 = arith.constant 2 : i32
      %add3A_727 = arith.addi %add3A_461, %add3A_726 : i32
      %get3A_728 = arith.index_cast %add3A_727 : i32 to index
      %get3A_729 = arith.constant 112 : index
      %get3A_730 = tpu.vector_load %arg7[%get3A_728, %get3A_729] {strides = array<i32>} : memref<128x128xf32, #tpu.memory_space<vmem>>, vector<16xf32>,
      %mul3A_731 = arith.mulf %get3A_730, %bitcast3A_648 : vector<16xf32>
      %add3A_732 = arith.constant 2 : i32
      %add3A_733 = arith.addi %add3A_461, %add3A_732 : i32
      %swap3A_734 = arith.index_cast %add3A_733 : i32 to index
      %swap3A_735 = arith.constant 112 : index
      %swap3A_736 = tpu.vector_load %arg7[%swap3A_734, %swap3A_735] {strides = array<i32>} : memref<128x128xf32, #tpu.memory_space<vmem>>, vector<16xf32>,
      tpu.vector_store %arg7[%swap3A_734, %swap3A_735], %mul3A_731 {strides = array<i32>} : memref<128x128xf32, #tpu.memory_space<vmem>>, vector<16xf32>,
      %add3A_737 = arith.constant 3 : i32
      %add3A_738 = arith.addi %add3A_461, %add3A_737 : i32
      %broadcast_in_dim3A_739 = vector.broadcast %add3A_738 : i32 to vector<16xi32>
      %gather3A_740 = tpu.vector_load_idx %arg5[%broadcast_in_dim3A_275, %broadcast_in_dim3A_277, %broadcast_in_dim3A_739] : memref<4x8x128xi32, #tpu.memory_space<vmem>>[vector<16xi32>, vector<16xi32>, vector<16xi32>], vector<16xi32>,
      %bitcast3A_741 = vector.bitcast %gather3A_740 : vector<16xi32> to vector<16xf32>
      %add3A_742 = arith.constant 3 : i32
      %add3A_743 = arith.addi %add3A_461, %add3A_742 : i32
      %get3A_744 = arith.index_cast %add3A_743 : i32 to index
      %get3A_745 = arith.constant 0 : index
      %get3A_746 = tpu.vector_load %arg7[%get3A_744, %get3A_745] {strides = array<i32>} : memref<128x128xf32, #tpu.memory_space<vmem>>, vector<16xf32>,
      %mul3A_747 = arith.mulf %get3A_746, %bitcast3A_741 : vector<16xf32>
      %add3A_748 = arith.constant 3 : i32
      %add3A_749 = arith.addi %add3A_461, %add3A_748 : i32
      %swap3A_750 = arith.index_cast %add3A_749 : i32 to index
      %swap3A_751 = arith.constant 0 : index
      %swap3A_752 = tpu.vector_load %arg7[%swap3A_750, %swap3A_751] {strides = array<i32>} : memref<128x128xf32, #tpu.memory_space<vmem>>, vector<16xf32>,
      tpu.vector_store %arg7[%swap3A_750, %swap3A_751], %mul3A_747 {strides = array<i32>} : memref<128x128xf32, #tpu.memory_space<vmem>>, vector<16xf32>,
      %add3A_753 = arith.constant 3 : i32
      %add3A_754 = arith.addi %add3A_461, %add3A_753 : i32
      %get3A_755 = arith.index_cast %add3A_754 : i32 to index
      %get3A_756 = arith.constant 16 : index
      %get3A_757 = tpu.vector_load %arg7[%get3A_755, %get3A_756] {strides = array<i32>} : memref<128x128xf32, #tpu.memory_space<vmem>>, vector<16xf32>,
      %mul3A_758 = arith.mulf %get3A_757, %bitcast3A_741 : vector<16xf32>
      %add3A_759 = arith.constant 3 : i32
      %add3A_760 = arith.addi %add3A_461, %add3A_759 : i32
      %swap3A_761 = arith.index_cast %add3A_760 : i32 to index
      %swap3A_762 = arith.constant 16 : index
      %swap3A_763 = tpu.vector_load %arg7[%swap3A_761, %swap3A_762] {strides = array<i32>} : memref<128x128xf32, #tpu.memory_space<vmem>>, vector<16xf32>,
      tpu.vector_store %arg7[%swap3A_761, %swap3A_762], %mul3A_758 {strides = array<i32>} : memref<128x128xf32, #tpu.memory_space<vmem>>, vector<16xf32>,
      %add3A_764 = arith.constant 3 : i32
      %add3A_765 = arith.addi %add3A_461, %add3A_764 : i32
      %get3A_766 = arith.index_cast %add3A_765 : i32 to index
      %get3A_767 = arith.constant 32 : index
      %get3A_768 = tpu.vector_load %arg7[%get3A_766, %get3A_767] {strides = array<i32>} : memref<128x128xf32, #tpu.memory_space<vmem>>, vector<16xf32>,
      %mul3A_769 = arith.mulf %get3A_768, %bitcast3A_741 : vector<16xf32>
      %add3A_770 = arith.constant 3 : i32
      %add3A_771 = arith.addi %add3A_461, %add3A_770 : i32
      %swap3A_772 = arith.index_cast %add3A_771 : i32 to index
      %swap3A_773 = arith.constant 32 : index
      %swap3A_774 = tpu.vector_load %arg7[%swap3A_772, %swap3A_773] {strides = array<i32>} : memref<128x128xf32, #tpu.memory_space<vmem>>, vector<16xf32>,
      tpu.vector_store %arg7[%swap3A_772, %swap3A_773], %mul3A_769 {strides = array<i32>} : memref<128x128xf32, #tpu.memory_space<vmem>>, vector<16xf32>,
      %add3A_775 = arith.constant 3 : i32
      %add3A_776 = arith.addi %add3A_461, %add3A_775 : i32
      %get3A_777 = arith.index_cast %add3A_776 : i32 to index
      %get3A_778 = arith.constant 48 : index
      %get3A_779 = tpu.vector_load %arg7[%get3A_777, %get3A_778] {strides = array<i32>} : memref<128x128xf32, #tpu.memory_space<vmem>>, vector<16xf32>,
      %mul3A_780 = arith.mulf %get3A_779, %bitcast3A_741 : vector<16xf32>
      %add3A_781 = arith.constant 3 : i32
      %add3A_782 = arith.addi %add3A_461, %add3A_781 : i32
      %swap3A_783 = arith.index_cast %add3A_782 : i32 to index
      %swap3A_784 = arith.constant 48 : index
      %swap3A_785 = tpu.vector_load %arg7[%swap3A_783, %swap3A_784] {strides = array<i32>} : memref<128x128xf32, #tpu.memory_space<vmem>>, vector<16xf32>,
      tpu.vector_store %arg7[%swap3A_783, %swap3A_784], %mul3A_780 {strides = array<i32>} : memref<128x128xf32, #tpu.memory_space<vmem>>, vector<16xf32>,
      %add3A_786 = arith.constant 3 : i32
      %add3A_787 = arith.addi %add3A_461, %add3A_786 : i32
      %get3A_788 = arith.index_cast %add3A_787 : i32 to index
      %get3A_789 = arith.constant 64 : index
      %get3A_790 = tpu.vector_load %arg7[%get3A_788, %get3A_789] {strides = array<i32>} : memref<128x128xf32, #tpu.memory_space<vmem>>, vector<16xf32>,
      %mul3A_791 = arith.mulf %get3A_790, %bitcast3A_741 : vector<16xf32>
      %add3A_792 = arith.constant 3 : i32
      %add3A_793 = arith.addi %add3A_461, %add3A_792 : i32
      %swap3A_794 = arith.index_cast %add3A_793 : i32 to index
      %swap3A_795 = arith.constant 64 : index
      %swap3A_796 = tpu.vector_load %arg7[%swap3A_794, %swap3A_795] {strides = array<i32>} : memref<128x128xf32, #tpu.memory_space<vmem>>, vector<16xf32>,
      tpu.vector_store %arg7[%swap3A_794, %swap3A_795], %mul3A_791 {strides = array<i32>} : memref<128x128xf32, #tpu.memory_space<vmem>>, vector<16xf32>,
      %add3A_797 = arith.constant 3 : i32
      %add3A_798 = arith.addi %add3A_461, %add3A_797 : i32
      %get3A_799 = arith.index_cast %add3A_798 : i32 to index
      %get3A_800 = arith.constant 80 : index
      %get3A_801 = tpu.vector_load %arg7[%get3A_799, %get3A_800] {strides = array<i32>} : memref<128x128xf32, #tpu.memory_space<vmem>>, vector<16xf32>,
      %mul3A_802 = arith.mulf %get3A_801, %bitcast3A_741 : vector<16xf32>
      %add3A_803 = arith.constant 3 : i32
      %add3A_804 = arith.addi %add3A_461, %add3A_803 : i32
      %swap3A_805 = arith.index_cast %add3A_804 : i32 to index
      %swap3A_806 = arith.constant 80 : index
      %swap3A_807 = tpu.vector_load %arg7[%swap3A_805, %swap3A_806] {strides = array<i32>} : memref<128x128xf32, #tpu.memory_space<vmem>>, vector<16xf32>,
      tpu.vector_store %arg7[%swap3A_805, %swap3A_806], %mul3A_802 {strides = array<i32>} : memref<128x128xf32, #tpu.memory_space<vmem>>, vector<16xf32>,
      %add3A_808 = arith.constant 3 : i32
      %add3A_809 = arith.addi %add3A_461, %add3A_808 : i32
      %get3A_810 = arith.index_cast %add3A_809 : i32 to index
      %get3A_811 = arith.constant 96 : index
      %get3A_812 = tpu.vector_load %arg7[%get3A_810, %get3A_811] {strides = array<i32>} : memref<128x128xf32, #tpu.memory_space<vmem>>, vector<16xf32>,
      %mul3A_813 = arith.mulf %get3A_812, %bitcast3A_741 : vector<16xf32>
      %add3A_814 = arith.constant 3 : i32
      %add3A_815 = arith.addi %add3A_461, %add3A_814 : i32
      %swap3A_816 = arith.index_cast %add3A_815 : i32 to index
      %swap3A_817 = arith.constant 96 : index
      %swap3A_818 = tpu.vector_load %arg7[%swap3A_816, %swap3A_817] {strides = array<i32>} : memref<128x128xf32, #tpu.memory_space<vmem>>, vector<16xf32>,
      tpu.vector_store %arg7[%swap3A_816, %swap3A_817], %mul3A_813 {strides = array<i32>} : memref<128x128xf32, #tpu.memory_space<vmem>>, vector<16xf32>,
      %add3A_819 = arith.constant 3 : i32
      %add3A_820 = arith.addi %add3A_461, %add3A_819 : i32
      %get3A_821 = arith.index_cast %add3A_820 : i32 to index
      %get3A_822 = arith.constant 112 : index
      %get3A_823 = tpu.vector_load %arg7[%get3A_821, %get3A_822] {strides = array<i32>} : memref<128x128xf32, #tpu.memory_space<vmem>>, vector<16xf32>,
      %mul3A_824 = arith.mulf %get3A_823, %bitcast3A_741 : vector<16xf32>
      %add3A_825 = arith.constant 3 : i32
      %add3A_826 = arith.addi %add3A_461, %add3A_825 : i32
      %swap3A_827 = arith.index_cast %add3A_826 : i32 to index
      %swap3A_828 = arith.constant 112 : index
      %swap3A_829 = tpu.vector_load %arg7[%swap3A_827, %swap3A_828] {strides = array<i32>} : memref<128x128xf32, #tpu.memory_space<vmem>>, vector<16xf32>,
      tpu.vector_store %arg7[%swap3A_827, %swap3A_828], %mul3A_824 {strides = array<i32>} : memref<128x128xf32, #tpu.memory_space<vmem>>, vector<16xf32>,
    }
    %scan3A_282 = arith.constant 32 : i32
    %dma_start3A_283 = arith.constant 1 : i32
    %dma_start3A_284 = arith.constant 1 : i32
    %dma_start3A_285 = arith.constant 0 : i32
    %dma_start3A_286 = tpu.memref_slice %arg5[%dma_start3A_283, %dma_start3A_284, %dma_start3A_285] : memref<4x8x128xi32, #tpu.memory_space<vmem>> -> memref<1x1x128xi32, #tpu.memory_space<vmem>>
    %dma_start3A_287 = tpu.memref_squeeze %dma_start3A_286 : memref<1x1x128xi32, #tpu.memory_space<vmem>> -> memref<128xi32, #tpu.memory_space<vmem>>
    %dma_start3A_288 = arith.constant 0 : i32
    %dma_start3A_289 = arith.constant 0 : i32
    %dma_start3A_290 = tpu.memref_slice %arg8[%dma_start3A_288, %dma_start3A_289] : memref<10000x128xf32, #tpu.memory_space<vmem_shared>> -> memref<10000x128xf32, #tpu.memory_space<vmem_shared>>
    tpu.enqueue_indirect_dma source(%arg7 : memref<128x128xf32, #tpu.memory_space<vmem>>) target(%dma_start3A_290 : memref<10000x128xf32, #tpu.memory_space<vmem_shared>>) offsets(%dma_start3A_287 : memref<128xi32, #tpu.memory_space<vmem>>) semaphore(%arg16 : memref<!tpu.dma_semaphore, #tpu.memory_space<semaphore_mem>>) {add = true}
    %dma_wait3A_291 = arith.constant 2 : i32
    %dma_wait3A_292 = arith.constant 0 : i32
    %dma_wait3A_293 = arith.constant 0 : i32
    %dma_wait3A_294 = tpu.memref_slice %arg5[%dma_wait3A_291, %dma_wait3A_292, %dma_wait3A_293] : memref<4x8x128xi32, #tpu.memory_space<vmem>> -> memref<1x1x128xi32, #tpu.memory_space<vmem>>
    %dma_wait3A_295 = tpu.memref_squeeze %dma_wait3A_294 : memref<1x1x128xi32, #tpu.memory_space<vmem>> -> memref<128xi32, #tpu.memory_space<vmem>>
    %dma_wait3A_296 = arith.constant 0 : i32
    %dma_wait3A_297 = arith.constant 0 : i32
    %dma_wait3A_298 = tpu.memref_slice %arg2[%dma_wait3A_296, %dma_wait3A_297] : memref<10000x128xf32, #tpu.memory_space<hbm>> -> memref<10000x128xf32, #tpu.memory_space<hbm>>
    tpu.wait_indirect_dma semaphore(%arg13 : memref<!tpu.dma_semaphore, #tpu.memory_space<semaphore_mem>>) src(%dma_wait3A_298 : memref<10000x128xf32, #tpu.memory_space<hbm>>) dst(%arg6 : memref<128x128xf32, #tpu.memory_space<vmem>>)
    %dma_wait3A_299 = arith.constant 1 : i32
    %dma_wait3A_300 = arith.constant 1 : i32
    %dma_wait3A_301 = arith.constant 0 : i32
    %dma_wait3A_302 = tpu.memref_slice %arg5[%dma_wait3A_299, %dma_wait3A_300, %dma_wait3A_301] : memref<4x8x128xi32, #tpu.memory_space<vmem>> -> memref<1x1x128xi32, #tpu.memory_space<vmem>>
    %dma_wait3A_303 = tpu.memref_squeeze %dma_wait3A_302 : memref<1x1x128xi32, #tpu.memory_space<vmem>> -> memref<128xi32, #tpu.memory_space<vmem>>
    %dma_wait3A_304 = arith.constant 0 : i32
    %dma_wait3A_305 = arith.constant 0 : i32
    %dma_wait3A_306 = tpu.memref_slice %arg8[%dma_wait3A_304, %dma_wait3A_305] : memref<10000x128xf32, #tpu.memory_space<vmem_shared>> -> memref<10000x128xf32, #tpu.memory_space<vmem_shared>>
    tpu.wait_indirect_dma semaphore(%arg16 : memref<!tpu.dma_semaphore, #tpu.memory_space<semaphore_mem>>) src(%arg7 : memref<128x128xf32, #tpu.memory_space<vmem>>) dst(%dma_wait3A_306 : memref<10000x128xf32, #tpu.memory_space<vmem_shared>>)
    %dma_wait3A_307 = arith.constant 79 : i32
    %dma_wait3A_308 = arith.constant 3 : i32
    %dma_wait3A_309 = arith.constant 0 : i32
    %dma_wait3A_310 = arith.constant 0 : i32
    %dma_wait3A_311 = tpu.memref_slice %arg5[%dma_wait3A_308, %dma_wait3A_309, %dma_wait3A_310] : memref<4x8x128xi32, #tpu.memory_space<vmem>> -> memref<1x8x128xi32, #tpu.memory_space<vmem>>
    %dma_wait3A_312 = tpu.memref_squeeze %dma_wait3A_311 : memref<1x8x128xi32, #tpu.memory_space<vmem>> -> memref<8x128xi32, #tpu.memory_space<vmem>>
    %dma_wait3A_313 = arith.constant 0 : i32
    %dma_wait3A_314 = arith.constant 0 : i32
    %dma_wait3A_315 = tpu.memref_slice %arg3[%add3A, %dma_wait3A_307, %dma_wait3A_313, %dma_wait3A_314] : memref<32x80x8x128xi32, #tpu.memory_space<hbm>> -> memref<1x1x8x128xi32, #tpu.memory_space<hbm>>
    %dma_wait3A_316 = tpu.memref_squeeze %dma_wait3A_315 : memref<1x1x8x128xi32, #tpu.memory_space<hbm>> -> memref<8x128xi32, #tpu.memory_space<hbm>>
    %dma_wait3A_317 = arith.constant 0 : i32
    %dma_wait3A_318 = arith.constant 0 : i32
    %dma_wait3A_319 = tpu.memref_slice %arg5[%dma_wait3A_308, %dma_wait3A_317, %dma_wait3A_318] : memref<4x8x128xi32, #tpu.memory_space<vmem>> -> memref<1x8x128xi32, #tpu.memory_space<vmem>>
    %dma_wait3A_320 = tpu.memref_squeeze %dma_wait3A_319 : memref<1x8x128xi32, #tpu.memory_space<vmem>> -> memref<8x128xi32, #tpu.memory_space<vmem>>
    %dma_wait3A_321 = arith.constant 0 : i32
    %dma_wait3A_322 = arith.constant 0 : i32
    %dma_wait3A_323 = tpu.memref_slice %arg3[%add3A, %dma_wait3A_307, %dma_wait3A_321, %dma_wait3A_322] : memref<32x80x8x128xi32, #tpu.memory_space<hbm>> -> memref<1x1x8x128xi32, #tpu.memory_space<hbm>>
    %dma_wait3A_324 = tpu.memref_squeeze %dma_wait3A_323 : memref<1x1x8x128xi32, #tpu.memory_space<hbm>> -> memref<8x128xi32, #tpu.memory_space<hbm>>
    tpu.wait_dma2 semaphore(%arg12 : memref<!tpu.dma_semaphore, #tpu.memory_space<semaphore_mem>>) src(%dma_wait3A_324 : memref<8x128xi32, #tpu.memory_space<hbm>>) dst(%dma_wait3A_320 : memref<8x128xi32, #tpu.memory_space<vmem>>)
    %dma_start3A_325 = arith.constant 3 : i32
    %dma_start3A_326 = arith.constant 0 : i32
    %dma_start3A_327 = arith.constant 0 : i32
    %dma_start3A_328 = tpu.memref_slice %arg5[%dma_start3A_325, %dma_start3A_326, %dma_start3A_327] : memref<4x8x128xi32, #tpu.memory_space<vmem>> -> memref<1x1x128xi32, #tpu.memory_space<vmem>>
    %dma_start3A_329 = tpu.memref_squeeze %dma_start3A_328 : memref<1x1x128xi32, #tpu.memory_space<vmem>> -> memref<128xi32, #tpu.memory_space<vmem>>
    %dma_start3A_330 = arith.constant 0 : i32
    %dma_start3A_331 = arith.constant 0 : i32
    %dma_start3A_332 = tpu.memref_slice %arg2[%dma_start3A_330, %dma_start3A_331] : memref<10000x128xf32, #tpu.memory_space<hbm>> -> memref<10000x128xf32, #tpu.memory_space<hbm>>
    tpu.enqueue_indirect_dma source(%dma_start3A_332 : memref<10000x128xf32, #tpu.memory_space<hbm>>) target(%arg7 : memref<128x128xf32, #tpu.memory_space<vmem>>) offsets(%dma_start3A_329 : memref<128xi32, #tpu.memory_space<vmem>>) semaphore(%arg14 : memref<!tpu.dma_semaphore, #tpu.memory_space<semaphore_mem>>)
    %broadcast_in_dim3A_333 = arith.constant 2 : i32
    %broadcast_in_dim3A_334 = vector.broadcast %broadcast_in_dim3A_333 : i32 to vector<16xi32>
    %broadcast_in_dim3A_335 = arith.constant 2 : i32
    %broadcast_in_dim3A_336 = vector.broadcast %broadcast_in_dim3A_335 : i32 to vector<16xi32>
    %scan3A_337 = arith.constant 0 : i32
    %scan3A_338 = arith.constant 32 : i32
    %scan3A_339 = arith.addi %scan3A_337, %scan3A_338 : i32
    %scan3A_340 = arith.constant 1 : i32
    scf.for %scan3A_457 = %scan3A_337 to %scan3A_339 step %scan3A_340  : i32 {
      %mul3A_458 = arith.constant 4 : i32
      %mul3A_459 = arith.muli %scan3A_457, %mul3A_458 : i32
      %add3A_460 = arith.constant 0 : i32
      %add3A_461 = arith.addi %add3A_460, %mul3A_459 : i32
      %add3A_462 = arith.constant 0 : i32
      %add3A_463 = arith.addi %add3A_461, %add3A_462 : i32
      %broadcast_in_dim3A_464 = vector.broadcast %add3A_463 : i32 to vector<16xi32>
      %gather3A = tpu.vector_load_idx %arg5[%broadcast_in_dim3A_334, %broadcast_in_dim3A_336, %broadcast_in_dim3A_464] : memref<4x8x128xi32, #tpu.memory_space<vmem>>[vector<16xi32>, vector<16xi32>, vector<16xi32>], vector<16xi32>,
      %bitcast3A = vector.bitcast %gather3A : vector<16xi32> to vector<16xf32>
      %add3A_465 = arith.constant 0 : i32
      %add3A_466 = arith.addi %add3A_461, %add3A_465 : i32
      %get3A = arith.index_cast %add3A_466 : i32 to index
      %get3A_467 = arith.constant 0 : index
      %get3A_468 = tpu.vector_load %arg6[%get3A, %get3A_467] {strides = array<i32>} : memref<128x128xf32, #tpu.memory_space<vmem>>, vector<16xf32>,
      %mul3A_469 = arith.mulf %get3A_468, %bitcast3A : vector<16xf32>
      %add3A_470 = arith.constant 0 : i32
      %add3A_471 = arith.addi %add3A_461, %add3A_470 : i32
      %swap3A = arith.index_cast %add3A_471 : i32 to index
      %swap3A_472 = arith.constant 0 : index
      %swap3A_473 = tpu.vector_load %arg6[%swap3A, %swap3A_472] {strides = array<i32>} : memref<128x128xf32, #tpu.memory_space<vmem>>, vector<16xf32>,
      tpu.vector_store %arg6[%swap3A, %swap3A_472], %mul3A_469 {strides = array<i32>} : memref<128x128xf32, #tpu.memory_space<vmem>>, vector<16xf32>,
      %add3A_474 = arith.constant 0 : i32
      %add3A_475 = arith.addi %add3A_461, %add3A_474 : i32
      %get3A_476 = arith.index_cast %add3A_475 : i32 to index
      %get3A_477 = arith.constant 16 : index
      %get3A_478 = tpu.vector_load %arg6[%get3A_476, %get3A_477] {strides = array<i32>} : memref<128x128xf32, #tpu.memory_space<vmem>>, vector<16xf32>,
      %mul3A_479 = arith.mulf %get3A_478, %bitcast3A : vector<16xf32>
      %add3A_480 = arith.constant 0 : i32
      %add3A_481 = arith.addi %add3A_461, %add3A_480 : i32
      %swap3A_482 = arith.index_cast %add3A_481 : i32 to index
      %swap3A_483 = arith.constant 16 : index
      %swap3A_484 = tpu.vector_load %arg6[%swap3A_482, %swap3A_483] {strides = array<i32>} : memref<128x128xf32, #tpu.memory_space<vmem>>, vector<16xf32>,
      tpu.vector_store %arg6[%swap3A_482, %swap3A_483], %mul3A_479 {strides = array<i32>} : memref<128x128xf32, #tpu.memory_space<vmem>>, vector<16xf32>,
      %add3A_485 = arith.constant 0 : i32
      %add3A_486 = arith.addi %add3A_461, %add3A_485 : i32
      %get3A_487 = arith.index_cast %add3A_486 : i32 to index
      %get3A_488 = arith.constant 32 : index
      %get3A_489 = tpu.vector_load %arg6[%get3A_487, %get3A_488] {strides = array<i32>} : memref<128x128xf32, #tpu.memory_space<vmem>>, vector<16xf32>,
      %mul3A_490 = arith.mulf %get3A_489, %bitcast3A : vector<16xf32>
      %add3A_491 = arith.constant 0 : i32
      %add3A_492 = arith.addi %add3A_461, %add3A_491 : i32
      %swap3A_493 = arith.index_cast %add3A_492 : i32 to index
      %swap3A_494 = arith.constant 32 : index
      %swap3A_495 = tpu.vector_load %arg6[%swap3A_493, %swap3A_494] {strides = array<i32>} : memref<128x128xf32, #tpu.memory_space<vmem>>, vector<16xf32>,
      tpu.vector_store %arg6[%swap3A_493, %swap3A_494], %mul3A_490 {strides = array<i32>} : memref<128x128xf32, #tpu.memory_space<vmem>>, vector<16xf32>,
      %add3A_496 = arith.constant 0 : i32
      %add3A_497 = arith.addi %add3A_461, %add3A_496 : i32
      %get3A_498 = arith.index_cast %add3A_497 : i32 to index
      %get3A_499 = arith.constant 48 : index
      %get3A_500 = tpu.vector_load %arg6[%get3A_498, %get3A_499] {strides = array<i32>} : memref<128x128xf32, #tpu.memory_space<vmem>>, vector<16xf32>,
      %mul3A_501 = arith.mulf %get3A_500, %bitcast3A : vector<16xf32>
      %add3A_502 = arith.constant 0 : i32
      %add3A_503 = arith.addi %add3A_461, %add3A_502 : i32
      %swap3A_504 = arith.index_cast %add3A_503 : i32 to index
      %swap3A_505 = arith.constant 48 : index
      %swap3A_506 = tpu.vector_load %arg6[%swap3A_504, %swap3A_505] {strides = array<i32>} : memref<128x128xf32, #tpu.memory_space<vmem>>, vector<16xf32>,
      tpu.vector_store %arg6[%swap3A_504, %swap3A_505], %mul3A_501 {strides = array<i32>} : memref<128x128xf32, #tpu.memory_space<vmem>>, vector<16xf32>,
      %add3A_507 = arith.constant 0 : i32
      %add3A_508 = arith.addi %add3A_461, %add3A_507 : i32
      %get3A_509 = arith.index_cast %add3A_508 : i32 to index
      %get3A_510 = arith.constant 64 : index
      %get3A_511 = tpu.vector_load %arg6[%get3A_509, %get3A_510] {strides = array<i32>} : memref<128x128xf32, #tpu.memory_space<vmem>>, vector<16xf32>,
      %mul3A_512 = arith.mulf %get3A_511, %bitcast3A : vector<16xf32>
      %add3A_513 = arith.constant 0 : i32
      %add3A_514 = arith.addi %add3A_461, %add3A_513 : i32
      %swap3A_515 = arith.index_cast %add3A_514 : i32 to index
      %swap3A_516 = arith.constant 64 : index
      %swap3A_517 = tpu.vector_load %arg6[%swap3A_515, %swap3A_516] {strides = array<i32>} : memref<128x128xf32, #tpu.memory_space<vmem>>, vector<16xf32>,
      tpu.vector_store %arg6[%swap3A_515, %swap3A_516], %mul3A_512 {strides = array<i32>} : memref<128x128xf32, #tpu.memory_space<vmem>>, vector<16xf32>,
      %add3A_518 = arith.constant 0 : i32
      %add3A_519 = arith.addi %add3A_461, %add3A_518 : i32
      %get3A_520 = arith.index_cast %add3A_519 : i32 to index
      %get3A_521 = arith.constant 80 : index
      %get3A_522 = tpu.vector_load %arg6[%get3A_520, %get3A_521] {strides = array<i32>} : memref<128x128xf32, #tpu.memory_space<vmem>>, vector<16xf32>,
      %mul3A_523 = arith.mulf %get3A_522, %bitcast3A : vector<16xf32>
      %add3A_524 = arith.constant 0 : i32
      %add3A_525 = arith.addi %add3A_461, %add3A_524 : i32
      %swap3A_526 = arith.index_cast %add3A_525 : i32 to index
      %swap3A_527 = arith.constant 80 : index
      %swap3A_528 = tpu.vector_load %arg6[%swap3A_526, %swap3A_527] {strides = array<i32>} : memref<128x128xf32, #tpu.memory_space<vmem>>, vector<16xf32>,
      tpu.vector_store %arg6[%swap3A_526, %swap3A_527], %mul3A_523 {strides = array<i32>} : memref<128x128xf32, #tpu.memory_space<vmem>>, vector<16xf32>,
      %add3A_529 = arith.constant 0 : i32
      %add3A_530 = arith.addi %add3A_461, %add3A_529 : i32
      %get3A_531 = arith.index_cast %add3A_530 : i32 to index
      %get3A_532 = arith.constant 96 : index
      %get3A_533 = tpu.vector_load %arg6[%get3A_531, %get3A_532] {strides = array<i32>} : memref<128x128xf32, #tpu.memory_space<vmem>>, vector<16xf32>,
      %mul3A_534 = arith.mulf %get3A_533, %bitcast3A : vector<16xf32>
      %add3A_535 = arith.constant 0 : i32
      %add3A_536 = arith.addi %add3A_461, %add3A_535 : i32
      %swap3A_537 = arith.index_cast %add3A_536 : i32 to index
      %swap3A_538 = arith.constant 96 : index
      %swap3A_539 = tpu.vector_load %arg6[%swap3A_537, %swap3A_538] {strides = array<i32>} : memref<128x128xf32, #tpu.memory_space<vmem>>, vector<16xf32>,
      tpu.vector_store %arg6[%swap3A_537, %swap3A_538], %mul3A_534 {strides = array<i32>} : memref<128x128xf32, #tpu.memory_space<vmem>>, vector<16xf32>,
      %add3A_540 = arith.constant 0 : i32
      %add3A_541 = arith.addi %add3A_461, %add3A_540 : i32
      %get3A_542 = arith.index_cast %add3A_541 : i32 to index
      %get3A_543 = arith.constant 112 : index
      %get3A_544 = tpu.vector_load %arg6[%get3A_542, %get3A_543] {strides = array<i32>} : memref<128x128xf32, #tpu.memory_space<vmem>>, vector<16xf32>,
      %mul3A_545 = arith.mulf %get3A_544, %bitcast3A : vector<16xf32>
      %add3A_546 = arith.constant 0 : i32
      %add3A_547 = arith.addi %add3A_461, %add3A_546 : i32
      %swap3A_548 = arith.index_cast %add3A_547 : i32 to index
      %swap3A_549 = arith.constant 112 : index
      %swap3A_550 = tpu.vector_load %arg6[%swap3A_548, %swap3A_549] {strides = array<i32>} : memref<128x128xf32, #tpu.memory_space<vmem>>, vector<16xf32>,
      tpu.vector_store %arg6[%swap3A_548, %swap3A_549], %mul3A_545 {strides = array<i32>} : memref<128x128xf32, #tpu.memory_space<vmem>>, vector<16xf32>,
      %add3A_551 = arith.constant 1 : i32
      %add3A_552 = arith.addi %add3A_461, %add3A_551 : i32
      %broadcast_in_dim3A_553 = vector.broadcast %add3A_552 : i32 to vector<16xi32>
      %gather3A_554 = tpu.vector_load_idx %arg5[%broadcast_in_dim3A_334, %broadcast_in_dim3A_336, %broadcast_in_dim3A_553] : memref<4x8x128xi32, #tpu.memory_space<vmem>>[vector<16xi32>, vector<16xi32>, vector<16xi32>], vector<16xi32>,
      %bitcast3A_555 = vector.bitcast %gather3A_554 : vector<16xi32> to vector<16xf32>
      %add3A_556 = arith.constant 1 : i32
      %add3A_557 = arith.addi %add3A_461, %add3A_556 : i32
      %get3A_558 = arith.index_cast %add3A_557 : i32 to index
      %get3A_559 = arith.constant 0 : index
      %get3A_560 = tpu.vector_load %arg6[%get3A_558, %get3A_559] {strides = array<i32>} : memref<128x128xf32, #tpu.memory_space<vmem>>, vector<16xf32>,
      %mul3A_561 = arith.mulf %get3A_560, %bitcast3A_555 : vector<16xf32>
      %add3A_562 = arith.constant 1 : i32
      %add3A_563 = arith.addi %add3A_461, %add3A_562 : i32
      %swap3A_564 = arith.index_cast %add3A_563 : i32 to index
      %swap3A_565 = arith.constant 0 : index
      %swap3A_566 = tpu.vector_load %arg6[%swap3A_564, %swap3A_565] {strides = array<i32>} : memref<128x128xf32, #tpu.memory_space<vmem>>, vector<16xf32>,
      tpu.vector_store %arg6[%swap3A_564, %swap3A_565], %mul3A_561 {strides = array<i32>} : memref<128x128xf32, #tpu.memory_space<vmem>>, vector<16xf32>,
      %add3A_567 = arith.constant 1 : i32
      %add3A_568 = arith.addi %add3A_461, %add3A_567 : i32
      %get3A_569 = arith.index_cast %add3A_568 : i32 to index
      %get3A_570 = arith.constant 16 : index
      %get3A_571 = tpu.vector_load %arg6[%get3A_569, %get3A_570] {strides = array<i32>} : memref<128x128xf32, #tpu.memory_space<vmem>>, vector<16xf32>,
      %mul3A_572 = arith.mulf %get3A_571, %bitcast3A_555 : vector<16xf32>
      %add3A_573 = arith.constant 1 : i32
      %add3A_574 = arith.addi %add3A_461, %add3A_573 : i32
      %swap3A_575 = arith.index_cast %add3A_574 : i32 to index
      %swap3A_576 = arith.constant 16 : index
      %swap3A_577 = tpu.vector_load %arg6[%swap3A_575, %swap3A_576] {strides = array<i32>} : memref<128x128xf32, #tpu.memory_space<vmem>>, vector<16xf32>,
      tpu.vector_store %arg6[%swap3A_575, %swap3A_576], %mul3A_572 {strides = array<i32>} : memref<128x128xf32, #tpu.memory_space<vmem>>, vector<16xf32>,
      %add3A_578 = arith.constant 1 : i32
      %add3A_579 = arith.addi %add3A_461, %add3A_578 : i32
      %get3A_580 = arith.index_cast %add3A_579 : i32 to index
      %get3A_581 = arith.constant 32 : index
      %get3A_582 = tpu.vector_load %arg6[%get3A_580, %get3A_581] {strides = array<i32>} : memref<128x128xf32, #tpu.memory_space<vmem>>, vector<16xf32>,
      %mul3A_583 = arith.mulf %get3A_582, %bitcast3A_555 : vector<16xf32>
      %add3A_584 = arith.constant 1 : i32
      %add3A_585 = arith.addi %add3A_461, %add3A_584 : i32
      %swap3A_586 = arith.index_cast %add3A_585 : i32 to index
      %swap3A_587 = arith.constant 32 : index
      %swap3A_588 = tpu.vector_load %arg6[%swap3A_586, %swap3A_587] {strides = array<i32>} : memref<128x128xf32, #tpu.memory_space<vmem>>, vector<16xf32>,
      tpu.vector_store %arg6[%swap3A_586, %swap3A_587], %mul3A_583 {strides = array<i32>} : memref<128x128xf32, #tpu.memory_space<vmem>>, vector<16xf32>,
      %add3A_589 = arith.constant 1 : i32
      %add3A_590 = arith.addi %add3A_461, %add3A_589 : i32
      %get3A_591 = arith.index_cast %add3A_590 : i32 to index
      %get3A_592 = arith.constant 48 : index
      %get3A_593 = tpu.vector_load %arg6[%get3A_591, %get3A_592] {strides = array<i32>} : memref<128x128xf32, #tpu.memory_space<vmem>>, vector<16xf32>,
      %mul3A_594 = arith.mulf %get3A_593, %bitcast3A_555 : vector<16xf32>
      %add3A_595 = arith.constant 1 : i32
      %add3A_596 = arith.addi %add3A_461, %add3A_595 : i32
      %swap3A_597 = arith.index_cast %add3A_596 : i32 to index
      %swap3A_598 = arith.constant 48 : index
      %swap3A_599 = tpu.vector_load %arg6[%swap3A_597, %swap3A_598] {strides = array<i32>} : memref<128x128xf32, #tpu.memory_space<vmem>>, vector<16xf32>,
      tpu.vector_store %arg6[%swap3A_597, %swap3A_598], %mul3A_594 {strides = array<i32>} : memref<128x128xf32, #tpu.memory_space<vmem>>, vector<16xf32>,
      %add3A_600 = arith.constant 1 : i32
      %add3A_601 = arith.addi %add3A_461, %add3A_600 : i32
      %get3A_602 = arith.index_cast %add3A_601 : i32 to index
      %get3A_603 = arith.constant 64 : index
      %get3A_604 = tpu.vector_load %arg6[%get3A_602, %get3A_603] {strides = array<i32>} : memref<128x128xf32, #tpu.memory_space<vmem>>, vector<16xf32>,
      %mul3A_605 = arith.mulf %get3A_604, %bitcast3A_555 : vector<16xf32>
      %add3A_606 = arith.constant 1 : i32
      %add3A_607 = arith.addi %add3A_461, %add3A_606 : i32
      %swap3A_608 = arith.index_cast %add3A_607 : i32 to index
      %swap3A_609 = arith.constant 64 : index
      %swap3A_610 = tpu.vector_load %arg6[%swap3A_608, %swap3A_609] {strides = array<i32>} : memref<128x128xf32, #tpu.memory_space<vmem>>, vector<16xf32>,
      tpu.vector_store %arg6[%swap3A_608, %swap3A_609], %mul3A_605 {strides = array<i32>} : memref<128x128xf32, #tpu.memory_space<vmem>>, vector<16xf32>,
      %add3A_611 = arith.constant 1 : i32
      %add3A_612 = arith.addi %add3A_461, %add3A_611 : i32
      %get3A_613 = arith.index_cast %add3A_612 : i32 to index
      %get3A_614 = arith.constant 80 : index
      %get3A_615 = tpu.vector_load %arg6[%get3A_613, %get3A_614] {strides = array<i32>} : memref<128x128xf32, #tpu.memory_space<vmem>>, vector<16xf32>,
      %mul3A_616 = arith.mulf %get3A_615, %bitcast3A_555 : vector<16xf32>
      %add3A_617 = arith.constant 1 : i32
      %add3A_618 = arith.addi %add3A_461, %add3A_617 : i32
      %swap3A_619 = arith.index_cast %add3A_618 : i32 to index
      %swap3A_620 = arith.constant 80 : index
      %swap3A_621 = tpu.vector_load %arg6[%swap3A_619, %swap3A_620] {strides = array<i32>} : memref<128x128xf32, #tpu.memory_space<vmem>>, vector<16xf32>,
      tpu.vector_store %arg6[%swap3A_619, %swap3A_620], %mul3A_616 {strides = array<i32>} : memref<128x128xf32, #tpu.memory_space<vmem>>, vector<16xf32>,
      %add3A_622 = arith.constant 1 : i32
      %add3A_623 = arith.addi %add3A_461, %add3A_622 : i32
      %get3A_624 = arith.index_cast %add3A_623 : i32 to index
      %get3A_625 = arith.constant 96 : index
      %get3A_626 = tpu.vector_load %arg6[%get3A_624, %get3A_625] {strides = array<i32>} : memref<128x128xf32, #tpu.memory_space<vmem>>, vector<16xf32>,
      %mul3A_627 = arith.mulf %get3A_626, %bitcast3A_555 : vector<16xf32>
      %add3A_628 = arith.constant 1 : i32
      %add3A_629 = arith.addi %add3A_461, %add3A_628 : i32
      %swap3A_630 = arith.index_cast %add3A_629 : i32 to index
      %swap3A_631 = arith.constant 96 : index
      %swap3A_632 = tpu.vector_load %arg6[%swap3A_630, %swap3A_631] {strides = array<i32>} : memref<128x128xf32, #tpu.memory_space<vmem>>, vector<16xf32>,
      tpu.vector_store %arg6[%swap3A_630, %swap3A_631], %mul3A_627 {strides = array<i32>} : memref<128x128xf32, #tpu.memory_space<vmem>>, vector<16xf32>,
      %add3A_633 = arith.constant 1 : i32
      %add3A_634 = arith.addi %add3A_461, %add3A_633 : i32
      %get3A_635 = arith.index_cast %add3A_634 : i32 to index
      %get3A_636 = arith.constant 112 : index
      %get3A_637 = tpu.vector_load %arg6[%get3A_635, %get3A_636] {strides = array<i32>} : memref<128x128xf32, #tpu.memory_space<vmem>>, vector<16xf32>,
      %mul3A_638 = arith.mulf %get3A_637, %bitcast3A_555 : vector<16xf32>
      %add3A_639 = arith.constant 1 : i32
      %add3A_640 = arith.addi %add3A_461, %add3A_639 : i32
      %swap3A_641 = arith.index_cast %add3A_640 : i32 to index
      %swap3A_642 = arith.constant 112 : index
      %swap3A_643 = tpu.vector_load %arg6[%swap3A_641, %swap3A_642] {strides = array<i32>} : memref<128x128xf32, #tpu.memory_space<vmem>>, vector<16xf32>,
      tpu.vector_store %arg6[%swap3A_641, %swap3A_642], %mul3A_638 {strides = array<i32>} : memref<128x128xf32, #tpu.memory_space<vmem>>, vector<16xf32>,
      %add3A_644 = arith.constant 2 : i32
      %add3A_645 = arith.addi %add3A_461, %add3A_644 : i32
      %broadcast_in_dim3A_646 = vector.broadcast %add3A_645 : i32 to vector<16xi32>
      %gather3A_647 = tpu.vector_load_idx %arg5[%broadcast_in_dim3A_334, %broadcast_in_dim3A_336, %broadcast_in_dim3A_646] : memref<4x8x128xi32, #tpu.memory_space<vmem>>[vector<16xi32>, vector<16xi32>, vector<16xi32>], vector<16xi32>,
      %bitcast3A_648 = vector.bitcast %gather3A_647 : vector<16xi32> to vector<16xf32>
      %add3A_649 = arith.constant 2 : i32
      %add3A_650 = arith.addi %add3A_461, %add3A_649 : i32
      %get3A_651 = arith.index_cast %add3A_650 : i32 to index
      %get3A_652 = arith.constant 0 : index
      %get3A_653 = tpu.vector_load %arg6[%get3A_651, %get3A_652] {strides = array<i32>} : memref<128x128xf32, #tpu.memory_space<vmem>>, vector<16xf32>,
      %mul3A_654 = arith.mulf %get3A_653, %bitcast3A_648 : vector<16xf32>
      %add3A_655 = arith.constant 2 : i32
      %add3A_656 = arith.addi %add3A_461, %add3A_655 : i32
      %swap3A_657 = arith.index_cast %add3A_656 : i32 to index
      %swap3A_658 = arith.constant 0 : index
      %swap3A_659 = tpu.vector_load %arg6[%swap3A_657, %swap3A_658] {strides = array<i32>} : memref<128x128xf32, #tpu.memory_space<vmem>>, vector<16xf32>,
      tpu.vector_store %arg6[%swap3A_657, %swap3A_658], %mul3A_654 {strides = array<i32>} : memref<128x128xf32, #tpu.memory_space<vmem>>, vector<16xf32>,
      %add3A_660 = arith.constant 2 : i32
      %add3A_661 = arith.addi %add3A_461, %add3A_660 : i32
      %get3A_662 = arith.index_cast %add3A_661 : i32 to index
      %get3A_663 = arith.constant 16 : index
      %get3A_664 = tpu.vector_load %arg6[%get3A_662, %get3A_663] {strides = array<i32>} : memref<128x128xf32, #tpu.memory_space<vmem>>, vector<16xf32>,
      %mul3A_665 = arith.mulf %get3A_664, %bitcast3A_648 : vector<16xf32>
      %add3A_666 = arith.constant 2 : i32
      %add3A_667 = arith.addi %add3A_461, %add3A_666 : i32
      %swap3A_668 = arith.index_cast %add3A_667 : i32 to index
      %swap3A_669 = arith.constant 16 : index
      %swap3A_670 = tpu.vector_load %arg6[%swap3A_668, %swap3A_669] {strides = array<i32>} : memref<128x128xf32, #tpu.memory_space<vmem>>, vector<16xf32>,
      tpu.vector_store %arg6[%swap3A_668, %swap3A_669], %mul3A_665 {strides = array<i32>} : memref<128x128xf32, #tpu.memory_space<vmem>>, vector<16xf32>,
      %add3A_671 = arith.constant 2 : i32
      %add3A_672 = arith.addi %add3A_461, %add3A_671 : i32
      %get3A_673 = arith.index_cast %add3A_672 : i32 to index
      %get3A_674 = arith.constant 32 : index
      %get3A_675 = tpu.vector_load %arg6[%get3A_673, %get3A_674] {strides = array<i32>} : memref<128x128xf32, #tpu.memory_space<vmem>>, vector<16xf32>,
      %mul3A_676 = arith.mulf %get3A_675, %bitcast3A_648 : vector<16xf32>
      %add3A_677 = arith.constant 2 : i32
      %add3A_678 = arith.addi %add3A_461, %add3A_677 : i32
      %swap3A_679 = arith.index_cast %add3A_678 : i32 to index
      %swap3A_680 = arith.constant 32 : index
      %swap3A_681 = tpu.vector_load %arg6[%swap3A_679, %swap3A_680] {strides = array<i32>} : memref<128x128xf32, #tpu.memory_space<vmem>>, vector<16xf32>,
      tpu.vector_store %arg6[%swap3A_679, %swap3A_680], %mul3A_676 {strides = array<i32>} : memref<128x128xf32, #tpu.memory_space<vmem>>, vector<16xf32>,
      %add3A_682 = arith.constant 2 : i32
      %add3A_683 = arith.addi %add3A_461, %add3A_682 : i32
      %get3A_684 = arith.index_cast %add3A_683 : i32 to index
      %get3A_685 = arith.constant 48 : index
      %get3A_686 = tpu.vector_load %arg6[%get3A_684, %get3A_685] {strides = array<i32>} : memref<128x128xf32, #tpu.memory_space<vmem>>, vector<16xf32>,
      %mul3A_687 = arith.mulf %get3A_686, %bitcast3A_648 : vector<16xf32>
      %add3A_688 = arith.constant 2 : i32
      %add3A_689 = arith.addi %add3A_461, %add3A_688 : i32
      %swap3A_690 = arith.index_cast %add3A_689 : i32 to index
      %swap3A_691 = arith.constant 48 : index
      %swap3A_692 = tpu.vector_load %arg6[%swap3A_690, %swap3A_691] {strides = array<i32>} : memref<128x128xf32, #tpu.memory_space<vmem>>, vector<16xf32>,
      tpu.vector_store %arg6[%swap3A_690, %swap3A_691], %mul3A_687 {strides = array<i32>} : memref<128x128xf32, #tpu.memory_space<vmem>>, vector<16xf32>,
      %add3A_693 = arith.constant 2 : i32
      %add3A_694 = arith.addi %add3A_461, %add3A_693 : i32
      %get3A_695 = arith.index_cast %add3A_694 : i32 to index
      %get3A_696 = arith.constant 64 : index
      %get3A_697 = tpu.vector_load %arg6[%get3A_695, %get3A_696] {strides = array<i32>} : memref<128x128xf32, #tpu.memory_space<vmem>>, vector<16xf32>,
      %mul3A_698 = arith.mulf %get3A_697, %bitcast3A_648 : vector<16xf32>
      %add3A_699 = arith.constant 2 : i32
      %add3A_700 = arith.addi %add3A_461, %add3A_699 : i32
      %swap3A_701 = arith.index_cast %add3A_700 : i32 to index
      %swap3A_702 = arith.constant 64 : index
      %swap3A_703 = tpu.vector_load %arg6[%swap3A_701, %swap3A_702] {strides = array<i32>} : memref<128x128xf32, #tpu.memory_space<vmem>>, vector<16xf32>,
      tpu.vector_store %arg6[%swap3A_701, %swap3A_702], %mul3A_698 {strides = array<i32>} : memref<128x128xf32, #tpu.memory_space<vmem>>, vector<16xf32>,
      %add3A_704 = arith.constant 2 : i32
      %add3A_705 = arith.addi %add3A_461, %add3A_704 : i32
      %get3A_706 = arith.index_cast %add3A_705 : i32 to index
      %get3A_707 = arith.constant 80 : index
      %get3A_708 = tpu.vector_load %arg6[%get3A_706, %get3A_707] {strides = array<i32>} : memref<128x128xf32, #tpu.memory_space<vmem>>, vector<16xf32>,
      %mul3A_709 = arith.mulf %get3A_708, %bitcast3A_648 : vector<16xf32>
      %add3A_710 = arith.constant 2 : i32
      %add3A_711 = arith.addi %add3A_461, %add3A_710 : i32
      %swap3A_712 = arith.index_cast %add3A_711 : i32 to index
      %swap3A_713 = arith.constant 80 : index
      %swap3A_714 = tpu.vector_load %arg6[%swap3A_712, %swap3A_713] {strides = array<i32>} : memref<128x128xf32, #tpu.memory_space<vmem>>, vector<16xf32>,
      tpu.vector_store %arg6[%swap3A_712, %swap3A_713], %mul3A_709 {strides = array<i32>} : memref<128x128xf32, #tpu.memory_space<vmem>>, vector<16xf32>,
      %add3A_715 = arith.constant 2 : i32
      %add3A_716 = arith.addi %add3A_461, %add3A_715 : i32
      %get3A_717 = arith.index_cast %add3A_716 : i32 to index
      %get3A_718 = arith.constant 96 : index
      %get3A_719 = tpu.vector_load %arg6[%get3A_717, %get3A_718] {strides = array<i32>} : memref<128x128xf32, #tpu.memory_space<vmem>>, vector<16xf32>,
      %mul3A_720 = arith.mulf %get3A_719, %bitcast3A_648 : vector<16xf32>
      %add3A_721 = arith.constant 2 : i32
      %add3A_722 = arith.addi %add3A_461, %add3A_721 : i32
      %swap3A_723 = arith.index_cast %add3A_722 : i32 to index
      %swap3A_724 = arith.constant 96 : index
      %swap3A_725 = tpu.vector_load %arg6[%swap3A_723, %swap3A_724] {strides = array<i32>} : memref<128x128xf32, #tpu.memory_space<vmem>>, vector<16xf32>,
      tpu.vector_store %arg6[%swap3A_723, %swap3A_724], %mul3A_720 {strides = array<i32>} : memref<128x128xf32, #tpu.memory_space<vmem>>, vector<16xf32>,
      %add3A_726 = arith.constant 2 : i32
      %add3A_727 = arith.addi %add3A_461, %add3A_726 : i32
      %get3A_728 = arith.index_cast %add3A_727 : i32 to index
      %get3A_729 = arith.constant 112 : index
      %get3A_730 = tpu.vector_load %arg6[%get3A_728, %get3A_729] {strides = array<i32>} : memref<128x128xf32, #tpu.memory_space<vmem>>, vector<16xf32>,
      %mul3A_731 = arith.mulf %get3A_730, %bitcast3A_648 : vector<16xf32>
      %add3A_732 = arith.constant 2 : i32
      %add3A_733 = arith.addi %add3A_461, %add3A_732 : i32
      %swap3A_734 = arith.index_cast %add3A_733 : i32 to index
      %swap3A_735 = arith.constant 112 : index
      %swap3A_736 = tpu.vector_load %arg6[%swap3A_734, %swap3A_735] {strides = array<i32>} : memref<128x128xf32, #tpu.memory_space<vmem>>, vector<16xf32>,
      tpu.vector_store %arg6[%swap3A_734, %swap3A_735], %mul3A_731 {strides = array<i32>} : memref<128x128xf32, #tpu.memory_space<vmem>>, vector<16xf32>,
      %add3A_737 = arith.constant 3 : i32
      %add3A_738 = arith.addi %add3A_461, %add3A_737 : i32
      %broadcast_in_dim3A_739 = vector.broadcast %add3A_738 : i32 to vector<16xi32>
      %gather3A_740 = tpu.vector_load_idx %arg5[%broadcast_in_dim3A_334, %broadcast_in_dim3A_336, %broadcast_in_dim3A_739] : memref<4x8x128xi32, #tpu.memory_space<vmem>>[vector<16xi32>, vector<16xi32>, vector<16xi32>], vector<16xi32>,
      %bitcast3A_741 = vector.bitcast %gather3A_740 : vector<16xi32> to vector<16xf32>
      %add3A_742 = arith.constant 3 : i32
      %add3A_743 = arith.addi %add3A_461, %add3A_742 : i32
      %get3A_744 = arith.index_cast %add3A_743 : i32 to index
      %get3A_745 = arith.constant 0 : index
      %get3A_746 = tpu.vector_load %arg6[%get3A_744, %get3A_745] {strides = array<i32>} : memref<128x128xf32, #tpu.memory_space<vmem>>, vector<16xf32>,
      %mul3A_747 = arith.mulf %get3A_746, %bitcast3A_741 : vector<16xf32>
      %add3A_748 = arith.constant 3 : i32
      %add3A_749 = arith.addi %add3A_461, %add3A_748 : i32
      %swap3A_750 = arith.index_cast %add3A_749 : i32 to index
      %swap3A_751 = arith.constant 0 : index
      %swap3A_752 = tpu.vector_load %arg6[%swap3A_750, %swap3A_751] {strides = array<i32>} : memref<128x128xf32, #tpu.memory_space<vmem>>, vector<16xf32>,
      tpu.vector_store %arg6[%swap3A_750, %swap3A_751], %mul3A_747 {strides = array<i32>} : memref<128x128xf32, #tpu.memory_space<vmem>>, vector<16xf32>,
      %add3A_753 = arith.constant 3 : i32
      %add3A_754 = arith.addi %add3A_461, %add3A_753 : i32
      %get3A_755 = arith.index_cast %add3A_754 : i32 to index
      %get3A_756 = arith.constant 16 : index
      %get3A_757 = tpu.vector_load %arg6[%get3A_755, %get3A_756] {strides = array<i32>} : memref<128x128xf32, #tpu.memory_space<vmem>>, vector<16xf32>,
      %mul3A_758 = arith.mulf %get3A_757, %bitcast3A_741 : vector<16xf32>
      %add3A_759 = arith.constant 3 : i32
      %add3A_760 = arith.addi %add3A_461, %add3A_759 : i32
      %swap3A_761 = arith.index_cast %add3A_760 : i32 to index
      %swap3A_762 = arith.constant 16 : index
      %swap3A_763 = tpu.vector_load %arg6[%swap3A_761, %swap3A_762] {strides = array<i32>} : memref<128x128xf32, #tpu.memory_space<vmem>>, vector<16xf32>,
      tpu.vector_store %arg6[%swap3A_761, %swap3A_762], %mul3A_758 {strides = array<i32>} : memref<128x128xf32, #tpu.memory_space<vmem>>, vector<16xf32>,
      %add3A_764 = arith.constant 3 : i32
      %add3A_765 = arith.addi %add3A_461, %add3A_764 : i32
      %get3A_766 = arith.index_cast %add3A_765 : i32 to index
      %get3A_767 = arith.constant 32 : index
      %get3A_768 = tpu.vector_load %arg6[%get3A_766, %get3A_767] {strides = array<i32>} : memref<128x128xf32, #tpu.memory_space<vmem>>, vector<16xf32>,
      %mul3A_769 = arith.mulf %get3A_768, %bitcast3A_741 : vector<16xf32>
      %add3A_770 = arith.constant 3 : i32
      %add3A_771 = arith.addi %add3A_461, %add3A_770 : i32
      %swap3A_772 = arith.index_cast %add3A_771 : i32 to index
      %swap3A_773 = arith.constant 32 : index
      %swap3A_774 = tpu.vector_load %arg6[%swap3A_772, %swap3A_773] {strides = array<i32>} : memref<128x128xf32, #tpu.memory_space<vmem>>, vector<16xf32>,
      tpu.vector_store %arg6[%swap3A_772, %swap3A_773], %mul3A_769 {strides = array<i32>} : memref<128x128xf32, #tpu.memory_space<vmem>>, vector<16xf32>,
      %add3A_775 = arith.constant 3 : i32
      %add3A_776 = arith.addi %add3A_461, %add3A_775 : i32
      %get3A_777 = arith.index_cast %add3A_776 : i32 to index
      %get3A_778 = arith.constant 48 : index
      %get3A_779 = tpu.vector_load %arg6[%get3A_777, %get3A_778] {strides = array<i32>} : memref<128x128xf32, #tpu.memory_space<vmem>>, vector<16xf32>,
      %mul3A_780 = arith.mulf %get3A_779, %bitcast3A_741 : vector<16xf32>
      %add3A_781 = arith.constant 3 : i32
      %add3A_782 = arith.addi %add3A_461, %add3A_781 : i32
      %swap3A_783 = arith.index_cast %add3A_782 : i32 to index
      %swap3A_784 = arith.constant 48 : index
      %swap3A_785 = tpu.vector_load %arg6[%swap3A_783, %swap3A_784] {strides = array<i32>} : memref<128x128xf32, #tpu.memory_space<vmem>>, vector<16xf32>,
      tpu.vector_store %arg6[%swap3A_783, %swap3A_784], %mul3A_780 {strides = array<i32>} : memref<128x128xf32, #tpu.memory_space<vmem>>, vector<16xf32>,
      %add3A_786 = arith.constant 3 : i32
      %add3A_787 = arith.addi %add3A_461, %add3A_786 : i32
      %get3A_788 = arith.index_cast %add3A_787 : i32 to index
      %get3A_789 = arith.constant 64 : index
      %get3A_790 = tpu.vector_load %arg6[%get3A_788, %get3A_789] {strides = array<i32>} : memref<128x128xf32, #tpu.memory_space<vmem>>, vector<16xf32>,
      %mul3A_791 = arith.mulf %get3A_790, %bitcast3A_741 : vector<16xf32>
      %add3A_792 = arith.constant 3 : i32
      %add3A_793 = arith.addi %add3A_461, %add3A_792 : i32
      %swap3A_794 = arith.index_cast %add3A_793 : i32 to index
      %swap3A_795 = arith.constant 64 : index
      %swap3A_796 = tpu.vector_load %arg6[%swap3A_794, %swap3A_795] {strides = array<i32>} : memref<128x128xf32, #tpu.memory_space<vmem>>, vector<16xf32>,
      tpu.vector_store %arg6[%swap3A_794, %swap3A_795], %mul3A_791 {strides = array<i32>} : memref<128x128xf32, #tpu.memory_space<vmem>>, vector<16xf32>,
      %add3A_797 = arith.constant 3 : i32
      %add3A_798 = arith.addi %add3A_461, %add3A_797 : i32
      %get3A_799 = arith.index_cast %add3A_798 : i32 to index
      %get3A_800 = arith.constant 80 : index
      %get3A_801 = tpu.vector_load %arg6[%get3A_799, %get3A_800] {strides = array<i32>} : memref<128x128xf32, #tpu.memory_space<vmem>>, vector<16xf32>,
      %mul3A_802 = arith.mulf %get3A_801, %bitcast3A_741 : vector<16xf32>
      %add3A_803 = arith.constant 3 : i32
      %add3A_804 = arith.addi %add3A_461, %add3A_803 : i32
      %swap3A_805 = arith.index_cast %add3A_804 : i32 to index
      %swap3A_806 = arith.constant 80 : index
      %swap3A_807 = tpu.vector_load %arg6[%swap3A_805, %swap3A_806] {strides = array<i32>} : memref<128x128xf32, #tpu.memory_space<vmem>>, vector<16xf32>,
      tpu.vector_store %arg6[%swap3A_805, %swap3A_806], %mul3A_802 {strides = array<i32>} : memref<128x128xf32, #tpu.memory_space<vmem>>, vector<16xf32>,
      %add3A_808 = arith.constant 3 : i32
      %add3A_809 = arith.addi %add3A_461, %add3A_808 : i32
      %get3A_810 = arith.index_cast %add3A_809 : i32 to index
      %get3A_811 = arith.constant 96 : index
      %get3A_812 = tpu.vector_load %arg6[%get3A_810, %get3A_811] {strides = array<i32>} : memref<128x128xf32, #tpu.memory_space<vmem>>, vector<16xf32>,
      %mul3A_813 = arith.mulf %get3A_812, %bitcast3A_741 : vector<16xf32>
      %add3A_814 = arith.constant 3 : i32
      %add3A_815 = arith.addi %add3A_461, %add3A_814 : i32
      %swap3A_816 = arith.index_cast %add3A_815 : i32 to index
      %swap3A_817 = arith.constant 96 : index
      %swap3A_818 = tpu.vector_load %arg6[%swap3A_816, %swap3A_817] {strides = array<i32>} : memref<128x128xf32, #tpu.memory_space<vmem>>, vector<16xf32>,
      tpu.vector_store %arg6[%swap3A_816, %swap3A_817], %mul3A_813 {strides = array<i32>} : memref<128x128xf32, #tpu.memory_space<vmem>>, vector<16xf32>,
      %add3A_819 = arith.constant 3 : i32
      %add3A_820 = arith.addi %add3A_461, %add3A_819 : i32
      %get3A_821 = arith.index_cast %add3A_820 : i32 to index
      %get3A_822 = arith.constant 112 : index
      %get3A_823 = tpu.vector_load %arg6[%get3A_821, %get3A_822] {strides = array<i32>} : memref<128x128xf32, #tpu.memory_space<vmem>>, vector<16xf32>,
      %mul3A_824 = arith.mulf %get3A_823, %bitcast3A_741 : vector<16xf32>
      %add3A_825 = arith.constant 3 : i32
      %add3A_826 = arith.addi %add3A_461, %add3A_825 : i32
      %swap3A_827 = arith.index_cast %add3A_826 : i32 to index
      %swap3A_828 = arith.constant 112 : index
      %swap3A_829 = tpu.vector_load %arg6[%swap3A_827, %swap3A_828] {strides = array<i32>} : memref<128x128xf32, #tpu.memory_space<vmem>>, vector<16xf32>,
      tpu.vector_store %arg6[%swap3A_827, %swap3A_828], %mul3A_824 {strides = array<i32>} : memref<128x128xf32, #tpu.memory_space<vmem>>, vector<16xf32>,
    }
    %scan3A_341 = arith.constant 32 : i32
    %dma_start3A_342 = arith.constant 2 : i32
    %dma_start3A_343 = arith.constant 1 : i32
    %dma_start3A_344 = arith.constant 0 : i32
    %dma_start3A_345 = tpu.memref_slice %arg5[%dma_start3A_342, %dma_start3A_343, %dma_start3A_344] : memref<4x8x128xi32, #tpu.memory_space<vmem>> -> memref<1x1x128xi32, #tpu.memory_space<vmem>>
    %dma_start3A_346 = tpu.memref_squeeze %dma_start3A_345 : memref<1x1x128xi32, #tpu.memory_space<vmem>> -> memref<128xi32, #tpu.memory_space<vmem>>
    %dma_start3A_347 = arith.constant 0 : i32
    %dma_start3A_348 = arith.constant 0 : i32
    %dma_start3A_349 = tpu.memref_slice %arg8[%dma_start3A_347, %dma_start3A_348] : memref<10000x128xf32, #tpu.memory_space<vmem_shared>> -> memref<10000x128xf32, #tpu.memory_space<vmem_shared>>
    tpu.enqueue_indirect_dma source(%arg6 : memref<128x128xf32, #tpu.memory_space<vmem>>) target(%dma_start3A_349 : memref<10000x128xf32, #tpu.memory_space<vmem_shared>>) offsets(%dma_start3A_346 : memref<128xi32, #tpu.memory_space<vmem>>) semaphore(%arg15 : memref<!tpu.dma_semaphore, #tpu.memory_space<semaphore_mem>>) {add = true}
    %dma_wait3A_350 = arith.constant 3 : i32
    %dma_wait3A_351 = arith.constant 0 : i32
    %dma_wait3A_352 = arith.constant 0 : i32
    %dma_wait3A_353 = tpu.memref_slice %arg5[%dma_wait3A_350, %dma_wait3A_351, %dma_wait3A_352] : memref<4x8x128xi32, #tpu.memory_space<vmem>> -> memref<1x1x128xi32, #tpu.memory_space<vmem>>
    %dma_wait3A_354 = tpu.memref_squeeze %dma_wait3A_353 : memref<1x1x128xi32, #tpu.memory_space<vmem>> -> memref<128xi32, #tpu.memory_space<vmem>>
    %dma_wait3A_355 = arith.constant 0 : i32
    %dma_wait3A_356 = arith.constant 0 : i32
    %dma_wait3A_357 = tpu.memref_slice %arg2[%dma_wait3A_355, %dma_wait3A_356] : memref<10000x128xf32, #tpu.memory_space<hbm>> -> memref<10000x128xf32, #tpu.memory_space<hbm>>
    tpu.wait_indirect_dma semaphore(%arg14 : memref<!tpu.dma_semaphore, #tpu.memory_space<semaphore_mem>>) src(%dma_wait3A_357 : memref<10000x128xf32, #tpu.memory_space<hbm>>) dst(%arg7 : memref<128x128xf32, #tpu.memory_space<vmem>>)
    %dma_wait3A_358 = arith.constant 2 : i32
    %dma_wait3A_359 = arith.constant 1 : i32
    %dma_wait3A_360 = arith.constant 0 : i32
    %dma_wait3A_361 = tpu.memref_slice %arg5[%dma_wait3A_358, %dma_wait3A_359, %dma_wait3A_360] : memref<4x8x128xi32, #tpu.memory_space<vmem>> -> memref<1x1x128xi32, #tpu.memory_space<vmem>>
    %dma_wait3A_362 = tpu.memref_squeeze %dma_wait3A_361 : memref<1x1x128xi32, #tpu.memory_space<vmem>> -> memref<128xi32, #tpu.memory_space<vmem>>
    %dma_wait3A_363 = arith.constant 0 : i32
    %dma_wait3A_364 = arith.constant 0 : i32
    %dma_wait3A_365 = tpu.memref_slice %arg8[%dma_wait3A_363, %dma_wait3A_364] : memref<10000x128xf32, #tpu.memory_space<vmem_shared>> -> memref<10000x128xf32, #tpu.memory_space<vmem_shared>>
    tpu.wait_indirect_dma semaphore(%arg15 : memref<!tpu.dma_semaphore, #tpu.memory_space<semaphore_mem>>) src(%arg6 : memref<128x128xf32, #tpu.memory_space<vmem>>) dst(%dma_wait3A_365 : memref<10000x128xf32, #tpu.memory_space<vmem_shared>>)
    %broadcast_in_dim3A_366 = arith.constant 3 : i32
    %broadcast_in_dim3A_367 = vector.broadcast %broadcast_in_dim3A_366 : i32 to vector<16xi32>
    %broadcast_in_dim3A_368 = arith.constant 2 : i32
    %broadcast_in_dim3A_369 = vector.broadcast %broadcast_in_dim3A_368 : i32 to vector<16xi32>
    %scan3A_370 = arith.constant 0 : i32
    %scan3A_371 = arith.constant 32 : i32
    %scan3A_372 = arith.addi %scan3A_370, %scan3A_371 : i32
    %scan3A_373 = arith.constant 1 : i32
    scf.for %scan3A_457 = %scan3A_370 to %scan3A_372 step %scan3A_373  : i32 {
      %mul3A_458 = arith.constant 4 : i32
      %mul3A_459 = arith.muli %scan3A_457, %mul3A_458 : i32
      %add3A_460 = arith.constant 0 : i32
      %add3A_461 = arith.addi %add3A_460, %mul3A_459 : i32
      %add3A_462 = arith.constant 0 : i32
      %add3A_463 = arith.addi %add3A_461, %add3A_462 : i32
      %broadcast_in_dim3A_464 = vector.broadcast %add3A_463 : i32 to vector<16xi32>
      %gather3A = tpu.vector_load_idx %arg5[%broadcast_in_dim3A_367, %broadcast_in_dim3A_369, %broadcast_in_dim3A_464] : memref<4x8x128xi32, #tpu.memory_space<vmem>>[vector<16xi32>, vector<16xi32>, vector<16xi32>], vector<16xi32>,
      %bitcast3A = vector.bitcast %gather3A : vector<16xi32> to vector<16xf32>
      %add3A_465 = arith.constant 0 : i32
      %add3A_466 = arith.addi %add3A_461, %add3A_465 : i32
      %get3A = arith.index_cast %add3A_466 : i32 to index
      %get3A_467 = arith.constant 0 : index
      %get3A_468 = tpu.vector_load %arg7[%get3A, %get3A_467] {strides = array<i32>} : memref<128x128xf32, #tpu.memory_space<vmem>>, vector<16xf32>,
      %mul3A_469 = arith.mulf %get3A_468, %bitcast3A : vector<16xf32>
      %add3A_470 = arith.constant 0 : i32
      %add3A_471 = arith.addi %add3A_461, %add3A_470 : i32
      %swap3A = arith.index_cast %add3A_471 : i32 to index
      %swap3A_472 = arith.constant 0 : index
      %swap3A_473 = tpu.vector_load %arg7[%swap3A, %swap3A_472] {strides = array<i32>} : memref<128x128xf32, #tpu.memory_space<vmem>>, vector<16xf32>,
      tpu.vector_store %arg7[%swap3A, %swap3A_472], %mul3A_469 {strides = array<i32>} : memref<128x128xf32, #tpu.memory_space<vmem>>, vector<16xf32>,
      %add3A_474 = arith.constant 0 : i32
      %add3A_475 = arith.addi %add3A_461, %add3A_474 : i32
      %get3A_476 = arith.index_cast %add3A_475 : i32 to index
      %get3A_477 = arith.constant 16 : index
      %get3A_478 = tpu.vector_load %arg7[%get3A_476, %get3A_477] {strides = array<i32>} : memref<128x128xf32, #tpu.memory_space<vmem>>, vector<16xf32>,
      %mul3A_479 = arith.mulf %get3A_478, %bitcast3A : vector<16xf32>
      %add3A_480 = arith.constant 0 : i32
      %add3A_481 = arith.addi %add3A_461, %add3A_480 : i32
      %swap3A_482 = arith.index_cast %add3A_481 : i32 to index
      %swap3A_483 = arith.constant 16 : index
      %swap3A_484 = tpu.vector_load %arg7[%swap3A_482, %swap3A_483] {strides = array<i32>} : memref<128x128xf32, #tpu.memory_space<vmem>>, vector<16xf32>,
      tpu.vector_store %arg7[%swap3A_482, %swap3A_483], %mul3A_479 {strides = array<i32>} : memref<128x128xf32, #tpu.memory_space<vmem>>, vector<16xf32>,
      %add3A_485 = arith.constant 0 : i32
      %add3A_486 = arith.addi %add3A_461, %add3A_485 : i32
      %get3A_487 = arith.index_cast %add3A_486 : i32 to index
      %get3A_488 = arith.constant 32 : index
      %get3A_489 = tpu.vector_load %arg7[%get3A_487, %get3A_488] {strides = array<i32>} : memref<128x128xf32, #tpu.memory_space<vmem>>, vector<16xf32>,
      %mul3A_490 = arith.mulf %get3A_489, %bitcast3A : vector<16xf32>
      %add3A_491 = arith.constant 0 : i32
      %add3A_492 = arith.addi %add3A_461, %add3A_491 : i32
      %swap3A_493 = arith.index_cast %add3A_492 : i32 to index
      %swap3A_494 = arith.constant 32 : index
      %swap3A_495 = tpu.vector_load %arg7[%swap3A_493, %swap3A_494] {strides = array<i32>} : memref<128x128xf32, #tpu.memory_space<vmem>>, vector<16xf32>,
      tpu.vector_store %arg7[%swap3A_493, %swap3A_494], %mul3A_490 {strides = array<i32>} : memref<128x128xf32, #tpu.memory_space<vmem>>, vector<16xf32>,
      %add3A_496 = arith.constant 0 : i32
      %add3A_497 = arith.addi %add3A_461, %add3A_496 : i32
      %get3A_498 = arith.index_cast %add3A_497 : i32 to index
      %get3A_499 = arith.constant 48 : index
      %get3A_500 = tpu.vector_load %arg7[%get3A_498, %get3A_499] {strides = array<i32>} : memref<128x128xf32, #tpu.memory_space<vmem>>, vector<16xf32>,
      %mul3A_501 = arith.mulf %get3A_500, %bitcast3A : vector<16xf32>
      %add3A_502 = arith.constant 0 : i32
      %add3A_503 = arith.addi %add3A_461, %add3A_502 : i32
      %swap3A_504 = arith.index_cast %add3A_503 : i32 to index
      %swap3A_505 = arith.constant 48 : index
      %swap3A_506 = tpu.vector_load %arg7[%swap3A_504, %swap3A_505] {strides = array<i32>} : memref<128x128xf32, #tpu.memory_space<vmem>>, vector<16xf32>,
      tpu.vector_store %arg7[%swap3A_504, %swap3A_505], %mul3A_501 {strides = array<i32>} : memref<128x128xf32, #tpu.memory_space<vmem>>, vector<16xf32>,
      %add3A_507 = arith.constant 0 : i32
      %add3A_508 = arith.addi %add3A_461, %add3A_507 : i32
      %get3A_509 = arith.index_cast %add3A_508 : i32 to index
      %get3A_510 = arith.constant 64 : index
      %get3A_511 = tpu.vector_load %arg7[%get3A_509, %get3A_510] {strides = array<i32>} : memref<128x128xf32, #tpu.memory_space<vmem>>, vector<16xf32>,
      %mul3A_512 = arith.mulf %get3A_511, %bitcast3A : vector<16xf32>
      %add3A_513 = arith.constant 0 : i32
      %add3A_514 = arith.addi %add3A_461, %add3A_513 : i32
      %swap3A_515 = arith.index_cast %add3A_514 : i32 to index
      %swap3A_516 = arith.constant 64 : index
      %swap3A_517 = tpu.vector_load %arg7[%swap3A_515, %swap3A_516] {strides = array<i32>} : memref<128x128xf32, #tpu.memory_space<vmem>>, vector<16xf32>,
      tpu.vector_store %arg7[%swap3A_515, %swap3A_516], %mul3A_512 {strides = array<i32>} : memref<128x128xf32, #tpu.memory_space<vmem>>, vector<16xf32>,
      %add3A_518 = arith.constant 0 : i32
      %add3A_519 = arith.addi %add3A_461, %add3A_518 : i32
      %get3A_520 = arith.index_cast %add3A_519 : i32 to index
      %get3A_521 = arith.constant 80 : index
      %get3A_522 = tpu.vector_load %arg7[%get3A_520, %get3A_521] {strides = array<i32>} : memref<128x128xf32, #tpu.memory_space<vmem>>, vector<16xf32>,
      %mul3A_523 = arith.mulf %get3A_522, %bitcast3A : vector<16xf32>
      %add3A_524 = arith.constant 0 : i32
      %add3A_525 = arith.addi %add3A_461, %add3A_524 : i32
      %swap3A_526 = arith.index_cast %add3A_525 : i32 to index
      %swap3A_527 = arith.constant 80 : index
      %swap3A_528 = tpu.vector_load %arg7[%swap3A_526, %swap3A_527] {strides = array<i32>} : memref<128x128xf32, #tpu.memory_space<vmem>>, vector<16xf32>,
      tpu.vector_store %arg7[%swap3A_526, %swap3A_527], %mul3A_523 {strides = array<i32>} : memref<128x128xf32, #tpu.memory_space<vmem>>, vector<16xf32>,
      %add3A_529 = arith.constant 0 : i32
      %add3A_530 = arith.addi %add3A_461, %add3A_529 : i32
      %get3A_531 = arith.index_cast %add3A_530 : i32 to index
      %get3A_532 = arith.constant 96 : index
      %get3A_533 = tpu.vector_load %arg7[%get3A_531, %get3A_532] {strides = array<i32>} : memref<128x128xf32, #tpu.memory_space<vmem>>, vector<16xf32>,
      %mul3A_534 = arith.mulf %get3A_533, %bitcast3A : vector<16xf32>
      %add3A_535 = arith.constant 0 : i32
      %add3A_536 = arith.addi %add3A_461, %add3A_535 : i32
      %swap3A_537 = arith.index_cast %add3A_536 : i32 to index
      %swap3A_538 = arith.constant 96 : index
      %swap3A_539 = tpu.vector_load %arg7[%swap3A_537, %swap3A_538] {strides = array<i32>} : memref<128x128xf32, #tpu.memory_space<vmem>>, vector<16xf32>,
      tpu.vector_store %arg7[%swap3A_537, %swap3A_538], %mul3A_534 {strides = array<i32>} : memref<128x128xf32, #tpu.memory_space<vmem>>, vector<16xf32>,
      %add3A_540 = arith.constant 0 : i32
      %add3A_541 = arith.addi %add3A_461, %add3A_540 : i32
      %get3A_542 = arith.index_cast %add3A_541 : i32 to index
      %get3A_543 = arith.constant 112 : index
      %get3A_544 = tpu.vector_load %arg7[%get3A_542, %get3A_543] {strides = array<i32>} : memref<128x128xf32, #tpu.memory_space<vmem>>, vector<16xf32>,
      %mul3A_545 = arith.mulf %get3A_544, %bitcast3A : vector<16xf32>
      %add3A_546 = arith.constant 0 : i32
      %add3A_547 = arith.addi %add3A_461, %add3A_546 : i32
      %swap3A_548 = arith.index_cast %add3A_547 : i32 to index
      %swap3A_549 = arith.constant 112 : index
      %swap3A_550 = tpu.vector_load %arg7[%swap3A_548, %swap3A_549] {strides = array<i32>} : memref<128x128xf32, #tpu.memory_space<vmem>>, vector<16xf32>,
      tpu.vector_store %arg7[%swap3A_548, %swap3A_549], %mul3A_545 {strides = array<i32>} : memref<128x128xf32, #tpu.memory_space<vmem>>, vector<16xf32>,
      %add3A_551 = arith.constant 1 : i32
      %add3A_552 = arith.addi %add3A_461, %add3A_551 : i32
      %broadcast_in_dim3A_553 = vector.broadcast %add3A_552 : i32 to vector<16xi32>
      %gather3A_554 = tpu.vector_load_idx %arg5[%broadcast_in_dim3A_367, %broadcast_in_dim3A_369, %broadcast_in_dim3A_553] : memref<4x8x128xi32, #tpu.memory_space<vmem>>[vector<16xi32>, vector<16xi32>, vector<16xi32>], vector<16xi32>,
      %bitcast3A_555 = vector.bitcast %gather3A_554 : vector<16xi32> to vector<16xf32>
      %add3A_556 = arith.constant 1 : i32
      %add3A_557 = arith.addi %add3A_461, %add3A_556 : i32
      %get3A_558 = arith.index_cast %add3A_557 : i32 to index
      %get3A_559 = arith.constant 0 : index
      %get3A_560 = tpu.vector_load %arg7[%get3A_558, %get3A_559] {strides = array<i32>} : memref<128x128xf32, #tpu.memory_space<vmem>>, vector<16xf32>,
      %mul3A_561 = arith.mulf %get3A_560, %bitcast3A_555 : vector<16xf32>
      %add3A_562 = arith.constant 1 : i32
      %add3A_563 = arith.addi %add3A_461, %add3A_562 : i32
      %swap3A_564 = arith.index_cast %add3A_563 : i32 to index
      %swap3A_565 = arith.constant 0 : index
      %swap3A_566 = tpu.vector_load %arg7[%swap3A_564, %swap3A_565] {strides = array<i32>} : memref<128x128xf32, #tpu.memory_space<vmem>>, vector<16xf32>,
      tpu.vector_store %arg7[%swap3A_564, %swap3A_565], %mul3A_561 {strides = array<i32>} : memref<128x128xf32, #tpu.memory_space<vmem>>, vector<16xf32>,
      %add3A_567 = arith.constant 1 : i32
      %add3A_568 = arith.addi %add3A_461, %add3A_567 : i32
      %get3A_569 = arith.index_cast %add3A_568 : i32 to index
      %get3A_570 = arith.constant 16 : index
      %get3A_571 = tpu.vector_load %arg7[%get3A_569, %get3A_570] {strides = array<i32>} : memref<128x128xf32, #tpu.memory_space<vmem>>, vector<16xf32>,
      %mul3A_572 = arith.mulf %get3A_571, %bitcast3A_555 : vector<16xf32>
      %add3A_573 = arith.constant 1 : i32
      %add3A_574 = arith.addi %add3A_461, %add3A_573 : i32
      %swap3A_575 = arith.index_cast %add3A_574 : i32 to index
      %swap3A_576 = arith.constant 16 : index
      %swap3A_577 = tpu.vector_load %arg7[%swap3A_575, %swap3A_576] {strides = array<i32>} : memref<128x128xf32, #tpu.memory_space<vmem>>, vector<16xf32>,
      tpu.vector_store %arg7[%swap3A_575, %swap3A_576], %mul3A_572 {strides = array<i32>} : memref<128x128xf32, #tpu.memory_space<vmem>>, vector<16xf32>,
      %add3A_578 = arith.constant 1 : i32
      %add3A_579 = arith.addi %add3A_461, %add3A_578 : i32
      %get3A_580 = arith.index_cast %add3A_579 : i32 to index
      %get3A_581 = arith.constant 32 : index
      %get3A_582 = tpu.vector_load %arg7[%get3A_580, %get3A_581] {strides = array<i32>} : memref<128x128xf32, #tpu.memory_space<vmem>>, vector<16xf32>,
      %mul3A_583 = arith.mulf %get3A_582, %bitcast3A_555 : vector<16xf32>
      %add3A_584 = arith.constant 1 : i32
      %add3A_585 = arith.addi %add3A_461, %add3A_584 : i32
      %swap3A_586 = arith.index_cast %add3A_585 : i32 to index
      %swap3A_587 = arith.constant 32 : index
      %swap3A_588 = tpu.vector_load %arg7[%swap3A_586, %swap3A_587] {strides = array<i32>} : memref<128x128xf32, #tpu.memory_space<vmem>>, vector<16xf32>,
      tpu.vector_store %arg7[%swap3A_586, %swap3A_587], %mul3A_583 {strides = array<i32>} : memref<128x128xf32, #tpu.memory_space<vmem>>, vector<16xf32>,
      %add3A_589 = arith.constant 1 : i32
      %add3A_590 = arith.addi %add3A_461, %add3A_589 : i32
      %get3A_591 = arith.index_cast %add3A_590 : i32 to index
      %get3A_592 = arith.constant 48 : index
      %get3A_593 = tpu.vector_load %arg7[%get3A_591, %get3A_592] {strides = array<i32>} : memref<128x128xf32, #tpu.memory_space<vmem>>, vector<16xf32>,
      %mul3A_594 = arith.mulf %get3A_593, %bitcast3A_555 : vector<16xf32>
      %add3A_595 = arith.constant 1 : i32
      %add3A_596 = arith.addi %add3A_461, %add3A_595 : i32
      %swap3A_597 = arith.index_cast %add3A_596 : i32 to index
      %swap3A_598 = arith.constant 48 : index
      %swap3A_599 = tpu.vector_load %arg7[%swap3A_597, %swap3A_598] {strides = array<i32>} : memref<128x128xf32, #tpu.memory_space<vmem>>, vector<16xf32>,
      tpu.vector_store %arg7[%swap3A_597, %swap3A_598], %mul3A_594 {strides = array<i32>} : memref<128x128xf32, #tpu.memory_space<vmem>>, vector<16xf32>,
      %add3A_600 = arith.constant 1 : i32
      %add3A_601 = arith.addi %add3A_461, %add3A_600 : i32
      %get3A_602 = arith.index_cast %add3A_601 : i32 to index
      %get3A_603 = arith.constant 64 : index
      %get3A_604 = tpu.vector_load %arg7[%get3A_602, %get3A_603] {strides = array<i32>} : memref<128x128xf32, #tpu.memory_space<vmem>>, vector<16xf32>,
      %mul3A_605 = arith.mulf %get3A_604, %bitcast3A_555 : vector<16xf32>
      %add3A_606 = arith.constant 1 : i32
      %add3A_607 = arith.addi %add3A_461, %add3A_606 : i32
      %swap3A_608 = arith.index_cast %add3A_607 : i32 to index
      %swap3A_609 = arith.constant 64 : index
      %swap3A_610 = tpu.vector_load %arg7[%swap3A_608, %swap3A_609] {strides = array<i32>} : memref<128x128xf32, #tpu.memory_space<vmem>>, vector<16xf32>,
      tpu.vector_store %arg7[%swap3A_608, %swap3A_609], %mul3A_605 {strides = array<i32>} : memref<128x128xf32, #tpu.memory_space<vmem>>, vector<16xf32>,
      %add3A_611 = arith.constant 1 : i32
      %add3A_612 = arith.addi %add3A_461, %add3A_611 : i32
      %get3A_613 = arith.index_cast %add3A_612 : i32 to index
      %get3A_614 = arith.constant 80 : index
      %get3A_615 = tpu.vector_load %arg7[%get3A_613, %get3A_614] {strides = array<i32>} : memref<128x128xf32, #tpu.memory_space<vmem>>, vector<16xf32>,
      %mul3A_616 = arith.mulf %get3A_615, %bitcast3A_555 : vector<16xf32>
      %add3A_617 = arith.constant 1 : i32
      %add3A_618 = arith.addi %add3A_461, %add3A_617 : i32
      %swap3A_619 = arith.index_cast %add3A_618 : i32 to index
      %swap3A_620 = arith.constant 80 : index
      %swap3A_621 = tpu.vector_load %arg7[%swap3A_619, %swap3A_620] {strides = array<i32>} : memref<128x128xf32, #tpu.memory_space<vmem>>, vector<16xf32>,
      tpu.vector_store %arg7[%swap3A_619, %swap3A_620], %mul3A_616 {strides = array<i32>} : memref<128x128xf32, #tpu.memory_space<vmem>>, vector<16xf32>,
      %add3A_622 = arith.constant 1 : i32
      %add3A_623 = arith.addi %add3A_461, %add3A_622 : i32
      %get3A_624 = arith.index_cast %add3A_623 : i32 to index
      %get3A_625 = arith.constant 96 : index
      %get3A_626 = tpu.vector_load %arg7[%get3A_624, %get3A_625] {strides = array<i32>} : memref<128x128xf32, #tpu.memory_space<vmem>>, vector<16xf32>,
      %mul3A_627 = arith.mulf %get3A_626, %bitcast3A_555 : vector<16xf32>
      %add3A_628 = arith.constant 1 : i32
      %add3A_629 = arith.addi %add3A_461, %add3A_628 : i32
      %swap3A_630 = arith.index_cast %add3A_629 : i32 to index
      %swap3A_631 = arith.constant 96 : index
      %swap3A_632 = tpu.vector_load %arg7[%swap3A_630, %swap3A_631] {strides = array<i32>} : memref<128x128xf32, #tpu.memory_space<vmem>>, vector<16xf32>,
      tpu.vector_store %arg7[%swap3A_630, %swap3A_631], %mul3A_627 {strides = array<i32>} : memref<128x128xf32, #tpu.memory_space<vmem>>, vector<16xf32>,
      %add3A_633 = arith.constant 1 : i32
      %add3A_634 = arith.addi %add3A_461, %add3A_633 : i32
      %get3A_635 = arith.index_cast %add3A_634 : i32 to index
      %get3A_636 = arith.constant 112 : index
      %get3A_637 = tpu.vector_load %arg7[%get3A_635, %get3A_636] {strides = array<i32>} : memref<128x128xf32, #tpu.memory_space<vmem>>, vector<16xf32>,
      %mul3A_638 = arith.mulf %get3A_637, %bitcast3A_555 : vector<16xf32>
      %add3A_639 = arith.constant 1 : i32
      %add3A_640 = arith.addi %add3A_461, %add3A_639 : i32
      %swap3A_641 = arith.index_cast %add3A_640 : i32 to index
      %swap3A_642 = arith.constant 112 : index
      %swap3A_643 = tpu.vector_load %arg7[%swap3A_641, %swap3A_642] {strides = array<i32>} : memref<128x128xf32, #tpu.memory_space<vmem>>, vector<16xf32>,
      tpu.vector_store %arg7[%swap3A_641, %swap3A_642], %mul3A_638 {strides = array<i32>} : memref<128x128xf32, #tpu.memory_space<vmem>>, vector<16xf32>,
      %add3A_644 = arith.constant 2 : i32
      %add3A_645 = arith.addi %add3A_461, %add3A_644 : i32
      %broadcast_in_dim3A_646 = vector.broadcast %add3A_645 : i32 to vector<16xi32>
      %gather3A_647 = tpu.vector_load_idx %arg5[%broadcast_in_dim3A_367, %broadcast_in_dim3A_369, %broadcast_in_dim3A_646] : memref<4x8x128xi32, #tpu.memory_space<vmem>>[vector<16xi32>, vector<16xi32>, vector<16xi32>], vector<16xi32>,
      %bitcast3A_648 = vector.bitcast %gather3A_647 : vector<16xi32> to vector<16xf32>
      %add3A_649 = arith.constant 2 : i32
      %add3A_650 = arith.addi %add3A_461, %add3A_649 : i32
      %get3A_651 = arith.index_cast %add3A_650 : i32 to index
      %get3A_652 = arith.constant 0 : index
      %get3A_653 = tpu.vector_load %arg7[%get3A_651, %get3A_652] {strides = array<i32>} : memref<128x128xf32, #tpu.memory_space<vmem>>, vector<16xf32>,
      %mul3A_654 = arith.mulf %get3A_653, %bitcast3A_648 : vector<16xf32>
      %add3A_655 = arith.constant 2 : i32
      %add3A_656 = arith.addi %add3A_461, %add3A_655 : i32
      %swap3A_657 = arith.index_cast %add3A_656 : i32 to index
      %swap3A_658 = arith.constant 0 : index
      %swap3A_659 = tpu.vector_load %arg7[%swap3A_657, %swap3A_658] {strides = array<i32>} : memref<128x128xf32, #tpu.memory_space<vmem>>, vector<16xf32>,
      tpu.vector_store %arg7[%swap3A_657, %swap3A_658], %mul3A_654 {strides = array<i32>} : memref<128x128xf32, #tpu.memory_space<vmem>>, vector<16xf32>,
      %add3A_660 = arith.constant 2 : i32
      %add3A_661 = arith.addi %add3A_461, %add3A_660 : i32
      %get3A_662 = arith.index_cast %add3A_661 : i32 to index
      %get3A_663 = arith.constant 16 : index
      %get3A_664 = tpu.vector_load %arg7[%get3A_662, %get3A_663] {strides = array<i32>} : memref<128x128xf32, #tpu.memory_space<vmem>>, vector<16xf32>,
      %mul3A_665 = arith.mulf %get3A_664, %bitcast3A_648 : vector<16xf32>
      %add3A_666 = arith.constant 2 : i32
      %add3A_667 = arith.addi %add3A_461, %add3A_666 : i32
      %swap3A_668 = arith.index_cast %add3A_667 : i32 to index
      %swap3A_669 = arith.constant 16 : index
      %swap3A_670 = tpu.vector_load %arg7[%swap3A_668, %swap3A_669] {strides = array<i32>} : memref<128x128xf32, #tpu.memory_space<vmem>>, vector<16xf32>,
      tpu.vector_store %arg7[%swap3A_668, %swap3A_669], %mul3A_665 {strides = array<i32>} : memref<128x128xf32, #tpu.memory_space<vmem>>, vector<16xf32>,
      %add3A_671 = arith.constant 2 : i32
      %add3A_672 = arith.addi %add3A_461, %add3A_671 : i32
      %get3A_673 = arith.index_cast %add3A_672 : i32 to index
      %get3A_674 = arith.constant 32 : index
      %get3A_675 = tpu.vector_load %arg7[%get3A_673, %get3A_674] {strides = array<i32>} : memref<128x128xf32, #tpu.memory_space<vmem>>, vector<16xf32>,
      %mul3A_676 = arith.mulf %get3A_675, %bitcast3A_648 : vector<16xf32>
      %add3A_677 = arith.constant 2 : i32
      %add3A_678 = arith.addi %add3A_461, %add3A_677 : i32
      %swap3A_679 = arith.index_cast %add3A_678 : i32 to index
      %swap3A_680 = arith.constant 32 : index
      %swap3A_681 = tpu.vector_load %arg7[%swap3A_679, %swap3A_680] {strides = array<i32>} : memref<128x128xf32, #tpu.memory_space<vmem>>, vector<16xf32>,
      tpu.vector_store %arg7[%swap3A_679, %swap3A_680], %mul3A_676 {strides = array<i32>} : memref<128x128xf32, #tpu.memory_space<vmem>>, vector<16xf32>,
      %add3A_682 = arith.constant 2 : i32
      %add3A_683 = arith.addi %add3A_461, %add3A_682 : i32
      %get3A_684 = arith.index_cast %add3A_683 : i32 to index
      %get3A_685 = arith.constant 48 : index
      %get3A_686 = tpu.vector_load %arg7[%get3A_684, %get3A_685] {strides = array<i32>} : memref<128x128xf32, #tpu.memory_space<vmem>>, vector<16xf32>,
      %mul3A_687 = arith.mulf %get3A_686, %bitcast3A_648 : vector<16xf32>
      %add3A_688 = arith.constant 2 : i32
      %add3A_689 = arith.addi %add3A_461, %add3A_688 : i32
      %swap3A_690 = arith.index_cast %add3A_689 : i32 to index
      %swap3A_691 = arith.constant 48 : index
      %swap3A_692 = tpu.vector_load %arg7[%swap3A_690, %swap3A_691] {strides = array<i32>} : memref<128x128xf32, #tpu.memory_space<vmem>>, vector<16xf32>,
      tpu.vector_store %arg7[%swap3A_690, %swap3A_691], %mul3A_687 {strides = array<i32>} : memref<128x128xf32, #tpu.memory_space<vmem>>, vector<16xf32>,
      %add3A_693 = arith.constant 2 : i32
      %add3A_694 = arith.addi %add3A_461, %add3A_693 : i32
      %get3A_695 = arith.index_cast %add3A_694 : i32 to index
      %get3A_696 = arith.constant 64 : index
      %get3A_697 = tpu.vector_load %arg7[%get3A_695, %get3A_696] {strides = array<i32>} : memref<128x128xf32, #tpu.memory_space<vmem>>, vector<16xf32>,
      %mul3A_698 = arith.mulf %get3A_697, %bitcast3A_648 : vector<16xf32>
      %add3A_699 = arith.constant 2 : i32
      %add3A_700 = arith.addi %add3A_461, %add3A_699 : i32
      %swap3A_701 = arith.index_cast %add3A_700 : i32 to index
      %swap3A_702 = arith.constant 64 : index
      %swap3A_703 = tpu.vector_load %arg7[%swap3A_701, %swap3A_702] {strides = array<i32>} : memref<128x128xf32, #tpu.memory_space<vmem>>, vector<16xf32>,
      tpu.vector_store %arg7[%swap3A_701, %swap3A_702], %mul3A_698 {strides = array<i32>} : memref<128x128xf32, #tpu.memory_space<vmem>>, vector<16xf32>,
      %add3A_704 = arith.constant 2 : i32
      %add3A_705 = arith.addi %add3A_461, %add3A_704 : i32
      %get3A_706 = arith.index_cast %add3A_705 : i32 to index
      %get3A_707 = arith.constant 80 : index
      %get3A_708 = tpu.vector_load %arg7[%get3A_706, %get3A_707] {strides = array<i32>} : memref<128x128xf32, #tpu.memory_space<vmem>>, vector<16xf32>,
      %mul3A_709 = arith.mulf %get3A_708, %bitcast3A_648 : vector<16xf32>
      %add3A_710 = arith.constant 2 : i32
      %add3A_711 = arith.addi %add3A_461, %add3A_710 : i32
      %swap3A_712 = arith.index_cast %add3A_711 : i32 to index
      %swap3A_713 = arith.constant 80 : index
      %swap3A_714 = tpu.vector_load %arg7[%swap3A_712, %swap3A_713] {strides = array<i32>} : memref<128x128xf32, #tpu.memory_space<vmem>>, vector<16xf32>,
      tpu.vector_store %arg7[%swap3A_712, %swap3A_713], %mul3A_709 {strides = array<i32>} : memref<128x128xf32, #tpu.memory_space<vmem>>, vector<16xf32>,
      %add3A_715 = arith.constant 2 : i32
      %add3A_716 = arith.addi %add3A_461, %add3A_715 : i32
      %get3A_717 = arith.index_cast %add3A_716 : i32 to index
      %get3A_718 = arith.constant 96 : index
      %get3A_719 = tpu.vector_load %arg7[%get3A_717, %get3A_718] {strides = array<i32>} : memref<128x128xf32, #tpu.memory_space<vmem>>, vector<16xf32>,
      %mul3A_720 = arith.mulf %get3A_719, %bitcast3A_648 : vector<16xf32>
      %add3A_721 = arith.constant 2 : i32
      %add3A_722 = arith.addi %add3A_461, %add3A_721 : i32
      %swap3A_723 = arith.index_cast %add3A_722 : i32 to index
      %swap3A_724 = arith.constant 96 : index
      %swap3A_725 = tpu.vector_load %arg7[%swap3A_723, %swap3A_724] {strides = array<i32>} : memref<128x128xf32, #tpu.memory_space<vmem>>, vector<16xf32>,
      tpu.vector_store %arg7[%swap3A_723, %swap3A_724], %mul3A_720 {strides = array<i32>} : memref<128x128xf32, #tpu.memory_space<vmem>>, vector<16xf32>,
      %add3A_726 = arith.constant 2 : i32
      %add3A_727 = arith.addi %add3A_461, %add3A_726 : i32
      %get3A_728 = arith.index_cast %add3A_727 : i32 to index
      %get3A_729 = arith.constant 112 : index
      %get3A_730 = tpu.vector_load %arg7[%get3A_728, %get3A_729] {strides = array<i32>} : memref<128x128xf32, #tpu.memory_space<vmem>>, vector<16xf32>,
      %mul3A_731 = arith.mulf %get3A_730, %bitcast3A_648 : vector<16xf32>
      %add3A_732 = arith.constant 2 : i32
      %add3A_733 = arith.addi %add3A_461, %add3A_732 : i32
      %swap3A_734 = arith.index_cast %add3A_733 : i32 to index
      %swap3A_735 = arith.constant 112 : index
      %swap3A_736 = tpu.vector_load %arg7[%swap3A_734, %swap3A_735] {strides = array<i32>} : memref<128x128xf32, #tpu.memory_space<vmem>>, vector<16xf32>,
      tpu.vector_store %arg7[%swap3A_734, %swap3A_735], %mul3A_731 {strides = array<i32>} : memref<128x128xf32, #tpu.memory_space<vmem>>, vector<16xf32>,
      %add3A_737 = arith.constant 3 : i32
      %add3A_738 = arith.addi %add3A_461, %add3A_737 : i32
      %broadcast_in_dim3A_739 = vector.broadcast %add3A_738 : i32 to vector<16xi32>
      %gather3A_740 = tpu.vector_load_idx %arg5[%broadcast_in_dim3A_367, %broadcast_in_dim3A_369, %broadcast_in_dim3A_739] : memref<4x8x128xi32, #tpu.memory_space<vmem>>[vector<16xi32>, vector<16xi32>, vector<16xi32>], vector<16xi32>,
      %bitcast3A_741 = vector.bitcast %gather3A_740 : vector<16xi32> to vector<16xf32>
      %add3A_742 = arith.constant 3 : i32
      %add3A_743 = arith.addi %add3A_461, %add3A_742 : i32
      %get3A_744 = arith.index_cast %add3A_743 : i32 to index
      %get3A_745 = arith.constant 0 : index
      %get3A_746 = tpu.vector_load %arg7[%get3A_744, %get3A_745] {strides = array<i32>} : memref<128x128xf32, #tpu.memory_space<vmem>>, vector<16xf32>,
      %mul3A_747 = arith.mulf %get3A_746, %bitcast3A_741 : vector<16xf32>
      %add3A_748 = arith.constant 3 : i32
      %add3A_749 = arith.addi %add3A_461, %add3A_748 : i32
      %swap3A_750 = arith.index_cast %add3A_749 : i32 to index
      %swap3A_751 = arith.constant 0 : index
      %swap3A_752 = tpu.vector_load %arg7[%swap3A_750, %swap3A_751] {strides = array<i32>} : memref<128x128xf32, #tpu.memory_space<vmem>>, vector<16xf32>,
      tpu.vector_store %arg7[%swap3A_750, %swap3A_751], %mul3A_747 {strides = array<i32>} : memref<128x128xf32, #tpu.memory_space<vmem>>, vector<16xf32>,
      %add3A_753 = arith.constant 3 : i32
      %add3A_754 = arith.addi %add3A_461, %add3A_753 : i32
      %get3A_755 = arith.index_cast %add3A_754 : i32 to index
      %get3A_756 = arith.constant 16 : index
      %get3A_757 = tpu.vector_load %arg7[%get3A_755, %get3A_756] {strides = array<i32>} : memref<128x128xf32, #tpu.memory_space<vmem>>, vector<16xf32>,
      %mul3A_758 = arith.mulf %get3A_757, %bitcast3A_741 : vector<16xf32>
      %add3A_759 = arith.constant 3 : i32
      %add3A_760 = arith.addi %add3A_461, %add3A_759 : i32
      %swap3A_761 = arith.index_cast %add3A_760 : i32 to index
      %swap3A_762 = arith.constant 16 : index
      %swap3A_763 = tpu.vector_load %arg7[%swap3A_761, %swap3A_762] {strides = array<i32>} : memref<128x128xf32, #tpu.memory_space<vmem>>, vector<16xf32>,
      tpu.vector_store %arg7[%swap3A_761, %swap3A_762], %mul3A_758 {strides = array<i32>} : memref<128x128xf32, #tpu.memory_space<vmem>>, vector<16xf32>,
      %add3A_764 = arith.constant 3 : i32
      %add3A_765 = arith.addi %add3A_461, %add3A_764 : i32
      %get3A_766 = arith.index_cast %add3A_765 : i32 to index
      %get3A_767 = arith.constant 32 : index
      %get3A_768 = tpu.vector_load %arg7[%get3A_766, %get3A_767] {strides = array<i32>} : memref<128x128xf32, #tpu.memory_space<vmem>>, vector<16xf32>,
      %mul3A_769 = arith.mulf %get3A_768, %bitcast3A_741 : vector<16xf32>
      %add3A_770 = arith.constant 3 : i32
      %add3A_771 = arith.addi %add3A_461, %add3A_770 : i32
      %swap3A_772 = arith.index_cast %add3A_771 : i32 to index
      %swap3A_773 = arith.constant 32 : index
      %swap3A_774 = tpu.vector_load %arg7[%swap3A_772, %swap3A_773] {strides = array<i32>} : memref<128x128xf32, #tpu.memory_space<vmem>>, vector<16xf32>,
      tpu.vector_store %arg7[%swap3A_772, %swap3A_773], %mul3A_769 {strides = array<i32>} : memref<128x128xf32, #tpu.memory_space<vmem>>, vector<16xf32>,
      %add3A_775 = arith.constant 3 : i32
      %add3A_776 = arith.addi %add3A_461, %add3A_775 : i32
      %get3A_777 = arith.index_cast %add3A_776 : i32 to index
      %get3A_778 = arith.constant 48 : index
      %get3A_779 = tpu.vector_load %arg7[%get3A_777, %get3A_778] {strides = array<i32>} : memref<128x128xf32, #tpu.memory_space<vmem>>, vector<16xf32>,
      %mul3A_780 = arith.mulf %get3A_779, %bitcast3A_741 : vector<16xf32>
      %add3A_781 = arith.constant 3 : i32
      %add3A_782 = arith.addi %add3A_461, %add3A_781 : i32
      %swap3A_783 = arith.index_cast %add3A_782 : i32 to index
      %swap3A_784 = arith.constant 48 : index
      %swap3A_785 = tpu.vector_load %arg7[%swap3A_783, %swap3A_784] {strides = array<i32>} : memref<128x128xf32, #tpu.memory_space<vmem>>, vector<16xf32>,
      tpu.vector_store %arg7[%swap3A_783, %swap3A_784], %mul3A_780 {strides = array<i32>} : memref<128x128xf32, #tpu.memory_space<vmem>>, vector<16xf32>,
      %add3A_786 = arith.constant 3 : i32
      %add3A_787 = arith.addi %add3A_461, %add3A_786 : i32
      %get3A_788 = arith.index_cast %add3A_787 : i32 to index
      %get3A_789 = arith.constant 64 : index
      %get3A_790 = tpu.vector_load %arg7[%get3A_788, %get3A_789] {strides = array<i32>} : memref<128x128xf32, #tpu.memory_space<vmem>>, vector<16xf32>,
      %mul3A_791 = arith.mulf %get3A_790, %bitcast3A_741 : vector<16xf32>
      %add3A_792 = arith.constant 3 : i32
      %add3A_793 = arith.addi %add3A_461, %add3A_792 : i32
      %swap3A_794 = arith.index_cast %add3A_793 : i32 to index
      %swap3A_795 = arith.constant 64 : index
      %swap3A_796 = tpu.vector_load %arg7[%swap3A_794, %swap3A_795] {strides = array<i32>} : memref<128x128xf32, #tpu.memory_space<vmem>>, vector<16xf32>,
      tpu.vector_store %arg7[%swap3A_794, %swap3A_795], %mul3A_791 {strides = array<i32>} : memref<128x128xf32, #tpu.memory_space<vmem>>, vector<16xf32>,
      %add3A_797 = arith.constant 3 : i32
      %add3A_798 = arith.addi %add3A_461, %add3A_797 : i32
      %get3A_799 = arith.index_cast %add3A_798 : i32 to index
      %get3A_800 = arith.constant 80 : index
      %get3A_801 = tpu.vector_load %arg7[%get3A_799, %get3A_800] {strides = array<i32>} : memref<128x128xf32, #tpu.memory_space<vmem>>, vector<16xf32>,
      %mul3A_802 = arith.mulf %get3A_801, %bitcast3A_741 : vector<16xf32>
      %add3A_803 = arith.constant 3 : i32
      %add3A_804 = arith.addi %add3A_461, %add3A_803 : i32
      %swap3A_805 = arith.index_cast %add3A_804 : i32 to index
      %swap3A_806 = arith.constant 80 : index
      %swap3A_807 = tpu.vector_load %arg7[%swap3A_805, %swap3A_806] {strides = array<i32>} : memref<128x128xf32, #tpu.memory_space<vmem>>, vector<16xf32>,
      tpu.vector_store %arg7[%swap3A_805, %swap3A_806], %mul3A_802 {strides = array<i32>} : memref<128x128xf32, #tpu.memory_space<vmem>>, vector<16xf32>,
      %add3A_808 = arith.constant 3 : i32
      %add3A_809 = arith.addi %add3A_461, %add3A_808 : i32
      %get3A_810 = arith.index_cast %add3A_809 : i32 to index
      %get3A_811 = arith.constant 96 : index
      %get3A_812 = tpu.vector_load %arg7[%get3A_810, %get3A_811] {strides = array<i32>} : memref<128x128xf32, #tpu.memory_space<vmem>>, vector<16xf32>,
      %mul3A_813 = arith.mulf %get3A_812, %bitcast3A_741 : vector<16xf32>
      %add3A_814 = arith.constant 3 : i32
      %add3A_815 = arith.addi %add3A_461, %add3A_814 : i32
      %swap3A_816 = arith.index_cast %add3A_815 : i32 to index
      %swap3A_817 = arith.constant 96 : index
      %swap3A_818 = tpu.vector_load %arg7[%swap3A_816, %swap3A_817] {strides = array<i32>} : memref<128x128xf32, #tpu.memory_space<vmem>>, vector<16xf32>,
      tpu.vector_store %arg7[%swap3A_816, %swap3A_817], %mul3A_813 {strides = array<i32>} : memref<128x128xf32, #tpu.memory_space<vmem>>, vector<16xf32>,
      %add3A_819 = arith.constant 3 : i32
      %add3A_820 = arith.addi %add3A_461, %add3A_819 : i32
      %get3A_821 = arith.index_cast %add3A_820 : i32 to index
      %get3A_822 = arith.constant 112 : index
      %get3A_823 = tpu.vector_load %arg7[%get3A_821, %get3A_822] {strides = array<i32>} : memref<128x128xf32, #tpu.memory_space<vmem>>, vector<16xf32>,
      %mul3A_824 = arith.mulf %get3A_823, %bitcast3A_741 : vector<16xf32>
      %add3A_825 = arith.constant 3 : i32
      %add3A_826 = arith.addi %add3A_461, %add3A_825 : i32
      %swap3A_827 = arith.index_cast %add3A_826 : i32 to index
      %swap3A_828 = arith.constant 112 : index
      %swap3A_829 = tpu.vector_load %arg7[%swap3A_827, %swap3A_828] {strides = array<i32>} : memref<128x128xf32, #tpu.memory_space<vmem>>, vector<16xf32>,
      tpu.vector_store %arg7[%swap3A_827, %swap3A_828], %mul3A_824 {strides = array<i32>} : memref<128x128xf32, #tpu.memory_space<vmem>>, vector<16xf32>,
    }
    %scan3A_374 = arith.constant 32 : i32
    %dma_start3A_375 = arith.constant 3 : i32
    %dma_start3A_376 = arith.constant 1 : i32
    %dma_start3A_377 = arith.constant 0 : i32
    %dma_start3A_378 = tpu.memref_slice %arg5[%dma_start3A_375, %dma_start3A_376, %dma_start3A_377] : memref<4x8x128xi32, #tpu.memory_space<vmem>> -> memref<1x1x128xi32, #tpu.memory_space<vmem>>
    %dma_start3A_379 = tpu.memref_squeeze %dma_start3A_378 : memref<1x1x128xi32, #tpu.memory_space<vmem>> -> memref<128xi32, #tpu.memory_space<vmem>>
    %dma_start3A_380 = arith.constant 0 : i32
    %dma_start3A_381 = arith.constant 0 : i32
    %dma_start3A_382 = tpu.memref_slice %arg8[%dma_start3A_380, %dma_start3A_381] : memref<10000x128xf32, #tpu.memory_space<vmem_shared>> -> memref<10000x128xf32, #tpu.memory_space<vmem_shared>>
    tpu.enqueue_indirect_dma source(%arg7 : memref<128x128xf32, #tpu.memory_space<vmem>>) target(%dma_start3A_382 : memref<10000x128xf32, #tpu.memory_space<vmem_shared>>) offsets(%dma_start3A_379 : memref<128xi32, #tpu.memory_space<vmem>>) semaphore(%arg16 : memref<!tpu.dma_semaphore, #tpu.memory_space<semaphore_mem>>) {add = true}
    %dma_wait3A_383 = arith.constant 3 : i32
    %dma_wait3A_384 = arith.constant 1 : i32
    %dma_wait3A_385 = arith.constant 0 : i32
    %dma_wait3A_386 = tpu.memref_slice %arg5[%dma_wait3A_383, %dma_wait3A_384, %dma_wait3A_385] : memref<4x8x128xi32, #tpu.memory_space<vmem>> -> memref<1x1x128xi32, #tpu.memory_space<vmem>>
    %dma_wait3A_387 = tpu.memref_squeeze %dma_wait3A_386 : memref<1x1x128xi32, #tpu.memory_space<vmem>> -> memref<128xi32, #tpu.memory_space<vmem>>
    %dma_wait3A_388 = arith.constant 0 : i32
    %dma_wait3A_389 = arith.constant 0 : i32
    %dma_wait3A_390 = tpu.memref_slice %arg8[%dma_wait3A_388, %dma_wait3A_389] : memref<10000x128xf32, #tpu.memory_space<vmem_shared>> -> memref<10000x128xf32, #tpu.memory_space<vmem_shared>>
    tpu.wait_indirect_dma semaphore(%arg16 : memref<!tpu.dma_semaphore, #tpu.memory_space<semaphore_mem>>) src(%arg7 : memref<128x128xf32, #tpu.memory_space<vmem>>) dst(%dma_wait3A_390 : memref<10000x128xf32, #tpu.memory_space<vmem_shared>>)
    %barrier3A_391 = arith.constant 0 : index
    tpu.barrier barrier_id(%barrier3A_391)
    %add3A_392 = arith.constant 0 : i32
    %add3A_393 = arith.addi %mul3A_67, %add3A_392 : i32
    %dma_start3A_394 = arith.constant 0 : i32
    %dma_start3A_395 = tpu.memref_slice %arg4[%arg0, %add3A_393, %dma_start3A_394] : memref<2x10000x128xf32, #tpu.memory_space<hbm>> -> memref<1x128x128xf32, #tpu.memory_space<hbm>>
    %dma_start3A_396 = tpu.memref_squeeze %dma_start3A_395 : memref<1x128x128xf32, #tpu.memory_space<hbm>> -> memref<128x128xf32, #tpu.memory_space<hbm>>
    %dma_start3A_397 = arith.constant 0 : i32
    %dma_start3A_398 = tpu.memref_slice %arg8[%add3A_393, %dma_start3A_397] : memref<10000x128xf32, #tpu.memory_space<vmem_shared>> -> memref<128x128xf32, #tpu.memory_space<vmem_shared>>
    tpu.enqueue_dma source(%dma_start3A_398 : memref<128x128xf32, #tpu.memory_space<vmem_shared>>) target(%dma_start3A_396 : memref<128x128xf32, #tpu.memory_space<hbm>>) target_semaphore(%arg17 : memref<!tpu.dma_semaphore, #tpu.memory_space<semaphore_mem>>)
    %add3A_399 = arith.constant 128 : i32
    %add3A_400 = arith.addi %mul3A_67, %add3A_399 : i32
    %dma_start3A_401 = arith.constant 0 : i32
    %dma_start3A_402 = tpu.memref_slice %arg4[%arg0, %add3A_400, %dma_start3A_401] : memref<2x10000x128xf32, #tpu.memory_space<hbm>> -> memref<1x128x128xf32, #tpu.memory_space<hbm>>
    %dma_start3A_403 = tpu.memref_squeeze %dma_start3A_402 : memref<1x128x128xf32, #tpu.memory_space<hbm>> -> memref<128x128xf32, #tpu.memory_space<hbm>>
    %dma_start3A_404 = arith.constant 0 : i32
    %dma_start3A_405 = tpu.memref_slice %arg8[%add3A_400, %dma_start3A_404] : memref<10000x128xf32, #tpu.memory_space<vmem_shared>> -> memref<128x128xf32, #tpu.memory_space<vmem_shared>>
    tpu.enqueue_dma source(%dma_start3A_405 : memref<128x128xf32, #tpu.memory_space<vmem_shared>>) target(%dma_start3A_403 : memref<128x128xf32, #tpu.memory_space<hbm>>) target_semaphore(%arg17 : memref<!tpu.dma_semaphore, #tpu.memory_space<semaphore_mem>>)
    %add3A_406 = arith.constant 256 : i32
    %add3A_407 = arith.addi %mul3A_67, %add3A_406 : i32
    %dma_start3A_408 = arith.constant 0 : i32
    %dma_start3A_409 = tpu.memref_slice %arg4[%arg0, %add3A_407, %dma_start3A_408] : memref<2x10000x128xf32, #tpu.memory_space<hbm>> -> memref<1x128x128xf32, #tpu.memory_space<hbm>>
    %dma_start3A_410 = tpu.memref_squeeze %dma_start3A_409 : memref<1x128x128xf32, #tpu.memory_space<hbm>> -> memref<128x128xf32, #tpu.memory_space<hbm>>
    %dma_start3A_411 = arith.constant 0 : i32
    %dma_start3A_412 = tpu.memref_slice %arg8[%add3A_407, %dma_start3A_411] : memref<10000x128xf32, #tpu.memory_space<vmem_shared>> -> memref<128x128xf32, #tpu.memory_space<vmem_shared>>
    tpu.enqueue_dma source(%dma_start3A_412 : memref<128x128xf32, #tpu.memory_space<vmem_shared>>) target(%dma_start3A_410 : memref<128x128xf32, #tpu.memory_space<hbm>>) target_semaphore(%arg17 : memref<!tpu.dma_semaphore, #tpu.memory_space<semaphore_mem>>)
    %add3A_413 = arith.constant 384 : i32
    %add3A_414 = arith.addi %mul3A_67, %add3A_413 : i32
    %dma_start3A_415 = arith.constant 0 : i32
    %dma_start3A_416 = tpu.memref_slice %arg4[%arg0, %add3A_414, %dma_start3A_415] : memref<2x10000x128xf32, #tpu.memory_space<hbm>> -> memref<1x128x128xf32, #tpu.memory_space<hbm>>
    %dma_start3A_417 = tpu.memref_squeeze %dma_start3A_416 : memref<1x128x128xf32, #tpu.memory_space<hbm>> -> memref<128x128xf32, #tpu.memory_space<hbm>>
    %dma_start3A_418 = arith.constant 0 : i32
    %dma_start3A_419 = tpu.memref_slice %arg8[%add3A_414, %dma_start3A_418] : memref<10000x128xf32, #tpu.memory_space<vmem_shared>> -> memref<128x128xf32, #tpu.memory_space<vmem_shared>>
    tpu.enqueue_dma source(%dma_start3A_419 : memref<128x128xf32, #tpu.memory_space<vmem_shared>>) target(%dma_start3A_417 : memref<128x128xf32, #tpu.memory_space<hbm>>) target_semaphore(%arg17 : memref<!tpu.dma_semaphore, #tpu.memory_space<semaphore_mem>>)
    %add3A_420 = arith.constant 512 : i32
    %add3A_421 = arith.addi %mul3A_67, %add3A_420 : i32
    %dma_start3A_422 = arith.constant 0 : i32
    %dma_start3A_423 = tpu.memref_slice %arg4[%arg0, %add3A_421, %dma_start3A_422] : memref<2x10000x128xf32, #tpu.memory_space<hbm>> -> memref<1x112x128xf32, #tpu.memory_space<hbm>>
    %dma_start3A_424 = tpu.memref_squeeze %dma_start3A_423 : memref<1x112x128xf32, #tpu.memory_space<hbm>> -> memref<112x128xf32, #tpu.memory_space<hbm>>
    %dma_start3A_425 = arith.constant 0 : i32
    %dma_start3A_426 = tpu.memref_slice %arg8[%add3A_421, %dma_start3A_425] : memref<10000x128xf32, #tpu.memory_space<vmem_shared>> -> memref<112x128xf32, #tpu.memory_space<vmem_shared>>
    tpu.enqueue_dma source(%dma_start3A_426 : memref<112x128xf32, #tpu.memory_space<vmem_shared>>) target(%dma_start3A_424 : memref<112x128xf32, #tpu.memory_space<hbm>>) target_semaphore(%arg17 : memref<!tpu.dma_semaphore, #tpu.memory_space<semaphore_mem>>)
    %dma_wait3A_427 = arith.constant 0 : i32
    %dma_wait3A_428 = tpu.memref_slice %arg4[%arg0, %add3A_393, %dma_wait3A_427] : memref<2x10000x128xf32, #tpu.memory_space<hbm>> -> memref<1x128x128xf32, #tpu.memory_space<hbm>>
    %dma_wait3A_429 = tpu.memref_squeeze %dma_wait3A_428 : memref<1x128x128xf32, #tpu.memory_space<hbm>> -> memref<128x128xf32, #tpu.memory_space<hbm>>
    %dma_wait3A_430 = arith.constant 0 : i32
    %dma_wait3A_431 = tpu.memref_slice %arg8[%add3A_393, %dma_wait3A_430] : memref<10000x128xf32, #tpu.memory_space<vmem_shared>> -> memref<128x128xf32, #tpu.memory_space<vmem_shared>>
    tpu.wait_dma2 semaphore(%arg17 : memref<!tpu.dma_semaphore, #tpu.memory_space<semaphore_mem>>) src(%dma_wait3A_431 : memref<128x128xf32, #tpu.memory_space<vmem_shared>>) dst(%dma_wait3A_429 : memref<128x128xf32, #tpu.memory_space<hbm>>)
    %dma_wait3A_432 = arith.constant 0 : i32
    %dma_wait3A_433 = tpu.memref_slice %arg4[%arg0, %add3A_400, %dma_wait3A_432] : memref<2x10000x128xf32, #tpu.memory_space<hbm>> -> memref<1x128x128xf32, #tpu.memory_space<hbm>>
    %dma_wait3A_434 = tpu.memref_squeeze %dma_wait3A_433 : memref<1x128x128xf32, #tpu.memory_space<hbm>> -> memref<128x128xf32, #tpu.memory_space<hbm>>
    %dma_wait3A_435 = arith.constant 0 : i32
    %dma_wait3A_436 = tpu.memref_slice %arg8[%add3A_400, %dma_wait3A_435] : memref<10000x128xf32, #tpu.memory_space<vmem_shared>> -> memref<128x128xf32, #tpu.memory_space<vmem_shared>>
    tpu.wait_dma2 semaphore(%arg17 : memref<!tpu.dma_semaphore, #tpu.memory_space<semaphore_mem>>) src(%dma_wait3A_436 : memref<128x128xf32, #tpu.memory_space<vmem_shared>>) dst(%dma_wait3A_434 : memref<128x128xf32, #tpu.memory_space<hbm>>)
    %dma_wait3A_437 = arith.constant 0 : i32
    %dma_wait3A_438 = tpu.memref_slice %arg4[%arg0, %add3A_407, %dma_wait3A_437] : memref<2x10000x128xf32, #tpu.memory_space<hbm>> -> memref<1x128x128xf32, #tpu.memory_space<hbm>>
    %dma_wait3A_439 = tpu.memref_squeeze %dma_wait3A_438 : memref<1x128x128xf32, #tpu.memory_space<hbm>> -> memref<128x128xf32, #tpu.memory_space<hbm>>
    %dma_wait3A_440 = arith.constant 0 : i32
    %dma_wait3A_441 = tpu.memref_slice %arg8[%add3A_407, %dma_wait3A_440] : memref<10000x128xf32, #tpu.memory_space<vmem_shared>> -> memref<128x128xf32, #tpu.memory_space<vmem_shared>>
    tpu.wait_dma2 semaphore(%arg17 : memref<!tpu.dma_semaphore, #tpu.memory_space<semaphore_mem>>) src(%dma_wait3A_441 : memref<128x128xf32, #tpu.memory_space<vmem_shared>>) dst(%dma_wait3A_439 : memref<128x128xf32, #tpu.memory_space<hbm>>)
    %dma_wait3A_442 = arith.constant 0 : i32
    %dma_wait3A_443 = tpu.memref_slice %arg4[%arg0, %add3A_414, %dma_wait3A_442] : memref<2x10000x128xf32, #tpu.memory_space<hbm>> -> memref<1x128x128xf32, #tpu.memory_space<hbm>>
    %dma_wait3A_444 = tpu.memref_squeeze %dma_wait3A_443 : memref<1x128x128xf32, #tpu.memory_space<hbm>> -> memref<128x128xf32, #tpu.memory_space<hbm>>
    %dma_wait3A_445 = arith.constant 0 : i32
    %dma_wait3A_446 = tpu.memref_slice %arg8[%add3A_414, %dma_wait3A_445] : memref<10000x128xf32, #tpu.memory_space<vmem_shared>> -> memref<128x128xf32, #tpu.memory_space<vmem_shared>>
    tpu.wait_dma2 semaphore(%arg17 : memref<!tpu.dma_semaphore, #tpu.memory_space<semaphore_mem>>) src(%dma_wait3A_446 : memref<128x128xf32, #tpu.memory_space<vmem_shared>>) dst(%dma_wait3A_444 : memref<128x128xf32, #tpu.memory_space<hbm>>)
    %dma_wait3A_447 = arith.constant 0 : i32
    %dma_wait3A_448 = tpu.memref_slice %arg4[%arg0, %add3A_421, %dma_wait3A_447] : memref<2x10000x128xf32, #tpu.memory_space<hbm>> -> memref<1x112x128xf32, #tpu.memory_space<hbm>>
    %dma_wait3A_449 = tpu.memref_squeeze %dma_wait3A_448 : memref<1x112x128xf32, #tpu.memory_space<hbm>> -> memref<112x128xf32, #tpu.memory_space<hbm>>
    %dma_wait3A_450 = arith.constant 0 : i32
    %dma_wait3A_451 = tpu.memref_slice %arg8[%add3A_421, %dma_wait3A_450] : memref<10000x128xf32, #tpu.memory_space<vmem_shared>> -> memref<112x128xf32, #tpu.memory_space<vmem_shared>>
    tpu.wait_dma2 semaphore(%arg17 : memref<!tpu.dma_semaphore, #tpu.memory_space<semaphore_mem>>) src(%dma_wait3A_451 : memref<112x128xf32, #tpu.memory_space<vmem_shared>>) dst(%dma_wait3A_449 : memref<112x128xf32, #tpu.memory_space<hbm>>)
    %eq3A_452 = arith.constant 15 : i32
    %eq3A_453 = arith.cmpi eq, %arg1, %eq3A_452 : i32
    %convert_element_type3A_454 = arith.extui %eq3A_453 : i1 to i32
    %cond3A_455 = arith.constant 0 : i32
    %cond3A_456 = arith.cmpi ne, %convert_element_type3A_454, %cond3A_455 : i32
    scf.if %cond3A_456 {
      "tpu.region"() ({
        %run_scoped3A = tpu.sem_alloc : memref<!tpu.dma_semaphore, #tpu.memory_space<semaphore_mem>>
        %dma_start3A_457 = arith.constant 9984 : i32
        %dma_start3A_458 = arith.constant 0 : i32
        %dma_start3A_459 = tpu.memref_slice %arg4[%arg0, %dma_start3A_457, %dma_start3A_458] : memref<2x10000x128xf32, #tpu.memory_space<hbm>> -> memref<1x16x128xf32, #tpu.memory_space<hbm>>
        %dma_start3A_460 = tpu.memref_squeeze %dma_start3A_459 : memref<1x16x128xf32, #tpu.memory_space<hbm>> -> memref<16x128xf32, #tpu.memory_space<hbm>>
        %dma_start3A_461 = arith.constant 9984 : i32
        %dma_start3A_462 = arith.constant 0 : i32
        %dma_start3A_463 = tpu.memref_slice %arg8[%dma_start3A_461, %dma_start3A_462] : memref<10000x128xf32, #tpu.memory_space<vmem_shared>> -> memref<16x128xf32, #tpu.memory_space<vmem_shared>>
        tpu.enqueue_dma source(%dma_start3A_463 : memref<16x128xf32, #tpu.memory_space<vmem_shared>>) target(%dma_start3A_460 : memref<16x128xf32, #tpu.memory_space<hbm>>) target_semaphore(%run_scoped3A : memref<!tpu.dma_semaphore, #tpu.memory_space<semaphore_mem>>)
        %dma_wait3A_464 = arith.constant 9984 : i32
        %dma_wait3A_465 = arith.constant 0 : i32
        %dma_wait3A_466 = tpu.memref_slice %arg4[%arg0, %dma_wait3A_464, %dma_wait3A_465] : memref<2x10000x128xf32, #tpu.memory_space<hbm>> -> memref<1x16x128xf32, #tpu.memory_space<hbm>>
        %dma_wait3A_467 = tpu.memref_squeeze %dma_wait3A_466 : memref<1x16x128xf32, #tpu.memory_space<hbm>> -> memref<16x128xf32, #tpu.memory_space<hbm>>
        %dma_wait3A_468 = arith.constant 9984 : i32
        %dma_wait3A_469 = arith.constant 0 : i32
        %dma_wait3A_470 = tpu.memref_slice %arg8[%dma_wait3A_468, %dma_wait3A_469] : memref<10000x128xf32, #tpu.memory_space<vmem_shared>> -> memref<16x128xf32, #tpu.memory_space<vmem_shared>>
        tpu.wait_dma2 semaphore(%run_scoped3A : memref<!tpu.dma_semaphore, #tpu.memory_space<semaphore_mem>>) src(%dma_wait3A_470 : memref<16x128xf32, #tpu.memory_space<vmem_shared>>) dst(%dma_wait3A_467 : memref<16x128xf32, #tpu.memory_space<hbm>>)
        tpu.yield
      }) : () -> ()
    } else {
    }
    return
  }
}

module attributes {stable_mosaic.version = 14 : i64} {
  func.func @body(%arg0: i32, %arg1: memref<2x1000x128xf32, #tpu.memory_space<vmem>>, %arg2: memref<128x128xf32, #tpu.memory_space<vmem>>, %arg3: memref<1000x128xf32, #tpu.memory_space<vmem>>) attributes {dimension_semantics = [#tpu.dimension_semantics<arbitrary>], iteration_bounds = array<i64: 10>, scalar_prefetch = 0 : i64, scratch_operands = 0 : i64, tpu.core_type = #tpu.core_type<tc>, window_params = [{transform_indices = @transform_0, window_bounds = array<i64: 2, 1000, 128>}, {pipeline_mode = #tpu.pipeline_mode<synchronous>, transform_indices = @transform_1, window_bounds = array<i64: 128, 128>}, {transform_indices = @transform_2, window_bounds = array<i64: 1000, 128>}]} {
    %get3A = arith.constant 0 : index
    %get3A_0 = arith.constant 0 : index
    %get3A_1 = arith.constant 0 : index
    %get3A_2 = vector.load %arg1[%get3A, %get3A_0, %get3A_1] : memref<2x1000x128xf32, #tpu.memory_space<vmem>>, vector<1x1000x128xf32>
    %get3A_3 = vector.shape_cast %get3A_2 : vector<1x1000x128xf32> to vector<1000x128xf32>
    %get3A_4 = arith.constant 1 : index
    %get3A_5 = arith.constant 0 : index
    %get3A_6 = arith.constant 0 : index
    %get3A_7 = vector.load %arg1[%get3A_4, %get3A_5, %get3A_6] : memref<2x1000x128xf32, #tpu.memory_space<vmem>>, vector<1x1000x128xf32>
    %get3A_8 = vector.shape_cast %get3A_7 : vector<1x1000x128xf32> to vector<1000x128xf32>
    %add3A = arith.addf %get3A_3, %get3A_8 : vector<1000x128xf32>
    %get3A_9 = arith.constant 0 : index
    %get3A_10 = arith.constant 0 : index
    %get3A_11 = vector.load %arg2[%get3A_9, %get3A_10] : memref<128x128xf32, #tpu.memory_space<vmem>>, vector<128x128xf32>
    %dot_general3A = arith.constant dense<0.000000e+00> : vector<1000x128xf32>
    %dot_general3A_12 = tpu.matmul %add3A, %get3A_11, %dot_general3A {dimension_numbers = #tpu.dot_dimension_numbers<[1], [0], [0], [1], [0, 0, 1, 1], [], []>, transpose_lhs_hint = false} : vector<1000x128xf32>, vector<128x128xf32>, vector<1000x128xf32> -> vector<1000x128xf32>
    %max3A = arith.constant 0.000000e+00 : f32
    %max3A_13 = vector.broadcast %max3A : f32 to vector<1000x128xf32>
    %max3A_14 = arith.maximumf %dot_general3A_12, %max3A_13 : vector<1000x128xf32>
    %swap3A = arith.constant 0 : index
    %swap3A_15 = arith.constant 0 : index
    %swap3A_16 = vector.load %arg3[%swap3A, %swap3A_15] : memref<1000x128xf32, #tpu.memory_space<vmem>>, vector<1000x128xf32>
    tpu.vector_store %arg3[%swap3A, %swap3A_15], %max3A_14 {strides = array<i32>} : memref<1000x128xf32, #tpu.memory_space<vmem>>, vector<1000x128xf32>,
    return
  }
  func.func @transform_0(%arg0: i32) -> (i32, i32, i32) {
    %c0_i32 = arith.constant 0 : i32
    %c0_i32_0 = arith.constant 0 : i32
    %c0_i32_1 = arith.constant 0 : i32
    return %c0_i32, %arg0, %c0_i32_0 : i32, i32, i32
  }
  func.func @transform_1(%arg0: i32) -> (i32, i32) {
    %c0_i32 = arith.constant 0 : i32
    %c0_i32_0 = arith.constant 0 : i32
    %c0_i32_1 = arith.constant 0 : i32
    return %c0_i32, %c0_i32_0 : i32, i32
  }
  func.func @transform_2(%arg0: i32) -> (i32, i32) {
    %c0_i32 = arith.constant 0 : i32
    %c0_i32_0 = arith.constant 0 : i32
    return %arg0, %c0_i32 : i32, i32
  }
}

</mosaic_0001>

<sc_bundles>
// kernel: kernel.4.cloned.1.call-start
scs
__scs_entry_jumppad:
0x0: {  	(pc) =	sbr.rel $0x88, $3  }
0x1: {  	(tag) =	ssettag $0x0;
	lr =	simm.s32 $0x1  }
0x2: {  	[smem:$0x3F9D] =	sst lr;
	_ =	strace $0xD0000000  }
0x3: {  	_ = 	snop  }
0x4: {  	_ = 	snop  }
0x5: {  	_ = 	snop  }
0x6: {  	_ = 	snop  }
0x7: {  	_ = 	snop  }
__scs_overlays_trampoline_lowered:
0x8: {  	[smem:$0x3FAC] =	sst s0  }
0x9: {  	[smem:$0x3FAD] =	sst s1  }
0xa: {  	[smem:$0x3FAE] =	sst s2  }
0xb: {  	[smem:$0x3FAF] =	sst s3  }
0xc: {  	[smem:$0x3FB0] =	sst s4  }
0xd: {  	[smem:$0x3FB1] =	sst s5  }
0xe: {  	[smem:$0x3FB2] =	sst s6  }
0xf: {  	[smem:$0x3FB3] =	sst s7  }
0x10: {  	[smem:$0x3FB4] =	sst s8  }
0x11: {  	[smem:$0x3FB5] =	sst s9;
	s0 =	simm.s32 @!p0 $0x0  }
0x12: {  	s1 =	sld [smem:$0x3F9B];
	s0 =	simm.s32 @p0 $0x1  }
0x13: {  	[smem:$0x3FB6] =	sst s0;
	s0 =	simm.s32 @!p1 $0x0  }
0x14: {  	s2 =	sld [smem:$0x3F9A];
	s0 =	simm.s32 @p1 $0x1  }
0x15: {  	[smem:$0x3FB7] =	sst s0;
	s0 =	simm.s32 @!p2 $0x0  }
0x16: {  	s3 =	sld [smem:$0x3FDB];
	s0 =	simm.s32 @p2 $0x1  }
0x17: {  	s4 =	simm.s32 $0x1BF5;
	[smem:$0x3FB9] =	sst s0  }
0x18: {  	s0 =	sld [smem:$0x3F9C];
	_ =	swait.ge [sflag:s4], $0x0  }
0x19: {  	s7 =	sld [smem:$0x3F9D]  }
0x1a: {  	s8 =	sadd.s32 $0xFFFFE003, lr  }
0x1b: {  	s9 =	sadd.s32 $0xFFFFFEF7, lr;
	s5 =	simm.s32 $0xFFFFFFFF;
	p2 =	slt.u32 s8, $0xFFFFF086  }
0x1c: {  	p1 =	slt.u32 s9, $0xF7A;
	s5 =	simm.s32 @!p2 $0x0  }
0x1d: {  	s5 =	simm.s32 @p1 $0x1;
	p0 =	seq.s32 s7, s2  }
0x1e: {  	s7 =	smul.u32 @!p0 $0xF7A, s2;
	p2 =	seq.s32 @!p0 s5, $0x0  }
0x1f: {  	s9 =	smul.u32 $0xF7A, s1;
	s8 =	simm.s32 @!p0 $0x1BF5;
	p2 =	por !p2, p0  }
0x20: {  	[sflag:s8] =	ssyncset.s32 @!p0 $0xFFFFF086;
	s6 =	sadd.s32 @!p0 s3, s7;
	s7 =	simm.s32 @!p0 $0x108  }
0x21: {  	s3 =	sadd.s32 s3, s9;
	s6 =	sadd.s32 @!p0 $0x88, s6;
	s7 =	simm.s32 @p2 $0x1082  }
0x22: {  	[simem:s7], [sflag:s8] =	dma.local @!p0 [hbm:s6], $0xF7A  }
0x23: {  	s9 =	sor.u32 $0xD0000000, s2;
	s6 =	simm.s32 $0x108;
	_ =	swait.ge @!p0 [sflag:s8], $0x0  }
0x24: {  	s3 =	sadd.s32 $0x88, s3;
	s6 =	simm.s32 @!p1 $0x1082;
	[sflag:s4] =	ssyncset.s32 $0xFFFFF086  }
0x25: {  	[simem:s6], [sflag:s4] =	dma.local [hbm:s3], $0xF7A  }
0x26: {  	[smem:$0x3F9D] =	sst s1;
	(tag) =	ssettag s2;
	_ =	strace s9  }
0x27: {  	s1 =	sld [smem:$0x3FAD]  }
0x28: {  	s2 =	sld [smem:$0x3FAE]  }
0x29: {  	s4 =	sld [smem:$0x3FB0]  }
0x2a: {  	p0 =	seq.s32 s5, $0x0;
	s5 =	sld [smem:$0x3FB1]  }
0x2b: {  	s6 =	sld [smem:$0x3FB2]  }
0x2c: {  	s7 =	sld [smem:$0x3FB3]  }
0x2d: {  	s3 =	simm.s32 $0x108;
	s8 =	sld [smem:$0x3FB4]  }
0x2e: {  	s3 =	simm.s32 @!p0 $0x1082;
	s9 =	sld [smem:$0x3FB5]  }
0x2f: {  	lr =	sadd.s32 s0, s3;
	s0 =	sld [smem:$0x3FAC]  }
0x30: {  	s3 =	sld [smem:$0x3FAF]  }
0x31: {  	[smem:$0x3FB8] =	sst s10  }
0x32: {  	s10 =	sld [smem:$0x3FB6];
	_ =	sdelay $0x3  }
0x33: {  	p0 =	seq.s32 s10, $0x1;
	s10 =	sld [smem:$0x3FB8];
	_ =	sdelay $0x3  }
0x34: {  	[smem:$0x3FB8] =	sst s10  }
0x35: {  	s10 =	sld [smem:$0x3FB7];
	_ =	sdelay $0x3  }
0x36: {  	p1 =	seq.s32 s10, $0x1;
	s10 =	sld [smem:$0x3FB8];
	_ =	sdelay $0x3  }
0x37: {  	[smem:$0x3FB8] =	sst s10  }
0x38: {  	s10 =	sld [smem:$0x3FB9]  }
0x39: {  	_ = 	snop;
	(pc) =	sbr.ind lr, $3  }
0x3a: {  	_ = 	snop  }
0x3b: {  	_ = 	snop  }
0x3c: {  	p2 =	seq.s32 s10, $0x1;
	s10 =	sld [smem:$0x3FB8]  }
0x3d: {  	_ =	shalt  }
0x3e: {  	_ =	shalt  }
0x3f: {  	_ =	shalt  }
0x40: {  	_ =	shalt  }
0x41: {  	_ =	shalt  }
0x42: {  	_ =	shalt  }
0x43: {  	_ =	shalt  }
0x44: {  	_ =	shalt  }
0x45: {  	_ =	shalt  }
0x46: {  	_ =	shalt  }
0x47: {  	_ =	shalt  }
0x48: {  	_ =	shalt  }
0x49: {  	_ =	shalt  }
0x4a: {  	_ =	shalt  }
0x4b: {  	_ =	shalt  }
0x4c: {  	_ =	shalt  }
0x4d: {  	_ =	shalt  }
0x4e: {  	_ =	shalt  }
0x4f: {  	_ =	shalt  }
0x50: {  	_ =	shalt  }
0x51: {  	_ =	shalt  }
0x52: {  	_ =	shalt  }
0x53: {  	_ =	shalt  }
0x54: {  	_ =	shalt  }
0x55: {  	_ =	shalt  }
0x56: {  	_ =	shalt  }
0x57: {  	_ =	shalt  }
0x58: {  	_ =	shalt  }
0x59: {  	_ =	shalt  }
0x5a: {  	_ =	shalt  }
0x5b: {  	_ =	shalt  }
0x5c: {  	_ =	shalt  }
0x5d: {  	_ =	shalt  }
0x5e: {  	_ =	shalt  }
0x5f: {  	_ =	shalt  }
0x60: {  	_ =	shalt  }
0x61: {  	_ =	shalt  }
0x62: {  	_ =	shalt  }
0x63: {  	_ =	shalt  }
0x64: {  	_ =	shalt  }
0x65: {  	_ =	shalt  }
0x66: {  	_ =	shalt  }
0x67: {  	_ =	shalt  }
0x68: {  	_ =	shalt  }
0x69: {  	_ =	shalt  }
0x6a: {  	_ =	shalt  }
0x6b: {  	_ =	shalt  }
0x6c: {  	_ =	shalt  }
0x6d: {  	_ =	shalt  }
0x6e: {  	_ =	shalt  }
0x6f: {  	_ =	shalt  }
0x70: {  	_ =	shalt  }
0x71: {  	_ =	shalt  }
0x72: {  	_ =	shalt  }
0x73: {  	_ =	shalt  }
0x74: {  	_ =	shalt  }
0x75: {  	_ =	shalt  }
0x76: {  	_ =	shalt  }
0x77: {  	_ =	shalt  }
0x78: {  	_ =	shalt  }
0x79: {  	_ =	shalt  }
0x7a: {  	_ =	shalt  }
0x7b: {  	_ =	shalt  }
0x7c: {  	_ =	shalt  }
0x7d: {  	_ =	shalt  }
0x7e: {  	_ =	shalt  }
0x7f: {  	_ =	shalt  }
0x80: {  	_ =	shalt  }
0x81: {  	_ =	shalt  }
0x82: {  	_ =	shalt  }
0x83: {  	_ =	shalt  }
0x84: {  	_ =	shalt  }
0x85: {  	_ =	shalt  }
0x86: {  	_ =	shalt  }
0x87: {  	_ =	shalt  }
.Lfunc_end0:
.L_simem_size_0:
called_computation_lowered:
.L_overlay_start_0:
0x88: {  	s2 =	sld [smem:$0x3FD9]  }
0x89: {  	s3 =	sld [smem:$0x3FFE];
	_ =	sdelay $0x1  }
0x8a: {  	s1 =	srdreg.scid  }
0x8b: {  	s0 =	sand.u32 $0x1, s1  }
0x8c: {  	s17 =	sshll.u32 s0, $0xA;
	s2 =	sadd.s32 s3, s2  }
0x8d: {  	s2 =	sadd.s32 s2, s17  }
0x8e: {  	[smem:$0x3FC4] =	sst s2  }
0x8f: {  	_ = 	snop  }
0x90: {  	s2 =	sld [smem:$0x3FC9];
	(tm) =	ssettm $0x1  }
0x91: {  	s18 =	sld [smem:$0x3FFB];
	_ =	sdelay $0x3  }
0x92: {  	_ =	strace s18  }
0x93: {  	s3 =	sld [smem:$0x3FFC];
	_ =	sdelay $0x3  }
0x94: {  	_ =	strace s3  }
0x95: {  	s3 =	sld [smem:$0x3FFD];
	_ =	sdelay $0x3  }
0x96: {  	_ =	strace s3  }
0x97: {  	_ =	strace $0x8FFFFFFF  }
0x98: {  	s19 =	sld [smem:$0x3FDB];
	_ =	sdelay $0x1  }
0x99: {  	s4 =	simm.s32 $_scs_section_size  }
0x9a: {  	s5 =	simm.s32 $_size__tile_overlayer_lowered;
	s6 =	simm.s32 $_tile_overlayer_lowered  }
0x9b: {  	s22 =	simm.s32 $0x1BFF;
	s21 =	sshll.u32 s6, $0x1;
	s3 =	sadd.s32 s4, s19  }
0x9c: {  	s7 =	simm.s32 $0x0;
	s20 =	sshll.u32 s5, $0x1;
	s5 =	sadd.s32 s21, s3  }
0x9d: {  	[timem:s7], [sflag:s22] =	dma.local [hbm:s5], s20  }
0x9e: {  	_ =	swait.ge [sflag:s22], s20  }
0x9f: {  	s4 =	ssub.s32 $0x0, s20;
	[sflag:s22] =	ssyncset.done $0x0  }
0xa0: {  	[sflag:s22] =	ssyncadd.s32 s4;
	_ =	sdelay $0x1  }
0xa1: {  	s23 =	simm.s32 $0x1B8B  }
0xa2: {  	_ =	swait.ge [sflag:s23], $0x1  }
0xa3: {  	[sflag:s23] =	ssyncset.done $0x0  }
0xa4: {  	s25 =	simm.s32 $0x1B8E;
	s24 =	sld [smem:$0x3FFE];
	[sflag:s23] =	ssyncadd.s32 $0xFFFFFFFF  }
0xa5: {  	s26 =	simm.s32 $execute0_lowered;
	[smem:$0x3FD2] =	sst s25  }
0xa6: {  	s5 =	sshll.u32 s26, $0x1;
	_ =	strace $0x80000046;
	[dreg:$0x1] =	wrdreg $0xFFFFFFFF  }
0xa7: {  	s28 =	simm.s32 $_size_execute0_lowered;
	s3 =	sadd.s32 s3, s5;
	[dreg:$0x0] =	wrdreg $0x0  }
0xa8: {  	s5 =	sshll.u32 s28, $0x1;
	[dreg:$0x2] =	wrdreg s3  }
0xa9: {  	[dreg:$0x3] =	wrdreg s5  }
0xaa: {  	[dreg:$0x4] =	wrdreg $0xC0  }
0xab: {  	_ =	task [dreg:s7], $0x5FFFF  }
0xac: {  	[dreg:$0x1] =	wrdreg $0xFFFFFFFF  }
0xad: {  	[dreg:$0x0] =	wrdreg $0x60  }
0xae: {  	[dreg:$0x2] =	wrdreg s2  }
0xaf: {  	[dreg:$0x3] =	wrdreg s24  }
0xb0: {  	[dreg:$0x4] =	wrdreg $0x90000  }
0xb1: {  	[dreg:$0x5] =	wrdreg $0x9  }
0xb2: {  	_ =	task.clear_ibuf [dreg:s7], $0x6FFFF;
	_ =	strace $0x90000046  }
0xb3: {  	s29 =	simm.s32 $0x9;
	_ =	strace $0x80000048  }
0xb4: {  	_ =	swait.ge [sflag:s29], $0x1  }
0xb5: {  	[sflag:s29] =	ssyncadd.s32 $0xFFFFFFFF  }
0xb6: {  	_ =	strace $0x90000048  }
0xb7: {  	_ =	sfence  }
0xb8: {  	s30 =	sld [smem:$0x0];
	_ =	sdelay $0x2  }
0xb9: {  	s31 =	sshll.u32 s1, $0xD;
	s1 =	sshrl.u32 s1, $0x2  }
0xba: {  	s3 =	sand.u32 $0x4000, s31;
	s1 =	sadd.s32 s1, s30  }
0xbb: {  	s0 =	sor.u32 s3, s0;
	s1 =	sshll.u32 s1, $0x11  }
0xbc: {  	s0 =	sor.u32 s1, s0  }
0xbd: {  	s0 =	sadd.s32 $0x8F2B, s0  }
0xbe: {  	[sflag:s0] =	ssyncadd.remote.s32 $0x1  }
0xbf: {  	_ =	sfence.sel $0xFFFF  }
0xc0: {  	[dreg:$0x0] =	wrdreg $0xFFFFFFFF;
	(pc) =	sbr.abs _section_cstart, $3  }
0xc1: {  	[dreg:$0x1] =	wrdreg $0xFFFFFFFF  }
0xc2: {  	_ =	task.clear_ibuf [dreg:s7], $0x2FFFF;
	_ =	strace $0x9FFFFFFF  }
0xc3: {  	(tm) =	ssettm $0x7FFFFFFF  }
tec
execute0_lowered:
.L_overlay_start_1:
0x0: {  	(tag) =	ssettag $0x1  }
0x1: {  	s1 =	rddreg [dreg:$0x0]  }
0x2: {  	s0 =	rddreg [dreg:$0x1]  }
0x3: {  	s2 =	rddreg [dreg:$0x2]  }
0x4: {  	s3 =	srdreg.scid;
	s4 =	simm.s32 $0x0;
	s13 =	stileid.u32  }
0x5: {  	s28 =	simm.s32 $0x400;
	s29 =	simm.s32 $0x1;
	s30 =	simm.s32 $0x80  }
0x6: {  	s31 =	simm.s32 $0x1000;
	s3 =	sand.u32 $0x1, s3;
	s8 =	smul.u32 $0x4E000, s13  }
0x7: {  	[smem:$0x7FF] =	sst s4;
	s11 =	smul.u32 $0x13800, s13;
	s25 =	sadd.s32 $0x138000, s2  }
0x8: {  	p0 =	sne.s32 s13, $0xF;
	s5 =	sshll.u32 s3, $0x4;
	_ =	strace $0x80000047  }
0x9: {  	s7 =	ssub.s32 $0x2, s3;
	[dreg:$0xb] =	wrdreg s25;
	s3 =	smul.u32 $0x138800, s3  }
0xa: {  	s6 =	sor.u32 s13, s5;
	s5 =	sadd.s32 $0x400, s0;
	s0 =	sadd.s32 $0x50400, s0  }
0xb: {  	s9 =	sshrl.u32 s7, $0x1;
	s8 =	sshrl.u32 s8, $0x2;
	s20 =	sadd.s32 $0x8000, s11  }
0xc: {  	s21 =	sadd.s32 $0xC000, s11;
	s23 =	sadd.s32 $0x10000, s11;
	s6 =	smul.u32 $0x14000, s6  }
0xd: {  	s7 =	ssub.s32 s7, s9;
	s24 =	sadd.s32 s8, s2;
	s12 =	sadd.s32 s20, s2  }
0xe: {  	s22 =	sadd.s32 s21, s2;
	s14 =	sadd.s32 s23, s2;
	[dreg:$0x8] =	wrdreg s12  }
0xf: {  	s9 =	sadd.s32 s3, s20;
	s20 =	sadd.s32 s3, s21;
	[dreg:$0x9] =	wrdreg s22  }
0x10: {  	s21 =	sadd.s32 s3, s23;
	[dreg:$0xa] =	wrdreg s14;
	s25 =	smax.u32 s7, $0x1  }
0x11: {  	s7 =	simm.s32 $0x5;
	[dreg:$0x6] =	wrdreg s24;
	s10 =	sshrl.u32 s6, $0x3  }
0x12: {  	s14 =	sor.u32 $0x800, s6;
	s15 =	sor.u32 $0xC00, s6;
	s16 =	sor.u32 $0x1000, s6  }
0x13: {  	s17 =	sor.u32 $0x1400, s6;
	[dreg:$0x13] =	wrdreg s25;
	s18 =	sadd.s32 s5, s10  }
0x14: {  	s25 =	simm.s32 $0x8;
	s10 =	sadd.s32 $0x4000, s11;
	s26 =	sadd.s32 $0x80, s18  }
0x15: {  	s19 =	sadd.s32 s10, s2;
	s8 =	sadd.s32 s3, s10;
	[dreg:$0x4] =	wrdreg s18  }
0x16: {  	s23 =	sadd.s32 $0x2700, s18;
	s10 =	simm.s32 $0x9;
	[dreg:$0x5] =	wrdreg s26  }
0x17: {  	[dreg:$0x7] =	wrdreg s19;
	s26 =	sadd.s32 s11, s3;
	s8 =	sshrl.u32 s8, $0x3  }
0x18: {  	s19 =	sshrl.u32 s9, $0x3;
	s3 =	sshrl.u32 s3, $0x3;
	[dreg:$0x11] =	wrdreg s23  }
0x19: {  	s23 =	simm.s32 $0xC00;
	s6 =	sshrl.u32 s26, $0x3;
	s11 =	sadd.s32 s0, s8  }
0x1a: {  	s8 =	sshrl.u32 s21, $0x3;
	s26 =	sadd.s32 $0x2780, s18;
	[dreg:$0xd] =	wrdreg s11  }
0x1b: {  	s18 =	simm.s32 $0x2;
	s6 =	sadd.s32 s0, s6;
	[dreg:$0x14] =	wrdreg s26  }
0x1c: {  	s21 =	simm.s32 $0x7;
	s22 =	sadd.s32 s0, s8;
	[dreg:$0xc] =	wrdreg s6  }
0x1d: {  	s26 =	simm.s32 $0x4;
	s6 =	sadd.s32 s0, s19;
	[dreg:$0x10] =	wrdreg s22  }
0x1e: {  	s8 =	simm.s32 $0x0;
	[dreg:$0xe] =	wrdreg s6;
	s6 =	sshrl.u32 s20, $0x3  }
0x1f: {  	s19 =	simm.s32 $0x800;
	s6 =	sadd.s32 s0, s6;
	s0 =	sadd.s32 s0, s3  }
0x20: {  	s22 =	simm.s32 $0x3;
	[dreg:$0xf] =	wrdreg s6;
	s0 =	sadd.s32 $0x27000, s0  }
0x21: {  	v0 =	vimm.f32 $0.0e+00;
	s20 =	simm.s32 $0x6;
	[dreg:$0x12] =	wrdreg s0;
	s0 =	simm.s32 $0x5000  }
.LBB2_1:
0x22: {  	[dreg:$0x15] =	wrdreg s8  }
0x23: {  	s3 =	rddreg [dreg:$0x4]  }
0x24: {  	[tilespmem:s4], [sflag:$0x1] =	stream.linear.gather [hbm4b:s3+s4], $0x400, $0x38;
	[tilespmem:$0x1C880] =	vst v63  }
0x25: {  	s13 =	rddreg [dreg:$0x5]  }
0x26: {  	[tilespmem:s28], [sflag:$0x2] =	stream.linear.gather [hbm4b:s13+s4], $0x400, $0x38;
	[tilespmem:$0x1C880] =	vst v63  }
0x27: {  	_ =	swait.ge [sflag:s29], $0x400  }
0x28: {  	[sflag:s29] =	ssyncset.done $0x0  }
0x29: {  	s9 =	simm.s32 $0x200;
	s3 =	simm.s32 $0x0;
	[sflag:s29] =	ssyncadd.s32 $0xFFFFFC00  }
0x2a: {  	[tilespmem:s31], [sflag:$0x5] =	stream.indirect.gather [hbm4b:s1+s30], $0x80, s4, s30, $0xb8;
	[tilespmem:$0x1C880] =	vst v63  }
.LBB2_2:
0x2b: {  	p1 =	sne.s32 s9, $0xFE00;
	[tilespmem:s3+$0x5070] =	vst v0  }
0x2c: {  	[tilespmem:s3+$0x5000] =	vst v0  }
0x2d: {  	[tilespmem:s3+$0x5010] =	vst v0  }
.Ltmp0:
0x2e: {  	[tilespmem:s3+$0x5020] =	vst v0;
	(pc) =	sbr.rel @p1 .LBB2_2-.Ltmp0, $4  }
0x2f: {  	[tilespmem:s3+$0x5030] =	vst v0  }
0x30: {  	[tilespmem:s3+$0x5040] =	vst v0  }
0x31: {  	[tilespmem:s3+$0x5050] =	vst v0  }
0x32: {  	[tilespmem:s3+$0x5060] =	vst v0;
	s3 =	sshra.s32 s9, $0x2;
	s9 =	sadd.s32 $0x200, s9  }
0x33: {  	[tilespmem:s3+$0x5070] =	vst v0  }
0x34: {  	[tilespmem:s3+$0x5000] =	vst v0  }
0x35: {  	[tilespmem:s3+$0x5010] =	vst v0  }
0x36: {  	[tilespmem:s3+$0x5020] =	vst v0  }
0x37: {  	[tilespmem:s3+$0x5030] =	vst v0  }
0x38: {  	[tilespmem:s3+$0x5040] =	vst v0  }
0x39: {  	[tilespmem:s3+$0x5050] =	vst v0  }
0x3a: {  	[tilespmem:s3+$0x5060] =	vst v0  }
0x3b: {  	[spmem:s24] =	stream.linear.scatter [tilespmem:s0], [sflag:$0x9], $0x4000, $0x38;
	[tilespmem:$0x1C880] =	vst v63  }
0x3c: {  	s11 =	rddreg [dreg:$0x7]  }
0x3d: {  	[spmem:s11] =	stream.linear.scatter [tilespmem:s0], [sflag:$0x9], $0x4000, $0x38;
	[tilespmem:$0x1C880] =	vst v63  }
0x3e: {  	s12 =	rddreg [dreg:$0x8]  }
0x3f: {  	[spmem:s12] =	stream.linear.scatter [tilespmem:s0], [sflag:$0x9], $0x4000, $0x38;
	[tilespmem:$0x1C880] =	vst v63  }
0x40: {  	s13 =	rddreg [dreg:$0x9]  }
0x41: {  	[spmem:s13] =	stream.linear.scatter [tilespmem:s0], [sflag:$0x9], $0x4000, $0x38;
	[tilespmem:$0x1C880] =	vst v63  }
0x42: {  	s24 =	rddreg [dreg:$0xa]  }
0x43: {  	[spmem:s24] =	stream.linear.scatter [tilespmem:s0], [sflag:$0x9], $0x3800, $0x38;
	[tilespmem:$0x1C880] =	vst v63  }
0x44: {  	_ =	swait.ge [sflag:s10], $0x4000  }
0x45: {  	[sflag:s10] =	ssyncset.done $0x0  }
0x46: {  	[sflag:s10] =	ssyncadd.s32 $0xFFFFC000  }
0x47: {  	_ =	swait.ge [sflag:s10], $0x4000  }
0x48: {  	[sflag:s10] =	ssyncset.done $0x0  }
0x49: {  	[sflag:s10] =	ssyncadd.s32 $0xFFFFC000  }
0x4a: {  	_ =	swait.ge [sflag:s10], $0x4000  }
0x4b: {  	[sflag:s10] =	ssyncset.done $0x0  }
0x4c: {  	[sflag:s10] =	ssyncadd.s32 $0xFFFFC000  }
0x4d: {  	_ =	swait.ge [sflag:s10], $0x4000  }
0x4e: {  	[sflag:s10] =	ssyncset.done $0x0  }
0x4f: {  	[sflag:s10] =	ssyncadd.s32 $0xFFFFC000  }
0x50: {  	_ =	swait.ge [sflag:s10], $0x3800  }
0x51: {  	[sflag:s10] =	ssyncset.done $0x0  }
0x52: {  	s3 =	simm.s32 @!p0 $0x5000;
	s6 =	rddreg [dreg:$0xb];
	[sflag:s10] =	ssyncadd.s32 $0xFFFFC800  }
0x53: {  	[spmem:s6] =	stream.linear.scatter @!p0 [tilespmem:s3], [sflag:$0xA], $0x800, $0x38;
	[tilespmem:$0x1C880] =	vst v63  }
0x54: {  	s3 =	simm.s32 @!p0 $0xA  }
0x55: {  	_ =	swait.ge @!p0 [sflag:s3], $0x800  }
0x56: {  	[sflag:s3] =	ssyncset.done @!p0 $0x0  }
0x57: {  	[sflag:s3] =	ssyncadd.s32 @!p0 $0xFFFFF800  }
0x58: {  	s11 =	simm.s32 $0x0;
	s10 =	simm.s32 $0x0;
	[bflag:$0x0] =	sbarrier.arrive $0xFFFF  }
.LBB2_4:
0x59: {  	_ =	swait.ge [sflag:s7], $0x4000  }
0x5a: {  	p1 =	seq.s32 s11, $0x0;
	[sflag:s7] =	ssyncset.done $0x0  }
0x5b: {  	s3 =	simm.s32 @!p1 $0x8;
	[sflag:s7] =	ssyncadd.s32 $0xFFFFC000  }
0x5c: {  	_ =	swait.ge @!p1 [sflag:s3], $0x4000  }
0x5d: {  	v1 =	vmov s10;
	[sflag:s3] =	ssyncset.done @!p1 $0x0  }
0x5e: {  	v1 =	vand.u32 $0x7C, v1;
	[sflag:s3] =	ssyncadd.s32 @!p1 $0xFFFFC000  }
0x5f: {  	s12 =	sshll.u32 s11, $0xC;
	v1 =	vor.u32 $0x100, v1;
	_ =	swait.ge [sflag:s18], $0x400  }
0x60: {  	s8 =	sadd.s32 s12, s14;
	v1 =	vbroadcast v1, $0x0;
	[sflag:s18] =	ssyncset.done $0x0  }
0x61: {  	s3 =	sshrl.u32 s8, $0x3;
	[sflag:s18] =	ssyncadd.s32 $0xFFFFFC00  }
0x62: {  	[tilespmem:s0], [sflag:$0x6] =	stream.indirect.gather [hbm4b:s1+s30], $0x80, s28, s30, $0xb8;
	[tilespmem:$0x1C880] =	vst v63  }
0x63: {  	s13 =	simm.s32 $0x1100;
	s3 =	sadd.s32 s5, s3  }
0x64: {  	[tilespmem:s19], [sflag:$0x3] =	stream.linear.gather [hbm4b:s3+s10], $0x400, $0x38;
	[tilespmem:$0x1C880] =	vst v63  }
0x65: {  	v3 =	vld [tilespmem:s13+$0xFFFFFF70]  }
0x66: {  	v1 =	vld.idx.msk [tilespmem:v1+s4+$0x0], $0xffff  }
0x67: {  	v4 =	vld [tilespmem:s13+$0xFFFFFF00]  }
0x68: {  	v5 =	vld [tilespmem:s13+$0xFFFFFF20]  }
0x69: {  	v6 =	vld [tilespmem:s13+$0xFFFFFF30]  }
0x6a: {  	v2 =	vld [tilespmem:s13+$0xFFFFFF50]  }
0x6b: {  	s9 =	simm.s32 $0x1;
	v8 =	vld [tilespmem:s13+$0xFFFFFF10];
	v3 =	vmul.f32 v1, v3  }
0x6c: {  	v10 =	vmov s9;
	v7 =	vld [tilespmem:s13+$0xFFFFFF60];
	v4 =	vmul.f32 v1, v4  }
0x6d: {  	v9 =	vld [tilespmem:s13+$0xFFFFFF40];
	v5 =	vmul.f32 v1, v5;
	[tilespmem:s13+$0xFFFFFF70] =	vst v3;
	v3 =	vand.u32 $0x7D, v10  }
0x6e: {  	v6 =	vmul.f32 v1, v6;
	[tilespmem:s13+$0xFFFFFF00] =	vst v4;
	v3 =	vor.u32 $0x100, v3  }
0x6f: {  	v2 =	vmul.f32 v1, v2;
	[tilespmem:s13+$0xFFFFFF20] =	vst v5;
	v3 =	vbroadcast v3, $0x0  }
0x70: {  	v4 =	vmul.f32 v1, v8;
	[tilespmem:s13+$0xFFFFFF30] =	vst v6  }
0x71: {  	v5 =	vmul.f32 v1, v7;
	[tilespmem:s13+$0xFFFFFF50] =	vst v2  }
0x72: {  	v1 =	vmul.f32 v1, v9;
	[tilespmem:s13+$0xFFFFFF10] =	vst v4  }
0x73: {  	[tilespmem:s13+$0xFFFFFF60] =	vst v5  }
0x74: {  	[tilespmem:s13+$0xFFFFFF40] =	vst v1;
	v1 =	vld [tilespmem:s13+$0xFFFFFF80]  }
0x75: {  	v3 =	vld.idx.msk [tilespmem:v3+s4+$0x0], $0xffff  }
0x76: {  	v2 =	vld [tilespmem:s13+$0xFFFFFFA0]  }
0x77: {  	v4 =	vld [tilespmem:s13+$0xFFFFFFF0]  }
0x78: {  	v5 =	vld [tilespmem:s13+$0xFFFFFFC0]  }
0x79: {  	v6 =	vld [tilespmem:s13+$0xFFFFFF90]  }
0x7a: {  	s24 =	simm.s32 $0x2;
	v7 =	vld [tilespmem:s13+$0xFFFFFFD0];
	v1 =	vmul.f32 v3, v1  }
0x7b: {  	v62 =	vmov s24;
	v8 =	vld [tilespmem:s13+$0xFFFFFFB0];
	v2 =	vmul.f32 v3, v2  }
0x7c: {  	v63 =	vld [tilespmem:s13+$0xFFFFFFE0];
	v4 =	vmul.f32 v3, v4;
	[tilespmem:s13+$0xFFFFFF80] =	vst v1;
	v1 =	vand.u32 $0x7E, v62  }
0x7d: {  	v5 =	vmul.f32 v3, v5;
	[tilespmem:s13+$0xFFFFFFA0] =	vst v2;
	v1 =	vor.u32 $0x100, v1  }
0x7e: {  	v2 =	vmul.f32 v3, v6;
	[tilespmem:s13+$0xFFFFFFF0] =	vst v4;
	v4 =	vbroadcast v1, $0x0  }
0x7f: {  	v6 =	vmul.f32 v3, v7;
	[tilespmem:s13+$0xFFFFFFC0] =	vst v5;
	v7 =	vld [tilespmem:s13+$0x30]  }
0x80: {  	v5 =	vmul.f32 v3, v8;
	v1 =	vld [tilespmem:s13+$0x60];
	[tilespmem:s13+$0xFFFFFF90] =	vst v2  }
0x81: {  	v3 =	vmul.f32 v3, v63;
	v2 =	vld [tilespmem:s13+$0x70];
	[tilespmem:s13+$0xFFFFFFD0] =	vst v6  }
0x82: {  	[tilespmem:s13+$0xFFFFFFB0] =	vst v5;
	v6 =	vld [tilespmem:s13+$0x20]  }
0x83: {  	[tilespmem:s13+$0xFFFFFFE0] =	vst v3;
	v5 =	vld [tilespmem:s13+$0x0]  }
0x84: {  	v3 =	vld.idx.msk [tilespmem:v4+s4+$0x0], $0xffff  }
0x85: {  	s24 =	simm.s32 $0x1100;
	s9 =	simm.s32 $0x0;
	s3 =	simm.s32 $0x4;
	v4 =	vld [tilespmem:s13+$0x10]  }
.LBB2_5:
0x86: {  	p1 =	sne.s32 s3, $0x7C  }
0x87: {  	v8 =	vld [tilespmem:s13+$0x50];
	s24 =	sadd.s32 $0x200, s24;
	s6 =	smov.u32 s3;
	s3 =	sadd.s32 $0x4, s3  }
0x88: {  	v9 =	vld [tilespmem:s13+$0x40];
	_ =	sdelay $0x1  }
0x89: {  	s8 =	sadd.s32 $0x3, s9;
	s9 =	smov.u32 s6;
	v7 =	vmul.f32 v3, v7;
	v5 =	vmul.f32 v3, v5  }
0x8a: {  	v10 =	vmov s8;
	v6 =	vmul.f32 v3, v6;
	v4 =	vmul.f32 v3, v4  }
0x8b: {  	v1 =	vmul.f32 v3, v1;
	v2 =	vmul.f32 v3, v2;
	[tilespmem:s13+$0x30] =	vst v7;
	v7 =	vand.u32 $0x7F, v10  }
0x8c: {  	[tilespmem:s13+$0x20] =	vst v6;
	v6 =	vmul.f32 v3, v9;
	v3 =	vmul.f32 v3, v8;
	v7 =	vor.u32 $0x100, v7  }
0x8d: {  	[tilespmem:s13+$0x70] =	vst v2;
	v7 =	vbroadcast v7, $0x0;
	v8 =	vld [tilespmem:s13+$0x80]  }
0x8e: {  	[tilespmem:s13+$0x60] =	vst v1;
	v9 =	vld [tilespmem:s13+$0xF0]  }
0x8f: {  	v1 =	vld [tilespmem:s24+$0x60];
	[tilespmem:s13+$0x50] =	vst v3  }
0x90: {  	v2 =	vld [tilespmem:s24+$0x70];
	[tilespmem:s13+$0x40] =	vst v6  }
0x91: {  	[tilespmem:s13+$0x0] =	vst v5;
	v3 =	vld [tilespmem:s13+$0xD0]  }
0x92: {  	[tilespmem:s13+$0x10] =	vst v4;
	v4 =	vld [tilespmem:s13+$0xB0]  }
0x93: {  	v5 =	vld.idx.msk [tilespmem:v7+s4+$0x0], $0xffff  }
0x94: {  	v6 =	vld [tilespmem:s13+$0x90]  }
0x95: {  	v7 =	vld [tilespmem:s13+$0xA0]  }
0x96: {  	v10 =	vld [tilespmem:s13+$0xC0]  }
0x97: {  	v11 =	vld [tilespmem:s13+$0xE0];
	_ =	sdelay $0x1  }
0x98: {  	v8 =	vmul.f32 v5, v8;
	v6 =	vmul.f32 v5, v6  }
0x99: {  	v12 =	vmov s9;
	v4 =	vmul.f32 v5, v4;
	v7 =	vmul.f32 v5, v7  }
0x9a: {  	v12 =	vand.u32 $0x7C, v12;
	v3 =	vmul.f32 v5, v3;
	[tilespmem:s13+$0x80] =	vst v8;
	v8 =	vmul.f32 v5, v10  }
0x9b: {  	v10 =	vor.u32 $0x100, v12;
	[tilespmem:s13+$0xB0] =	vst v4;
	v4 =	vmul.f32 v5, v11;
	v5 =	vmul.f32 v5, v9  }
0x9c: {  	v9 =	vbroadcast v10, $0x0;
	[tilespmem:s13+$0xA0] =	vst v7  }
0x9d: {  	[tilespmem:s13+$0xD0] =	vst v3  }
0x9e: {  	v3 =	vld [tilespmem:s24+$0xFFFFFF50];
	[tilespmem:s13+$0xF0] =	vst v5  }
0x9f: {  	v5 =	vld [tilespmem:s24+$0xFFFFFF30];
	[tilespmem:s13+$0x90] =	vst v6  }
0xa0: {  	v6 =	vld [tilespmem:s24+$0xFFFFFF60];
	[tilespmem:s13+$0xC0] =	vst v8  }
0xa1: {  	v7 =	vld [tilespmem:s24+$0xFFFFFF70];
	[tilespmem:s13+$0xE0] =	vst v4;
	s13 =	smov.u32 s24  }
0xa2: {  	v4 =	vld.idx.msk [tilespmem:v9+s4+$0x0], $0xffff  }
0xa3: {  	v8 =	vld [tilespmem:s24+$0xFFFFFF00]  }
0xa4: {  	v9 =	vld [tilespmem:s24+$0xFFFFFF20]  }
0xa5: {  	v10 =	vld [tilespmem:s24+$0xFFFFFF10]  }
0xa6: {  	v11 =	vld [tilespmem:s24+$0xFFFFFF40];
	_ =	sdelay $0x1  }
0xa7: {  	s6 =	sadd.s32 $0x1, s9;
	v7 =	vmul.f32 v4, v7;
	v8 =	vmul.f32 v4, v8  }
0xa8: {  	v12 =	vmov s6;
	v6 =	vmul.f32 v4, v6;
	v9 =	vmul.f32 v4, v9  }
0xa9: {  	v5 =	vmul.f32 v4, v5;
	v10 =	vmul.f32 v4, v10;
	[tilespmem:s24+$0xFFFFFF70] =	vst v7;
	v7 =	vand.u32 $0x7D, v12  }
0xaa: {  	v3 =	vmul.f32 v4, v3;
	[tilespmem:s24+$0xFFFFFF00] =	vst v8;
	v8 =	vmul.f32 v4, v11;
	v4 =	vor.u32 $0x100, v7  }
0xab: {  	[tilespmem:s24+$0xFFFFFF20] =	vst v9;
	v4 =	vbroadcast v4, $0x0  }
0xac: {  	[tilespmem:s24+$0xFFFFFF30] =	vst v5  }
0xad: {  	[tilespmem:s24+$0xFFFFFF50] =	vst v3;
	v3 =	vld [tilespmem:s24+$0xFFFFFFD0]  }
0xae: {  	[tilespmem:s24+$0xFFFFFF10] =	vst v10;
	v5 =	vld [tilespmem:s24+$0xFFFFFFE0]  }
0xaf: {  	[tilespmem:s24+$0xFFFFFF60] =	vst v6;
	v6 =	vld [tilespmem:s24+$0xFFFFFFB0]  }
0xb0: {  	[tilespmem:s24+$0xFFFFFF40] =	vst v8;
	v7 =	vld [tilespmem:s24+$0xFFFFFFF0]  }
0xb1: {  	v4 =	vld.idx.msk [tilespmem:v4+s4+$0x0], $0xffff  }
0xb2: {  	v8 =	vld [tilespmem:s24+$0xFFFFFF80]  }
0xb3: {  	v9 =	vld [tilespmem:s24+$0xFFFFFFA0]  }
0xb4: {  	v10 =	vld [tilespmem:s24+$0xFFFFFFC0]  }
0xb5: {  	v11 =	vld [tilespmem:s24+$0xFFFFFF90];
	_ =	sdelay $0x1  }
0xb6: {  	s6 =	sadd.s32 $0x2, s9;
	v7 =	vmul.f32 v4, v7;
	v8 =	vmul.f32 v4, v8  }
0xb7: {  	v12 =	vmov s6;
	v6 =	vmul.f32 v4, v6;
	v9 =	vmul.f32 v4, v9  }
0xb8: {  	v5 =	vmul.f32 v4, v5;
	[tilespmem:s24+$0xFFFFFF80] =	vst v8;
	v8 =	vmul.f32 v4, v10;
	v10 =	vand.u32 $0x7E, v12  }
0xb9: {  	v3 =	vmul.f32 v4, v3;
	v11 =	vmul.f32 v4, v11;
	[tilespmem:s24+$0xFFFFFFA0] =	vst v9;
	v4 =	vor.u32 $0x100, v10  }
0xba: {  	[tilespmem:s24+$0xFFFFFFF0] =	vst v7;
	v4 =	vbroadcast v4, $0x0  }
0xbb: {  	[tilespmem:s24+$0xFFFFFFC0] =	vst v8  }
0xbc: {  	[tilespmem:s24+$0xFFFFFF90] =	vst v11  }
0xbd: {  	[tilespmem:s24+$0xFFFFFFD0] =	vst v3  }
.Ltmp1:
0xbe: {  	[tilespmem:s24+$0xFFFFFFB0] =	vst v6;
	v7 =	vld [tilespmem:s24+$0x30];
	(pc) =	sbr.rel @p1 .LBB2_5-.Ltmp1, $4  }
0xbf: {  	[tilespmem:s24+$0xFFFFFFE0] =	vst v5;
	v6 =	vld [tilespmem:s24+$0x20]  }
0xc0: {  	v3 =	vld.idx.msk [tilespmem:v4+s4+$0x0], $0xffff  }
0xc1: {  	v5 =	vld [tilespmem:s24+$0x0]  }
0xc2: {  	v4 =	vld [tilespmem:s24+$0x10]  }
0xc3: {  	_ =	sdelay $0x1  }
0xc4: {  	v8 =	vld [tilespmem:s13+$0x50];
	s3 =	sadd.s32 $0x3, s9;
	v7 =	vmul.f32 v3, v7  }
0xc5: {  	v9 =	vld [tilespmem:s13+$0x40];
	v10 =	vmov s3;
	v6 =	vmul.f32 v3, v6  }
0xc6: {  	v1 =	vmul.f32 v3, v1;
	[tilespmem:s13+$0x30] =	vst v7;
	v7 =	vand.u32 $0x7F, v10  }
0xc7: {  	v2 =	vmul.f32 v3, v2;
	[tilespmem:s13+$0x20] =	vst v6;
	v7 =	vor.u32 $0x100, v7  }
0xc8: {  	[tilespmem:s13+$0x60] =	vst v1;
	v1 =	vmul.f32 v3, v5;
	v6 =	vbroadcast v7, $0x0  }
0xc9: {  	[tilespmem:s13+$0x70] =	vst v2;
	v2 =	vmul.f32 v3, v8  }
0xca: {  	v8 =	vmul.f32 v3, v9;
	[tilespmem:s13+$0x0] =	vst v1  }
0xcb: {  	[tilespmem:s13+$0x50] =	vst v2;
	v2 =	vmul.f32 v3, v4  }
0xcc: {  	[tilespmem:s13+$0x40] =	vst v8  }
0xcd: {  	v7 =	vld [tilespmem:s13+$0x80];
	[tilespmem:s13+$0x10] =	vst v2  }
0xce: {  	v1 =	vld.idx.msk [tilespmem:v6+s4+$0x0], $0xffff  }
0xcf: {  	v2 =	vld [tilespmem:s13+$0xB0]  }
0xd0: {  	v3 =	vld [tilespmem:s13+$0xA0]  }
0xd1: {  	v4 =	vld [tilespmem:s13+$0xD0]  }
0xd2: {  	v5 =	vld [tilespmem:s13+$0xF0]  }
0xd3: {  	v6 =	vld [tilespmem:s13+$0x90];
	v7 =	vmul.f32 v1, v7  }
0xd4: {  	v8 =	vld [tilespmem:s13+$0xC0];
	v2 =	vmul.f32 v1, v2  }
0xd5: {  	v59 =	vld [tilespmem:s13+$0xE0];
	v3 =	vmul.f32 v1, v3;
	[tilespmem:s13+$0x80] =	vst v7  }
0xd6: {  	v4 =	vmul.f32 v1, v4;
	[tilespmem:s13+$0xB0] =	vst v2  }
0xd7: {  	v2 =	vmul.f32 v1, v5;
	[tilespmem:s13+$0xA0] =	vst v3  }
0xd8: {  	v3 =	vmul.f32 v1, v6;
	[tilespmem:s13+$0xD0] =	vst v4  }
0xd9: {  	v4 =	vmul.f32 v1, v8;
	[tilespmem:s13+$0xF0] =	vst v2  }
0xda: {  	v1 =	vmul.f32 v1, v59;
	[tilespmem:s13+$0x90] =	vst v3  }
0xdb: {  	[tilespmem:s13+$0xC0] =	vst v4  }
0xdc: {  	[tilespmem:s13+$0xE0] =	vst v1  }
0xdd: {  	[spmem:s2] =	stream.indirect.scatter.add.f32 [tilespmem:s31], [sflag:$0x7], $0x80, s30, s30, $0xb8;
	[tilespmem:$0x1C880] =	vst v63  }
0xde: {  	_ =	swait.ge [sflag:s20], $0x4000  }
0xdf: {  	[sflag:s20] =	ssyncset.done $0x0  }
0xe0: {  	[sflag:s20] =	ssyncadd.s32 $0xFFFFC000  }
0xe1: {  	s9 =	simm.s32 $0x0;
	_ =	swait.ge [sflag:s21], $0x4000  }
0xe2: {  	v1 =	vmov s9;
	[sflag:s21] =	ssyncset.done $0x0  }
0xe3: {  	v1 =	vand.u32 $0x7C, v1;
	[sflag:s21] =	ssyncadd.s32 $0xFFFFC000  }
0xe4: {  	v1 =	vor.u32 $0x500, v1;
	_ =	swait.ge [sflag:s22], $0x400  }
0xe5: {  	s6 =	sadd.s32 s12, s15;
	v1 =	vbroadcast v1, $0x0;
	[sflag:s22] =	ssyncset.done $0x0  }
0xe6: {  	s3 =	sshrl.u32 s6, $0x3;
	[sflag:s22] =	ssyncadd.s32 $0xFFFFFC00  }
0xe7: {  	[tilespmem:s31], [sflag:$0x5] =	stream.indirect.gather [hbm4b:s1+s30], $0x80, s19, s30, $0xb8;
	[tilespmem:$0x1C880] =	vst v63  }
0xe8: {  	s3 =	sadd.s32 s5, s3;
	s13 =	simm.s32 $0x5100  }
0xe9: {  	[tilespmem:s23], [sflag:$0x4] =	stream.linear.gather [hbm4b:s3+s9], $0x400, $0x38;
	[tilespmem:$0x1C880] =	vst v63  }
0xea: {  	v3 =	vld [tilespmem:s13+$0xFFFFFF70]  }
0xeb: {  	v1 =	vld.idx.msk [tilespmem:v1+s4+$0x0], $0xffff  }
0xec: {  	v4 =	vld [tilespmem:s13+$0xFFFFFF00]  }
0xed: {  	v5 =	vld [tilespmem:s13+$0xFFFFFF20]  }
0xee: {  	v6 =	vld [tilespmem:s13+$0xFFFFFF30]  }
0xef: {  	v2 =	vld [tilespmem:s13+$0xFFFFFF50]  }
0xf0: {  	s8 =	simm.s32 $0x1;
	v8 =	vld [tilespmem:s13+$0xFFFFFF10];
	v3 =	vmul.f32 v1, v3  }
0xf1: {  	v61 =	vmov s8;
	v7 =	vld [tilespmem:s13+$0xFFFFFF60];
	v4 =	vmul.f32 v1, v4  }
0xf2: {  	v60 =	vld [tilespmem:s13+$0xFFFFFF40];
	v5 =	vmul.f32 v1, v5;
	[tilespmem:s13+$0xFFFFFF70] =	vst v3;
	v3 =	vand.u32 $0x7D, v61  }
0xf3: {  	v6 =	vmul.f32 v1, v6;
	[tilespmem:s13+$0xFFFFFF00] =	vst v4;
	v3 =	vor.u32 $0x500, v3  }
0xf4: {  	v2 =	vmul.f32 v1, v2;
	[tilespmem:s13+$0xFFFFFF20] =	vst v5;
	v3 =	vbroadcast v3, $0x0  }
0xf5: {  	v4 =	vmul.f32 v1, v8;
	[tilespmem:s13+$0xFFFFFF30] =	vst v6  }
0xf6: {  	v5 =	vmul.f32 v1, v7;
	[tilespmem:s13+$0xFFFFFF50] =	vst v2  }
0xf7: {  	v1 =	vmul.f32 v1, v60;
	[tilespmem:s13+$0xFFFFFF10] =	vst v4  }
0xf8: {  	[tilespmem:s13+$0xFFFFFF60] =	vst v5  }
0xf9: {  	[tilespmem:s13+$0xFFFFFF40] =	vst v1;
	v1 =	vld [tilespmem:s13+$0xFFFFFF80]  }
0xfa: {  	v3 =	vld.idx.msk [tilespmem:v3+s4+$0x0], $0xffff  }
0xfb: {  	v2 =	vld [tilespmem:s13+$0xFFFFFFA0]  }
0xfc: {  	v4 =	vld [tilespmem:s13+$0xFFFFFFF0]  }
0xfd: {  	v5 =	vld [tilespmem:s13+$0xFFFFFFC0]  }
0xfe: {  	v6 =	vld [tilespmem:s13+$0xFFFFFF90]  }
0xff: {  	s24 =	simm.s32 $0x2;
	v7 =	vld [tilespmem:s13+$0xFFFFFFD0];
	v1 =	vmul.f32 v3, v1  }
0x100: {  	v62 =	vmov s24;
	v8 =	vld [tilespmem:s13+$0xFFFFFFB0];
	v2 =	vmul.f32 v3, v2  }
0x101: {  	v63 =	vld [tilespmem:s13+$0xFFFFFFE0];
	v4 =	vmul.f32 v3, v4;
	[tilespmem:s13+$0xFFFFFF80] =	vst v1;
	v1 =	vand.u32 $0x7E, v62  }
0x102: {  	v5 =	vmul.f32 v3, v5;
	[tilespmem:s13+$0xFFFFFFA0] =	vst v2;
	v1 =	vor.u32 $0x500, v1  }
0x103: {  	v2 =	vmul.f32 v3, v6;
	[tilespmem:s13+$0xFFFFFFF0] =	vst v4;
	v4 =	vbroadcast v1, $0x0  }
0x104: {  	v6 =	vmul.f32 v3, v7;
	[tilespmem:s13+$0xFFFFFFC0] =	vst v5;
	v7 =	vld [tilespmem:s13+$0x30]  }
0x105: {  	v5 =	vmul.f32 v3, v8;
	v1 =	vld [tilespmem:s13+$0x60];
	[tilespmem:s13+$0xFFFFFF90] =	vst v2  }
0x106: {  	v3 =	vmul.f32 v3, v63;
	v2 =	vld [tilespmem:s13+$0x70];
	[tilespmem:s13+$0xFFFFFFD0] =	vst v6  }
0x107: {  	[tilespmem:s13+$0xFFFFFFB0] =	vst v5;
	v6 =	vld [tilespmem:s13+$0x20]  }
0x108: {  	[tilespmem:s13+$0xFFFFFFE0] =	vst v3;
	v5 =	vld [tilespmem:s13+$0x0]  }
0x109: {  	v3 =	vld.idx.msk [tilespmem:v4+s4+$0x0], $0xffff  }
0x10a: {  	s24 =	simm.s32 $0x5100;
	s3 =	simm.s32 $0x4;
	v4 =	vld [tilespmem:s13+$0x10]  }
.LBB2_7:
0x10b: {  	p1 =	sne.s32 s3, $0x7C  }
0x10c: {  	v8 =	vld [tilespmem:s13+$0x50];
	s24 =	sadd.s32 $0x200, s24;
	s6 =	smov.u32 s3;
	s3 =	sadd.s32 $0x4, s3  }
0x10d: {  	v9 =	vld [tilespmem:s13+$0x40];
	_ =	sdelay $0x1  }
0x10e: {  	s8 =	sadd.s32 $0x3, s9;
	s9 =	smov.u32 s6;
	v7 =	vmul.f32 v3, v7;
	v5 =	vmul.f32 v3, v5  }
0x10f: {  	v10 =	vmov s8;
	v6 =	vmul.f32 v3, v6;
	v4 =	vmul.f32 v3, v4  }
0x110: {  	v1 =	vmul.f32 v3, v1;
	v2 =	vmul.f32 v3, v2;
	[tilespmem:s13+$0x30] =	vst v7;
	v7 =	vand.u32 $0x7F, v10  }
0x111: {  	[tilespmem:s13+$0x20] =	vst v6;
	v6 =	vmul.f32 v3, v9;
	v3 =	vmul.f32 v3, v8;
	v7 =	vor.u32 $0x500, v7  }
0x112: {  	[tilespmem:s13+$0x70] =	vst v2;
	v7 =	vbroadcast v7, $0x0;
	v8 =	vld [tilespmem:s13+$0x80]  }
0x113: {  	[tilespmem:s13+$0x60] =	vst v1;
	v9 =	vld [tilespmem:s13+$0xF0]  }
0x114: {  	v1 =	vld [tilespmem:s24+$0x60];
	[tilespmem:s13+$0x50] =	vst v3  }
0x115: {  	v2 =	vld [tilespmem:s24+$0x70];
	[tilespmem:s13+$0x40] =	vst v6  }
0x116: {  	[tilespmem:s13+$0x0] =	vst v5;
	v3 =	vld [tilespmem:s13+$0xD0]  }
0x117: {  	[tilespmem:s13+$0x10] =	vst v4;
	v4 =	vld [tilespmem:s13+$0xB0]  }
0x118: {  	v5 =	vld.idx.msk [tilespmem:v7+s4+$0x0], $0xffff  }
0x119: {  	v6 =	vld [tilespmem:s13+$0x90]  }
0x11a: {  	v7 =	vld [tilespmem:s13+$0xA0]  }
0x11b: {  	v10 =	vld [tilespmem:s13+$0xC0]  }
0x11c: {  	v11 =	vld [tilespmem:s13+$0xE0];
	_ =	sdelay $0x1  }
0x11d: {  	v8 =	vmul.f32 v5, v8;
	v6 =	vmul.f32 v5, v6  }
0x11e: {  	v12 =	vmov s9;
	v4 =	vmul.f32 v5, v4;
	v7 =	vmul.f32 v5, v7  }
0x11f: {  	v12 =	vand.u32 $0x7C, v12;
	v3 =	vmul.f32 v5, v3;
	[tilespmem:s13+$0x80] =	vst v8;
	v8 =	vmul.f32 v5, v10  }
0x120: {  	v10 =	vor.u32 $0x500, v12;
	[tilespmem:s13+$0xB0] =	vst v4;
	v4 =	vmul.f32 v5, v11;
	v5 =	vmul.f32 v5, v9  }
0x121: {  	v9 =	vbroadcast v10, $0x0;
	[tilespmem:s13+$0xA0] =	vst v7  }
0x122: {  	[tilespmem:s13+$0xD0] =	vst v3  }
0x123: {  	v3 =	vld [tilespmem:s24+$0xFFFFFF50];
	[tilespmem:s13+$0xF0] =	vst v5  }
0x124: {  	v5 =	vld [tilespmem:s24+$0xFFFFFF30];
	[tilespmem:s13+$0x90] =	vst v6  }
0x125: {  	v6 =	vld [tilespmem:s24+$0xFFFFFF60];
	[tilespmem:s13+$0xC0] =	vst v8  }
0x126: {  	v7 =	vld [tilespmem:s24+$0xFFFFFF70];
	[tilespmem:s13+$0xE0] =	vst v4;
	s13 =	smov.u32 s24  }
0x127: {  	v4 =	vld.idx.msk [tilespmem:v9+s4+$0x0], $0xffff  }
0x128: {  	v8 =	vld [tilespmem:s24+$0xFFFFFF00]  }
0x129: {  	v9 =	vld [tilespmem:s24+$0xFFFFFF20]  }
0x12a: {  	v10 =	vld [tilespmem:s24+$0xFFFFFF10]  }
0x12b: {  	v11 =	vld [tilespmem:s24+$0xFFFFFF40];
	_ =	sdelay $0x1  }
0x12c: {  	s6 =	sadd.s32 $0x1, s9;
	v7 =	vmul.f32 v4, v7;
	v8 =	vmul.f32 v4, v8  }
0x12d: {  	v12 =	vmov s6;
	v6 =	vmul.f32 v4, v6;
	v9 =	vmul.f32 v4, v9  }
0x12e: {  	v5 =	vmul.f32 v4, v5;
	v10 =	vmul.f32 v4, v10;
	[tilespmem:s24+$0xFFFFFF70] =	vst v7;
	v7 =	vand.u32 $0x7D, v12  }
0x12f: {  	v3 =	vmul.f32 v4, v3;
	[tilespmem:s24+$0xFFFFFF00] =	vst v8;
	v8 =	vmul.f32 v4, v11;
	v4 =	vor.u32 $0x500, v7  }
0x130: {  	[tilespmem:s24+$0xFFFFFF20] =	vst v9;
	v4 =	vbroadcast v4, $0x0  }
0x131: {  	[tilespmem:s24+$0xFFFFFF30] =	vst v5  }
0x132: {  	[tilespmem:s24+$0xFFFFFF50] =	vst v3;
	v3 =	vld [tilespmem:s24+$0xFFFFFFD0]  }
0x133: {  	[tilespmem:s24+$0xFFFFFF10] =	vst v10;
	v5 =	vld [tilespmem:s24+$0xFFFFFFE0]  }
0x134: {  	[tilespmem:s24+$0xFFFFFF60] =	vst v6;
	v6 =	vld [tilespmem:s24+$0xFFFFFFB0]  }
0x135: {  	[tilespmem:s24+$0xFFFFFF40] =	vst v8;
	v7 =	vld [tilespmem:s24+$0xFFFFFFF0]  }
0x136: {  	v4 =	vld.idx.msk [tilespmem:v4+s4+$0x0], $0xffff  }
0x137: {  	v8 =	vld [tilespmem:s24+$0xFFFFFF80]  }
0x138: {  	v9 =	vld [tilespmem:s24+$0xFFFFFFA0]  }
0x139: {  	v10 =	vld [tilespmem:s24+$0xFFFFFFC0]  }
0x13a: {  	v11 =	vld [tilespmem:s24+$0xFFFFFF90];
	_ =	sdelay $0x1  }
0x13b: {  	s6 =	sadd.s32 $0x2, s9;
	v7 =	vmul.f32 v4, v7;
	v8 =	vmul.f32 v4, v8  }
0x13c: {  	v12 =	vmov s6;
	v6 =	vmul.f32 v4, v6;
	v9 =	vmul.f32 v4, v9  }
0x13d: {  	v5 =	vmul.f32 v4, v5;
	[tilespmem:s24+$0xFFFFFF80] =	vst v8;
	v8 =	vmul.f32 v4, v10;
	v10 =	vand.u32 $0x7E, v12  }
0x13e: {  	v3 =	vmul.f32 v4, v3;
	v11 =	vmul.f32 v4, v11;
	[tilespmem:s24+$0xFFFFFFA0] =	vst v9;
	v4 =	vor.u32 $0x500, v10  }
0x13f: {  	[tilespmem:s24+$0xFFFFFFF0] =	vst v7;
	v4 =	vbroadcast v4, $0x0  }
0x140: {  	[tilespmem:s24+$0xFFFFFFC0] =	vst v8  }
0x141: {  	[tilespmem:s24+$0xFFFFFF90] =	vst v11  }
0x142: {  	[tilespmem:s24+$0xFFFFFFD0] =	vst v3  }
.Ltmp2:
0x143: {  	[tilespmem:s24+$0xFFFFFFB0] =	vst v6;
	v7 =	vld [tilespmem:s24+$0x30];
	(pc) =	sbr.rel @p1 .LBB2_7-.Ltmp2, $4  }
0x144: {  	[tilespmem:s24+$0xFFFFFFE0] =	vst v5;
	v6 =	vld [tilespmem:s24+$0x20]  }
0x145: {  	v3 =	vld.idx.msk [tilespmem:v4+s4+$0x0], $0xffff  }
0x146: {  	v5 =	vld [tilespmem:s24+$0x0]  }
0x147: {  	v4 =	vld [tilespmem:s24+$0x10]  }
0x148: {  	_ =	sdelay $0x1  }
0x149: {  	v8 =	vld [tilespmem:s13+$0x50];
	s3 =	sadd.s32 $0x3, s9;
	v7 =	vmul.f32 v3, v7  }
0x14a: {  	v9 =	vld [tilespmem:s13+$0x40];
	v10 =	vmov s3;
	v6 =	vmul.f32 v3, v6  }
0x14b: {  	v1 =	vmul.f32 v3, v1;
	[tilespmem:s13+$0x30] =	vst v7;
	v7 =	vand.u32 $0x7F, v10  }
0x14c: {  	v2 =	vmul.f32 v3, v2;
	[tilespmem:s13+$0x20] =	vst v6;
	v7 =	vor.u32 $0x500, v7  }
0x14d: {  	[tilespmem:s13+$0x60] =	vst v1;
	v1 =	vmul.f32 v3, v5;
	v6 =	vbroadcast v7, $0x0  }
0x14e: {  	[tilespmem:s13+$0x70] =	vst v2;
	v2 =	vmul.f32 v3, v8  }
0x14f: {  	v8 =	vmul.f32 v3, v9;
	[tilespmem:s13+$0x0] =	vst v1  }
0x150: {  	[tilespmem:s13+$0x50] =	vst v2;
	v2 =	vmul.f32 v3, v4  }
0x151: {  	[tilespmem:s13+$0x40] =	vst v8  }
0x152: {  	v7 =	vld [tilespmem:s13+$0x80];
	[tilespmem:s13+$0x10] =	vst v2  }
0x153: {  	v1 =	vld.idx.msk [tilespmem:v6+s4+$0x0], $0xffff  }
0x154: {  	v2 =	vld [tilespmem:s13+$0xB0]  }
0x155: {  	v3 =	vld [tilespmem:s13+$0xA0]  }
0x156: {  	v4 =	vld [tilespmem:s13+$0xD0]  }
0x157: {  	v5 =	vld [tilespmem:s13+$0xF0]  }
0x158: {  	v6 =	vld [tilespmem:s13+$0x90];
	v7 =	vmul.f32 v1, v7  }
0x159: {  	v8 =	vld [tilespmem:s13+$0xC0];
	v2 =	vmul.f32 v1, v2  }
0x15a: {  	v59 =	vld [tilespmem:s13+$0xE0];
	v3 =	vmul.f32 v1, v3;
	[tilespmem:s13+$0x80] =	vst v7  }
0x15b: {  	v4 =	vmul.f32 v1, v4;
	[tilespmem:s13+$0xB0] =	vst v2  }
0x15c: {  	v2 =	vmul.f32 v1, v5;
	[tilespmem:s13+$0xA0] =	vst v3  }
0x15d: {  	v3 =	vmul.f32 v1, v6;
	[tilespmem:s13+$0xD0] =	vst v4  }
0x15e: {  	v4 =	vmul.f32 v1, v8;
	[tilespmem:s13+$0xF0] =	vst v2  }
0x15f: {  	v1 =	vmul.f32 v1, v59;
	[tilespmem:s13+$0x90] =	vst v3  }
0x160: {  	[tilespmem:s13+$0xC0] =	vst v4  }
0x161: {  	s24 =	simm.s32 $0x480;
	[tilespmem:s13+$0xE0] =	vst v1  }
0x162: {  	[spmem:s2] =	stream.indirect.scatter.add.f32 [tilespmem:s0], [sflag:$0x8], $0x80, s24, s30, $0xb8;
	[tilespmem:$0x1C880] =	vst v63  }
0x163: {  	_ =	swait.ge [sflag:s7], $0x4000  }
0x164: {  	[sflag:s7] =	ssyncset.done $0x0  }
0x165: {  	[sflag:s7] =	ssyncadd.s32 $0xFFFFC000  }
0x166: {  	s9 =	simm.s32 $0x0;
	_ =	swait.ge [sflag:s25], $0x4000  }
0x167: {  	v1 =	vmov s9;
	[sflag:s25] =	ssyncset.done $0x0  }
0x168: {  	v1 =	vand.u32 $0x7C, v1;
	[sflag:s25] =	ssyncadd.s32 $0xFFFFC000  }
0x169: {  	v1 =	vor.u32 $0x900, v1;
	_ =	swait.ge [sflag:s26], $0x400  }
0x16a: {  	s6 =	sadd.s32 s12, s16;
	v1 =	vbroadcast v1, $0x0;
	[sflag:s26] =	ssyncset.done $0x0  }
0x16b: {  	s3 =	sshrl.u32 s6, $0x3;
	[sflag:s26] =	ssyncadd.s32 $0xFFFFFC00  }
0x16c: {  	[tilespmem:s0], [sflag:$0x6] =	stream.indirect.gather [hbm4b:s1+s30], $0x80, s23, s30, $0xb8;
	[tilespmem:$0x1C880] =	vst v63  }
0x16d: {  	s3 =	sadd.s32 s5, s3;
	s13 =	simm.s32 $0x1100  }
0x16e: {  	[tilespmem:s9], [sflag:$0x1] =	stream.linear.gather [hbm4b:s3+s9], $0x400, $0x38;
	[tilespmem:$0x1C880] =	vst v63  }
0x16f: {  	v3 =	vld [tilespmem:s13+$0xFFFFFF70]  }
0x170: {  	v1 =	vld.idx.msk [tilespmem:v1+s4+$0x0], $0xffff  }
0x171: {  	v4 =	vld [tilespmem:s13+$0xFFFFFF00]  }
0x172: {  	v5 =	vld [tilespmem:s13+$0xFFFFFF20]  }
0x173: {  	v6 =	vld [tilespmem:s13+$0xFFFFFF30]  }
0x174: {  	v2 =	vld [tilespmem:s13+$0xFFFFFF50]  }
0x175: {  	s8 =	simm.s32 $0x1;
	v8 =	vld [tilespmem:s13+$0xFFFFFF10];
	v3 =	vmul.f32 v1, v3  }
0x176: {  	v61 =	vmov s8;
	v7 =	vld [tilespmem:s13+$0xFFFFFF60];
	v4 =	vmul.f32 v1, v4  }
0x177: {  	v60 =	vld [tilespmem:s13+$0xFFFFFF40];
	v5 =	vmul.f32 v1, v5;
	[tilespmem:s13+$0xFFFFFF70] =	vst v3;
	v3 =	vand.u32 $0x7D, v61  }
0x178: {  	v6 =	vmul.f32 v1, v6;
	[tilespmem:s13+$0xFFFFFF00] =	vst v4;
	v3 =	vor.u32 $0x900, v3  }
0x179: {  	v2 =	vmul.f32 v1, v2;
	[tilespmem:s13+$0xFFFFFF20] =	vst v5;
	v3 =	vbroadcast v3, $0x0  }
0x17a: {  	v4 =	vmul.f32 v1, v8;
	[tilespmem:s13+$0xFFFFFF30] =	vst v6  }
0x17b: {  	v5 =	vmul.f32 v1, v7;
	[tilespmem:s13+$0xFFFFFF50] =	vst v2  }
0x17c: {  	v1 =	vmul.f32 v1, v60;
	[tilespmem:s13+$0xFFFFFF10] =	vst v4  }
0x17d: {  	[tilespmem:s13+$0xFFFFFF60] =	vst v5  }
0x17e: {  	[tilespmem:s13+$0xFFFFFF40] =	vst v1;
	v1 =	vld [tilespmem:s13+$0xFFFFFF80]  }
0x17f: {  	v3 =	vld.idx.msk [tilespmem:v3+s4+$0x0], $0xffff  }
0x180: {  	v2 =	vld [tilespmem:s13+$0xFFFFFFA0]  }
0x181: {  	v4 =	vld [tilespmem:s13+$0xFFFFFFF0]  }
0x182: {  	v5 =	vld [tilespmem:s13+$0xFFFFFFC0]  }
0x183: {  	v6 =	vld [tilespmem:s13+$0xFFFFFF90]  }
0x184: {  	s24 =	simm.s32 $0x2;
	v7 =	vld [tilespmem:s13+$0xFFFFFFD0];
	v1 =	vmul.f32 v3, v1  }
0x185: {  	v62 =	vmov s24;
	v8 =	vld [tilespmem:s13+$0xFFFFFFB0];
	v2 =	vmul.f32 v3, v2  }
0x186: {  	v63 =	vld [tilespmem:s13+$0xFFFFFFE0];
	v4 =	vmul.f32 v3, v4;
	[tilespmem:s13+$0xFFFFFF80] =	vst v1;
	v1 =	vand.u32 $0x7E, v62  }
0x187: {  	v5 =	vmul.f32 v3, v5;
	[tilespmem:s13+$0xFFFFFFA0] =	vst v2;
	v1 =	vor.u32 $0x900, v1  }
0x188: {  	v2 =	vmul.f32 v3, v6;
	[tilespmem:s13+$0xFFFFFFF0] =	vst v4;
	v4 =	vbroadcast v1, $0x0  }
0x189: {  	v6 =	vmul.f32 v3, v7;
	[tilespmem:s13+$0xFFFFFFC0] =	vst v5;
	v7 =	vld [tilespmem:s13+$0x30]  }
0x18a: {  	v5 =	vmul.f32 v3, v8;
	v1 =	vld [tilespmem:s13+$0x60];
	[tilespmem:s13+$0xFFFFFF90] =	vst v2  }
0x18b: {  	v3 =	vmul.f32 v3, v63;
	v2 =	vld [tilespmem:s13+$0x70];
	[tilespmem:s13+$0xFFFFFFD0] =	vst v6  }
0x18c: {  	[tilespmem:s13+$0xFFFFFFB0] =	vst v5;
	v6 =	vld [tilespmem:s13+$0x20]  }
0x18d: {  	[tilespmem:s13+$0xFFFFFFE0] =	vst v3;
	v5 =	vld [tilespmem:s13+$0x0]  }
0x18e: {  	v3 =	vld.idx.msk [tilespmem:v4+s4+$0x0], $0xffff  }
0x18f: {  	s24 =	simm.s32 $0x1100;
	s3 =	simm.s32 $0x4;
	v4 =	vld [tilespmem:s13+$0x10]  }
.LBB2_9:
0x190: {  	p1 =	sne.s32 s3, $0x7C  }
0x191: {  	v8 =	vld [tilespmem:s13+$0x50];
	s24 =	sadd.s32 $0x200, s24;
	s6 =	smov.u32 s3;
	s3 =	sadd.s32 $0x4, s3  }
0x192: {  	v9 =	vld [tilespmem:s13+$0x40];
	_ =	sdelay $0x1  }
0x193: {  	s8 =	sadd.s32 $0x3, s9;
	s9 =	smov.u32 s6;
	v7 =	vmul.f32 v3, v7;
	v5 =	vmul.f32 v3, v5  }
0x194: {  	v10 =	vmov s8;
	v6 =	vmul.f32 v3, v6;
	v4 =	vmul.f32 v3, v4  }
0x195: {  	v1 =	vmul.f32 v3, v1;
	v2 =	vmul.f32 v3, v2;
	[tilespmem:s13+$0x30] =	vst v7;
	v7 =	vand.u32 $0x7F, v10  }
0x196: {  	[tilespmem:s13+$0x20] =	vst v6;
	v6 =	vmul.f32 v3, v9;
	v3 =	vmul.f32 v3, v8;
	v7 =	vor.u32 $0x900, v7  }
0x197: {  	[tilespmem:s13+$0x70] =	vst v2;
	v7 =	vbroadcast v7, $0x0;
	v8 =	vld [tilespmem:s13+$0x80]  }
0x198: {  	[tilespmem:s13+$0x60] =	vst v1;
	v9 =	vld [tilespmem:s13+$0xF0]  }
0x199: {  	v1 =	vld [tilespmem:s24+$0x60];
	[tilespmem:s13+$0x50] =	vst v3  }
0x19a: {  	v2 =	vld [tilespmem:s24+$0x70];
	[tilespmem:s13+$0x40] =	vst v6  }
0x19b: {  	[tilespmem:s13+$0x0] =	vst v5;
	v3 =	vld [tilespmem:s13+$0xD0]  }
0x19c: {  	[tilespmem:s13+$0x10] =	vst v4;
	v4 =	vld [tilespmem:s13+$0xB0]  }
0x19d: {  	v5 =	vld.idx.msk [tilespmem:v7+s4+$0x0], $0xffff  }
0x19e: {  	v6 =	vld [tilespmem:s13+$0x90]  }
0x19f: {  	v7 =	vld [tilespmem:s13+$0xA0]  }
0x1a0: {  	v10 =	vld [tilespmem:s13+$0xC0]  }
0x1a1: {  	v11 =	vld [tilespmem:s13+$0xE0];
	_ =	sdelay $0x1  }
0x1a2: {  	v8 =	vmul.f32 v5, v8;
	v6 =	vmul.f32 v5, v6  }
0x1a3: {  	v12 =	vmov s9;
	v4 =	vmul.f32 v5, v4;
	v7 =	vmul.f32 v5, v7  }
0x1a4: {  	v12 =	vand.u32 $0x7C, v12;
	v3 =	vmul.f32 v5, v3;
	[tilespmem:s13+$0x80] =	vst v8;
	v8 =	vmul.f32 v5, v10  }
0x1a5: {  	v10 =	vor.u32 $0x900, v12;
	[tilespmem:s13+$0xB0] =	vst v4;
	v4 =	vmul.f32 v5, v11;
	v5 =	vmul.f32 v5, v9  }
0x1a6: {  	v9 =	vbroadcast v10, $0x0;
	[tilespmem:s13+$0xA0] =	vst v7  }
0x1a7: {  	[tilespmem:s13+$0xD0] =	vst v3  }
0x1a8: {  	v3 =	vld [tilespmem:s24+$0xFFFFFF50];
	[tilespmem:s13+$0xF0] =	vst v5  }
0x1a9: {  	v5 =	vld [tilespmem:s24+$0xFFFFFF30];
	[tilespmem:s13+$0x90] =	vst v6  }
0x1aa: {  	v6 =	vld [tilespmem:s24+$0xFFFFFF60];
	[tilespmem:s13+$0xC0] =	vst v8  }
0x1ab: {  	v7 =	vld [tilespmem:s24+$0xFFFFFF70];
	[tilespmem:s13+$0xE0] =	vst v4;
	s13 =	smov.u32 s24  }
0x1ac: {  	v4 =	vld.idx.msk [tilespmem:v9+s4+$0x0], $0xffff  }
0x1ad: {  	v8 =	vld [tilespmem:s24+$0xFFFFFF00]  }
0x1ae: {  	v9 =	vld [tilespmem:s24+$0xFFFFFF20]  }
0x1af: {  	v10 =	vld [tilespmem:s24+$0xFFFFFF10]  }
0x1b0: {  	v11 =	vld [tilespmem:s24+$0xFFFFFF40];
	_ =	sdelay $0x1  }
0x1b1: {  	s6 =	sadd.s32 $0x1, s9;
	v7 =	vmul.f32 v4, v7;
	v8 =	vmul.f32 v4, v8  }
0x1b2: {  	v12 =	vmov s6;
	v6 =	vmul.f32 v4, v6;
	v9 =	vmul.f32 v4, v9  }
0x1b3: {  	v5 =	vmul.f32 v4, v5;
	v10 =	vmul.f32 v4, v10;
	[tilespmem:s24+$0xFFFFFF70] =	vst v7;
	v7 =	vand.u32 $0x7D, v12  }
0x1b4: {  	v3 =	vmul.f32 v4, v3;
	[tilespmem:s24+$0xFFFFFF00] =	vst v8;
	v8 =	vmul.f32 v4, v11;
	v4 =	vor.u32 $0x900, v7  }
0x1b5: {  	[tilespmem:s24+$0xFFFFFF20] =	vst v9;
	v4 =	vbroadcast v4, $0x0  }
0x1b6: {  	[tilespmem:s24+$0xFFFFFF30] =	vst v5  }
0x1b7: {  	[tilespmem:s24+$0xFFFFFF50] =	vst v3;
	v3 =	vld [tilespmem:s24+$0xFFFFFFD0]  }
0x1b8: {  	[tilespmem:s24+$0xFFFFFF10] =	vst v10;
	v5 =	vld [tilespmem:s24+$0xFFFFFFE0]  }
0x1b9: {  	[tilespmem:s24+$0xFFFFFF60] =	vst v6;
	v6 =	vld [tilespmem:s24+$0xFFFFFFB0]  }
0x1ba: {  	[tilespmem:s24+$0xFFFFFF40] =	vst v8;
	v7 =	vld [tilespmem:s24+$0xFFFFFFF0]  }
0x1bb: {  	v4 =	vld.idx.msk [tilespmem:v4+s4+$0x0], $0xffff  }
0x1bc: {  	v8 =	vld [tilespmem:s24+$0xFFFFFF80]  }
0x1bd: {  	v9 =	vld [tilespmem:s24+$0xFFFFFFA0]  }
0x1be: {  	v10 =	vld [tilespmem:s24+$0xFFFFFFC0]  }
0x1bf: {  	v11 =	vld [tilespmem:s24+$0xFFFFFF90];
	_ =	sdelay $0x1  }
0x1c0: {  	s6 =	sadd.s32 $0x2, s9;
	v7 =	vmul.f32 v4, v7;
	v8 =	vmul.f32 v4, v8  }
0x1c1: {  	v12 =	vmov s6;
	v6 =	vmul.f32 v4, v6;
	v9 =	vmul.f32 v4, v9  }
0x1c2: {  	v5 =	vmul.f32 v4, v5;
	[tilespmem:s24+$0xFFFFFF80] =	vst v8;
	v8 =	vmul.f32 v4, v10;
	v10 =	vand.u32 $0x7E, v12  }
0x1c3: {  	v3 =	vmul.f32 v4, v3;
	v11 =	vmul.f32 v4, v11;
	[tilespmem:s24+$0xFFFFFFA0] =	vst v9;
	v4 =	vor.u32 $0x900, v10  }
0x1c4: {  	[tilespmem:s24+$0xFFFFFFF0] =	vst v7;
	v4 =	vbroadcast v4, $0x0  }
0x1c5: {  	[tilespmem:s24+$0xFFFFFFC0] =	vst v8  }
0x1c6: {  	[tilespmem:s24+$0xFFFFFF90] =	vst v11  }
0x1c7: {  	[tilespmem:s24+$0xFFFFFFD0] =	vst v3  }
.Ltmp3:
0x1c8: {  	[tilespmem:s24+$0xFFFFFFB0] =	vst v6;
	v7 =	vld [tilespmem:s24+$0x30];
	(pc) =	sbr.rel @p1 .LBB2_9-.Ltmp3, $4  }
0x1c9: {  	[tilespmem:s24+$0xFFFFFFE0] =	vst v5;
	v6 =	vld [tilespmem:s24+$0x20]  }
0x1ca: {  	v3 =	vld.idx.msk [tilespmem:v4+s4+$0x0], $0xffff  }
0x1cb: {  	v5 =	vld [tilespmem:s24+$0x0]  }
0x1cc: {  	v4 =	vld [tilespmem:s24+$0x10]  }
0x1cd: {  	_ =	sdelay $0x1  }
0x1ce: {  	v8 =	vld [tilespmem:s13+$0x50];
	s3 =	sadd.s32 $0x3, s9;
	v7 =	vmul.f32 v3, v7  }
0x1cf: {  	v9 =	vld [tilespmem:s13+$0x40];
	v10 =	vmov s3;
	v6 =	vmul.f32 v3, v6  }
0x1d0: {  	v1 =	vmul.f32 v3, v1;
	[tilespmem:s13+$0x30] =	vst v7;
	v7 =	vand.u32 $0x7F, v10  }
0x1d1: {  	v2 =	vmul.f32 v3, v2;
	[tilespmem:s13+$0x20] =	vst v6;
	v7 =	vor.u32 $0x900, v7  }
0x1d2: {  	[tilespmem:s13+$0x60] =	vst v1;
	v1 =	vmul.f32 v3, v5;
	v6 =	vbroadcast v7, $0x0  }
0x1d3: {  	[tilespmem:s13+$0x70] =	vst v2;
	v2 =	vmul.f32 v3, v8  }
0x1d4: {  	v8 =	vmul.f32 v3, v9;
	[tilespmem:s13+$0x0] =	vst v1  }
0x1d5: {  	[tilespmem:s13+$0x50] =	vst v2;
	v2 =	vmul.f32 v3, v4  }
0x1d6: {  	[tilespmem:s13+$0x40] =	vst v8  }
0x1d7: {  	v7 =	vld [tilespmem:s13+$0x80];
	[tilespmem:s13+$0x10] =	vst v2  }
0x1d8: {  	v1 =	vld.idx.msk [tilespmem:v6+s4+$0x0], $0xffff  }
0x1d9: {  	v2 =	vld [tilespmem:s13+$0xB0]  }
0x1da: {  	v3 =	vld [tilespmem:s13+$0xA0]  }
0x1db: {  	v4 =	vld [tilespmem:s13+$0xD0]  }
0x1dc: {  	v5 =	vld [tilespmem:s13+$0xF0]  }
0x1dd: {  	v6 =	vld [tilespmem:s13+$0x90];
	v7 =	vmul.f32 v1, v7  }
0x1de: {  	v8 =	vld [tilespmem:s13+$0xC0];
	v2 =	vmul.f32 v1, v2  }
0x1df: {  	v59 =	vld [tilespmem:s13+$0xE0];
	v3 =	vmul.f32 v1, v3;
	[tilespmem:s13+$0x80] =	vst v7  }
0x1e0: {  	v4 =	vmul.f32 v1, v4;
	[tilespmem:s13+$0xB0] =	vst v2  }
0x1e1: {  	v2 =	vmul.f32 v1, v5;
	[tilespmem:s13+$0xA0] =	vst v3  }
0x1e2: {  	v3 =	vmul.f32 v1, v6;
	[tilespmem:s13+$0xD0] =	vst v4  }
0x1e3: {  	v4 =	vmul.f32 v1, v8;
	[tilespmem:s13+$0xF0] =	vst v2  }
0x1e4: {  	v1 =	vmul.f32 v1, v59;
	[tilespmem:s13+$0x90] =	vst v3  }
0x1e5: {  	[tilespmem:s13+$0xC0] =	vst v4  }
0x1e6: {  	s9 =	simm.s32 $0x880;
	[tilespmem:s13+$0xE0] =	vst v1  }
0x1e7: {  	[spmem:s2] =	stream.indirect.scatter.add.f32 [tilespmem:s31], [sflag:$0x7], $0x80, s9, s30, $0xb8;
	[tilespmem:$0x1C880] =	vst v63  }
0x1e8: {  	_ =	swait.ge [sflag:s20], $0x4000  }
0x1e9: {  	[sflag:s20] =	ssyncset.done $0x0  }
0x1ea: {  	[sflag:s20] =	ssyncadd.s32 $0xFFFFC000  }
0x1eb: {  	s9 =	simm.s32 $0x0;
	_ =	swait.ge [sflag:s21], $0x4000  }
0x1ec: {  	v1 =	vmov s9;
	[sflag:s21] =	ssyncset.done $0x0  }
0x1ed: {  	v1 =	vand.u32 $0x7C, v1;
	[sflag:s21] =	ssyncadd.s32 $0xFFFFC000  }
0x1ee: {  	v1 =	vor.u32 $0xD00, v1;
	_ =	swait.ge [sflag:s29], $0x400  }
0x1ef: {  	s12 =	sadd.s32 s12, s17;
	v1 =	vbroadcast v1, $0x0;
	[sflag:s29] =	ssyncset.done $0x0  }
0x1f0: {  	s3 =	sshrl.u32 s12, $0x3;
	[sflag:s29] =	ssyncadd.s32 $0xFFFFFC00  }
0x1f1: {  	[tilespmem:s31], [sflag:$0x5] =	stream.indirect.gather [hbm4b:s1+s30], $0x80, s9, s30, $0xb8;
	[tilespmem:$0x1C880] =	vst v63  }
0x1f2: {  	s12 =	simm.s32 $0x5100;
	s3 =	sadd.s32 s5, s3  }
0x1f3: {  	[tilespmem:s28], [sflag:$0x2] =	stream.linear.gather [hbm4b:s3+s9], $0x400, $0x38;
	[tilespmem:$0x1C880] =	vst v63  }
0x1f4: {  	v3 =	vld [tilespmem:s12+$0xFFFFFF70]  }
0x1f5: {  	v1 =	vld.idx.msk [tilespmem:v1+s4+$0x0], $0xffff  }
0x1f6: {  	v4 =	vld [tilespmem:s12+$0xFFFFFF00]  }
0x1f7: {  	v5 =	vld [tilespmem:s12+$0xFFFFFF20]  }
0x1f8: {  	v6 =	vld [tilespmem:s12+$0xFFFFFF30]  }
0x1f9: {  	v2 =	vld [tilespmem:s12+$0xFFFFFF50]  }
0x1fa: {  	s13 =	simm.s32 $0x1;
	v8 =	vld [tilespmem:s12+$0xFFFFFF10];
	v3 =	vmul.f32 v1, v3  }
0x1fb: {  	v61 =	vmov s13;
	v7 =	vld [tilespmem:s12+$0xFFFFFF60];
	v4 =	vmul.f32 v1, v4  }
0x1fc: {  	v60 =	vld [tilespmem:s12+$0xFFFFFF40];
	v5 =	vmul.f32 v1, v5;
	[tilespmem:s12+$0xFFFFFF70] =	vst v3;
	v3 =	vand.u32 $0x7D, v61  }
0x1fd: {  	v6 =	vmul.f32 v1, v6;
	[tilespmem:s12+$0xFFFFFF00] =	vst v4;
	v3 =	vor.u32 $0xD00, v3  }
0x1fe: {  	v2 =	vmul.f32 v1, v2;
	[tilespmem:s12+$0xFFFFFF20] =	vst v5;
	v3 =	vbroadcast v3, $0x0  }
0x1ff: {  	v4 =	vmul.f32 v1, v8;
	[tilespmem:s12+$0xFFFFFF30] =	vst v6  }
0x200: {  	v5 =	vmul.f32 v1, v7;
	[tilespmem:s12+$0xFFFFFF50] =	vst v2  }
0x201: {  	v1 =	vmul.f32 v1, v60;
	[tilespmem:s12+$0xFFFFFF10] =	vst v4  }
0x202: {  	[tilespmem:s12+$0xFFFFFF60] =	vst v5  }
0x203: {  	[tilespmem:s12+$0xFFFFFF40] =	vst v1;
	v1 =	vld [tilespmem:s12+$0xFFFFFF80]  }
0x204: {  	v3 =	vld.idx.msk [tilespmem:v3+s4+$0x0], $0xffff  }
0x205: {  	v2 =	vld [tilespmem:s12+$0xFFFFFFA0]  }
0x206: {  	v4 =	vld [tilespmem:s12+$0xFFFFFFF0]  }
0x207: {  	v5 =	vld [tilespmem:s12+$0xFFFFFFC0]  }
0x208: {  	v6 =	vld [tilespmem:s12+$0xFFFFFF90]  }
0x209: {  	s24 =	simm.s32 $0x2;
	v7 =	vld [tilespmem:s12+$0xFFFFFFD0];
	v1 =	vmul.f32 v3, v1  }
0x20a: {  	v62 =	vmov s24;
	v8 =	vld [tilespmem:s12+$0xFFFFFFB0];
	v2 =	vmul.f32 v3, v2  }
0x20b: {  	v63 =	vld [tilespmem:s12+$0xFFFFFFE0];
	v4 =	vmul.f32 v3, v4;
	[tilespmem:s12+$0xFFFFFF80] =	vst v1;
	v1 =	vand.u32 $0x7E, v62  }
0x20c: {  	v5 =	vmul.f32 v3, v5;
	[tilespmem:s12+$0xFFFFFFA0] =	vst v2;
	v1 =	vor.u32 $0xD00, v1  }
0x20d: {  	v2 =	vmul.f32 v3, v6;
	[tilespmem:s12+$0xFFFFFFF0] =	vst v4;
	v4 =	vbroadcast v1, $0x0  }
0x20e: {  	v6 =	vmul.f32 v3, v7;
	[tilespmem:s12+$0xFFFFFFC0] =	vst v5;
	v7 =	vld [tilespmem:s12+$0x30]  }
0x20f: {  	v5 =	vmul.f32 v3, v8;
	v1 =	vld [tilespmem:s12+$0x60];
	[tilespmem:s12+$0xFFFFFF90] =	vst v2  }
0x210: {  	v3 =	vmul.f32 v3, v63;
	v2 =	vld [tilespmem:s12+$0x70];
	[tilespmem:s12+$0xFFFFFFD0] =	vst v6  }
0x211: {  	[tilespmem:s12+$0xFFFFFFB0] =	vst v5;
	v6 =	vld [tilespmem:s12+$0x20]  }
0x212: {  	[tilespmem:s12+$0xFFFFFFE0] =	vst v3;
	v5 =	vld [tilespmem:s12+$0x0]  }
0x213: {  	v3 =	vld.idx.msk [tilespmem:v4+s4+$0x0], $0xffff  }
0x214: {  	s13 =	simm.s32 $0x5100;
	s3 =	simm.s32 $0x4;
	v4 =	vld [tilespmem:s12+$0x10]  }
.LBB2_11:
0x215: {  	p1 =	sne.s32 s3, $0x7C  }
0x216: {  	v8 =	vld [tilespmem:s12+$0x50];
	s13 =	sadd.s32 $0x200, s13;
	s6 =	smov.u32 s3;
	s3 =	sadd.s32 $0x4, s3  }
0x217: {  	v9 =	vld [tilespmem:s12+$0x40];
	_ =	sdelay $0x1  }
0x218: {  	s8 =	sadd.s32 $0x3, s9;
	s9 =	smov.u32 s6;
	v7 =	vmul.f32 v3, v7;
	v5 =	vmul.f32 v3, v5  }
0x219: {  	v10 =	vmov s8;
	v6 =	vmul.f32 v3, v6;
	v4 =	vmul.f32 v3, v4  }
0x21a: {  	v1 =	vmul.f32 v3, v1;
	v2 =	vmul.f32 v3, v2;
	[tilespmem:s12+$0x30] =	vst v7;
	v7 =	vand.u32 $0x7F, v10  }
0x21b: {  	[tilespmem:s12+$0x20] =	vst v6;
	v6 =	vmul.f32 v3, v9;
	v3 =	vmul.f32 v3, v8;
	v7 =	vor.u32 $0xD00, v7  }
0x21c: {  	[tilespmem:s12+$0x70] =	vst v2;
	v7 =	vbroadcast v7, $0x0;
	v8 =	vld [tilespmem:s12+$0x80]  }
0x21d: {  	[tilespmem:s12+$0x60] =	vst v1;
	v9 =	vld [tilespmem:s12+$0xF0]  }
0x21e: {  	v1 =	vld [tilespmem:s13+$0x60];
	[tilespmem:s12+$0x50] =	vst v3  }
0x21f: {  	v2 =	vld [tilespmem:s13+$0x70];
	[tilespmem:s12+$0x40] =	vst v6  }
0x220: {  	[tilespmem:s12+$0x0] =	vst v5;
	v3 =	vld [tilespmem:s12+$0xD0]  }
0x221: {  	[tilespmem:s12+$0x10] =	vst v4;
	v4 =	vld [tilespmem:s12+$0xB0]  }
0x222: {  	v5 =	vld.idx.msk [tilespmem:v7+s4+$0x0], $0xffff  }
0x223: {  	v6 =	vld [tilespmem:s12+$0x90]  }
0x224: {  	v7 =	vld [tilespmem:s12+$0xA0]  }
0x225: {  	v10 =	vld [tilespmem:s12+$0xC0]  }
0x226: {  	v11 =	vld [tilespmem:s12+$0xE0];
	_ =	sdelay $0x1  }
0x227: {  	v8 =	vmul.f32 v5, v8;
	v6 =	vmul.f32 v5, v6  }
0x228: {  	v12 =	vmov s9;
	v4 =	vmul.f32 v5, v4;
	v7 =	vmul.f32 v5, v7  }
0x229: {  	v12 =	vand.u32 $0x7C, v12;
	v3 =	vmul.f32 v5, v3;
	[tilespmem:s12+$0x80] =	vst v8;
	v8 =	vmul.f32 v5, v10  }
0x22a: {  	v10 =	vor.u32 $0xD00, v12;
	[tilespmem:s12+$0xB0] =	vst v4;
	v4 =	vmul.f32 v5, v11;
	v5 =	vmul.f32 v5, v9  }
0x22b: {  	v9 =	vbroadcast v10, $0x0;
	[tilespmem:s12+$0xA0] =	vst v7  }
0x22c: {  	[tilespmem:s12+$0xD0] =	vst v3  }
0x22d: {  	v3 =	vld [tilespmem:s13+$0xFFFFFF50];
	[tilespmem:s12+$0xF0] =	vst v5  }
0x22e: {  	v5 =	vld [tilespmem:s13+$0xFFFFFF30];
	[tilespmem:s12+$0x90] =	vst v6  }
0x22f: {  	v6 =	vld [tilespmem:s13+$0xFFFFFF60];
	[tilespmem:s12+$0xC0] =	vst v8  }
0x230: {  	v7 =	vld [tilespmem:s13+$0xFFFFFF70];
	[tilespmem:s12+$0xE0] =	vst v4;
	s12 =	smov.u32 s13  }
0x231: {  	v4 =	vld.idx.msk [tilespmem:v9+s4+$0x0], $0xffff  }
0x232: {  	v8 =	vld [tilespmem:s13+$0xFFFFFF00]  }
0x233: {  	v9 =	vld [tilespmem:s13+$0xFFFFFF20]  }
0x234: {  	v10 =	vld [tilespmem:s13+$0xFFFFFF10]  }
0x235: {  	v11 =	vld [tilespmem:s13+$0xFFFFFF40];
	_ =	sdelay $0x1  }
0x236: {  	s6 =	sadd.s32 $0x1, s9;
	v7 =	vmul.f32 v4, v7;
	v8 =	vmul.f32 v4, v8  }
0x237: {  	v12 =	vmov s6;
	v6 =	vmul.f32 v4, v6;
	v9 =	vmul.f32 v4, v9  }
0x238: {  	v5 =	vmul.f32 v4, v5;
	v10 =	vmul.f32 v4, v10;
	[tilespmem:s13+$0xFFFFFF70] =	vst v7;
	v7 =	vand.u32 $0x7D, v12  }
0x239: {  	v3 =	vmul.f32 v4, v3;
	[tilespmem:s13+$0xFFFFFF00] =	vst v8;
	v8 =	vmul.f32 v4, v11;
	v4 =	vor.u32 $0xD00, v7  }
0x23a: {  	[tilespmem:s13+$0xFFFFFF20] =	vst v9;
	v4 =	vbroadcast v4, $0x0  }
0x23b: {  	[tilespmem:s13+$0xFFFFFF30] =	vst v5  }
0x23c: {  	[tilespmem:s13+$0xFFFFFF50] =	vst v3;
	v3 =	vld [tilespmem:s13+$0xFFFFFFD0]  }
0x23d: {  	[tilespmem:s13+$0xFFFFFF10] =	vst v10;
	v5 =	vld [tilespmem:s13+$0xFFFFFFE0]  }
0x23e: {  	[tilespmem:s13+$0xFFFFFF60] =	vst v6;
	v6 =	vld [tilespmem:s13+$0xFFFFFFB0]  }
0x23f: {  	[tilespmem:s13+$0xFFFFFF40] =	vst v8;
	v7 =	vld [tilespmem:s13+$0xFFFFFFF0]  }
0x240: {  	v4 =	vld.idx.msk [tilespmem:v4+s4+$0x0], $0xffff  }
0x241: {  	v8 =	vld [tilespmem:s13+$0xFFFFFF80]  }
0x242: {  	v9 =	vld [tilespmem:s13+$0xFFFFFFA0]  }
0x243: {  	v10 =	vld [tilespmem:s13+$0xFFFFFFC0]  }
0x244: {  	v11 =	vld [tilespmem:s13+$0xFFFFFF90];
	_ =	sdelay $0x1  }
0x245: {  	s6 =	sadd.s32 $0x2, s9;
	v7 =	vmul.f32 v4, v7;
	v8 =	vmul.f32 v4, v8  }
0x246: {  	v12 =	vmov s6;
	v6 =	vmul.f32 v4, v6;
	v9 =	vmul.f32 v4, v9  }
0x247: {  	v5 =	vmul.f32 v4, v5;
	[tilespmem:s13+$0xFFFFFF80] =	vst v8;
	v8 =	vmul.f32 v4, v10;
	v10 =	vand.u32 $0x7E, v12  }
0x248: {  	v3 =	vmul.f32 v4, v3;
	v11 =	vmul.f32 v4, v11;
	[tilespmem:s13+$0xFFFFFFA0] =	vst v9;
	v4 =	vor.u32 $0xD00, v10  }
0x249: {  	[tilespmem:s13+$0xFFFFFFF0] =	vst v7;
	v4 =	vbroadcast v4, $0x0  }
0x24a: {  	[tilespmem:s13+$0xFFFFFFC0] =	vst v8  }
0x24b: {  	[tilespmem:s13+$0xFFFFFF90] =	vst v11  }
0x24c: {  	[tilespmem:s13+$0xFFFFFFD0] =	vst v3  }
.Ltmp4:
0x24d: {  	[tilespmem:s13+$0xFFFFFFB0] =	vst v6;
	v7 =	vld [tilespmem:s13+$0x30];
	(pc) =	sbr.rel @p1 .LBB2_11-.Ltmp4, $4  }
0x24e: {  	[tilespmem:s13+$0xFFFFFFE0] =	vst v5;
	v6 =	vld [tilespmem:s13+$0x20]  }
0x24f: {  	v3 =	vld.idx.msk [tilespmem:v4+s4+$0x0], $0xffff  }
0x250: {  	v5 =	vld [tilespmem:s13+$0x0]  }
0x251: {  	v4 =	vld [tilespmem:s13+$0x10]  }
0x252: {  	_ =	sdelay $0x1  }
0x253: {  	v8 =	vld [tilespmem:s12+$0x50];
	s3 =	sadd.s32 $0x3, s9;
	v7 =	vmul.f32 v3, v7  }
0x254: {  	v9 =	vld [tilespmem:s12+$0x40];
	v10 =	vmov s3;
	v2 =	vmul.f32 v3, v2  }
0x255: {  	v54 =	vand.u32 $0x7F, v10;
	v1 =	vmul.f32 v3, v1;
	[tilespmem:s12+$0x30] =	vst v7  }
0x256: {  	v6 =	vmul.f32 v3, v6;
	v7 =	vor.u32 $0xD00, v54;
	[tilespmem:s12+$0x70] =	vst v2  }
0x257: {  	[tilespmem:s12+$0x60] =	vst v1;
	v1 =	vmul.f32 v3, v5;
	v55 =	vbroadcast v7, $0x0  }
0x258: {  	[tilespmem:s12+$0x20] =	vst v6;
	v2 =	vmul.f32 v3, v8  }
0x259: {  	v57 =	vmul.f32 v3, v9;
	[tilespmem:s12+$0x0] =	vst v1  }
0x25a: {  	[tilespmem:s12+$0x50] =	vst v2;
	v2 =	vmul.f32 v3, v4  }
0x25b: {  	[tilespmem:s12+$0x40] =	vst v57  }
0x25c: {  	v56 =	vld [tilespmem:s12+$0x80];
	[tilespmem:s12+$0x10] =	vst v2  }
0x25d: {  	v1 =	vld.idx.msk [tilespmem:v55+s4+$0x0], $0xffff  }
0x25e: {  	v2 =	vld [tilespmem:s12+$0xB0]  }
0x25f: {  	v3 =	vld [tilespmem:s12+$0xA0]  }
0x260: {  	v58 =	vld [tilespmem:s12+$0xD0]  }
0x261: {  	v61 =	vld [tilespmem:s12+$0xC0]  }
0x262: {  	v59 =	vld [tilespmem:s12+$0xF0];
	v7 =	vmul.f32 v1, v56  }
0x263: {  	v60 =	vld [tilespmem:s12+$0x90];
	v2 =	vmul.f32 v1, v2  }
0x264: {  	v62 =	vld [tilespmem:s12+$0xE0];
	v3 =	vmul.f32 v1, v3;
	[tilespmem:s12+$0x80] =	vst v7  }
0x265: {  	v4 =	vmul.f32 v1, v58;
	[tilespmem:s12+$0xB0] =	vst v2  }
0x266: {  	s11 =	sadd.s32 $0x1, s11;
	v63 =	vmul.f32 v1, v61;
	[tilespmem:s12+$0xA0] =	vst v3  }
0x267: {  	p1 =	sne.s32 s11, $0x13;
	v2 =	vmul.f32 v1, v59;
	[tilespmem:s12+$0xD0] =	vst v4  }
.Ltmp5:
0x268: {  	v3 =	vmul.f32 v1, v60;
	[tilespmem:s12+$0xC0] =	vst v63;
	(pc) =	sbr.rel @p1 .LBB2_4-.Ltmp5, $4  }
0x269: {  	v1 =	vmul.f32 v1, v62;
	[tilespmem:s12+$0xF0] =	vst v2  }
0x26a: {  	[tilespmem:s12+$0x90] =	vst v3  }
0x26b: {  	s24 =	simm.s32 $0xC80;
	[tilespmem:s12+$0xE0] =	vst v1  }
0x26c: {  	[spmem:s2] =	stream.indirect.scatter.add.f32 [tilespmem:s0], [sflag:$0x8], $0x80, s24, s30, $0xb8;
	[tilespmem:$0x1C880] =	vst v63  }
0x26d: {  	_ =	swait.ge [sflag:s7], $0x4000  }
0x26e: {  	[sflag:s7] =	ssyncset.done $0x0  }
0x26f: {  	[sflag:s7] =	ssyncadd.s32 $0xFFFFC000  }
0x270: {  	s9 =	simm.s32 $0x0;
	_ =	swait.ge [sflag:s25], $0x4000  }
0x271: {  	v1 =	vmov s9;
	[sflag:s25] =	ssyncset.done $0x0  }
0x272: {  	v1 =	vand.u32 $0x7C, v1;
	[sflag:s25] =	ssyncadd.s32 $0xFFFFC000  }
0x273: {  	v1 =	vor.u32 $0x100, v1;
	_ =	swait.ge [sflag:s18], $0x400  }
0x274: {  	v1 =	vbroadcast v1, $0x0;
	[sflag:s18] =	ssyncset.done $0x0  }
0x275: {  	[sflag:s18] =	ssyncadd.s32 $0xFFFFFC00  }
0x276: {  	[tilespmem:s0], [sflag:$0x6] =	stream.indirect.gather [hbm4b:s1+s30], $0x80, s28, s30, $0xb8;
	[tilespmem:$0x1C880] =	vst v63  }
0x277: {  	s10 =	simm.s32 $0x1100;
	s3 =	rddreg [dreg:$0x11]  }
0x278: {  	[tilespmem:s19], [sflag:$0x3] =	stream.linear.gather [hbm4b:s3+s9], $0x400, $0x38;
	[tilespmem:$0x1C880] =	vst v63  }
0x279: {  	v3 =	vld [tilespmem:s10+$0xFFFFFF70]  }
0x27a: {  	v1 =	vld.idx.msk [tilespmem:v1+s4+$0x0], $0xffff  }
0x27b: {  	v4 =	vld [tilespmem:s10+$0xFFFFFF00]  }
0x27c: {  	v5 =	vld [tilespmem:s10+$0xFFFFFF20]  }
0x27d: {  	v6 =	vld [tilespmem:s10+$0xFFFFFF30]  }
0x27e: {  	v2 =	vld [tilespmem:s10+$0xFFFFFF50]  }
0x27f: {  	s13 =	simm.s32 $0x1;
	v8 =	vld [tilespmem:s10+$0xFFFFFF10];
	v3 =	vmul.f32 v1, v3  }
0x280: {  	v10 =	vmov s13;
	v7 =	vld [tilespmem:s10+$0xFFFFFF60];
	v4 =	vmul.f32 v1, v4  }
0x281: {  	v9 =	vld [tilespmem:s10+$0xFFFFFF40];
	v5 =	vmul.f32 v1, v5;
	[tilespmem:s10+$0xFFFFFF70] =	vst v3;
	v3 =	vand.u32 $0x7D, v10  }
0x282: {  	v6 =	vmul.f32 v1, v6;
	[tilespmem:s10+$0xFFFFFF00] =	vst v4;
	v3 =	vor.u32 $0x100, v3  }
0x283: {  	v2 =	vmul.f32 v1, v2;
	[tilespmem:s10+$0xFFFFFF20] =	vst v5;
	v3 =	vbroadcast v3, $0x0  }
0x284: {  	v4 =	vmul.f32 v1, v8;
	[tilespmem:s10+$0xFFFFFF30] =	vst v6  }
0x285: {  	v5 =	vmul.f32 v1, v7;
	[tilespmem:s10+$0xFFFFFF50] =	vst v2  }
0x286: {  	v1 =	vmul.f32 v1, v9;
	[tilespmem:s10+$0xFFFFFF10] =	vst v4  }
0x287: {  	[tilespmem:s10+$0xFFFFFF60] =	vst v5  }
0x288: {  	[tilespmem:s10+$0xFFFFFF40] =	vst v1;
	v1 =	vld [tilespmem:s10+$0xFFFFFF80]  }
0x289: {  	v3 =	vld.idx.msk [tilespmem:v3+s4+$0x0], $0xffff  }
0x28a: {  	v2 =	vld [tilespmem:s10+$0xFFFFFFA0]  }
0x28b: {  	v4 =	vld [tilespmem:s10+$0xFFFFFFF0]  }
0x28c: {  	v5 =	vld [tilespmem:s10+$0xFFFFFFC0]  }
0x28d: {  	v6 =	vld [tilespmem:s10+$0xFFFFFF90]  }
0x28e: {  	s24 =	simm.s32 $0x2;
	v7 =	vld [tilespmem:s10+$0xFFFFFFD0];
	v1 =	vmul.f32 v3, v1  }
0x28f: {  	v62 =	vmov s24;
	v8 =	vld [tilespmem:s10+$0xFFFFFFB0];
	v2 =	vmul.f32 v3, v2  }
0x290: {  	v63 =	vld [tilespmem:s10+$0xFFFFFFE0];
	v4 =	vmul.f32 v3, v4;
	[tilespmem:s10+$0xFFFFFF80] =	vst v1;
	v1 =	vand.u32 $0x7E, v62  }
0x291: {  	v5 =	vmul.f32 v3, v5;
	[tilespmem:s10+$0xFFFFFFA0] =	vst v2;
	v1 =	vor.u32 $0x100, v1  }
0x292: {  	v2 =	vmul.f32 v3, v6;
	[tilespmem:s10+$0xFFFFFFF0] =	vst v4;
	v4 =	vbroadcast v1, $0x0  }
0x293: {  	v6 =	vmul.f32 v3, v7;
	[tilespmem:s10+$0xFFFFFFC0] =	vst v5;
	v7 =	vld [tilespmem:s10+$0x30]  }
0x294: {  	v5 =	vmul.f32 v3, v8;
	v1 =	vld [tilespmem:s10+$0x60];
	[tilespmem:s10+$0xFFFFFF90] =	vst v2  }
0x295: {  	v3 =	vmul.f32 v3, v63;
	v2 =	vld [tilespmem:s10+$0x70];
	[tilespmem:s10+$0xFFFFFFD0] =	vst v6  }
0x296: {  	[tilespmem:s10+$0xFFFFFFB0] =	vst v5;
	v6 =	vld [tilespmem:s10+$0x20]  }
0x297: {  	[tilespmem:s10+$0xFFFFFFE0] =	vst v3;
	v5 =	vld [tilespmem:s10+$0x0]  }
0x298: {  	v3 =	vld.idx.msk [tilespmem:v4+s4+$0x0], $0xffff  }
0x299: {  	s11 =	simm.s32 $0x1100;
	s3 =	simm.s32 $0x4;
	v4 =	vld [tilespmem:s10+$0x10]  }
.LBB2_14:
0x29a: {  	p1 =	sne.s32 s3, $0x7C  }
0x29b: {  	v8 =	vld [tilespmem:s10+$0x50];
	s11 =	sadd.s32 $0x200, s11;
	s6 =	smov.u32 s3;
	s3 =	sadd.s32 $0x4, s3  }
0x29c: {  	v9 =	vld [tilespmem:s10+$0x40];
	_ =	sdelay $0x1  }
0x29d: {  	s8 =	sadd.s32 $0x3, s9;
	s9 =	smov.u32 s6;
	v7 =	vmul.f32 v3, v7;
	v5 =	vmul.f32 v3, v5  }
0x29e: {  	v10 =	vmov s8;
	v6 =	vmul.f32 v3, v6;
	v4 =	vmul.f32 v3, v4  }
0x29f: {  	v1 =	vmul.f32 v3, v1;
	v2 =	vmul.f32 v3, v2;
	[tilespmem:s10+$0x30] =	vst v7;
	v7 =	vand.u32 $0x7F, v10  }
0x2a0: {  	[tilespmem:s10+$0x20] =	vst v6;
	v6 =	vmul.f32 v3, v9;
	v3 =	vmul.f32 v3, v8;
	v7 =	vor.u32 $0x100, v7  }
0x2a1: {  	[tilespmem:s10+$0x70] =	vst v2;
	v7 =	vbroadcast v7, $0x0;
	v8 =	vld [tilespmem:s10+$0x80]  }
0x2a2: {  	[tilespmem:s10+$0x60] =	vst v1;
	v9 =	vld [tilespmem:s10+$0xF0]  }
0x2a3: {  	v1 =	vld [tilespmem:s11+$0x60];
	[tilespmem:s10+$0x50] =	vst v3  }
0x2a4: {  	v2 =	vld [tilespmem:s11+$0x70];
	[tilespmem:s10+$0x40] =	vst v6  }
0x2a5: {  	[tilespmem:s10+$0x0] =	vst v5;
	v3 =	vld [tilespmem:s10+$0xD0]  }
0x2a6: {  	[tilespmem:s10+$0x10] =	vst v4;
	v4 =	vld [tilespmem:s10+$0xB0]  }
0x2a7: {  	v5 =	vld.idx.msk [tilespmem:v7+s4+$0x0], $0xffff  }
0x2a8: {  	v6 =	vld [tilespmem:s10+$0x90]  }
0x2a9: {  	v7 =	vld [tilespmem:s10+$0xA0]  }
0x2aa: {  	v10 =	vld [tilespmem:s10+$0xC0]  }
0x2ab: {  	v11 =	vld [tilespmem:s10+$0xE0];
	_ =	sdelay $0x1  }
0x2ac: {  	v8 =	vmul.f32 v5, v8;
	v6 =	vmul.f32 v5, v6  }
0x2ad: {  	v12 =	vmov s9;
	v4 =	vmul.f32 v5, v4;
	v7 =	vmul.f32 v5, v7  }
0x2ae: {  	v12 =	vand.u32 $0x7C, v12;
	v3 =	vmul.f32 v5, v3;
	[tilespmem:s10+$0x80] =	vst v8;
	v8 =	vmul.f32 v5, v10  }
0x2af: {  	v10 =	vor.u32 $0x100, v12;
	[tilespmem:s10+$0xB0] =	vst v4;
	v4 =	vmul.f32 v5, v11;
	v5 =	vmul.f32 v5, v9  }
0x2b0: {  	v9 =	vbroadcast v10, $0x0;
	[tilespmem:s10+$0xA0] =	vst v7  }
0x2b1: {  	[tilespmem:s10+$0xD0] =	vst v3  }
0x2b2: {  	v3 =	vld [tilespmem:s11+$0xFFFFFF50];
	[tilespmem:s10+$0xF0] =	vst v5  }
0x2b3: {  	v5 =	vld [tilespmem:s11+$0xFFFFFF30];
	[tilespmem:s10+$0x90] =	vst v6  }
0x2b4: {  	v6 =	vld [tilespmem:s11+$0xFFFFFF60];
	[tilespmem:s10+$0xC0] =	vst v8  }
0x2b5: {  	v7 =	vld [tilespmem:s11+$0xFFFFFF70];
	[tilespmem:s10+$0xE0] =	vst v4;
	s10 =	smov.u32 s11  }
0x2b6: {  	v4 =	vld.idx.msk [tilespmem:v9+s4+$0x0], $0xffff  }
0x2b7: {  	v8 =	vld [tilespmem:s11+$0xFFFFFF00]  }
0x2b8: {  	v9 =	vld [tilespmem:s11+$0xFFFFFF20]  }
0x2b9: {  	v10 =	vld [tilespmem:s11+$0xFFFFFF10]  }
0x2ba: {  	v11 =	vld [tilespmem:s11+$0xFFFFFF40];
	_ =	sdelay $0x1  }
0x2bb: {  	s6 =	sadd.s32 $0x1, s9;
	v7 =	vmul.f32 v4, v7;
	v8 =	vmul.f32 v4, v8  }
0x2bc: {  	v12 =	vmov s6;
	v6 =	vmul.f32 v4, v6;
	v9 =	vmul.f32 v4, v9  }
0x2bd: {  	v5 =	vmul.f32 v4, v5;
	v10 =	vmul.f32 v4, v10;
	[tilespmem:s11+$0xFFFFFF70] =	vst v7;
	v7 =	vand.u32 $0x7D, v12  }
0x2be: {  	v3 =	vmul.f32 v4, v3;
	[tilespmem:s11+$0xFFFFFF00] =	vst v8;
	v8 =	vmul.f32 v4, v11;
	v4 =	vor.u32 $0x100, v7  }
0x2bf: {  	[tilespmem:s11+$0xFFFFFF20] =	vst v9;
	v4 =	vbroadcast v4, $0x0  }
0x2c0: {  	[tilespmem:s11+$0xFFFFFF30] =	vst v5  }
0x2c1: {  	[tilespmem:s11+$0xFFFFFF50] =	vst v3;
	v3 =	vld [tilespmem:s11+$0xFFFFFFD0]  }
0x2c2: {  	[tilespmem:s11+$0xFFFFFF10] =	vst v10;
	v5 =	vld [tilespmem:s11+$0xFFFFFFE0]  }
0x2c3: {  	[tilespmem:s11+$0xFFFFFF60] =	vst v6;
	v6 =	vld [tilespmem:s11+$0xFFFFFFB0]  }
0x2c4: {  	[tilespmem:s11+$0xFFFFFF40] =	vst v8;
	v7 =	vld [tilespmem:s11+$0xFFFFFFF0]  }
0x2c5: {  	v4 =	vld.idx.msk [tilespmem:v4+s4+$0x0], $0xffff  }
0x2c6: {  	v8 =	vld [tilespmem:s11+$0xFFFFFF80]  }
0x2c7: {  	v9 =	vld [tilespmem:s11+$0xFFFFFFA0]  }
0x2c8: {  	v10 =	vld [tilespmem:s11+$0xFFFFFFC0]  }
0x2c9: {  	v11 =	vld [tilespmem:s11+$0xFFFFFF90];
	_ =	sdelay $0x1  }
0x2ca: {  	s6 =	sadd.s32 $0x2, s9;
	v7 =	vmul.f32 v4, v7;
	v8 =	vmul.f32 v4, v8  }
0x2cb: {  	v12 =	vmov s6;
	v6 =	vmul.f32 v4, v6;
	v9 =	vmul.f32 v4, v9  }
0x2cc: {  	v5 =	vmul.f32 v4, v5;
	[tilespmem:s11+$0xFFFFFF80] =	vst v8;
	v8 =	vmul.f32 v4, v10;
	v10 =	vand.u32 $0x7E, v12  }
0x2cd: {  	v3 =	vmul.f32 v4, v3;
	v11 =	vmul.f32 v4, v11;
	[tilespmem:s11+$0xFFFFFFA0] =	vst v9;
	v4 =	vor.u32 $0x100, v10  }
0x2ce: {  	[tilespmem:s11+$0xFFFFFFF0] =	vst v7;
	v4 =	vbroadcast v4, $0x0  }
0x2cf: {  	[tilespmem:s11+$0xFFFFFFC0] =	vst v8  }
0x2d0: {  	[tilespmem:s11+$0xFFFFFF90] =	vst v11  }
0x2d1: {  	[tilespmem:s11+$0xFFFFFFD0] =	vst v3  }
.Ltmp6:
0x2d2: {  	[tilespmem:s11+$0xFFFFFFB0] =	vst v6;
	v7 =	vld [tilespmem:s11+$0x30];
	(pc) =	sbr.rel @p1 .LBB2_14-.Ltmp6, $4  }
0x2d3: {  	[tilespmem:s11+$0xFFFFFFE0] =	vst v5;
	v6 =	vld [tilespmem:s11+$0x20]  }
0x2d4: {  	v3 =	vld.idx.msk [tilespmem:v4+s4+$0x0], $0xffff  }
0x2d5: {  	v5 =	vld [tilespmem:s11+$0x0]  }
0x2d6: {  	v4 =	vld [tilespmem:s11+$0x10]  }
0x2d7: {  	_ =	sdelay $0x1  }
0x2d8: {  	v8 =	vld [tilespmem:s10+$0x50];
	s3 =	sadd.s32 $0x3, s9;
	v7 =	vmul.f32 v3, v7  }
0x2d9: {  	v9 =	vld [tilespmem:s10+$0x40];
	v10 =	vmov s3;
	v6 =	vmul.f32 v3, v6  }
0x2da: {  	v1 =	vmul.f32 v3, v1;
	[tilespmem:s10+$0x30] =	vst v7;
	v7 =	vand.u32 $0x7F, v10  }
0x2db: {  	v2 =	vmul.f32 v3, v2;
	[tilespmem:s10+$0x20] =	vst v6;
	v7 =	vor.u32 $0x100, v7  }
0x2dc: {  	[tilespmem:s10+$0x60] =	vst v1;
	v1 =	vmul.f32 v3, v5;
	v6 =	vbroadcast v7, $0x0  }
0x2dd: {  	[tilespmem:s10+$0x70] =	vst v2;
	v2 =	vmul.f32 v3, v8  }
0x2de: {  	v8 =	vmul.f32 v3, v9;
	[tilespmem:s10+$0x0] =	vst v1  }
0x2df: {  	[tilespmem:s10+$0x50] =	vst v2;
	v2 =	vmul.f32 v3, v4  }
0x2e0: {  	[tilespmem:s10+$0x40] =	vst v8  }
0x2e1: {  	v7 =	vld [tilespmem:s10+$0x80];
	[tilespmem:s10+$0x10] =	vst v2  }
0x2e2: {  	v1 =	vld.idx.msk [tilespmem:v6+s4+$0x0], $0xffff  }
0x2e3: {  	v2 =	vld [tilespmem:s10+$0xB0]  }
0x2e4: {  	v3 =	vld [tilespmem:s10+$0xA0]  }
0x2e5: {  	v4 =	vld [tilespmem:s10+$0xD0]  }
0x2e6: {  	v5 =	vld [tilespmem:s10+$0xF0]  }
0x2e7: {  	v6 =	vld [tilespmem:s10+$0x90];
	v7 =	vmul.f32 v1, v7  }
0x2e8: {  	v8 =	vld [tilespmem:s10+$0xC0];
	v2 =	vmul.f32 v1, v2  }
0x2e9: {  	v59 =	vld [tilespmem:s10+$0xE0];
	v3 =	vmul.f32 v1, v3;
	[tilespmem:s10+$0x80] =	vst v7  }
0x2ea: {  	v4 =	vmul.f32 v1, v4;
	[tilespmem:s10+$0xB0] =	vst v2  }
0x2eb: {  	v2 =	vmul.f32 v1, v5;
	[tilespmem:s10+$0xA0] =	vst v3  }
0x2ec: {  	v3 =	vmul.f32 v1, v6;
	[tilespmem:s10+$0xD0] =	vst v4  }
0x2ed: {  	v4 =	vmul.f32 v1, v8;
	[tilespmem:s10+$0xF0] =	vst v2  }
0x2ee: {  	v1 =	vmul.f32 v1, v59;
	[tilespmem:s10+$0x90] =	vst v3  }
0x2ef: {  	[tilespmem:s10+$0xC0] =	vst v4  }
0x2f0: {  	[tilespmem:s10+$0xE0] =	vst v1  }
0x2f1: {  	[spmem:s2] =	stream.indirect.scatter.add.f32 [tilespmem:s31], [sflag:$0x7], $0x80, s30, s30, $0xb8;
	[tilespmem:$0x1C880] =	vst v63  }
0x2f2: {  	_ =	swait.ge [sflag:s20], $0x4000  }
0x2f3: {  	[sflag:s20] =	ssyncset.done $0x0  }
0x2f4: {  	[sflag:s20] =	ssyncadd.s32 $0xFFFFC000  }
0x2f5: {  	s9 =	simm.s32 $0x0;
	_ =	swait.ge [sflag:s21], $0x4000  }
0x2f6: {  	v1 =	vmov s9;
	[sflag:s21] =	ssyncset.done $0x0  }
0x2f7: {  	v1 =	vand.u32 $0x7C, v1;
	[sflag:s21] =	ssyncadd.s32 $0xFFFFC000  }
0x2f8: {  	v1 =	vor.u32 $0x500, v1;
	_ =	swait.ge [sflag:s22], $0x400  }
0x2f9: {  	v1 =	vbroadcast v1, $0x0;
	[sflag:s22] =	ssyncset.done $0x0  }
0x2fa: {  	[sflag:s22] =	ssyncadd.s32 $0xFFFFFC00  }
0x2fb: {  	[tilespmem:s31], [sflag:$0x5] =	stream.indirect.gather [hbm4b:s1+s30], $0x80, s19, s30, $0xb8;
	[tilespmem:$0x1C880] =	vst v63  }
0x2fc: {  	s10 =	simm.s32 $0x5100;
	s12 =	rddreg [dreg:$0x14]  }
0x2fd: {  	[tilespmem:s23], [sflag:$0x4] =	stream.linear.gather [hbm4b:s12+s9], $0x400, $0x38;
	[tilespmem:$0x1C880] =	vst v63  }
0x2fe: {  	v3 =	vld [tilespmem:s10+$0xFFFFFF70]  }
0x2ff: {  	v1 =	vld.idx.msk [tilespmem:v1+s4+$0x0], $0xffff  }
0x300: {  	v4 =	vld [tilespmem:s10+$0xFFFFFF00]  }
0x301: {  	v5 =	vld [tilespmem:s10+$0xFFFFFF20]  }
0x302: {  	v6 =	vld [tilespmem:s10+$0xFFFFFF30]  }
0x303: {  	v2 =	vld [tilespmem:s10+$0xFFFFFF50]  }
0x304: {  	s13 =	simm.s32 $0x1;
	v8 =	vld [tilespmem:s10+$0xFFFFFF10];
	v3 =	vmul.f32 v1, v3  }
0x305: {  	v61 =	vmov s13;
	v7 =	vld [tilespmem:s10+$0xFFFFFF60];
	v4 =	vmul.f32 v1, v4  }
0x306: {  	v60 =	vld [tilespmem:s10+$0xFFFFFF40];
	v5 =	vmul.f32 v1, v5;
	[tilespmem:s10+$0xFFFFFF70] =	vst v3;
	v3 =	vand.u32 $0x7D, v61  }
0x307: {  	v6 =	vmul.f32 v1, v6;
	[tilespmem:s10+$0xFFFFFF00] =	vst v4;
	v3 =	vor.u32 $0x500, v3  }
0x308: {  	v2 =	vmul.f32 v1, v2;
	[tilespmem:s10+$0xFFFFFF20] =	vst v5;
	v3 =	vbroadcast v3, $0x0  }
0x309: {  	v4 =	vmul.f32 v1, v8;
	[tilespmem:s10+$0xFFFFFF30] =	vst v6  }
0x30a: {  	v5 =	vmul.f32 v1, v7;
	[tilespmem:s10+$0xFFFFFF50] =	vst v2  }
0x30b: {  	v1 =	vmul.f32 v1, v60;
	[tilespmem:s10+$0xFFFFFF10] =	vst v4  }
0x30c: {  	[tilespmem:s10+$0xFFFFFF60] =	vst v5  }
0x30d: {  	[tilespmem:s10+$0xFFFFFF40] =	vst v1;
	v1 =	vld [tilespmem:s10+$0xFFFFFF80]  }
0x30e: {  	v3 =	vld.idx.msk [tilespmem:v3+s4+$0x0], $0xffff  }
0x30f: {  	v2 =	vld [tilespmem:s10+$0xFFFFFFA0]  }
0x310: {  	v4 =	vld [tilespmem:s10+$0xFFFFFFF0]  }
0x311: {  	v5 =	vld [tilespmem:s10+$0xFFFFFFC0]  }
0x312: {  	v6 =	vld [tilespmem:s10+$0xFFFFFF90]  }
0x313: {  	s24 =	simm.s32 $0x2;
	v7 =	vld [tilespmem:s10+$0xFFFFFFD0];
	v1 =	vmul.f32 v3, v1  }
0x314: {  	v62 =	vmov s24;
	v8 =	vld [tilespmem:s10+$0xFFFFFFB0];
	v2 =	vmul.f32 v3, v2  }
0x315: {  	v63 =	vld [tilespmem:s10+$0xFFFFFFE0];
	v4 =	vmul.f32 v3, v4;
	[tilespmem:s10+$0xFFFFFF80] =	vst v1;
	v1 =	vand.u32 $0x7E, v62  }
0x316: {  	v5 =	vmul.f32 v3, v5;
	[tilespmem:s10+$0xFFFFFFA0] =	vst v2;
	v1 =	vor.u32 $0x500, v1  }
0x317: {  	v2 =	vmul.f32 v3, v6;
	[tilespmem:s10+$0xFFFFFFF0] =	vst v4;
	v4 =	vbroadcast v1, $0x0  }
0x318: {  	v6 =	vmul.f32 v3, v7;
	[tilespmem:s10+$0xFFFFFFC0] =	vst v5;
	v7 =	vld [tilespmem:s10+$0x30]  }
0x319: {  	v5 =	vmul.f32 v3, v8;
	v1 =	vld [tilespmem:s10+$0x60];
	[tilespmem:s10+$0xFFFFFF90] =	vst v2  }
0x31a: {  	v3 =	vmul.f32 v3, v63;
	v2 =	vld [tilespmem:s10+$0x70];
	[tilespmem:s10+$0xFFFFFFD0] =	vst v6  }
0x31b: {  	[tilespmem:s10+$0xFFFFFFB0] =	vst v5;
	v6 =	vld [tilespmem:s10+$0x20]  }
0x31c: {  	[tilespmem:s10+$0xFFFFFFE0] =	vst v3;
	v5 =	vld [tilespmem:s10+$0x0]  }
0x31d: {  	v3 =	vld.idx.msk [tilespmem:v4+s4+$0x0], $0xffff  }
0x31e: {  	s11 =	simm.s32 $0x5100;
	s3 =	simm.s32 $0x4;
	s24 =	rddreg [dreg:$0x6];
	v4 =	vld [tilespmem:s10+$0x10]  }
.LBB2_16:
0x31f: {  	p1 =	sne.s32 s3, $0x7C  }
0x320: {  	v8 =	vld [tilespmem:s10+$0x50];
	s11 =	sadd.s32 $0x200, s11;
	s6 =	smov.u32 s3;
	s3 =	sadd.s32 $0x4, s3  }
0x321: {  	v9 =	vld [tilespmem:s10+$0x40];
	_ =	sdelay $0x1  }
0x322: {  	s8 =	sadd.s32 $0x3, s9;
	s9 =	smov.u32 s6;
	v7 =	vmul.f32 v3, v7;
	v5 =	vmul.f32 v3, v5  }
0x323: {  	v10 =	vmov s8;
	v6 =	vmul.f32 v3, v6;
	v4 =	vmul.f32 v3, v4  }
0x324: {  	v1 =	vmul.f32 v3, v1;
	v2 =	vmul.f32 v3, v2;
	[tilespmem:s10+$0x30] =	vst v7;
	v7 =	vand.u32 $0x7F, v10  }
0x325: {  	[tilespmem:s10+$0x20] =	vst v6;
	v6 =	vmul.f32 v3, v9;
	v3 =	vmul.f32 v3, v8;
	v7 =	vor.u32 $0x500, v7  }
0x326: {  	[tilespmem:s10+$0x70] =	vst v2;
	v7 =	vbroadcast v7, $0x0;
	v8 =	vld [tilespmem:s10+$0x80]  }
0x327: {  	[tilespmem:s10+$0x60] =	vst v1;
	v9 =	vld [tilespmem:s10+$0xF0]  }
0x328: {  	v1 =	vld [tilespmem:s11+$0x60];
	[tilespmem:s10+$0x50] =	vst v3  }
0x329: {  	v2 =	vld [tilespmem:s11+$0x70];
	[tilespmem:s10+$0x40] =	vst v6  }
0x32a: {  	[tilespmem:s10+$0x0] =	vst v5;
	v3 =	vld [tilespmem:s10+$0xD0]  }
0x32b: {  	[tilespmem:s10+$0x10] =	vst v4;
	v4 =	vld [tilespmem:s10+$0xB0]  }
0x32c: {  	v5 =	vld.idx.msk [tilespmem:v7+s4+$0x0], $0xffff  }
0x32d: {  	v6 =	vld [tilespmem:s10+$0x90]  }
0x32e: {  	v7 =	vld [tilespmem:s10+$0xA0]  }
0x32f: {  	v10 =	vld [tilespmem:s10+$0xC0]  }
0x330: {  	v11 =	vld [tilespmem:s10+$0xE0];
	_ =	sdelay $0x1  }
0x331: {  	v8 =	vmul.f32 v5, v8;
	v6 =	vmul.f32 v5, v6  }
0x332: {  	v12 =	vmov s9;
	v4 =	vmul.f32 v5, v4;
	v7 =	vmul.f32 v5, v7  }
0x333: {  	v12 =	vand.u32 $0x7C, v12;
	v3 =	vmul.f32 v5, v3;
	[tilespmem:s10+$0x80] =	vst v8;
	v8 =	vmul.f32 v5, v10  }
0x334: {  	v10 =	vor.u32 $0x500, v12;
	[tilespmem:s10+$0xB0] =	vst v4;
	v4 =	vmul.f32 v5, v11;
	v5 =	vmul.f32 v5, v9  }
0x335: {  	v9 =	vbroadcast v10, $0x0;
	[tilespmem:s10+$0xA0] =	vst v7  }
0x336: {  	[tilespmem:s10+$0xD0] =	vst v3  }
0x337: {  	v3 =	vld [tilespmem:s11+$0xFFFFFF50];
	[tilespmem:s10+$0xF0] =	vst v5  }
0x338: {  	v5 =	vld [tilespmem:s11+$0xFFFFFF30];
	[tilespmem:s10+$0x90] =	vst v6  }
0x339: {  	v6 =	vld [tilespmem:s11+$0xFFFFFF60];
	[tilespmem:s10+$0xC0] =	vst v8  }
0x33a: {  	v7 =	vld [tilespmem:s11+$0xFFFFFF70];
	[tilespmem:s10+$0xE0] =	vst v4;
	s10 =	smov.u32 s11  }
0x33b: {  	v4 =	vld.idx.msk [tilespmem:v9+s4+$0x0], $0xffff  }
0x33c: {  	v8 =	vld [tilespmem:s11+$0xFFFFFF00]  }
0x33d: {  	v9 =	vld [tilespmem:s11+$0xFFFFFF20]  }
0x33e: {  	v10 =	vld [tilespmem:s11+$0xFFFFFF10]  }
0x33f: {  	v11 =	vld [tilespmem:s11+$0xFFFFFF40];
	_ =	sdelay $0x1  }
0x340: {  	s6 =	sadd.s32 $0x1, s9;
	v7 =	vmul.f32 v4, v7;
	v8 =	vmul.f32 v4, v8  }
0x341: {  	v12 =	vmov s6;
	v6 =	vmul.f32 v4, v6;
	v9 =	vmul.f32 v4, v9  }
0x342: {  	v5 =	vmul.f32 v4, v5;
	v10 =	vmul.f32 v4, v10;
	[tilespmem:s11+$0xFFFFFF70] =	vst v7;
	v7 =	vand.u32 $0x7D, v12  }
0x343: {  	v3 =	vmul.f32 v4, v3;
	[tilespmem:s11+$0xFFFFFF00] =	vst v8;
	v8 =	vmul.f32 v4, v11;
	v4 =	vor.u32 $0x500, v7  }
0x344: {  	[tilespmem:s11+$0xFFFFFF20] =	vst v9;
	v4 =	vbroadcast v4, $0x0  }
0x345: {  	[tilespmem:s11+$0xFFFFFF30] =	vst v5  }
0x346: {  	[tilespmem:s11+$0xFFFFFF50] =	vst v3;
	v3 =	vld [tilespmem:s11+$0xFFFFFFD0]  }
0x347: {  	[tilespmem:s11+$0xFFFFFF10] =	vst v10;
	v5 =	vld [tilespmem:s11+$0xFFFFFFE0]  }
0x348: {  	[tilespmem:s11+$0xFFFFFF60] =	vst v6;
	v6 =	vld [tilespmem:s11+$0xFFFFFFB0]  }
0x349: {  	[tilespmem:s11+$0xFFFFFF40] =	vst v8;
	v7 =	vld [tilespmem:s11+$0xFFFFFFF0]  }
0x34a: {  	v4 =	vld.idx.msk [tilespmem:v4+s4+$0x0], $0xffff  }
0x34b: {  	v8 =	vld [tilespmem:s11+$0xFFFFFF80]  }
0x34c: {  	v9 =	vld [tilespmem:s11+$0xFFFFFFA0]  }
0x34d: {  	v10 =	vld [tilespmem:s11+$0xFFFFFFC0]  }
0x34e: {  	v11 =	vld [tilespmem:s11+$0xFFFFFF90];
	_ =	sdelay $0x1  }
0x34f: {  	s6 =	sadd.s32 $0x2, s9;
	v7 =	vmul.f32 v4, v7;
	v8 =	vmul.f32 v4, v8  }
0x350: {  	v12 =	vmov s6;
	v6 =	vmul.f32 v4, v6;
	v9 =	vmul.f32 v4, v9  }
0x351: {  	v5 =	vmul.f32 v4, v5;
	[tilespmem:s11+$0xFFFFFF80] =	vst v8;
	v8 =	vmul.f32 v4, v10;
	v10 =	vand.u32 $0x7E, v12  }
0x352: {  	v3 =	vmul.f32 v4, v3;
	v11 =	vmul.f32 v4, v11;
	[tilespmem:s11+$0xFFFFFFA0] =	vst v9;
	v4 =	vor.u32 $0x500, v10  }
0x353: {  	[tilespmem:s11+$0xFFFFFFF0] =	vst v7;
	v4 =	vbroadcast v4, $0x0  }
0x354: {  	[tilespmem:s11+$0xFFFFFFC0] =	vst v8  }
0x355: {  	[tilespmem:s11+$0xFFFFFF90] =	vst v11  }
0x356: {  	[tilespmem:s11+$0xFFFFFFD0] =	vst v3  }
.Ltmp7:
0x357: {  	[tilespmem:s11+$0xFFFFFFB0] =	vst v6;
	v7 =	vld [tilespmem:s11+$0x30];
	(pc) =	sbr.rel @p1 .LBB2_16-.Ltmp7, $4  }
0x358: {  	[tilespmem:s11+$0xFFFFFFE0] =	vst v5;
	v6 =	vld [tilespmem:s11+$0x20]  }
0x359: {  	v3 =	vld.idx.msk [tilespmem:v4+s4+$0x0], $0xffff  }
0x35a: {  	v5 =	vld [tilespmem:s11+$0x0]  }
0x35b: {  	v4 =	vld [tilespmem:s11+$0x10]  }
0x35c: {  	_ =	sdelay $0x1  }
0x35d: {  	v8 =	vld [tilespmem:s10+$0x50];
	s3 =	sadd.s32 $0x3, s9;
	v7 =	vmul.f32 v3, v7  }
0x35e: {  	v9 =	vld [tilespmem:s10+$0x40];
	v10 =	vmov s3;
	v6 =	vmul.f32 v3, v6  }
0x35f: {  	v1 =	vmul.f32 v3, v1;
	[tilespmem:s10+$0x30] =	vst v7;
	v7 =	vand.u32 $0x7F, v10  }
0x360: {  	v2 =	vmul.f32 v3, v2;
	[tilespmem:s10+$0x20] =	vst v6;
	v7 =	vor.u32 $0x500, v7  }
0x361: {  	[tilespmem:s10+$0x60] =	vst v1;
	v1 =	vmul.f32 v3, v5;
	v6 =	vbroadcast v7, $0x0  }
0x362: {  	[tilespmem:s10+$0x70] =	vst v2;
	v2 =	vmul.f32 v3, v8  }
0x363: {  	v8 =	vmul.f32 v3, v9;
	[tilespmem:s10+$0x0] =	vst v1  }
0x364: {  	[tilespmem:s10+$0x50] =	vst v2;
	v2 =	vmul.f32 v3, v4  }
0x365: {  	[tilespmem:s10+$0x40] =	vst v8  }
0x366: {  	v7 =	vld [tilespmem:s10+$0x80];
	[tilespmem:s10+$0x10] =	vst v2  }
0x367: {  	v1 =	vld.idx.msk [tilespmem:v6+s4+$0x0], $0xffff  }
0x368: {  	v2 =	vld [tilespmem:s10+$0xB0]  }
0x369: {  	v3 =	vld [tilespmem:s10+$0xA0]  }
0x36a: {  	v4 =	vld [tilespmem:s10+$0xD0]  }
0x36b: {  	v5 =	vld [tilespmem:s10+$0xF0]  }
0x36c: {  	v6 =	vld [tilespmem:s10+$0x90];
	v7 =	vmul.f32 v1, v7  }
0x36d: {  	v8 =	vld [tilespmem:s10+$0xC0];
	v2 =	vmul.f32 v1, v2  }
0x36e: {  	v59 =	vld [tilespmem:s10+$0xE0];
	v3 =	vmul.f32 v1, v3;
	[tilespmem:s10+$0x80] =	vst v7  }
0x36f: {  	v4 =	vmul.f32 v1, v4;
	[tilespmem:s10+$0xB0] =	vst v2  }
0x370: {  	v2 =	vmul.f32 v1, v5;
	[tilespmem:s10+$0xA0] =	vst v3  }
0x371: {  	v3 =	vmul.f32 v1, v6;
	[tilespmem:s10+$0xD0] =	vst v4  }
0x372: {  	v4 =	vmul.f32 v1, v8;
	[tilespmem:s10+$0xF0] =	vst v2  }
0x373: {  	v1 =	vmul.f32 v1, v59;
	[tilespmem:s10+$0x90] =	vst v3  }
0x374: {  	[tilespmem:s10+$0xC0] =	vst v4  }
0x375: {  	s11 =	simm.s32 $0x480;
	[tilespmem:s10+$0xE0] =	vst v1  }
0x376: {  	[spmem:s2] =	stream.indirect.scatter.add.f32 [tilespmem:s0], [sflag:$0x8], $0x80, s11, s30, $0xb8;
	[tilespmem:$0x1C880] =	vst v63  }
0x377: {  	_ =	swait.ge [sflag:s7], $0x4000  }
0x378: {  	s9 =	simm.s32 $0x0;
	[sflag:s7] =	ssyncset.done $0x0  }
0x379: {  	v1 =	vmov s9;
	[sflag:s7] =	ssyncadd.s32 $0xFFFFC000  }
0x37a: {  	v1 =	vand.u32 $0x7C, v1;
	_ =	swait.ge [sflag:s25], $0x4000  }
0x37b: {  	v1 =	vor.u32 $0x900, v1;
	[sflag:s25] =	ssyncset.done $0x0  }
0x37c: {  	v1 =	vbroadcast v1, $0x0;
	[sflag:s25] =	ssyncadd.s32 $0xFFFFC000  }
0x37d: {  	_ =	swait.ge [sflag:s26], $0x400  }
0x37e: {  	[sflag:s26] =	ssyncset.done $0x0  }
0x37f: {  	s10 =	simm.s32 $0x1100;
	[sflag:s26] =	ssyncadd.s32 $0xFFFFFC00  }
0x380: {  	[tilespmem:s0], [sflag:$0x6] =	stream.indirect.gather [hbm4b:s1+s30], $0x80, s23, s30, $0xb8;
	[tilespmem:$0x1C880] =	vst v63  }
0x381: {  	v3 =	vld [tilespmem:s10+$0xFFFFFF70]  }
0x382: {  	v1 =	vld.idx.msk [tilespmem:v1+s4+$0x0], $0xffff  }
0x383: {  	v4 =	vld [tilespmem:s10+$0xFFFFFF00]  }
0x384: {  	v5 =	vld [tilespmem:s10+$0xFFFFFF20]  }
0x385: {  	v6 =	vld [tilespmem:s10+$0xFFFFFF30]  }
0x386: {  	v2 =	vld [tilespmem:s10+$0xFFFFFF50]  }
0x387: {  	s12 =	simm.s32 $0x1;
	v8 =	vld [tilespmem:s10+$0xFFFFFF10];
	v3 =	vmul.f32 v1, v3  }
0x388: {  	v61 =	vmov s12;
	v7 =	vld [tilespmem:s10+$0xFFFFFF60];
	v4 =	vmul.f32 v1, v4  }
0x389: {  	v60 =	vld [tilespmem:s10+$0xFFFFFF40];
	v5 =	vmul.f32 v1, v5;
	[tilespmem:s10+$0xFFFFFF70] =	vst v3;
	v3 =	vand.u32 $0x7D, v61  }
0x38a: {  	v6 =	vmul.f32 v1, v6;
	[tilespmem:s10+$0xFFFFFF00] =	vst v4;
	v3 =	vor.u32 $0x900, v3  }
0x38b: {  	v2 =	vmul.f32 v1, v2;
	[tilespmem:s10+$0xFFFFFF20] =	vst v5;
	v3 =	vbroadcast v3, $0x0  }
0x38c: {  	v4 =	vmul.f32 v1, v8;
	[tilespmem:s10+$0xFFFFFF30] =	vst v6  }
0x38d: {  	v5 =	vmul.f32 v1, v7;
	[tilespmem:s10+$0xFFFFFF50] =	vst v2  }
0x38e: {  	v1 =	vmul.f32 v1, v60;
	[tilespmem:s10+$0xFFFFFF10] =	vst v4  }
0x38f: {  	[tilespmem:s10+$0xFFFFFF60] =	vst v5  }
0x390: {  	[tilespmem:s10+$0xFFFFFF40] =	vst v1;
	v1 =	vld [tilespmem:s10+$0xFFFFFF80]  }
0x391: {  	v3 =	vld.idx.msk [tilespmem:v3+s4+$0x0], $0xffff  }
0x392: {  	v2 =	vld [tilespmem:s10+$0xFFFFFFA0]  }
0x393: {  	v4 =	vld [tilespmem:s10+$0xFFFFFFF0]  }
0x394: {  	v5 =	vld [tilespmem:s10+$0xFFFFFFC0]  }
0x395: {  	v6 =	vld [tilespmem:s10+$0xFFFFFF90]  }
0x396: {  	s13 =	simm.s32 $0x2;
	v7 =	vld [tilespmem:s10+$0xFFFFFFD0];
	v1 =	vmul.f32 v3, v1  }
0x397: {  	v62 =	vmov s13;
	v8 =	vld [tilespmem:s10+$0xFFFFFFB0];
	v2 =	vmul.f32 v3, v2  }
0x398: {  	v63 =	vld [tilespmem:s10+$0xFFFFFFE0];
	v4 =	vmul.f32 v3, v4;
	[tilespmem:s10+$0xFFFFFF80] =	vst v1;
	v1 =	vand.u32 $0x7E, v62  }
0x399: {  	v5 =	vmul.f32 v3, v5;
	[tilespmem:s10+$0xFFFFFFA0] =	vst v2;
	v1 =	vor.u32 $0x900, v1  }
0x39a: {  	v2 =	vmul.f32 v3, v6;
	[tilespmem:s10+$0xFFFFFFF0] =	vst v4;
	v4 =	vbroadcast v1, $0x0  }
0x39b: {  	v6 =	vmul.f32 v3, v7;
	[tilespmem:s10+$0xFFFFFFC0] =	vst v5;
	v7 =	vld [tilespmem:s10+$0x30]  }
0x39c: {  	v5 =	vmul.f32 v3, v8;
	v1 =	vld [tilespmem:s10+$0x60];
	[tilespmem:s10+$0xFFFFFF90] =	vst v2  }
0x39d: {  	v3 =	vmul.f32 v3, v63;
	v2 =	vld [tilespmem:s10+$0x70];
	[tilespmem:s10+$0xFFFFFFD0] =	vst v6  }
0x39e: {  	[tilespmem:s10+$0xFFFFFFB0] =	vst v5;
	v6 =	vld [tilespmem:s10+$0x20]  }
0x39f: {  	[tilespmem:s10+$0xFFFFFFE0] =	vst v3;
	v5 =	vld [tilespmem:s10+$0x0]  }
0x3a0: {  	v3 =	vld.idx.msk [tilespmem:v4+s4+$0x0], $0xffff  }
0x3a1: {  	s3 =	simm.s32 $0x4;
	s11 =	simm.s32 $0x1100;
	v4 =	vld [tilespmem:s10+$0x10]  }
.LBB2_18:
0x3a2: {  	p1 =	sne.s32 s3, $0x7C  }
0x3a3: {  	v8 =	vld [tilespmem:s10+$0x50];
	s11 =	sadd.s32 $0x200, s11;
	s6 =	smov.u32 s3;
	s3 =	sadd.s32 $0x4, s3  }
0x3a4: {  	v9 =	vld [tilespmem:s10+$0x40];
	_ =	sdelay $0x1  }
0x3a5: {  	s8 =	sadd.s32 $0x3, s9;
	s9 =	smov.u32 s6;
	v7 =	vmul.f32 v3, v7;
	v5 =	vmul.f32 v3, v5  }
0x3a6: {  	v10 =	vmov s8;
	v6 =	vmul.f32 v3, v6;
	v4 =	vmul.f32 v3, v4  }
0x3a7: {  	v1 =	vmul.f32 v3, v1;
	v2 =	vmul.f32 v3, v2;
	[tilespmem:s10+$0x30] =	vst v7;
	v7 =	vand.u32 $0x7F, v10  }
0x3a8: {  	[tilespmem:s10+$0x20] =	vst v6;
	v6 =	vmul.f32 v3, v9;
	v3 =	vmul.f32 v3, v8;
	v7 =	vor.u32 $0x900, v7  }
0x3a9: {  	[tilespmem:s10+$0x70] =	vst v2;
	v7 =	vbroadcast v7, $0x0;
	v8 =	vld [tilespmem:s10+$0x80]  }
0x3aa: {  	[tilespmem:s10+$0x60] =	vst v1;
	v9 =	vld [tilespmem:s10+$0xF0]  }
0x3ab: {  	v1 =	vld [tilespmem:s11+$0x60];
	[tilespmem:s10+$0x50] =	vst v3  }
0x3ac: {  	v2 =	vld [tilespmem:s11+$0x70];
	[tilespmem:s10+$0x40] =	vst v6  }
0x3ad: {  	[tilespmem:s10+$0x0] =	vst v5;
	v3 =	vld [tilespmem:s10+$0xD0]  }
0x3ae: {  	[tilespmem:s10+$0x10] =	vst v4;
	v4 =	vld [tilespmem:s10+$0xB0]  }
0x3af: {  	v5 =	vld.idx.msk [tilespmem:v7+s4+$0x0], $0xffff  }
0x3b0: {  	v6 =	vld [tilespmem:s10+$0x90]  }
0x3b1: {  	v7 =	vld [tilespmem:s10+$0xA0]  }
0x3b2: {  	v10 =	vld [tilespmem:s10+$0xC0]  }
0x3b3: {  	v11 =	vld [tilespmem:s10+$0xE0];
	_ =	sdelay $0x1  }
0x3b4: {  	v8 =	vmul.f32 v5, v8;
	v6 =	vmul.f32 v5, v6  }
0x3b5: {  	v12 =	vmov s9;
	v4 =	vmul.f32 v5, v4;
	v7 =	vmul.f32 v5, v7  }
0x3b6: {  	v12 =	vand.u32 $0x7C, v12;
	v3 =	vmul.f32 v5, v3;
	[tilespmem:s10+$0x80] =	vst v8;
	v8 =	vmul.f32 v5, v10  }
0x3b7: {  	v10 =	vor.u32 $0x900, v12;
	[tilespmem:s10+$0xB0] =	vst v4;
	v4 =	vmul.f32 v5, v11;
	v5 =	vmul.f32 v5, v9  }
0x3b8: {  	v9 =	vbroadcast v10, $0x0;
	[tilespmem:s10+$0xA0] =	vst v7  }
0x3b9: {  	[tilespmem:s10+$0xD0] =	vst v3  }
0x3ba: {  	v3 =	vld [tilespmem:s11+$0xFFFFFF50];
	[tilespmem:s10+$0xF0] =	vst v5  }
0x3bb: {  	v5 =	vld [tilespmem:s11+$0xFFFFFF30];
	[tilespmem:s10+$0x90] =	vst v6  }
0x3bc: {  	v6 =	vld [tilespmem:s11+$0xFFFFFF60];
	[tilespmem:s10+$0xC0] =	vst v8  }
0x3bd: {  	v7 =	vld [tilespmem:s11+$0xFFFFFF70];
	[tilespmem:s10+$0xE0] =	vst v4;
	s10 =	smov.u32 s11  }
0x3be: {  	v4 =	vld.idx.msk [tilespmem:v9+s4+$0x0], $0xffff  }
0x3bf: {  	v8 =	vld [tilespmem:s11+$0xFFFFFF00]  }
0x3c0: {  	v9 =	vld [tilespmem:s11+$0xFFFFFF20]  }
0x3c1: {  	v10 =	vld [tilespmem:s11+$0xFFFFFF10]  }
0x3c2: {  	v11 =	vld [tilespmem:s11+$0xFFFFFF40];
	_ =	sdelay $0x1  }
0x3c3: {  	s6 =	sadd.s32 $0x1, s9;
	v7 =	vmul.f32 v4, v7;
	v8 =	vmul.f32 v4, v8  }
0x3c4: {  	v12 =	vmov s6;
	v6 =	vmul.f32 v4, v6;
	v9 =	vmul.f32 v4, v9  }
0x3c5: {  	v5 =	vmul.f32 v4, v5;
	v10 =	vmul.f32 v4, v10;
	[tilespmem:s11+$0xFFFFFF70] =	vst v7;
	v7 =	vand.u32 $0x7D, v12  }
0x3c6: {  	v3 =	vmul.f32 v4, v3;
	[tilespmem:s11+$0xFFFFFF00] =	vst v8;
	v8 =	vmul.f32 v4, v11;
	v4 =	vor.u32 $0x900, v7  }
0x3c7: {  	[tilespmem:s11+$0xFFFFFF20] =	vst v9;
	v4 =	vbroadcast v4, $0x0  }
0x3c8: {  	[tilespmem:s11+$0xFFFFFF30] =	vst v5  }
0x3c9: {  	[tilespmem:s11+$0xFFFFFF50] =	vst v3;
	v3 =	vld [tilespmem:s11+$0xFFFFFFD0]  }
0x3ca: {  	[tilespmem:s11+$0xFFFFFF10] =	vst v10;
	v5 =	vld [tilespmem:s11+$0xFFFFFFE0]  }
0x3cb: {  	[tilespmem:s11+$0xFFFFFF60] =	vst v6;
	v6 =	vld [tilespmem:s11+$0xFFFFFFB0]  }
0x3cc: {  	[tilespmem:s11+$0xFFFFFF40] =	vst v8;
	v7 =	vld [tilespmem:s11+$0xFFFFFFF0]  }
0x3cd: {  	v4 =	vld.idx.msk [tilespmem:v4+s4+$0x0], $0xffff  }
0x3ce: {  	v8 =	vld [tilespmem:s11+$0xFFFFFF80]  }
0x3cf: {  	v9 =	vld [tilespmem:s11+$0xFFFFFFA0]  }
0x3d0: {  	v10 =	vld [tilespmem:s11+$0xFFFFFFC0]  }
0x3d1: {  	v11 =	vld [tilespmem:s11+$0xFFFFFF90];
	_ =	sdelay $0x1  }
0x3d2: {  	s6 =	sadd.s32 $0x2, s9;
	v7 =	vmul.f32 v4, v7;
	v8 =	vmul.f32 v4, v8  }
0x3d3: {  	v12 =	vmov s6;
	v6 =	vmul.f32 v4, v6;
	v9 =	vmul.f32 v4, v9  }
0x3d4: {  	v5 =	vmul.f32 v4, v5;
	[tilespmem:s11+$0xFFFFFF80] =	vst v8;
	v8 =	vmul.f32 v4, v10;
	v10 =	vand.u32 $0x7E, v12  }
0x3d5: {  	v3 =	vmul.f32 v4, v3;
	v11 =	vmul.f32 v4, v11;
	[tilespmem:s11+$0xFFFFFFA0] =	vst v9;
	v4 =	vor.u32 $0x900, v10  }
0x3d6: {  	[tilespmem:s11+$0xFFFFFFF0] =	vst v7;
	v4 =	vbroadcast v4, $0x0  }
0x3d7: {  	[tilespmem:s11+$0xFFFFFFC0] =	vst v8  }
0x3d8: {  	[tilespmem:s11+$0xFFFFFF90] =	vst v11  }
0x3d9: {  	[tilespmem:s11+$0xFFFFFFD0] =	vst v3  }
.Ltmp8:
0x3da: {  	[tilespmem:s11+$0xFFFFFFB0] =	vst v6;
	v7 =	vld [tilespmem:s11+$0x30];
	(pc) =	sbr.rel @p1 .LBB2_18-.Ltmp8, $4  }
0x3db: {  	[tilespmem:s11+$0xFFFFFFE0] =	vst v5;
	v6 =	vld [tilespmem:s11+$0x20]  }
0x3dc: {  	v3 =	vld.idx.msk [tilespmem:v4+s4+$0x0], $0xffff  }
0x3dd: {  	v5 =	vld [tilespmem:s11+$0x0]  }
0x3de: {  	v4 =	vld [tilespmem:s11+$0x10]  }
0x3df: {  	_ =	sdelay $0x1  }
0x3e0: {  	v8 =	vld [tilespmem:s10+$0x50];
	s3 =	sadd.s32 $0x3, s9;
	v7 =	vmul.f32 v3, v7  }
0x3e1: {  	v9 =	vld [tilespmem:s10+$0x40];
	v10 =	vmov s3;
	v6 =	vmul.f32 v3, v6  }
0x3e2: {  	v1 =	vmul.f32 v3, v1;
	[tilespmem:s10+$0x30] =	vst v7;
	v7 =	vand.u32 $0x7F, v10  }
0x3e3: {  	v2 =	vmul.f32 v3, v2;
	[tilespmem:s10+$0x20] =	vst v6;
	v7 =	vor.u32 $0x900, v7  }
0x3e4: {  	[tilespmem:s10+$0x60] =	vst v1;
	v1 =	vmul.f32 v3, v5;
	v6 =	vbroadcast v7, $0x0  }
0x3e5: {  	[tilespmem:s10+$0x70] =	vst v2;
	v2 =	vmul.f32 v3, v8  }
0x3e6: {  	v8 =	vmul.f32 v3, v9;
	[tilespmem:s10+$0x0] =	vst v1  }
0x3e7: {  	[tilespmem:s10+$0x50] =	vst v2;
	v2 =	vmul.f32 v3, v4  }
0x3e8: {  	[tilespmem:s10+$0x40] =	vst v8  }
0x3e9: {  	v7 =	vld [tilespmem:s10+$0x80];
	[tilespmem:s10+$0x10] =	vst v2  }
0x3ea: {  	v1 =	vld.idx.msk [tilespmem:v6+s4+$0x0], $0xffff  }
0x3eb: {  	v2 =	vld [tilespmem:s10+$0xB0]  }
0x3ec: {  	v3 =	vld [tilespmem:s10+$0xA0]  }
0x3ed: {  	v4 =	vld [tilespmem:s10+$0xD0]  }
0x3ee: {  	v5 =	vld [tilespmem:s10+$0xF0]  }
0x3ef: {  	v6 =	vld [tilespmem:s10+$0x90];
	v7 =	vmul.f32 v1, v7  }
0x3f0: {  	v8 =	vld [tilespmem:s10+$0xC0];
	v2 =	vmul.f32 v1, v2  }
0x3f1: {  	v59 =	vld [tilespmem:s10+$0xE0];
	v3 =	vmul.f32 v1, v3;
	[tilespmem:s10+$0x80] =	vst v7  }
0x3f2: {  	v4 =	vmul.f32 v1, v4;
	[tilespmem:s10+$0xB0] =	vst v2  }
0x3f3: {  	v2 =	vmul.f32 v1, v5;
	[tilespmem:s10+$0xA0] =	vst v3  }
0x3f4: {  	v3 =	vmul.f32 v1, v6;
	[tilespmem:s10+$0xD0] =	vst v4  }
0x3f5: {  	v4 =	vmul.f32 v1, v8;
	[tilespmem:s10+$0xF0] =	vst v2  }
0x3f6: {  	v1 =	vmul.f32 v1, v59;
	[tilespmem:s10+$0x90] =	vst v3  }
0x3f7: {  	s11 =	simm.s32 $0x0;
	[tilespmem:s10+$0xC0] =	vst v4  }
0x3f8: {  	[tilespmem:s10+$0xE0] =	vst v1;
	s10 =	simm.s32 $0x880;
	v1 =	vmov s11  }
0x3f9: {  	[spmem:s2] =	stream.indirect.scatter.add.f32 [tilespmem:s31], [sflag:$0x7], $0x80, s10, s30, $0xb8;
	v1 =	vand.u32 $0x7C, v1;
	[tilespmem:$0x1C880] =	vst v63  }
0x3fa: {  	_ =	swait.ge [sflag:s20], $0x4000;
	v1 =	vor.u32 $0xD00, v1  }
0x3fb: {  	[sflag:s20] =	ssyncset.done $0x0;
	v1 =	vbroadcast v1, $0x0  }
0x3fc: {  	[sflag:s20] =	ssyncadd.s32 $0xFFFFC000  }
0x3fd: {  	_ =	swait.ge [sflag:s21], $0x4000  }
0x3fe: {  	[sflag:s21] =	ssyncset.done $0x0  }
0x3ff: {  	s10 =	simm.s32 $0x5100;
	[sflag:s21] =	ssyncadd.s32 $0xFFFFC000  }
0x400: {  	v3 =	vld [tilespmem:s10+$0xFFFFFF70]  }
0x401: {  	v1 =	vld.idx.msk [tilespmem:v1+s4+$0x0], $0xffff  }
0x402: {  	v4 =	vld [tilespmem:s10+$0xFFFFFF00]  }
0x403: {  	v5 =	vld [tilespmem:s10+$0xFFFFFF20]  }
0x404: {  	v6 =	vld [tilespmem:s10+$0xFFFFFF30]  }
0x405: {  	v2 =	vld [tilespmem:s10+$0xFFFFFF50]  }
0x406: {  	s12 =	simm.s32 $0x1;
	v8 =	vld [tilespmem:s10+$0xFFFFFF10];
	v3 =	vmul.f32 v1, v3  }
0x407: {  	v61 =	vmov s12;
	v7 =	vld [tilespmem:s10+$0xFFFFFF60];
	v4 =	vmul.f32 v1, v4  }
0x408: {  	v60 =	vld [tilespmem:s10+$0xFFFFFF40];
	v5 =	vmul.f32 v1, v5;
	[tilespmem:s10+$0xFFFFFF70] =	vst v3;
	v3 =	vand.u32 $0x7D, v61  }
0x409: {  	v6 =	vmul.f32 v1, v6;
	[tilespmem:s10+$0xFFFFFF00] =	vst v4;
	v3 =	vor.u32 $0xD00, v3  }
0x40a: {  	v2 =	vmul.f32 v1, v2;
	[tilespmem:s10+$0xFFFFFF20] =	vst v5;
	v3 =	vbroadcast v3, $0x0  }
0x40b: {  	v4 =	vmul.f32 v1, v8;
	[tilespmem:s10+$0xFFFFFF30] =	vst v6  }
0x40c: {  	v5 =	vmul.f32 v1, v7;
	[tilespmem:s10+$0xFFFFFF50] =	vst v2  }
0x40d: {  	v1 =	vmul.f32 v1, v60;
	[tilespmem:s10+$0xFFFFFF10] =	vst v4  }
0x40e: {  	[tilespmem:s10+$0xFFFFFF60] =	vst v5  }
0x40f: {  	[tilespmem:s10+$0xFFFFFF40] =	vst v1;
	v1 =	vld [tilespmem:s10+$0xFFFFFF80]  }
0x410: {  	v3 =	vld.idx.msk [tilespmem:v3+s4+$0x0], $0xffff  }
0x411: {  	v2 =	vld [tilespmem:s10+$0xFFFFFFA0]  }
0x412: {  	v4 =	vld [tilespmem:s10+$0xFFFFFFF0]  }
0x413: {  	v5 =	vld [tilespmem:s10+$0xFFFFFFC0]  }
0x414: {  	v6 =	vld [tilespmem:s10+$0xFFFFFF90]  }
0x415: {  	s13 =	simm.s32 $0x2;
	v7 =	vld [tilespmem:s10+$0xFFFFFFD0];
	v1 =	vmul.f32 v3, v1  }
0x416: {  	v62 =	vmov s13;
	v8 =	vld [tilespmem:s10+$0xFFFFFFB0];
	v2 =	vmul.f32 v3, v2  }
0x417: {  	v63 =	vld [tilespmem:s10+$0xFFFFFFE0];
	v4 =	vmul.f32 v3, v4;
	[tilespmem:s10+$0xFFFFFF80] =	vst v1;
	v1 =	vand.u32 $0x7E, v62  }
0x418: {  	v5 =	vmul.f32 v3, v5;
	[tilespmem:s10+$0xFFFFFFA0] =	vst v2;
	v1 =	vor.u32 $0xD00, v1  }
0x419: {  	v2 =	vmul.f32 v3, v6;
	[tilespmem:s10+$0xFFFFFFF0] =	vst v4;
	v4 =	vbroadcast v1, $0x0  }
0x41a: {  	v6 =	vmul.f32 v3, v7;
	[tilespmem:s10+$0xFFFFFFC0] =	vst v5;
	v7 =	vld [tilespmem:s10+$0x30]  }
0x41b: {  	v5 =	vmul.f32 v3, v8;
	v1 =	vld [tilespmem:s10+$0x60];
	[tilespmem:s10+$0xFFFFFF90] =	vst v2  }
0x41c: {  	v3 =	vmul.f32 v3, v63;
	v2 =	vld [tilespmem:s10+$0x70];
	[tilespmem:s10+$0xFFFFFFD0] =	vst v6  }
0x41d: {  	[tilespmem:s10+$0xFFFFFFB0] =	vst v5;
	v6 =	vld [tilespmem:s10+$0x20]  }
0x41e: {  	[tilespmem:s10+$0xFFFFFFE0] =	vst v3;
	v5 =	vld [tilespmem:s10+$0x0]  }
0x41f: {  	v3 =	vld.idx.msk [tilespmem:v4+s4+$0x0], $0xffff  }
0x420: {  	s9 =	simm.s32 $0x5100;
	s3 =	simm.s32 $0x4;
	v4 =	vld [tilespmem:s10+$0x10]  }
.LBB2_20:
0x421: {  	p1 =	sne.s32 s3, $0x7C  }
0x422: {  	v8 =	vld [tilespmem:s10+$0x50];
	s9 =	sadd.s32 $0x200, s9;
	s6 =	smov.u32 s3;
	s3 =	sadd.s32 $0x4, s3  }
0x423: {  	v9 =	vld [tilespmem:s10+$0x40];
	_ =	sdelay $0x1  }
0x424: {  	s8 =	sadd.s32 $0x3, s11;
	s11 =	smov.u32 s6;
	v7 =	vmul.f32 v3, v7;
	v5 =	vmul.f32 v3, v5  }
0x425: {  	v10 =	vmov s8;
	v6 =	vmul.f32 v3, v6;
	v4 =	vmul.f32 v3, v4  }
0x426: {  	v1 =	vmul.f32 v3, v1;
	v2 =	vmul.f32 v3, v2;
	[tilespmem:s10+$0x30] =	vst v7;
	v7 =	vand.u32 $0x7F, v10  }
0x427: {  	[tilespmem:s10+$0x20] =	vst v6;
	v6 =	vmul.f32 v3, v9;
	v3 =	vmul.f32 v3, v8;
	v7 =	vor.u32 $0xD00, v7  }
0x428: {  	[tilespmem:s10+$0x70] =	vst v2;
	v7 =	vbroadcast v7, $0x0;
	v8 =	vld [tilespmem:s10+$0x80]  }
0x429: {  	[tilespmem:s10+$0x60] =	vst v1;
	v9 =	vld [tilespmem:s10+$0xF0]  }
0x42a: {  	v1 =	vld [tilespmem:s9+$0x60];
	[tilespmem:s10+$0x50] =	vst v3  }
0x42b: {  	v2 =	vld [tilespmem:s9+$0x70];
	[tilespmem:s10+$0x40] =	vst v6  }
0x42c: {  	[tilespmem:s10+$0x0] =	vst v5;
	v3 =	vld [tilespmem:s10+$0xD0]  }
0x42d: {  	[tilespmem:s10+$0x10] =	vst v4;
	v4 =	vld [tilespmem:s10+$0xB0]  }
0x42e: {  	v5 =	vld.idx.msk [tilespmem:v7+s4+$0x0], $0xffff  }
0x42f: {  	v6 =	vld [tilespmem:s10+$0x90]  }
0x430: {  	v7 =	vld [tilespmem:s10+$0xA0]  }
0x431: {  	v10 =	vld [tilespmem:s10+$0xC0]  }
0x432: {  	v11 =	vld [tilespmem:s10+$0xE0];
	_ =	sdelay $0x1  }
0x433: {  	v8 =	vmul.f32 v5, v8;
	v6 =	vmul.f32 v5, v6  }
0x434: {  	v12 =	vmov s11;
	v4 =	vmul.f32 v5, v4;
	v7 =	vmul.f32 v5, v7  }
0x435: {  	v12 =	vand.u32 $0x7C, v12;
	v3 =	vmul.f32 v5, v3;
	[tilespmem:s10+$0x80] =	vst v8;
	v8 =	vmul.f32 v5, v10  }
0x436: {  	v10 =	vor.u32 $0xD00, v12;
	[tilespmem:s10+$0xB0] =	vst v4;
	v4 =	vmul.f32 v5, v11;
	v5 =	vmul.f32 v5, v9  }
0x437: {  	v9 =	vbroadcast v10, $0x0;
	[tilespmem:s10+$0xA0] =	vst v7  }
0x438: {  	[tilespmem:s10+$0xD0] =	vst v3  }
0x439: {  	v3 =	vld [tilespmem:s9+$0xFFFFFF50];
	[tilespmem:s10+$0xF0] =	vst v5  }
0x43a: {  	v5 =	vld [tilespmem:s9+$0xFFFFFF30];
	[tilespmem:s10+$0x90] =	vst v6  }
0x43b: {  	v6 =	vld [tilespmem:s9+$0xFFFFFF60];
	[tilespmem:s10+$0xC0] =	vst v8  }
0x43c: {  	v7 =	vld [tilespmem:s9+$0xFFFFFF70];
	[tilespmem:s10+$0xE0] =	vst v4;
	s10 =	smov.u32 s9  }
0x43d: {  	v4 =	vld.idx.msk [tilespmem:v9+s4+$0x0], $0xffff  }
0x43e: {  	v8 =	vld [tilespmem:s9+$0xFFFFFF00]  }
0x43f: {  	v9 =	vld [tilespmem:s9+$0xFFFFFF20]  }
0x440: {  	v10 =	vld [tilespmem:s9+$0xFFFFFF10]  }
0x441: {  	v11 =	vld [tilespmem:s9+$0xFFFFFF40];
	_ =	sdelay $0x1  }
0x442: {  	s6 =	sadd.s32 $0x1, s11;
	v7 =	vmul.f32 v4, v7;
	v8 =	vmul.f32 v4, v8  }
0x443: {  	v12 =	vmov s6;
	v6 =	vmul.f32 v4, v6;
	v9 =	vmul.f32 v4, v9  }
0x444: {  	v5 =	vmul.f32 v4, v5;
	v10 =	vmul.f32 v4, v10;
	[tilespmem:s9+$0xFFFFFF70] =	vst v7;
	v7 =	vand.u32 $0x7D, v12  }
0x445: {  	v3 =	vmul.f32 v4, v3;
	[tilespmem:s9+$0xFFFFFF00] =	vst v8;
	v8 =	vmul.f32 v4, v11;
	v4 =	vor.u32 $0xD00, v7  }
0x446: {  	[tilespmem:s9+$0xFFFFFF20] =	vst v9;
	v4 =	vbroadcast v4, $0x0  }
0x447: {  	[tilespmem:s9+$0xFFFFFF30] =	vst v5  }
0x448: {  	[tilespmem:s9+$0xFFFFFF50] =	vst v3;
	v3 =	vld [tilespmem:s9+$0xFFFFFFD0]  }
0x449: {  	[tilespmem:s9+$0xFFFFFF10] =	vst v10;
	v5 =	vld [tilespmem:s9+$0xFFFFFFE0]  }
0x44a: {  	[tilespmem:s9+$0xFFFFFF60] =	vst v6;
	v6 =	vld [tilespmem:s9+$0xFFFFFFB0]  }
0x44b: {  	[tilespmem:s9+$0xFFFFFF40] =	vst v8;
	v7 =	vld [tilespmem:s9+$0xFFFFFFF0]  }
0x44c: {  	v4 =	vld.idx.msk [tilespmem:v4+s4+$0x0], $0xffff  }
0x44d: {  	v8 =	vld [tilespmem:s9+$0xFFFFFF80]  }
0x44e: {  	v9 =	vld [tilespmem:s9+$0xFFFFFFA0]  }
0x44f: {  	v10 =	vld [tilespmem:s9+$0xFFFFFFC0]  }
0x450: {  	v11 =	vld [tilespmem:s9+$0xFFFFFF90];
	_ =	sdelay $0x1  }
0x451: {  	s6 =	sadd.s32 $0x2, s11;
	v7 =	vmul.f32 v4, v7;
	v8 =	vmul.f32 v4, v8  }
0x452: {  	v12 =	vmov s6;
	v6 =	vmul.f32 v4, v6;
	v9 =	vmul.f32 v4, v9  }
0x453: {  	v5 =	vmul.f32 v4, v5;
	[tilespmem:s9+$0xFFFFFF80] =	vst v8;
	v8 =	vmul.f32 v4, v10;
	v10 =	vand.u32 $0x7E, v12  }
0x454: {  	v3 =	vmul.f32 v4, v3;
	v11 =	vmul.f32 v4, v11;
	[tilespmem:s9+$0xFFFFFFA0] =	vst v9;
	v4 =	vor.u32 $0xD00, v10  }
0x455: {  	[tilespmem:s9+$0xFFFFFFF0] =	vst v7;
	v4 =	vbroadcast v4, $0x0  }
0x456: {  	[tilespmem:s9+$0xFFFFFFC0] =	vst v8  }
0x457: {  	[tilespmem:s9+$0xFFFFFF90] =	vst v11  }
0x458: {  	[tilespmem:s9+$0xFFFFFFD0] =	vst v3  }
.Ltmp9:
0x459: {  	[tilespmem:s9+$0xFFFFFFB0] =	vst v6;
	v7 =	vld [tilespmem:s9+$0x30];
	(pc) =	sbr.rel @p1 .LBB2_20-.Ltmp9, $4  }
0x45a: {  	[tilespmem:s9+$0xFFFFFFE0] =	vst v5;
	v6 =	vld [tilespmem:s9+$0x20]  }
0x45b: {  	v3 =	vld.idx.msk [tilespmem:v4+s4+$0x0], $0xffff  }
0x45c: {  	v5 =	vld [tilespmem:s9+$0x0]  }
0x45d: {  	v4 =	vld [tilespmem:s9+$0x10]  }
0x45e: {  	_ =	sdelay $0x1  }
0x45f: {  	v8 =	vld [tilespmem:s10+$0x50];
	s3 =	sadd.s32 $0x3, s11;
	v7 =	vmul.f32 v3, v7  }
0x460: {  	v9 =	vld [tilespmem:s10+$0x40];
	v10 =	vmov s3;
	v2 =	vmul.f32 v3, v2  }
0x461: {  	v54 =	vand.u32 $0x7F, v10;
	v1 =	vmul.f32 v3, v1;
	[tilespmem:s10+$0x30] =	vst v7  }
0x462: {  	v6 =	vmul.f32 v3, v6;
	v7 =	vor.u32 $0xD00, v54;
	[tilespmem:s10+$0x70] =	vst v2  }
0x463: {  	[tilespmem:s10+$0x60] =	vst v1;
	v1 =	vmul.f32 v3, v5;
	v55 =	vbroadcast v7, $0x0  }
0x464: {  	[tilespmem:s10+$0x20] =	vst v6;
	v2 =	vmul.f32 v3, v8  }
0x465: {  	v57 =	vmul.f32 v3, v9;
	[tilespmem:s10+$0x0] =	vst v1  }
0x466: {  	[tilespmem:s10+$0x50] =	vst v2;
	v2 =	vmul.f32 v3, v4  }
0x467: {  	[tilespmem:s10+$0x40] =	vst v57  }
0x468: {  	v56 =	vld [tilespmem:s10+$0x80];
	[tilespmem:s10+$0x10] =	vst v2  }
0x469: {  	v1 =	vld.idx.msk [tilespmem:v55+s4+$0x0], $0xffff  }
0x46a: {  	v2 =	vld [tilespmem:s10+$0xB0]  }
0x46b: {  	v3 =	vld [tilespmem:s10+$0xA0]  }
0x46c: {  	v58 =	vld [tilespmem:s10+$0xD0]  }
0x46d: {  	v61 =	vld [tilespmem:s10+$0xC0]  }
0x46e: {  	v59 =	vld [tilespmem:s10+$0xF0];
	v7 =	vmul.f32 v1, v56  }
0x46f: {  	v60 =	vld [tilespmem:s10+$0x90];
	v2 =	vmul.f32 v1, v2  }
0x470: {  	v62 =	vld [tilespmem:s10+$0xE0];
	v3 =	vmul.f32 v1, v3;
	[tilespmem:s10+$0x80] =	vst v7  }
0x471: {  	v4 =	vmul.f32 v1, v58;
	[tilespmem:s10+$0xB0] =	vst v2  }
0x472: {  	v63 =	vmul.f32 v1, v61;
	[tilespmem:s10+$0xA0] =	vst v3  }
0x473: {  	v2 =	vmul.f32 v1, v59;
	[tilespmem:s10+$0xD0] =	vst v4  }
0x474: {  	v3 =	vmul.f32 v1, v60;
	[tilespmem:s10+$0xC0] =	vst v63  }
0x475: {  	v1 =	vmul.f32 v1, v62;
	[tilespmem:s10+$0xF0] =	vst v2  }
0x476: {  	[tilespmem:s10+$0x90] =	vst v3  }
0x477: {  	[tilespmem:s10+$0xE0] =	vst v1;
	s10 =	simm.s32 $0xC80  }
0x478: {  	[spmem:s2] =	stream.indirect.scatter.add.f32 [tilespmem:s0], [sflag:$0x8], $0x80, s10, s30, $0xb8;
	[tilespmem:$0x1C880] =	vst v63  }
0x479: {  	_ =	swait.ge [sflag:s25], $0x4000  }
0x47a: {  	[sflag:s25] =	ssyncset.done $0x0  }
0x47b: {  	s11 =	stileid.u32;
	[sflag:s25] =	ssyncadd.s32 $0xFFFFC000  }
0x47c: {  	s3 =	sshll.u32 s11, $0x6;
	[bflag:$0x0] =	sbarrier.arrive $0xFFFF  }
0x47d: {  	s6 =	sshrl.u32 s24, $0x3;
	s3 =	sor.u32 $0x1C09, s3;
	s8 =	rddreg [dreg:$0xc]  }
0x47e: {  	[hbm:s8], [sflag:s3] =	dma.local [spmem:s6], $0x800  }
0x47f: {  	s6 =	rddreg [dreg:$0x7]  }
0x480: {  	s8 =	rddreg [dreg:$0xd];
	s6 =	sshrl.u32 s6, $0x3  }
0x481: {  	[hbm:s8], [sflag:s3] =	dma.local [spmem:s6], $0x800  }
0x482: {  	s6 =	rddreg [dreg:$0x8]  }
0x483: {  	s8 =	rddreg [dreg:$0xe];
	s6 =	sshrl.u32 s6, $0x3  }
0x484: {  	[hbm:s8], [sflag:s3] =	dma.local [spmem:s6], $0x800  }
0x485: {  	s6 =	rddreg [dreg:$0x9]  }
0x486: {  	s8 =	rddreg [dreg:$0xf];
	s6 =	sshrl.u32 s6, $0x3  }
0x487: {  	[hbm:s8], [sflag:s3] =	dma.local [spmem:s6], $0x800  }
0x488: {  	s6 =	rddreg [dreg:$0xa]  }
0x489: {  	s10 =	simm.s32 $0x9;
	s8 =	rddreg [dreg:$0x10];
	s6 =	sshrl.u32 s6, $0x3  }
0x48a: {  	[hbm:s8], [sflag:s3] =	dma.local [spmem:s6], $0x700  }
0x48b: {  	_ =	swait.ge [sflag:s10], $0x800  }
0x48c: {  	[sflag:s10] =	ssyncset.done $0x0  }
0x48d: {  	[sflag:s10] =	ssyncadd.s32 $0xFFFFF800  }
0x48e: {  	_ =	swait.ge [sflag:s10], $0x800  }
0x48f: {  	[sflag:s10] =	ssyncset.done $0x0  }
0x490: {  	[sflag:s10] =	ssyncadd.s32 $0xFFFFF800  }
0x491: {  	_ =	swait.ge [sflag:s10], $0x800  }
0x492: {  	[sflag:s10] =	ssyncset.done $0x0  }
0x493: {  	[sflag:s10] =	ssyncadd.s32 $0xFFFFF800  }
0x494: {  	_ =	swait.ge [sflag:s10], $0x800  }
0x495: {  	[sflag:s10] =	ssyncset.done $0x0  }
0x496: {  	[sflag:s10] =	ssyncadd.s32 $0xFFFFF800  }
0x497: {  	_ =	swait.ge [sflag:s10], $0x700  }
0x498: {  	s6 =	simm.s32 @!p0 $0x1FCA;
	[sflag:s10] =	ssyncset.done $0x0;
	s3 =	rddreg [dreg:$0xb]  }
0x499: {  	s8 =	rddreg [dreg:$0x12];
	[sflag:s10] =	ssyncadd.s32 $0xFFFFF900;
	s3 =	sshrl.u32 @!p0 s3, $0x3  }
0x49a: {  	[hbm:s8], [sflag:s6] =	dma.local @!p0 [spmem:s3], $0x100  }
0x49b: {  	s3 =	simm.s32 @!p0 $0xA  }
0x49c: {  	_ =	swait.ge @!p0 [sflag:s3], $0x100  }
0x49d: {  	s12 =	rddreg [dreg:$0x15]  }
0x49e: {  	s13 =	rddreg [dreg:$0x13];
	s8 =	sadd.s32 $0x1, s12  }
0x49f: {  	p1 =	sne.s32 s8, s13  }
.Ltmp10:
0x4a0: {  	_ = 	snop;
	(pc) =	sbr.rel @p1 .LBB2_1-.Ltmp10, $3  }
0x4a1: {  	_ =	sdelay $0x1  }
0x4a2: {  	[sflag:s3] =	ssyncset.done @!p0 $0x0  }
0x4a3: {  	[sflag:s3] =	ssyncadd.s32 @!p0 $0xFFFFFF00  }
0x4a4: {  	_ =	sfence.sel $0x180000  }
0x4a5: {  	[bflag:$0x0] =	sbarrier.arrive $0xFFFF  }
0x4a6: {  	_ =	strace $0x90000047  }
0x4a7: {  	s0 =	stileid.u32;
	[bflag:$0x2] =	sbarrier.arrive $0xFFFF  }
0x4a8: {  	p0 =	sne.s32 s0, $0x0;
	s0 =	rddreg [dreg:$0x3]  }
0x4a9: {  	s0 =	sadd.s32 @!p0 $0x100000, s0  }
0x4aa: {  	[sflag:s0] =	ssyncadd.tile.s32 @!p0 $0x1;
	_ =	shalt  }
.Lfunc_end2:
_tile_overlayer_lowered:
.L_overlay_start_2:
0x4ab: {  	(tag) =	ssettag $0x2  }
0x4ac: {  	s0 =	rddreg [dreg:$0x0];
	s2 =	stileid.u32  }
0x4ad: {  	s1 =	rddreg [dreg:$0x1];
	p0 =	sne.s32 s2, $0x0  }
0x4ae: {  	s3 =	rddreg [dreg:$0x2];
	[bflag:$0x3] =	sbarrier.arrive $0xFFFF;
	s2 =	simm.s32 @!p0 $0x1C0A  }
0x4af: {  	[timem:s3], [sflag:s2] =	dma.local @!p0 [hbm:s0], s1  }
0x4b0: {  	s0 =	simm.s32 @!p0 $0xA  }
0x4b1: {  	_ =	swait.ge @!p0 [sflag:s0], s1  }
0x4b2: {  	s1 =	ssub.s32 @!p0 $0x0, s1;
	[sflag:s0] =	ssyncset.done @!p0 $0x0  }
0x4b3: {  	[sflag:s0] =	ssyncadd.s32 @!p0 s1  }
0x4b4: {  	[bflag:$0x3] =	sbarrier.arrive $0xFFFF  }
0x4b5: {  	_ =	shalt  }

</sc_bundles>
